<compile_context>
chip_gen: v7x
topology: tpu7x:2x2x1
jax: 0.10.2.dev20260603
libtpu: 0.0.44.dev20260713+nightly
codegen_flags: <defaults>
</compile_context>

<pallas_src>
import jax
import jax.numpy as jnp
from jax import lax
from jax.experimental import pallas as pl
from jax.experimental.pallas import tpu as pltpu
from jax.experimental.pallas import tpu_sc as plsc

B = 16384
L = 20
E = 64
V = 1000000
NC = 2
NS = 16
NW = NC * NS
BPW = B // NW
C = 16
STEPS = BPW // C
PK = 512


def _compute_chunk(s, h_v, u_v, ob_v, liota, rowbase):
    def estep(e, accs):
        eidx = (liota + e) & (E - 1)
        he = plsc.load_gather(h_v, [liota, eidx])
        return tuple(
            acc + he * plsc.load_gather(u_v, [rowbase[l], eidx])
            for l, acc in enumerate(accs)
        )

    accs = lax.fori_loop(
        0, E, estep,
        tuple(jnp.zeros((16,), jnp.float32) for _ in range(L)),
        unroll=4)

    obase = s * (C * L)
    for l in range(L):
        sig = 1.0 / (1.0 + jnp.exp(-accs[l]))
        plsc.store_scatter(ob_v, [obase + rowbase[l]], sig)


def _body(pack_hbm, temb_hbm, cemb_hbm, out_hbm,
          pack_v0, pack_v1, h_v0, h_v1, u_v0, u_v1, ob_v,
          sem_p0, sem_p1, sem_h0, sem_h1, sem_u0, sem_u1):
    wid = lax.axis_index("s") * NC + lax.axis_index("c")
    liota = lax.iota(jnp.int32, 16)
    rowbase = [liota * L + l for l in range(L)]
    pbase = wid * (STEPS + 2) * PK

    def pk_slice(s):
        return pack_hbm.at[pl.ds(pbase + s * PK, PK)]

    bufs = ((pack_v0, h_v0, u_v0, sem_p0, sem_h0, sem_u0),
            (pack_v1, h_v1, u_v1, sem_p1, sem_h1, sem_u1))

    def issue_gathers(s_unused, buf):
        pack_v, h_v, u_v, _, sem_h, sem_u = buf

        hv16 = pack_v[pl.ds(0, 16)]
        for j in range(16):
            pltpu.async_copy(
                temb_hbm.at[pl.ds(hv16[j], 1)], h_v.at[pl.ds(j, 1)], sem_h)

        def issue_u(g, _):
            uv16 = pack_v[pl.ds(32 + g * 16, 16)]
            base = g * 16
            for j in range(16):
                pltpu.async_copy(
                    cemb_hbm.at[pl.ds(uv16[j], 1)],
                    u_v.at[pl.ds(base + j, 1)], sem_u)
            return ()

        lax.fori_loop(0, 20, issue_u, ())

    def wait_gathers(buf):
        pack_v, h_v, u_v, _, sem_h, sem_u = buf
        pltpu.make_async_copy(temb_hbm.at[pl.ds(0, 16)], h_v, sem_h).wait()
        pltpu.make_async_copy(cemb_hbm.at[pl.ds(0, 320)], u_v, sem_u).wait()

    pltpu.async_copy(pk_slice(0), pack_v0, sem_p0).wait()
    issue_gathers(0, bufs[0])
    pltpu.async_copy(pk_slice(1), pack_v1, sem_p1)

    def phase(s, cur, nxt):
        pack_c, h_c, u_c, _, _, _ = cur
        pack_n, _, _, sem_pn, _, _ = nxt
        _, _, _, sem_pc, _, _ = cur
        wait_gathers(cur)
        pltpu.make_async_copy(pk_slice(s + 1), pack_n, sem_pn).wait()
        issue_gathers(s + 1, nxt)
        pltpu.async_copy(pk_slice(s + 2), pack_c, sem_pc)
        _compute_chunk(s, h_c, u_c, ob_v, liota, rowbase)

    def pair(i, _):
        s = 2 * i
        phase(s, bufs[0], bufs[1])
        phase(s + 1, bufs[1], bufs[0])
        return ()

    lax.fori_loop(0, STEPS // 2, pair, ())

    wait_gathers(bufs[0])
    pltpu.make_async_copy(pk_slice(STEPS + 1), pack_v1, sem_p1).wait()

    pltpu.sync_copy(ob_v, out_hbm.at[pl.ds(wid * (BPW * L), BPW * L)])


@jax.jit
def _run(pack, temb, cemb):
    mesh = plsc.VectorSubcoreMesh(
        core_axis_name="c", subcore_axis_name="s",
        num_cores=NC, num_subcores=NS)
    f = pl.kernel(
        _body,
        out_type=jax.ShapeDtypeStruct((B * L,), jnp.float32),
        mesh=mesh,
        scratch_types=[
            pltpu.VMEM((PK,), jnp.int32),
            pltpu.VMEM((PK,), jnp.int32),
            pltpu.VMEM((C, E), jnp.float32),
            pltpu.VMEM((C, E), jnp.float32),
            pltpu.VMEM((C * L, E), jnp.float32),
            pltpu.VMEM((C * L, E), jnp.float32),
            pltpu.VMEM((BPW * L,), jnp.float32),
            pltpu.SemaphoreType.DMA,
            pltpu.SemaphoreType.DMA,
            pltpu.SemaphoreType.DMA,
            pltpu.SemaphoreType.DMA,
            pltpu.SemaphoreType.DMA,
            pltpu.SemaphoreType.DMA,
        ],
        compiler_params=pltpu.CompilerParams(
            needs_layout_passes=False, use_tc_tiling_on_sc=True),
    )
    return f(pack, temb, cemb)


def kernel(target_word_id, context_word_ids, target_embeddings,
           context_embeddings):
    tid = target_word_id.reshape(-1).astype(jnp.int32)
    cid = context_word_ids.reshape(-1).astype(jnp.int32)
    th = tid.reshape(NW, STEPS, C)
    ch = cid.reshape(NW, STEPS, C * L)
    zpad = jnp.zeros((NW, STEPS, PK - C - 16 - C * L), jnp.int32)
    zpad16 = jnp.zeros((NW, STEPS, 16), jnp.int32)
    pack = jnp.concatenate([th, zpad16, ch, zpad], axis=2)
    pack = jnp.concatenate(
        [pack, jnp.zeros((NW, 2, PK), jnp.int32)], axis=1).reshape(-1)
    out = _run(pack, target_embeddings, context_embeddings)
    return out.reshape(B, L)

# --- scband reference (transcript-rebuilt; emitter-appended) ---
"""Pipeline reference for scband-word2-vec-90013924589682 (READ-ONLY COPY).

The authoritative reference and input builder live on the scoring server;
editing this copy changes nothing except your own understanding.
"""

import jax, jax.numpy as jnp
import numpy as np

VOCAB_SIZE = 1000000
EMBED_SIZE = 64
BATCH = 16384
CTX_LEN = 20

def setup_inputs(seed: int = 0) -> dict:
    key = jax.random.key(seed)
    k1, k2, k3, k4 = jax.random.split(key, 4)
    init_range = 0.5 / VOCAB_SIZE
    target_word_id = jax.random.randint(k1, (BATCH, 1), 0, VOCAB_SIZE, dtype=jnp.int64 if jax.config.jax_enable_x64 else jnp.int32)
    context_word_ids = jax.random.randint(k2, (BATCH, CTX_LEN), 0, VOCAB_SIZE, dtype=jnp.int64 if jax.config.jax_enable_x64 else jnp.int32)
    target_embeddings = jax.random.uniform(k3, (VOCAB_SIZE, EMBED_SIZE), minval=-init_range, maxval=init_range, dtype=jnp.float32)
    context_embeddings = jax.random.uniform(k4, (VOCAB_SIZE, EMBED_SIZE), minval=-init_range, maxval=init_range, dtype=jnp.float32)
    return {
        "target_word_id": target_word_id,
        "context_word_ids": context_word_ids,
        "target_embeddings": target_embeddings,
        "context_embeddings": context_embeddings,
    }

def reference(target_word_id, context_word_ids, target_embeddings, context_embeddings):
    # h: [B, 1, E] -- gather target embeddings
    h = jnp.take(target_embeddings, target_word_id, axis=0)
    # u: [B, L, E] -- gather context embeddings
    u = jnp.take(context_embeddings, context_word_ids, axis=0)
    # transpose(1, 2): [B, E, L]
    u_t = jnp.transpose(u, (0, 2, 1))
    # bmm: [B, 1, E] @ [B, E, L] -> [B, 1, L]
    product = jnp.matmul(h, u_t)
    # sum over dim=1 -> [B, L]
    s = jnp.sum(product, axis=1)
    sig = jax.nn.sigmoid(s)
    return sig

if __name__ == "__main__":
    import jax
    _d = setup_inputs()
    print(jax.jit(kernel)(*tuple(_d.values())))

</pallas_src>

<mosaic_0001>
#map = affine_map<(d0, d1) -> (0)>
#map1 = affine_map<(d0, d1) -> (0, 0)>
module attributes {stable_mosaic.version = 14 : i64} {
  func.func @_body(%arg0: i32, %arg1: i32, %arg2: memref<557056xi32, #tpu.memory_space<hbm>>, %arg3: memref<1000000x64xf32, #tpu.memory_space<hbm>>, %arg4: memref<1000000x64xf32, #tpu.memory_space<hbm>>, %arg5: memref<327680xf32, #tpu.memory_space<hbm>>, %arg6: memref<512xi32, #tpu.memory_space<vmem>>, %arg7: memref<512xi32, #tpu.memory_space<vmem>>, %arg8: memref<16x64xf32, #tpu.memory_space<vmem>>, %arg9: memref<16x64xf32, #tpu.memory_space<vmem>>, %arg10: memref<320x64xf32, #tpu.memory_space<vmem>>, %arg11: memref<320x64xf32, #tpu.memory_space<vmem>>, %arg12: memref<10240xf32, #tpu.memory_space<vmem>>, %arg13: memref<!tpu.dma_semaphore, #tpu.memory_space<semaphore_mem>>, %arg14: memref<!tpu.dma_semaphore, #tpu.memory_space<semaphore_mem>>, %arg15: memref<!tpu.dma_semaphore, #tpu.memory_space<semaphore_mem>>, %arg16: memref<!tpu.dma_semaphore, #tpu.memory_space<semaphore_mem>>, %arg17: memref<!tpu.dma_semaphore, #tpu.memory_space<semaphore_mem>>, %arg18: memref<!tpu.dma_semaphore, #tpu.memory_space<semaphore_mem>>) attributes {dimension_semantics = [#tpu.dimension_semantics<core_parallel>, #tpu.dimension_semantics<subcore_parallel>], iteration_bounds = array<i64: 2, 16>, scalar_prefetch = 0 : i64, scratch_operands = 13 : i64, tpu.core_type = #tpu.core_type<sc_vector_subcore>, window_params = [{transform_indices = #map}, {transform_indices = #map1}, {transform_indices = #map1}, {transform_indices = #map}]} {
    %mul3A = arith.constant 2 : i32
    %mul3A_0 = arith.muli %arg1, %mul3A : i32
    %add3A = arith.addi %mul3A_0, %arg0 : i32
    %iota3A = tpu.iota {dimensions = array<i32: 0>} : vector<16xi32>
    %mul3A_1 = arith.constant 20 : i32
    %mul3A_2 = vector.broadcast %mul3A_1 : i32 to vector<16xi32>
    %mul3A_3 = arith.muli %iota3A, %mul3A_2 : vector<16xi32>
    %add3A_4 = arith.constant 0 : i32
    %add3A_5 = vector.broadcast %add3A_4 : i32 to vector<16xi32>
    %add3A_6 = arith.addi %mul3A_3, %add3A_5 : vector<16xi32>
    %mul3A_7 = arith.constant 20 : i32
    %mul3A_8 = vector.broadcast %mul3A_7 : i32 to vector<16xi32>
    %mul3A_9 = arith.muli %iota3A, %mul3A_8 : vector<16xi32>
    %add3A_10 = arith.constant 1 : i32
    %add3A_11 = vector.broadcast %add3A_10 : i32 to vector<16xi32>
    %add3A_12 = arith.addi %mul3A_9, %add3A_11 : vector<16xi32>
    %mul3A_13 = arith.constant 20 : i32
    %mul3A_14 = vector.broadcast %mul3A_13 : i32 to vector<16xi32>
    %mul3A_15 = arith.muli %iota3A, %mul3A_14 : vector<16xi32>
    %add3A_16 = arith.constant 2 : i32
    %add3A_17 = vector.broadcast %add3A_16 : i32 to vector<16xi32>
    %add3A_18 = arith.addi %mul3A_15, %add3A_17 : vector<16xi32>
    %mul3A_19 = arith.constant 20 : i32
    %mul3A_20 = vector.broadcast %mul3A_19 : i32 to vector<16xi32>
    %mul3A_21 = arith.muli %iota3A, %mul3A_20 : vector<16xi32>
    %add3A_22 = arith.constant 3 : i32
    %add3A_23 = vector.broadcast %add3A_22 : i32 to vector<16xi32>
    %add3A_24 = arith.addi %mul3A_21, %add3A_23 : vector<16xi32>
    %mul3A_25 = arith.constant 20 : i32
    %mul3A_26 = vector.broadcast %mul3A_25 : i32 to vector<16xi32>
    %mul3A_27 = arith.muli %iota3A, %mul3A_26 : vector<16xi32>
    %add3A_28 = arith.constant 4 : i32
    %add3A_29 = vector.broadcast %add3A_28 : i32 to vector<16xi32>
    %add3A_30 = arith.addi %mul3A_27, %add3A_29 : vector<16xi32>
    %mul3A_31 = arith.constant 20 : i32
    %mul3A_32 = vector.broadcast %mul3A_31 : i32 to vector<16xi32>
    %mul3A_33 = arith.muli %iota3A, %mul3A_32 : vector<16xi32>
    %add3A_34 = arith.constant 5 : i32
    %add3A_35 = vector.broadcast %add3A_34 : i32 to vector<16xi32>
    %add3A_36 = arith.addi %mul3A_33, %add3A_35 : vector<16xi32>
    %mul3A_37 = arith.constant 20 : i32
    %mul3A_38 = vector.broadcast %mul3A_37 : i32 to vector<16xi32>
    %mul3A_39 = arith.muli %iota3A, %mul3A_38 : vector<16xi32>
    %add3A_40 = arith.constant 6 : i32
    %add3A_41 = vector.broadcast %add3A_40 : i32 to vector<16xi32>
    %add3A_42 = arith.addi %mul3A_39, %add3A_41 : vector<16xi32>
    %mul3A_43 = arith.constant 20 : i32
    %mul3A_44 = vector.broadcast %mul3A_43 : i32 to vector<16xi32>
    %mul3A_45 = arith.muli %iota3A, %mul3A_44 : vector<16xi32>
    %add3A_46 = arith.constant 7 : i32
    %add3A_47 = vector.broadcast %add3A_46 : i32 to vector<16xi32>
    %add3A_48 = arith.addi %mul3A_45, %add3A_47 : vector<16xi32>
    %mul3A_49 = arith.constant 20 : i32
    %mul3A_50 = vector.broadcast %mul3A_49 : i32 to vector<16xi32>
    %mul3A_51 = arith.muli %iota3A, %mul3A_50 : vector<16xi32>
    %add3A_52 = arith.constant 8 : i32
    %add3A_53 = vector.broadcast %add3A_52 : i32 to vector<16xi32>
    %add3A_54 = arith.addi %mul3A_51, %add3A_53 : vector<16xi32>
    %mul3A_55 = arith.constant 20 : i32
    %mul3A_56 = vector.broadcast %mul3A_55 : i32 to vector<16xi32>
    %mul3A_57 = arith.muli %iota3A, %mul3A_56 : vector<16xi32>
    %add3A_58 = arith.constant 9 : i32
    %add3A_59 = vector.broadcast %add3A_58 : i32 to vector<16xi32>
    %add3A_60 = arith.addi %mul3A_57, %add3A_59 : vector<16xi32>
    %mul3A_61 = arith.constant 20 : i32
    %mul3A_62 = vector.broadcast %mul3A_61 : i32 to vector<16xi32>
    %mul3A_63 = arith.muli %iota3A, %mul3A_62 : vector<16xi32>
    %add3A_64 = arith.constant 10 : i32
    %add3A_65 = vector.broadcast %add3A_64 : i32 to vector<16xi32>
    %add3A_66 = arith.addi %mul3A_63, %add3A_65 : vector<16xi32>
    %mul3A_67 = arith.constant 20 : i32
    %mul3A_68 = vector.broadcast %mul3A_67 : i32 to vector<16xi32>
    %mul3A_69 = arith.muli %iota3A, %mul3A_68 : vector<16xi32>
    %add3A_70 = arith.constant 11 : i32
    %add3A_71 = vector.broadcast %add3A_70 : i32 to vector<16xi32>
    %add3A_72 = arith.addi %mul3A_69, %add3A_71 : vector<16xi32>
    %mul3A_73 = arith.constant 20 : i32
    %mul3A_74 = vector.broadcast %mul3A_73 : i32 to vector<16xi32>
    %mul3A_75 = arith.muli %iota3A, %mul3A_74 : vector<16xi32>
    %add3A_76 = arith.constant 12 : i32
    %add3A_77 = vector.broadcast %add3A_76 : i32 to vector<16xi32>
    %add3A_78 = arith.addi %mul3A_75, %add3A_77 : vector<16xi32>
    %mul3A_79 = arith.constant 20 : i32
    %mul3A_80 = vector.broadcast %mul3A_79 : i32 to vector<16xi32>
    %mul3A_81 = arith.muli %iota3A, %mul3A_80 : vector<16xi32>
    %add3A_82 = arith.constant 13 : i32
    %add3A_83 = vector.broadcast %add3A_82 : i32 to vector<16xi32>
    %add3A_84 = arith.addi %mul3A_81, %add3A_83 : vector<16xi32>
    %mul3A_85 = arith.constant 20 : i32
    %mul3A_86 = vector.broadcast %mul3A_85 : i32 to vector<16xi32>
    %mul3A_87 = arith.muli %iota3A, %mul3A_86 : vector<16xi32>
    %add3A_88 = arith.constant 14 : i32
    %add3A_89 = vector.broadcast %add3A_88 : i32 to vector<16xi32>
    %add3A_90 = arith.addi %mul3A_87, %add3A_89 : vector<16xi32>
    %mul3A_91 = arith.constant 20 : i32
    %mul3A_92 = vector.broadcast %mul3A_91 : i32 to vector<16xi32>
    %mul3A_93 = arith.muli %iota3A, %mul3A_92 : vector<16xi32>
    %add3A_94 = arith.constant 15 : i32
    %add3A_95 = vector.broadcast %add3A_94 : i32 to vector<16xi32>
    %add3A_96 = arith.addi %mul3A_93, %add3A_95 : vector<16xi32>
    %mul3A_97 = arith.constant 20 : i32
    %mul3A_98 = vector.broadcast %mul3A_97 : i32 to vector<16xi32>
    %mul3A_99 = arith.muli %iota3A, %mul3A_98 : vector<16xi32>
    %add3A_100 = arith.constant 16 : i32
    %add3A_101 = vector.broadcast %add3A_100 : i32 to vector<16xi32>
    %add3A_102 = arith.addi %mul3A_99, %add3A_101 : vector<16xi32>
    %mul3A_103 = arith.constant 20 : i32
    %mul3A_104 = vector.broadcast %mul3A_103 : i32 to vector<16xi32>
    %mul3A_105 = arith.muli %iota3A, %mul3A_104 : vector<16xi32>
    %add3A_106 = arith.constant 17 : i32
    %add3A_107 = vector.broadcast %add3A_106 : i32 to vector<16xi32>
    %add3A_108 = arith.addi %mul3A_105, %add3A_107 : vector<16xi32>
    %mul3A_109 = arith.constant 20 : i32
    %mul3A_110 = vector.broadcast %mul3A_109 : i32 to vector<16xi32>
    %mul3A_111 = arith.muli %iota3A, %mul3A_110 : vector<16xi32>
    %add3A_112 = arith.constant 18 : i32
    %add3A_113 = vector.broadcast %add3A_112 : i32 to vector<16xi32>
    %add3A_114 = arith.addi %mul3A_111, %add3A_113 : vector<16xi32>
    %mul3A_115 = arith.constant 20 : i32
    %mul3A_116 = vector.broadcast %mul3A_115 : i32 to vector<16xi32>
    %mul3A_117 = arith.muli %iota3A, %mul3A_116 : vector<16xi32>
    %add3A_118 = arith.constant 19 : i32
    %add3A_119 = vector.broadcast %add3A_118 : i32 to vector<16xi32>
    %add3A_120 = arith.addi %mul3A_117, %add3A_119 : vector<16xi32>
    %mul3A_121 = arith.constant 34 : i32
    %mul3A_122 = arith.muli %add3A, %mul3A_121 : i32
    %mul3A_123 = arith.constant 512 : i32
    %mul3A_124 = arith.muli %mul3A_122, %mul3A_123 : i32
    %add3A_125 = arith.constant 0 : i32
    %add3A_126 = arith.addi %mul3A_124, %add3A_125 : i32
    %dma_start3A = tpu.memref_slice %arg2[%add3A_126] : memref<557056xi32, #tpu.memory_space<hbm>> -> memref<512xi32, #tpu.memory_space<hbm>>
    %dma_start3A_127 = tpu.memref_slice %arg2[%add3A_126] : memref<557056xi32, #tpu.memory_space<hbm>> -> memref<512xi32, #tpu.memory_space<hbm>>
    tpu.enqueue_dma source(%dma_start3A_127 : memref<512xi32, #tpu.memory_space<hbm>>) target(%arg6 : memref<512xi32, #tpu.memory_space<vmem>>) target_semaphore(%arg13 : memref<!tpu.dma_semaphore, #tpu.memory_space<semaphore_mem>>)
    %dma_wait3A = tpu.memref_slice %arg2[%add3A_126] : memref<557056xi32, #tpu.memory_space<hbm>> -> memref<512xi32, #tpu.memory_space<hbm>>
    %dma_wait3A_128 = tpu.memref_slice %arg2[%add3A_126] : memref<557056xi32, #tpu.memory_space<hbm>> -> memref<512xi32, #tpu.memory_space<hbm>>
    tpu.wait_dma2 semaphore(%arg13 : memref<!tpu.dma_semaphore, #tpu.memory_space<semaphore_mem>>) src(%dma_wait3A_128 : memref<512xi32, #tpu.memory_space<hbm>>) dst(%arg6 : memref<512xi32, #tpu.memory_space<vmem>>)
    %get3A = arith.constant 0 : index
    %get3A_129 = tpu.vector_load %arg6[%get3A] {strides = array<i32>} : memref<512xi32, #tpu.memory_space<vmem>>, vector<16xi32>,
    %slice3A = vector.extract_strided_slice %get3A_129 {offsets = [0], sizes = [1], strides = [1]} : vector<16xi32> to vector<1xi32>
    %squeeze3A = vector.extract %slice3A[0] : i32 from vector<1xi32>
    %dma_start3A_130 = arith.constant 0 : i32
    %dma_start3A_131 = arith.constant 0 : i32
    %dma_start3A_132 = tpu.memref_slice %arg8[%dma_start3A_130, %dma_start3A_131] : memref<16x64xf32, #tpu.memory_space<vmem>> -> memref<1x64xf32, #tpu.memory_space<vmem>>
    %dma_start3A_133 = arith.constant 0 : i32
    %dma_start3A_134 = tpu.memref_slice %arg3[%squeeze3A, %dma_start3A_133] : memref<1000000x64xf32, #tpu.memory_space<hbm>> -> memref<1x64xf32, #tpu.memory_space<hbm>>
    %dma_start3A_135 = arith.constant 0 : i32
    %dma_start3A_136 = arith.constant 0 : i32
    %dma_start3A_137 = tpu.memref_slice %arg8[%dma_start3A_135, %dma_start3A_136] : memref<16x64xf32, #tpu.memory_space<vmem>> -> memref<1x64xf32, #tpu.memory_space<vmem>>
    %dma_start3A_138 = arith.constant 0 : i32
    %dma_start3A_139 = tpu.memref_slice %arg3[%squeeze3A, %dma_start3A_138] : memref<1000000x64xf32, #tpu.memory_space<hbm>> -> memref<1x64xf32, #tpu.memory_space<hbm>>
    tpu.enqueue_dma source(%dma_start3A_139 : memref<1x64xf32, #tpu.memory_space<hbm>>) target(%dma_start3A_137 : memref<1x64xf32, #tpu.memory_space<vmem>>) target_semaphore(%arg15 : memref<!tpu.dma_semaphore, #tpu.memory_space<semaphore_mem>>)
    %slice3A_140 = vector.extract_strided_slice %get3A_129 {offsets = [1], sizes = [1], strides = [1]} : vector<16xi32> to vector<1xi32>
    %squeeze3A_141 = vector.extract %slice3A_140[0] : i32 from vector<1xi32>
    %dma_start3A_142 = arith.constant 1 : i32
    %dma_start3A_143 = arith.constant 0 : i32
    %dma_start3A_144 = tpu.memref_slice %arg8[%dma_start3A_142, %dma_start3A_143] : memref<16x64xf32, #tpu.memory_space<vmem>> -> memref<1x64xf32, #tpu.memory_space<vmem>>
    %dma_start3A_145 = arith.constant 0 : i32
    %dma_start3A_146 = tpu.memref_slice %arg3[%squeeze3A_141, %dma_start3A_145] : memref<1000000x64xf32, #tpu.memory_space<hbm>> -> memref<1x64xf32, #tpu.memory_space<hbm>>
    %dma_start3A_147 = arith.constant 1 : i32
    %dma_start3A_148 = arith.constant 0 : i32
    %dma_start3A_149 = tpu.memref_slice %arg8[%dma_start3A_147, %dma_start3A_148] : memref<16x64xf32, #tpu.memory_space<vmem>> -> memref<1x64xf32, #tpu.memory_space<vmem>>
    %dma_start3A_150 = arith.constant 0 : i32
    %dma_start3A_151 = tpu.memref_slice %arg3[%squeeze3A_141, %dma_start3A_150] : memref<1000000x64xf32, #tpu.memory_space<hbm>> -> memref<1x64xf32, #tpu.memory_space<hbm>>
    tpu.enqueue_dma source(%dma_start3A_151 : memref<1x64xf32, #tpu.memory_space<hbm>>) target(%dma_start3A_149 : memref<1x64xf32, #tpu.memory_space<vmem>>) target_semaphore(%arg15 : memref<!tpu.dma_semaphore, #tpu.memory_space<semaphore_mem>>)
    %slice3A_152 = vector.extract_strided_slice %get3A_129 {offsets = [2], sizes = [1], strides = [1]} : vector<16xi32> to vector<1xi32>
    %squeeze3A_153 = vector.extract %slice3A_152[0] : i32 from vector<1xi32>
    %dma_start3A_154 = arith.constant 2 : i32
    %dma_start3A_155 = arith.constant 0 : i32
    %dma_start3A_156 = tpu.memref_slice %arg8[%dma_start3A_154, %dma_start3A_155] : memref<16x64xf32, #tpu.memory_space<vmem>> -> memref<1x64xf32, #tpu.memory_space<vmem>>
    %dma_start3A_157 = arith.constant 0 : i32
    %dma_start3A_158 = tpu.memref_slice %arg3[%squeeze3A_153, %dma_start3A_157] : memref<1000000x64xf32, #tpu.memory_space<hbm>> -> memref<1x64xf32, #tpu.memory_space<hbm>>
    %dma_start3A_159 = arith.constant 2 : i32
    %dma_start3A_160 = arith.constant 0 : i32
    %dma_start3A_161 = tpu.memref_slice %arg8[%dma_start3A_159, %dma_start3A_160] : memref<16x64xf32, #tpu.memory_space<vmem>> -> memref<1x64xf32, #tpu.memory_space<vmem>>
    %dma_start3A_162 = arith.constant 0 : i32
    %dma_start3A_163 = tpu.memref_slice %arg3[%squeeze3A_153, %dma_start3A_162] : memref<1000000x64xf32, #tpu.memory_space<hbm>> -> memref<1x64xf32, #tpu.memory_space<hbm>>
    tpu.enqueue_dma source(%dma_start3A_163 : memref<1x64xf32, #tpu.memory_space<hbm>>) target(%dma_start3A_161 : memref<1x64xf32, #tpu.memory_space<vmem>>) target_semaphore(%arg15 : memref<!tpu.dma_semaphore, #tpu.memory_space<semaphore_mem>>)
    %slice3A_164 = vector.extract_strided_slice %get3A_129 {offsets = [3], sizes = [1], strides = [1]} : vector<16xi32> to vector<1xi32>
    %squeeze3A_165 = vector.extract %slice3A_164[0] : i32 from vector<1xi32>
    %dma_start3A_166 = arith.constant 3 : i32
    %dma_start3A_167 = arith.constant 0 : i32
    %dma_start3A_168 = tpu.memref_slice %arg8[%dma_start3A_166, %dma_start3A_167] : memref<16x64xf32, #tpu.memory_space<vmem>> -> memref<1x64xf32, #tpu.memory_space<vmem>>
    %dma_start3A_169 = arith.constant 0 : i32
    %dma_start3A_170 = tpu.memref_slice %arg3[%squeeze3A_165, %dma_start3A_169] : memref<1000000x64xf32, #tpu.memory_space<hbm>> -> memref<1x64xf32, #tpu.memory_space<hbm>>
    %dma_start3A_171 = arith.constant 3 : i32
    %dma_start3A_172 = arith.constant 0 : i32
    %dma_start3A_173 = tpu.memref_slice %arg8[%dma_start3A_171, %dma_start3A_172] : memref<16x64xf32, #tpu.memory_space<vmem>> -> memref<1x64xf32, #tpu.memory_space<vmem>>
    %dma_start3A_174 = arith.constant 0 : i32
    %dma_start3A_175 = tpu.memref_slice %arg3[%squeeze3A_165, %dma_start3A_174] : memref<1000000x64xf32, #tpu.memory_space<hbm>> -> memref<1x64xf32, #tpu.memory_space<hbm>>
    tpu.enqueue_dma source(%dma_start3A_175 : memref<1x64xf32, #tpu.memory_space<hbm>>) target(%dma_start3A_173 : memref<1x64xf32, #tpu.memory_space<vmem>>) target_semaphore(%arg15 : memref<!tpu.dma_semaphore, #tpu.memory_space<semaphore_mem>>)
    %slice3A_176 = vector.extract_strided_slice %get3A_129 {offsets = [4], sizes = [1], strides = [1]} : vector<16xi32> to vector<1xi32>
    %squeeze3A_177 = vector.extract %slice3A_176[0] : i32 from vector<1xi32>
    %dma_start3A_178 = arith.constant 4 : i32
    %dma_start3A_179 = arith.constant 0 : i32
    %dma_start3A_180 = tpu.memref_slice %arg8[%dma_start3A_178, %dma_start3A_179] : memref<16x64xf32, #tpu.memory_space<vmem>> -> memref<1x64xf32, #tpu.memory_space<vmem>>
    %dma_start3A_181 = arith.constant 0 : i32
    %dma_start3A_182 = tpu.memref_slice %arg3[%squeeze3A_177, %dma_start3A_181] : memref<1000000x64xf32, #tpu.memory_space<hbm>> -> memref<1x64xf32, #tpu.memory_space<hbm>>
    %dma_start3A_183 = arith.constant 4 : i32
    %dma_start3A_184 = arith.constant 0 : i32
    %dma_start3A_185 = tpu.memref_slice %arg8[%dma_start3A_183, %dma_start3A_184] : memref<16x64xf32, #tpu.memory_space<vmem>> -> memref<1x64xf32, #tpu.memory_space<vmem>>
    %dma_start3A_186 = arith.constant 0 : i32
    %dma_start3A_187 = tpu.memref_slice %arg3[%squeeze3A_177, %dma_start3A_186] : memref<1000000x64xf32, #tpu.memory_space<hbm>> -> memref<1x64xf32, #tpu.memory_space<hbm>>
    tpu.enqueue_dma source(%dma_start3A_187 : memref<1x64xf32, #tpu.memory_space<hbm>>) target(%dma_start3A_185 : memref<1x64xf32, #tpu.memory_space<vmem>>) target_semaphore(%arg15 : memref<!tpu.dma_semaphore, #tpu.memory_space<semaphore_mem>>)
    %slice3A_188 = vector.extract_strided_slice %get3A_129 {offsets = [5], sizes = [1], strides = [1]} : vector<16xi32> to vector<1xi32>
    %squeeze3A_189 = vector.extract %slice3A_188[0] : i32 from vector<1xi32>
    %dma_start3A_190 = arith.constant 5 : i32
    %dma_start3A_191 = arith.constant 0 : i32
    %dma_start3A_192 = tpu.memref_slice %arg8[%dma_start3A_190, %dma_start3A_191] : memref<16x64xf32, #tpu.memory_space<vmem>> -> memref<1x64xf32, #tpu.memory_space<vmem>>
    %dma_start3A_193 = arith.constant 0 : i32
    %dma_start3A_194 = tpu.memref_slice %arg3[%squeeze3A_189, %dma_start3A_193] : memref<1000000x64xf32, #tpu.memory_space<hbm>> -> memref<1x64xf32, #tpu.memory_space<hbm>>
    %dma_start3A_195 = arith.constant 5 : i32
    %dma_start3A_196 = arith.constant 0 : i32
    %dma_start3A_197 = tpu.memref_slice %arg8[%dma_start3A_195, %dma_start3A_196] : memref<16x64xf32, #tpu.memory_space<vmem>> -> memref<1x64xf32, #tpu.memory_space<vmem>>
    %dma_start3A_198 = arith.constant 0 : i32
    %dma_start3A_199 = tpu.memref_slice %arg3[%squeeze3A_189, %dma_start3A_198] : memref<1000000x64xf32, #tpu.memory_space<hbm>> -> memref<1x64xf32, #tpu.memory_space<hbm>>
    tpu.enqueue_dma source(%dma_start3A_199 : memref<1x64xf32, #tpu.memory_space<hbm>>) target(%dma_start3A_197 : memref<1x64xf32, #tpu.memory_space<vmem>>) target_semaphore(%arg15 : memref<!tpu.dma_semaphore, #tpu.memory_space<semaphore_mem>>)
    %slice3A_200 = vector.extract_strided_slice %get3A_129 {offsets = [6], sizes = [1], strides = [1]} : vector<16xi32> to vector<1xi32>
    %squeeze3A_201 = vector.extract %slice3A_200[0] : i32 from vector<1xi32>
    %dma_start3A_202 = arith.constant 6 : i32
    %dma_start3A_203 = arith.constant 0 : i32
    %dma_start3A_204 = tpu.memref_slice %arg8[%dma_start3A_202, %dma_start3A_203] : memref<16x64xf32, #tpu.memory_space<vmem>> -> memref<1x64xf32, #tpu.memory_space<vmem>>
    %dma_start3A_205 = arith.constant 0 : i32
    %dma_start3A_206 = tpu.memref_slice %arg3[%squeeze3A_201, %dma_start3A_205] : memref<1000000x64xf32, #tpu.memory_space<hbm>> -> memref<1x64xf32, #tpu.memory_space<hbm>>
    %dma_start3A_207 = arith.constant 6 : i32
    %dma_start3A_208 = arith.constant 0 : i32
    %dma_start3A_209 = tpu.memref_slice %arg8[%dma_start3A_207, %dma_start3A_208] : memref<16x64xf32, #tpu.memory_space<vmem>> -> memref<1x64xf32, #tpu.memory_space<vmem>>
    %dma_start3A_210 = arith.constant 0 : i32
    %dma_start3A_211 = tpu.memref_slice %arg3[%squeeze3A_201, %dma_start3A_210] : memref<1000000x64xf32, #tpu.memory_space<hbm>> -> memref<1x64xf32, #tpu.memory_space<hbm>>
    tpu.enqueue_dma source(%dma_start3A_211 : memref<1x64xf32, #tpu.memory_space<hbm>>) target(%dma_start3A_209 : memref<1x64xf32, #tpu.memory_space<vmem>>) target_semaphore(%arg15 : memref<!tpu.dma_semaphore, #tpu.memory_space<semaphore_mem>>)
    %slice3A_212 = vector.extract_strided_slice %get3A_129 {offsets = [7], sizes = [1], strides = [1]} : vector<16xi32> to vector<1xi32>
    %squeeze3A_213 = vector.extract %slice3A_212[0] : i32 from vector<1xi32>
    %dma_start3A_214 = arith.constant 7 : i32
    %dma_start3A_215 = arith.constant 0 : i32
    %dma_start3A_216 = tpu.memref_slice %arg8[%dma_start3A_214, %dma_start3A_215] : memref<16x64xf32, #tpu.memory_space<vmem>> -> memref<1x64xf32, #tpu.memory_space<vmem>>
    %dma_start3A_217 = arith.constant 0 : i32
    %dma_start3A_218 = tpu.memref_slice %arg3[%squeeze3A_213, %dma_start3A_217] : memref<1000000x64xf32, #tpu.memory_space<hbm>> -> memref<1x64xf32, #tpu.memory_space<hbm>>
    %dma_start3A_219 = arith.constant 7 : i32
    %dma_start3A_220 = arith.constant 0 : i32
    %dma_start3A_221 = tpu.memref_slice %arg8[%dma_start3A_219, %dma_start3A_220] : memref<16x64xf32, #tpu.memory_space<vmem>> -> memref<1x64xf32, #tpu.memory_space<vmem>>
    %dma_start3A_222 = arith.constant 0 : i32
    %dma_start3A_223 = tpu.memref_slice %arg3[%squeeze3A_213, %dma_start3A_222] : memref<1000000x64xf32, #tpu.memory_space<hbm>> -> memref<1x64xf32, #tpu.memory_space<hbm>>
    tpu.enqueue_dma source(%dma_start3A_223 : memref<1x64xf32, #tpu.memory_space<hbm>>) target(%dma_start3A_221 : memref<1x64xf32, #tpu.memory_space<vmem>>) target_semaphore(%arg15 : memref<!tpu.dma_semaphore, #tpu.memory_space<semaphore_mem>>)
    %slice3A_224 = vector.extract_strided_slice %get3A_129 {offsets = [8], sizes = [1], strides = [1]} : vector<16xi32> to vector<1xi32>
    %squeeze3A_225 = vector.extract %slice3A_224[0] : i32 from vector<1xi32>
    %dma_start3A_226 = arith.constant 8 : i32
    %dma_start3A_227 = arith.constant 0 : i32
    %dma_start3A_228 = tpu.memref_slice %arg8[%dma_start3A_226, %dma_start3A_227] : memref<16x64xf32, #tpu.memory_space<vmem>> -> memref<1x64xf32, #tpu.memory_space<vmem>>
    %dma_start3A_229 = arith.constant 0 : i32
    %dma_start3A_230 = tpu.memref_slice %arg3[%squeeze3A_225, %dma_start3A_229] : memref<1000000x64xf32, #tpu.memory_space<hbm>> -> memref<1x64xf32, #tpu.memory_space<hbm>>
    %dma_start3A_231 = arith.constant 8 : i32
    %dma_start3A_232 = arith.constant 0 : i32
    %dma_start3A_233 = tpu.memref_slice %arg8[%dma_start3A_231, %dma_start3A_232] : memref<16x64xf32, #tpu.memory_space<vmem>> -> memref<1x64xf32, #tpu.memory_space<vmem>>
    %dma_start3A_234 = arith.constant 0 : i32
    %dma_start3A_235 = tpu.memref_slice %arg3[%squeeze3A_225, %dma_start3A_234] : memref<1000000x64xf32, #tpu.memory_space<hbm>> -> memref<1x64xf32, #tpu.memory_space<hbm>>
    tpu.enqueue_dma source(%dma_start3A_235 : memref<1x64xf32, #tpu.memory_space<hbm>>) target(%dma_start3A_233 : memref<1x64xf32, #tpu.memory_space<vmem>>) target_semaphore(%arg15 : memref<!tpu.dma_semaphore, #tpu.memory_space<semaphore_mem>>)
    %slice3A_236 = vector.extract_strided_slice %get3A_129 {offsets = [9], sizes = [1], strides = [1]} : vector<16xi32> to vector<1xi32>
    %squeeze3A_237 = vector.extract %slice3A_236[0] : i32 from vector<1xi32>
    %dma_start3A_238 = arith.constant 9 : i32
    %dma_start3A_239 = arith.constant 0 : i32
    %dma_start3A_240 = tpu.memref_slice %arg8[%dma_start3A_238, %dma_start3A_239] : memref<16x64xf32, #tpu.memory_space<vmem>> -> memref<1x64xf32, #tpu.memory_space<vmem>>
    %dma_start3A_241 = arith.constant 0 : i32
    %dma_start3A_242 = tpu.memref_slice %arg3[%squeeze3A_237, %dma_start3A_241] : memref<1000000x64xf32, #tpu.memory_space<hbm>> -> memref<1x64xf32, #tpu.memory_space<hbm>>
    %dma_start3A_243 = arith.constant 9 : i32
    %dma_start3A_244 = arith.constant 0 : i32
    %dma_start3A_245 = tpu.memref_slice %arg8[%dma_start3A_243, %dma_start3A_244] : memref<16x64xf32, #tpu.memory_space<vmem>> -> memref<1x64xf32, #tpu.memory_space<vmem>>
    %dma_start3A_246 = arith.constant 0 : i32
    %dma_start3A_247 = tpu.memref_slice %arg3[%squeeze3A_237, %dma_start3A_246] : memref<1000000x64xf32, #tpu.memory_space<hbm>> -> memref<1x64xf32, #tpu.memory_space<hbm>>
    tpu.enqueue_dma source(%dma_start3A_247 : memref<1x64xf32, #tpu.memory_space<hbm>>) target(%dma_start3A_245 : memref<1x64xf32, #tpu.memory_space<vmem>>) target_semaphore(%arg15 : memref<!tpu.dma_semaphore, #tpu.memory_space<semaphore_mem>>)
    %slice3A_248 = vector.extract_strided_slice %get3A_129 {offsets = [10], sizes = [1], strides = [1]} : vector<16xi32> to vector<1xi32>
    %squeeze3A_249 = vector.extract %slice3A_248[0] : i32 from vector<1xi32>
    %dma_start3A_250 = arith.constant 10 : i32
    %dma_start3A_251 = arith.constant 0 : i32
    %dma_start3A_252 = tpu.memref_slice %arg8[%dma_start3A_250, %dma_start3A_251] : memref<16x64xf32, #tpu.memory_space<vmem>> -> memref<1x64xf32, #tpu.memory_space<vmem>>
    %dma_start3A_253 = arith.constant 0 : i32
    %dma_start3A_254 = tpu.memref_slice %arg3[%squeeze3A_249, %dma_start3A_253] : memref<1000000x64xf32, #tpu.memory_space<hbm>> -> memref<1x64xf32, #tpu.memory_space<hbm>>
    %dma_start3A_255 = arith.constant 10 : i32
    %dma_start3A_256 = arith.constant 0 : i32
    %dma_start3A_257 = tpu.memref_slice %arg8[%dma_start3A_255, %dma_start3A_256] : memref<16x64xf32, #tpu.memory_space<vmem>> -> memref<1x64xf32, #tpu.memory_space<vmem>>
    %dma_start3A_258 = arith.constant 0 : i32
    %dma_start3A_259 = tpu.memref_slice %arg3[%squeeze3A_249, %dma_start3A_258] : memref<1000000x64xf32, #tpu.memory_space<hbm>> -> memref<1x64xf32, #tpu.memory_space<hbm>>
    tpu.enqueue_dma source(%dma_start3A_259 : memref<1x64xf32, #tpu.memory_space<hbm>>) target(%dma_start3A_257 : memref<1x64xf32, #tpu.memory_space<vmem>>) target_semaphore(%arg15 : memref<!tpu.dma_semaphore, #tpu.memory_space<semaphore_mem>>)
    %slice3A_260 = vector.extract_strided_slice %get3A_129 {offsets = [11], sizes = [1], strides = [1]} : vector<16xi32> to vector<1xi32>
    %squeeze3A_261 = vector.extract %slice3A_260[0] : i32 from vector<1xi32>
    %dma_start3A_262 = arith.constant 11 : i32
    %dma_start3A_263 = arith.constant 0 : i32
    %dma_start3A_264 = tpu.memref_slice %arg8[%dma_start3A_262, %dma_start3A_263] : memref<16x64xf32, #tpu.memory_space<vmem>> -> memref<1x64xf32, #tpu.memory_space<vmem>>
    %dma_start3A_265 = arith.constant 0 : i32
    %dma_start3A_266 = tpu.memref_slice %arg3[%squeeze3A_261, %dma_start3A_265] : memref<1000000x64xf32, #tpu.memory_space<hbm>> -> memref<1x64xf32, #tpu.memory_space<hbm>>
    %dma_start3A_267 = arith.constant 11 : i32
    %dma_start3A_268 = arith.constant 0 : i32
    %dma_start3A_269 = tpu.memref_slice %arg8[%dma_start3A_267, %dma_start3A_268] : memref<16x64xf32, #tpu.memory_space<vmem>> -> memref<1x64xf32, #tpu.memory_space<vmem>>
    %dma_start3A_270 = arith.constant 0 : i32
    %dma_start3A_271 = tpu.memref_slice %arg3[%squeeze3A_261, %dma_start3A_270] : memref<1000000x64xf32, #tpu.memory_space<hbm>> -> memref<1x64xf32, #tpu.memory_space<hbm>>
    tpu.enqueue_dma source(%dma_start3A_271 : memref<1x64xf32, #tpu.memory_space<hbm>>) target(%dma_start3A_269 : memref<1x64xf32, #tpu.memory_space<vmem>>) target_semaphore(%arg15 : memref<!tpu.dma_semaphore, #tpu.memory_space<semaphore_mem>>)
    %slice3A_272 = vector.extract_strided_slice %get3A_129 {offsets = [12], sizes = [1], strides = [1]} : vector<16xi32> to vector<1xi32>
    %squeeze3A_273 = vector.extract %slice3A_272[0] : i32 from vector<1xi32>
    %dma_start3A_274 = arith.constant 12 : i32
    %dma_start3A_275 = arith.constant 0 : i32
    %dma_start3A_276 = tpu.memref_slice %arg8[%dma_start3A_274, %dma_start3A_275] : memref<16x64xf32, #tpu.memory_space<vmem>> -> memref<1x64xf32, #tpu.memory_space<vmem>>
    %dma_start3A_277 = arith.constant 0 : i32
    %dma_start3A_278 = tpu.memref_slice %arg3[%squeeze3A_273, %dma_start3A_277] : memref<1000000x64xf32, #tpu.memory_space<hbm>> -> memref<1x64xf32, #tpu.memory_space<hbm>>
    %dma_start3A_279 = arith.constant 12 : i32
    %dma_start3A_280 = arith.constant 0 : i32
    %dma_start3A_281 = tpu.memref_slice %arg8[%dma_start3A_279, %dma_start3A_280] : memref<16x64xf32, #tpu.memory_space<vmem>> -> memref<1x64xf32, #tpu.memory_space<vmem>>
    %dma_start3A_282 = arith.constant 0 : i32
    %dma_start3A_283 = tpu.memref_slice %arg3[%squeeze3A_273, %dma_start3A_282] : memref<1000000x64xf32, #tpu.memory_space<hbm>> -> memref<1x64xf32, #tpu.memory_space<hbm>>
    tpu.enqueue_dma source(%dma_start3A_283 : memref<1x64xf32, #tpu.memory_space<hbm>>) target(%dma_start3A_281 : memref<1x64xf32, #tpu.memory_space<vmem>>) target_semaphore(%arg15 : memref<!tpu.dma_semaphore, #tpu.memory_space<semaphore_mem>>)
    %slice3A_284 = vector.extract_strided_slice %get3A_129 {offsets = [13], sizes = [1], strides = [1]} : vector<16xi32> to vector<1xi32>
    %squeeze3A_285 = vector.extract %slice3A_284[0] : i32 from vector<1xi32>
    %dma_start3A_286 = arith.constant 13 : i32
    %dma_start3A_287 = arith.constant 0 : i32
    %dma_start3A_288 = tpu.memref_slice %arg8[%dma_start3A_286, %dma_start3A_287] : memref<16x64xf32, #tpu.memory_space<vmem>> -> memref<1x64xf32, #tpu.memory_space<vmem>>
    %dma_start3A_289 = arith.constant 0 : i32
    %dma_start3A_290 = tpu.memref_slice %arg3[%squeeze3A_285, %dma_start3A_289] : memref<1000000x64xf32, #tpu.memory_space<hbm>> -> memref<1x64xf32, #tpu.memory_space<hbm>>
    %dma_start3A_291 = arith.constant 13 : i32
    %dma_start3A_292 = arith.constant 0 : i32
    %dma_start3A_293 = tpu.memref_slice %arg8[%dma_start3A_291, %dma_start3A_292] : memref<16x64xf32, #tpu.memory_space<vmem>> -> memref<1x64xf32, #tpu.memory_space<vmem>>
    %dma_start3A_294 = arith.constant 0 : i32
    %dma_start3A_295 = tpu.memref_slice %arg3[%squeeze3A_285, %dma_start3A_294] : memref<1000000x64xf32, #tpu.memory_space<hbm>> -> memref<1x64xf32, #tpu.memory_space<hbm>>
    tpu.enqueue_dma source(%dma_start3A_295 : memref<1x64xf32, #tpu.memory_space<hbm>>) target(%dma_start3A_293 : memref<1x64xf32, #tpu.memory_space<vmem>>) target_semaphore(%arg15 : memref<!tpu.dma_semaphore, #tpu.memory_space<semaphore_mem>>)
    %slice3A_296 = vector.extract_strided_slice %get3A_129 {offsets = [14], sizes = [1], strides = [1]} : vector<16xi32> to vector<1xi32>
    %squeeze3A_297 = vector.extract %slice3A_296[0] : i32 from vector<1xi32>
    %dma_start3A_298 = arith.constant 14 : i32
    %dma_start3A_299 = arith.constant 0 : i32
    %dma_start3A_300 = tpu.memref_slice %arg8[%dma_start3A_298, %dma_start3A_299] : memref<16x64xf32, #tpu.memory_space<vmem>> -> memref<1x64xf32, #tpu.memory_space<vmem>>
    %dma_start3A_301 = arith.constant 0 : i32
    %dma_start3A_302 = tpu.memref_slice %arg3[%squeeze3A_297, %dma_start3A_301] : memref<1000000x64xf32, #tpu.memory_space<hbm>> -> memref<1x64xf32, #tpu.memory_space<hbm>>
    %dma_start3A_303 = arith.constant 14 : i32
    %dma_start3A_304 = arith.constant 0 : i32
    %dma_start3A_305 = tpu.memref_slice %arg8[%dma_start3A_303, %dma_start3A_304] : memref<16x64xf32, #tpu.memory_space<vmem>> -> memref<1x64xf32, #tpu.memory_space<vmem>>
    %dma_start3A_306 = arith.constant 0 : i32
    %dma_start3A_307 = tpu.memref_slice %arg3[%squeeze3A_297, %dma_start3A_306] : memref<1000000x64xf32, #tpu.memory_space<hbm>> -> memref<1x64xf32, #tpu.memory_space<hbm>>
    tpu.enqueue_dma source(%dma_start3A_307 : memref<1x64xf32, #tpu.memory_space<hbm>>) target(%dma_start3A_305 : memref<1x64xf32, #tpu.memory_space<vmem>>) target_semaphore(%arg15 : memref<!tpu.dma_semaphore, #tpu.memory_space<semaphore_mem>>)
    %slice3A_308 = vector.extract_strided_slice %get3A_129 {offsets = [15], sizes = [1], strides = [1]} : vector<16xi32> to vector<1xi32>
    %squeeze3A_309 = vector.extract %slice3A_308[0] : i32 from vector<1xi32>
    %dma_start3A_310 = arith.constant 15 : i32
    %dma_start3A_311 = arith.constant 0 : i32
    %dma_start3A_312 = tpu.memref_slice %arg8[%dma_start3A_310, %dma_start3A_311] : memref<16x64xf32, #tpu.memory_space<vmem>> -> memref<1x64xf32, #tpu.memory_space<vmem>>
    %dma_start3A_313 = arith.constant 0 : i32
    %dma_start3A_314 = tpu.memref_slice %arg3[%squeeze3A_309, %dma_start3A_313] : memref<1000000x64xf32, #tpu.memory_space<hbm>> -> memref<1x64xf32, #tpu.memory_space<hbm>>
    %dma_start3A_315 = arith.constant 15 : i32
    %dma_start3A_316 = arith.constant 0 : i32
    %dma_start3A_317 = tpu.memref_slice %arg8[%dma_start3A_315, %dma_start3A_316] : memref<16x64xf32, #tpu.memory_space<vmem>> -> memref<1x64xf32, #tpu.memory_space<vmem>>
    %dma_start3A_318 = arith.constant 0 : i32
    %dma_start3A_319 = tpu.memref_slice %arg3[%squeeze3A_309, %dma_start3A_318] : memref<1000000x64xf32, #tpu.memory_space<hbm>> -> memref<1x64xf32, #tpu.memory_space<hbm>>
    tpu.enqueue_dma source(%dma_start3A_319 : memref<1x64xf32, #tpu.memory_space<hbm>>) target(%dma_start3A_317 : memref<1x64xf32, #tpu.memory_space<vmem>>) target_semaphore(%arg15 : memref<!tpu.dma_semaphore, #tpu.memory_space<semaphore_mem>>)
    %scan3A = arith.constant 0 : i32
    %scan3A_320 = arith.constant 20 : i32
    %scan3A_321 = arith.addi %scan3A, %scan3A_320 : i32
    %scan3A_322 = arith.constant 1 : i32
    scf.for %scan3A_351 = %scan3A to %scan3A_321 step %scan3A_322  : i32 {
      %mul3A_352 = arith.constant 16 : i32
      %mul3A_353 = arith.muli %scan3A_351, %mul3A_352 : i32
      %add3A_354 = arith.constant 32 : i32
      %add3A_355 = arith.addi %add3A_354, %mul3A_353 : i32
      %get3A_356 = arith.index_cast %add3A_355 : i32 to index
      %get3A_357 = tpu.vector_load %arg6[%get3A_356] {strides = array<i32>} : memref<512xi32, #tpu.memory_space<vmem>>, vector<16xi32>,
      %mul3A_358 = arith.constant 16 : i32
      %mul3A_359 = arith.muli %scan3A_351, %mul3A_358 : i32
      %slice3A_360 = vector.extract_strided_slice %get3A_357 {offsets = [0], sizes = [1], strides = [1]} : vector<16xi32> to vector<1xi32>
      %squeeze3A_361 = vector.extract %slice3A_360[0] : i32 from vector<1xi32>
      %add3A_362 = arith.constant 0 : i32
      %add3A_363 = arith.addi %mul3A_359, %add3A_362 : i32
      %dma_start3A_364 = arith.constant 0 : i32
      %dma_start3A_365 = tpu.memref_slice %arg10[%add3A_363, %dma_start3A_364] : memref<320x64xf32, #tpu.memory_space<vmem>> -> memref<1x64xf32, #tpu.memory_space<vmem>>
      %dma_start3A_366 = arith.constant 0 : i32
      %dma_start3A_367 = tpu.memref_slice %arg4[%squeeze3A_361, %dma_start3A_366] : memref<1000000x64xf32, #tpu.memory_space<hbm>> -> memref<1x64xf32, #tpu.memory_space<hbm>>
      %dma_start3A_368 = arith.constant 0 : i32
      %dma_start3A_369 = tpu.memref_slice %arg10[%add3A_363, %dma_start3A_368] : memref<320x64xf32, #tpu.memory_space<vmem>> -> memref<1x64xf32, #tpu.memory_space<vmem>>
      %dma_start3A_370 = arith.constant 0 : i32
      %dma_start3A_371 = tpu.memref_slice %arg4[%squeeze3A_361, %dma_start3A_370] : memref<1000000x64xf32, #tpu.memory_space<hbm>> -> memref<1x64xf32, #tpu.memory_space<hbm>>
      tpu.enqueue_dma source(%dma_start3A_371 : memref<1x64xf32, #tpu.memory_space<hbm>>) target(%dma_start3A_369 : memref<1x64xf32, #tpu.memory_space<vmem>>) target_semaphore(%arg17 : memref<!tpu.dma_semaphore, #tpu.memory_space<semaphore_mem>>)
      %slice3A_372 = vector.extract_strided_slice %get3A_357 {offsets = [1], sizes = [1], strides = [1]} : vector<16xi32> to vector<1xi32>
      %squeeze3A_373 = vector.extract %slice3A_372[0] : i32 from vector<1xi32>
      %add3A_374 = arith.constant 1 : i32
      %add3A_375 = arith.addi %mul3A_359, %add3A_374 : i32
      %dma_start3A_376 = arith.constant 0 : i32
      %dma_start3A_377 = tpu.memref_slice %arg10[%add3A_375, %dma_start3A_376] : memref<320x64xf32, #tpu.memory_space<vmem>> -> memref<1x64xf32, #tpu.memory_space<vmem>>
      %dma_start3A_378 = arith.constant 0 : i32
      %dma_start3A_379 = tpu.memref_slice %arg4[%squeeze3A_373, %dma_start3A_378] : memref<1000000x64xf32, #tpu.memory_space<hbm>> -> memref<1x64xf32, #tpu.memory_space<hbm>>
      %dma_start3A_380 = arith.constant 0 : i32
      %dma_start3A_381 = tpu.memref_slice %arg10[%add3A_375, %dma_start3A_380] : memref<320x64xf32, #tpu.memory_space<vmem>> -> memref<1x64xf32, #tpu.memory_space<vmem>>
      %dma_start3A_382 = arith.constant 0 : i32
      %dma_start3A_383 = tpu.memref_slice %arg4[%squeeze3A_373, %dma_start3A_382] : memref<1000000x64xf32, #tpu.memory_space<hbm>> -> memref<1x64xf32, #tpu.memory_space<hbm>>
      tpu.enqueue_dma source(%dma_start3A_383 : memref<1x64xf32, #tpu.memory_space<hbm>>) target(%dma_start3A_381 : memref<1x64xf32, #tpu.memory_space<vmem>>) target_semaphore(%arg17 : memref<!tpu.dma_semaphore, #tpu.memory_space<semaphore_mem>>)
      %slice3A_384 = vector.extract_strided_slice %get3A_357 {offsets = [2], sizes = [1], strides = [1]} : vector<16xi32> to vector<1xi32>
      %squeeze3A_385 = vector.extract %slice3A_384[0] : i32 from vector<1xi32>
      %add3A_386 = arith.constant 2 : i32
      %add3A_387 = arith.addi %mul3A_359, %add3A_386 : i32
      %dma_start3A_388 = arith.constant 0 : i32
      %dma_start3A_389 = tpu.memref_slice %arg10[%add3A_387, %dma_start3A_388] : memref<320x64xf32, #tpu.memory_space<vmem>> -> memref<1x64xf32, #tpu.memory_space<vmem>>
      %dma_start3A_390 = arith.constant 0 : i32
      %dma_start3A_391 = tpu.memref_slice %arg4[%squeeze3A_385, %dma_start3A_390] : memref<1000000x64xf32, #tpu.memory_space<hbm>> -> memref<1x64xf32, #tpu.memory_space<hbm>>
      %dma_start3A_392 = arith.constant 0 : i32
      %dma_start3A_393 = tpu.memref_slice %arg10[%add3A_387, %dma_start3A_392] : memref<320x64xf32, #tpu.memory_space<vmem>> -> memref<1x64xf32, #tpu.memory_space<vmem>>
      %dma_start3A_394 = arith.constant 0 : i32
      %dma_start3A_395 = tpu.memref_slice %arg4[%squeeze3A_385, %dma_start3A_394] : memref<1000000x64xf32, #tpu.memory_space<hbm>> -> memref<1x64xf32, #tpu.memory_space<hbm>>
      tpu.enqueue_dma source(%dma_start3A_395 : memref<1x64xf32, #tpu.memory_space<hbm>>) target(%dma_start3A_393 : memref<1x64xf32, #tpu.memory_space<vmem>>) target_semaphore(%arg17 : memref<!tpu.dma_semaphore, #tpu.memory_space<semaphore_mem>>)
      %slice3A_396 = vector.extract_strided_slice %get3A_357 {offsets = [3], sizes = [1], strides = [1]} : vector<16xi32> to vector<1xi32>
      %squeeze3A_397 = vector.extract %slice3A_396[0] : i32 from vector<1xi32>
      %add3A_398 = arith.constant 3 : i32
      %add3A_399 = arith.addi %mul3A_359, %add3A_398 : i32
      %dma_start3A_400 = arith.constant 0 : i32
      %dma_start3A_401 = tpu.memref_slice %arg10[%add3A_399, %dma_start3A_400] : memref<320x64xf32, #tpu.memory_space<vmem>> -> memref<1x64xf32, #tpu.memory_space<vmem>>
      %dma_start3A_402 = arith.constant 0 : i32
      %dma_start3A_403 = tpu.memref_slice %arg4[%squeeze3A_397, %dma_start3A_402] : memref<1000000x64xf32, #tpu.memory_space<hbm>> -> memref<1x64xf32, #tpu.memory_space<hbm>>
      %dma_start3A_404 = arith.constant 0 : i32
      %dma_start3A_405 = tpu.memref_slice %arg10[%add3A_399, %dma_start3A_404] : memref<320x64xf32, #tpu.memory_space<vmem>> -> memref<1x64xf32, #tpu.memory_space<vmem>>
      %dma_start3A_406 = arith.constant 0 : i32
      %dma_start3A_407 = tpu.memref_slice %arg4[%squeeze3A_397, %dma_start3A_406] : memref<1000000x64xf32, #tpu.memory_space<hbm>> -> memref<1x64xf32, #tpu.memory_space<hbm>>
      tpu.enqueue_dma source(%dma_start3A_407 : memref<1x64xf32, #tpu.memory_space<hbm>>) target(%dma_start3A_405 : memref<1x64xf32, #tpu.memory_space<vmem>>) target_semaphore(%arg17 : memref<!tpu.dma_semaphore, #tpu.memory_space<semaphore_mem>>)
      %slice3A_408 = vector.extract_strided_slice %get3A_357 {offsets = [4], sizes = [1], strides = [1]} : vector<16xi32> to vector<1xi32>
      %squeeze3A_409 = vector.extract %slice3A_408[0] : i32 from vector<1xi32>
      %add3A_410 = arith.constant 4 : i32
      %add3A_411 = arith.addi %mul3A_359, %add3A_410 : i32
      %dma_start3A_412 = arith.constant 0 : i32
      %dma_start3A_413 = tpu.memref_slice %arg10[%add3A_411, %dma_start3A_412] : memref<320x64xf32, #tpu.memory_space<vmem>> -> memref<1x64xf32, #tpu.memory_space<vmem>>
      %dma_start3A_414 = arith.constant 0 : i32
      %dma_start3A_415 = tpu.memref_slice %arg4[%squeeze3A_409, %dma_start3A_414] : memref<1000000x64xf32, #tpu.memory_space<hbm>> -> memref<1x64xf32, #tpu.memory_space<hbm>>
      %dma_start3A_416 = arith.constant 0 : i32
      %dma_start3A_417 = tpu.memref_slice %arg10[%add3A_411, %dma_start3A_416] : memref<320x64xf32, #tpu.memory_space<vmem>> -> memref<1x64xf32, #tpu.memory_space<vmem>>
      %dma_start3A_418 = arith.constant 0 : i32
      %dma_start3A_419 = tpu.memref_slice %arg4[%squeeze3A_409, %dma_start3A_418] : memref<1000000x64xf32, #tpu.memory_space<hbm>> -> memref<1x64xf32, #tpu.memory_space<hbm>>
      tpu.enqueue_dma source(%dma_start3A_419 : memref<1x64xf32, #tpu.memory_space<hbm>>) target(%dma_start3A_417 : memref<1x64xf32, #tpu.memory_space<vmem>>) target_semaphore(%arg17 : memref<!tpu.dma_semaphore, #tpu.memory_space<semaphore_mem>>)
      %slice3A_420 = vector.extract_strided_slice %get3A_357 {offsets = [5], sizes = [1], strides = [1]} : vector<16xi32> to vector<1xi32>
      %squeeze3A_421 = vector.extract %slice3A_420[0] : i32 from vector<1xi32>
      %add3A_422 = arith.constant 5 : i32
      %add3A_423 = arith.addi %mul3A_359, %add3A_422 : i32
      %dma_start3A_424 = arith.constant 0 : i32
      %dma_start3A_425 = tpu.memref_slice %arg10[%add3A_423, %dma_start3A_424] : memref<320x64xf32, #tpu.memory_space<vmem>> -> memref<1x64xf32, #tpu.memory_space<vmem>>
      %dma_start3A_426 = arith.constant 0 : i32
      %dma_start3A_427 = tpu.memref_slice %arg4[%squeeze3A_421, %dma_start3A_426] : memref<1000000x64xf32, #tpu.memory_space<hbm>> -> memref<1x64xf32, #tpu.memory_space<hbm>>
      %dma_start3A_428 = arith.constant 0 : i32
      %dma_start3A_429 = tpu.memref_slice %arg10[%add3A_423, %dma_start3A_428] : memref<320x64xf32, #tpu.memory_space<vmem>> -> memref<1x64xf32, #tpu.memory_space<vmem>>
      %dma_start3A_430 = arith.constant 0 : i32
      %dma_start3A_431 = tpu.memref_slice %arg4[%squeeze3A_421, %dma_start3A_430] : memref<1000000x64xf32, #tpu.memory_space<hbm>> -> memref<1x64xf32, #tpu.memory_space<hbm>>
      tpu.enqueue_dma source(%dma_start3A_431 : memref<1x64xf32, #tpu.memory_space<hbm>>) target(%dma_start3A_429 : memref<1x64xf32, #tpu.memory_space<vmem>>) target_semaphore(%arg17 : memref<!tpu.dma_semaphore, #tpu.memory_space<semaphore_mem>>)
      %slice3A_432 = vector.extract_strided_slice %get3A_357 {offsets = [6], sizes = [1], strides = [1]} : vector<16xi32> to vector<1xi32>
      %squeeze3A_433 = vector.extract %slice3A_432[0] : i32 from vector<1xi32>
      %add3A_434 = arith.constant 6 : i32
      %add3A_435 = arith.addi %mul3A_359, %add3A_434 : i32
      %dma_start3A_436 = arith.constant 0 : i32
      %dma_start3A_437 = tpu.memref_slice %arg10[%add3A_435, %dma_start3A_436] : memref<320x64xf32, #tpu.memory_space<vmem>> -> memref<1x64xf32, #tpu.memory_space<vmem>>
      %dma_start3A_438 = arith.constant 0 : i32
      %dma_start3A_439 = tpu.memref_slice %arg4[%squeeze3A_433, %dma_start3A_438] : memref<1000000x64xf32, #tpu.memory_space<hbm>> -> memref<1x64xf32, #tpu.memory_space<hbm>>
      %dma_start3A_440 = arith.constant 0 : i32
      %dma_start3A_441 = tpu.memref_slice %arg10[%add3A_435, %dma_start3A_440] : memref<320x64xf32, #tpu.memory_space<vmem>> -> memref<1x64xf32, #tpu.memory_space<vmem>>
      %dma_start3A_442 = arith.constant 0 : i32
      %dma_start3A_443 = tpu.memref_slice %arg4[%squeeze3A_433, %dma_start3A_442] : memref<1000000x64xf32, #tpu.memory_space<hbm>> -> memref<1x64xf32, #tpu.memory_space<hbm>>
      tpu.enqueue_dma source(%dma_start3A_443 : memref<1x64xf32, #tpu.memory_space<hbm>>) target(%dma_start3A_441 : memref<1x64xf32, #tpu.memory_space<vmem>>) target_semaphore(%arg17 : memref<!tpu.dma_semaphore, #tpu.memory_space<semaphore_mem>>)
      %slice3A_444 = vector.extract_strided_slice %get3A_357 {offsets = [7], sizes = [1], strides = [1]} : vector<16xi32> to vector<1xi32>
      %squeeze3A_445 = vector.extract %slice3A_444[0] : i32 from vector<1xi32>
      %add3A_446 = arith.constant 7 : i32
      %add3A_447 = arith.addi %mul3A_359, %add3A_446 : i32
      %dma_start3A_448 = arith.constant 0 : i32
      %dma_start3A_449 = tpu.memref_slice %arg10[%add3A_447, %dma_start3A_448] : memref<320x64xf32, #tpu.memory_space<vmem>> -> memref<1x64xf32, #tpu.memory_space<vmem>>
      %dma_start3A_450 = arith.constant 0 : i32
      %dma_start3A_451 = tpu.memref_slice %arg4[%squeeze3A_445, %dma_start3A_450] : memref<1000000x64xf32, #tpu.memory_space<hbm>> -> memref<1x64xf32, #tpu.memory_space<hbm>>
      %dma_start3A_452 = arith.constant 0 : i32
      %dma_start3A_453 = tpu.memref_slice %arg10[%add3A_447, %dma_start3A_452] : memref<320x64xf32, #tpu.memory_space<vmem>> -> memref<1x64xf32, #tpu.memory_space<vmem>>
      %dma_start3A_454 = arith.constant 0 : i32
      %dma_start3A_455 = tpu.memref_slice %arg4[%squeeze3A_445, %dma_start3A_454] : memref<1000000x64xf32, #tpu.memory_space<hbm>> -> memref<1x64xf32, #tpu.memory_space<hbm>>
      tpu.enqueue_dma source(%dma_start3A_455 : memref<1x64xf32, #tpu.memory_space<hbm>>) target(%dma_start3A_453 : memref<1x64xf32, #tpu.memory_space<vmem>>) target_semaphore(%arg17 : memref<!tpu.dma_semaphore, #tpu.memory_space<semaphore_mem>>)
      %slice3A_456 = vector.extract_strided_slice %get3A_357 {offsets = [8], sizes = [1], strides = [1]} : vector<16xi32> to vector<1xi32>
      %squeeze3A_457 = vector.extract %slice3A_456[0] : i32 from vector<1xi32>
      %add3A_458 = arith.constant 8 : i32
      %add3A_459 = arith.addi %mul3A_359, %add3A_458 : i32
      %dma_start3A_460 = arith.constant 0 : i32
      %dma_start3A_461 = tpu.memref_slice %arg10[%add3A_459, %dma_start3A_460] : memref<320x64xf32, #tpu.memory_space<vmem>> -> memref<1x64xf32, #tpu.memory_space<vmem>>
      %dma_start3A_462 = arith.constant 0 : i32
      %dma_start3A_463 = tpu.memref_slice %arg4[%squeeze3A_457, %dma_start3A_462] : memref<1000000x64xf32, #tpu.memory_space<hbm>> -> memref<1x64xf32, #tpu.memory_space<hbm>>
      %dma_start3A_464 = arith.constant 0 : i32
      %dma_start3A_465 = tpu.memref_slice %arg10[%add3A_459, %dma_start3A_464] : memref<320x64xf32, #tpu.memory_space<vmem>> -> memref<1x64xf32, #tpu.memory_space<vmem>>
      %dma_start3A_466 = arith.constant 0 : i32
      %dma_start3A_467 = tpu.memref_slice %arg4[%squeeze3A_457, %dma_start3A_466] : memref<1000000x64xf32, #tpu.memory_space<hbm>> -> memref<1x64xf32, #tpu.memory_space<hbm>>
      tpu.enqueue_dma source(%dma_start3A_467 : memref<1x64xf32, #tpu.memory_space<hbm>>) target(%dma_start3A_465 : memref<1x64xf32, #tpu.memory_space<vmem>>) target_semaphore(%arg17 : memref<!tpu.dma_semaphore, #tpu.memory_space<semaphore_mem>>)
      %slice3A_468 = vector.extract_strided_slice %get3A_357 {offsets = [9], sizes = [1], strides = [1]} : vector<16xi32> to vector<1xi32>
      %squeeze3A_469 = vector.extract %slice3A_468[0] : i32 from vector<1xi32>
      %add3A_470 = arith.constant 9 : i32
      %add3A_471 = arith.addi %mul3A_359, %add3A_470 : i32
      %dma_start3A_472 = arith.constant 0 : i32
      %dma_start3A_473 = tpu.memref_slice %arg10[%add3A_471, %dma_start3A_472] : memref<320x64xf32, #tpu.memory_space<vmem>> -> memref<1x64xf32, #tpu.memory_space<vmem>>
      %dma_start3A_474 = arith.constant 0 : i32
      %dma_start3A_475 = tpu.memref_slice %arg4[%squeeze3A_469, %dma_start3A_474] : memref<1000000x64xf32, #tpu.memory_space<hbm>> -> memref<1x64xf32, #tpu.memory_space<hbm>>
      %dma_start3A_476 = arith.constant 0 : i32
      %dma_start3A_477 = tpu.memref_slice %arg10[%add3A_471, %dma_start3A_476] : memref<320x64xf32, #tpu.memory_space<vmem>> -> memref<1x64xf32, #tpu.memory_space<vmem>>
      %dma_start3A_478 = arith.constant 0 : i32
      %dma_start3A_479 = tpu.memref_slice %arg4[%squeeze3A_469, %dma_start3A_478] : memref<1000000x64xf32, #tpu.memory_space<hbm>> -> memref<1x64xf32, #tpu.memory_space<hbm>>
      tpu.enqueue_dma source(%dma_start3A_479 : memref<1x64xf32, #tpu.memory_space<hbm>>) target(%dma_start3A_477 : memref<1x64xf32, #tpu.memory_space<vmem>>) target_semaphore(%arg17 : memref<!tpu.dma_semaphore, #tpu.memory_space<semaphore_mem>>)
      %slice3A_480 = vector.extract_strided_slice %get3A_357 {offsets = [10], sizes = [1], strides = [1]} : vector<16xi32> to vector<1xi32>
      %squeeze3A_481 = vector.extract %slice3A_480[0] : i32 from vector<1xi32>
      %add3A_482 = arith.constant 10 : i32
      %add3A_483 = arith.addi %mul3A_359, %add3A_482 : i32
      %dma_start3A_484 = arith.constant 0 : i32
      %dma_start3A_485 = tpu.memref_slice %arg10[%add3A_483, %dma_start3A_484] : memref<320x64xf32, #tpu.memory_space<vmem>> -> memref<1x64xf32, #tpu.memory_space<vmem>>
      %dma_start3A_486 = arith.constant 0 : i32
      %dma_start3A_487 = tpu.memref_slice %arg4[%squeeze3A_481, %dma_start3A_486] : memref<1000000x64xf32, #tpu.memory_space<hbm>> -> memref<1x64xf32, #tpu.memory_space<hbm>>
      %dma_start3A_488 = arith.constant 0 : i32
      %dma_start3A_489 = tpu.memref_slice %arg10[%add3A_483, %dma_start3A_488] : memref<320x64xf32, #tpu.memory_space<vmem>> -> memref<1x64xf32, #tpu.memory_space<vmem>>
      %dma_start3A_490 = arith.constant 0 : i32
      %dma_start3A_491 = tpu.memref_slice %arg4[%squeeze3A_481, %dma_start3A_490] : memref<1000000x64xf32, #tpu.memory_space<hbm>> -> memref<1x64xf32, #tpu.memory_space<hbm>>
      tpu.enqueue_dma source(%dma_start3A_491 : memref<1x64xf32, #tpu.memory_space<hbm>>) target(%dma_start3A_489 : memref<1x64xf32, #tpu.memory_space<vmem>>) target_semaphore(%arg17 : memref<!tpu.dma_semaphore, #tpu.memory_space<semaphore_mem>>)
      %slice3A_492 = vector.extract_strided_slice %get3A_357 {offsets = [11], sizes = [1], strides = [1]} : vector<16xi32> to vector<1xi32>
      %squeeze3A_493 = vector.extract %slice3A_492[0] : i32 from vector<1xi32>
      %add3A_494 = arith.constant 11 : i32
      %add3A_495 = arith.addi %mul3A_359, %add3A_494 : i32
      %dma_start3A_496 = arith.constant 0 : i32
      %dma_start3A_497 = tpu.memref_slice %arg10[%add3A_495, %dma_start3A_496] : memref<320x64xf32, #tpu.memory_space<vmem>> -> memref<1x64xf32, #tpu.memory_space<vmem>>
      %dma_start3A_498 = arith.constant 0 : i32
      %dma_start3A_499 = tpu.memref_slice %arg4[%squeeze3A_493, %dma_start3A_498] : memref<1000000x64xf32, #tpu.memory_space<hbm>> -> memref<1x64xf32, #tpu.memory_space<hbm>>
      %dma_start3A_500 = arith.constant 0 : i32
      %dma_start3A_501 = tpu.memref_slice %arg10[%add3A_495, %dma_start3A_500] : memref<320x64xf32, #tpu.memory_space<vmem>> -> memref<1x64xf32, #tpu.memory_space<vmem>>
      %dma_start3A_502 = arith.constant 0 : i32
      %dma_start3A_503 = tpu.memref_slice %arg4[%squeeze3A_493, %dma_start3A_502] : memref<1000000x64xf32, #tpu.memory_space<hbm>> -> memref<1x64xf32, #tpu.memory_space<hbm>>
      tpu.enqueue_dma source(%dma_start3A_503 : memref<1x64xf32, #tpu.memory_space<hbm>>) target(%dma_start3A_501 : memref<1x64xf32, #tpu.memory_space<vmem>>) target_semaphore(%arg17 : memref<!tpu.dma_semaphore, #tpu.memory_space<semaphore_mem>>)
      %slice3A_504 = vector.extract_strided_slice %get3A_357 {offsets = [12], sizes = [1], strides = [1]} : vector<16xi32> to vector<1xi32>
      %squeeze3A_505 = vector.extract %slice3A_504[0] : i32 from vector<1xi32>
      %add3A_506 = arith.constant 12 : i32
      %add3A_507 = arith.addi %mul3A_359, %add3A_506 : i32
      %dma_start3A_508 = arith.constant 0 : i32
      %dma_start3A_509 = tpu.memref_slice %arg10[%add3A_507, %dma_start3A_508] : memref<320x64xf32, #tpu.memory_space<vmem>> -> memref<1x64xf32, #tpu.memory_space<vmem>>
      %dma_start3A_510 = arith.constant 0 : i32
      %dma_start3A_511 = tpu.memref_slice %arg4[%squeeze3A_505, %dma_start3A_510] : memref<1000000x64xf32, #tpu.memory_space<hbm>> -> memref<1x64xf32, #tpu.memory_space<hbm>>
      %dma_start3A_512 = arith.constant 0 : i32
      %dma_start3A_513 = tpu.memref_slice %arg10[%add3A_507, %dma_start3A_512] : memref<320x64xf32, #tpu.memory_space<vmem>> -> memref<1x64xf32, #tpu.memory_space<vmem>>
      %dma_start3A_514 = arith.constant 0 : i32
      %dma_start3A_515 = tpu.memref_slice %arg4[%squeeze3A_505, %dma_start3A_514] : memref<1000000x64xf32, #tpu.memory_space<hbm>> -> memref<1x64xf32, #tpu.memory_space<hbm>>
      tpu.enqueue_dma source(%dma_start3A_515 : memref<1x64xf32, #tpu.memory_space<hbm>>) target(%dma_start3A_513 : memref<1x64xf32, #tpu.memory_space<vmem>>) target_semaphore(%arg17 : memref<!tpu.dma_semaphore, #tpu.memory_space<semaphore_mem>>)
      %slice3A_516 = vector.extract_strided_slice %get3A_357 {offsets = [13], sizes = [1], strides = [1]} : vector<16xi32> to vector<1xi32>
      %squeeze3A_517 = vector.extract %slice3A_516[0] : i32 from vector<1xi32>
      %add3A_518 = arith.constant 13 : i32
      %add3A_519 = arith.addi %mul3A_359, %add3A_518 : i32
      %dma_start3A_520 = arith.constant 0 : i32
      %dma_start3A_521 = tpu.memref_slice %arg10[%add3A_519, %dma_start3A_520] : memref<320x64xf32, #tpu.memory_space<vmem>> -> memref<1x64xf32, #tpu.memory_space<vmem>>
      %dma_start3A_522 = arith.constant 0 : i32
      %dma_start3A_523 = tpu.memref_slice %arg4[%squeeze3A_517, %dma_start3A_522] : memref<1000000x64xf32, #tpu.memory_space<hbm>> -> memref<1x64xf32, #tpu.memory_space<hbm>>
      %dma_start3A_524 = arith.constant 0 : i32
      %dma_start3A_525 = tpu.memref_slice %arg10[%add3A_519, %dma_start3A_524] : memref<320x64xf32, #tpu.memory_space<vmem>> -> memref<1x64xf32, #tpu.memory_space<vmem>>
      %dma_start3A_526 = arith.constant 0 : i32
      %dma_start3A_527 = tpu.memref_slice %arg4[%squeeze3A_517, %dma_start3A_526] : memref<1000000x64xf32, #tpu.memory_space<hbm>> -> memref<1x64xf32, #tpu.memory_space<hbm>>
      tpu.enqueue_dma source(%dma_start3A_527 : memref<1x64xf32, #tpu.memory_space<hbm>>) target(%dma_start3A_525 : memref<1x64xf32, #tpu.memory_space<vmem>>) target_semaphore(%arg17 : memref<!tpu.dma_semaphore, #tpu.memory_space<semaphore_mem>>)
      %slice3A_528 = vector.extract_strided_slice %get3A_357 {offsets = [14], sizes = [1], strides = [1]} : vector<16xi32> to vector<1xi32>
      %squeeze3A_529 = vector.extract %slice3A_528[0] : i32 from vector<1xi32>
      %add3A_530 = arith.constant 14 : i32
      %add3A_531 = arith.addi %mul3A_359, %add3A_530 : i32
      %dma_start3A_532 = arith.constant 0 : i32
      %dma_start3A_533 = tpu.memref_slice %arg10[%add3A_531, %dma_start3A_532] : memref<320x64xf32, #tpu.memory_space<vmem>> -> memref<1x64xf32, #tpu.memory_space<vmem>>
      %dma_start3A_534 = arith.constant 0 : i32
      %dma_start3A_535 = tpu.memref_slice %arg4[%squeeze3A_529, %dma_start3A_534] : memref<1000000x64xf32, #tpu.memory_space<hbm>> -> memref<1x64xf32, #tpu.memory_space<hbm>>
      %dma_start3A_536 = arith.constant 0 : i32
      %dma_start3A_537 = tpu.memref_slice %arg10[%add3A_531, %dma_start3A_536] : memref<320x64xf32, #tpu.memory_space<vmem>> -> memref<1x64xf32, #tpu.memory_space<vmem>>
      %dma_start3A_538 = arith.constant 0 : i32
      %dma_start3A_539 = tpu.memref_slice %arg4[%squeeze3A_529, %dma_start3A_538] : memref<1000000x64xf32, #tpu.memory_space<hbm>> -> memref<1x64xf32, #tpu.memory_space<hbm>>
      tpu.enqueue_dma source(%dma_start3A_539 : memref<1x64xf32, #tpu.memory_space<hbm>>) target(%dma_start3A_537 : memref<1x64xf32, #tpu.memory_space<vmem>>) target_semaphore(%arg17 : memref<!tpu.dma_semaphore, #tpu.memory_space<semaphore_mem>>)
      %slice3A_540 = vector.extract_strided_slice %get3A_357 {offsets = [15], sizes = [1], strides = [1]} : vector<16xi32> to vector<1xi32>
      %squeeze3A_541 = vector.extract %slice3A_540[0] : i32 from vector<1xi32>
      %add3A_542 = arith.constant 15 : i32
      %add3A_543 = arith.addi %mul3A_359, %add3A_542 : i32
      %dma_start3A_544 = arith.constant 0 : i32
      %dma_start3A_545 = tpu.memref_slice %arg10[%add3A_543, %dma_start3A_544] : memref<320x64xf32, #tpu.memory_space<vmem>> -> memref<1x64xf32, #tpu.memory_space<vmem>>
      %dma_start3A_546 = arith.constant 0 : i32
      %dma_start3A_547 = tpu.memref_slice %arg4[%squeeze3A_541, %dma_start3A_546] : memref<1000000x64xf32, #tpu.memory_space<hbm>> -> memref<1x64xf32, #tpu.memory_space<hbm>>
      %dma_start3A_548 = arith.constant 0 : i32
      %dma_start3A_549 = tpu.memref_slice %arg10[%add3A_543, %dma_start3A_548] : memref<320x64xf32, #tpu.memory_space<vmem>> -> memref<1x64xf32, #tpu.memory_space<vmem>>
      %dma_start3A_550 = arith.constant 0 : i32
      %dma_start3A_551 = tpu.memref_slice %arg4[%squeeze3A_541, %dma_start3A_550] : memref<1000000x64xf32, #tpu.memory_space<hbm>> -> memref<1x64xf32, #tpu.memory_space<hbm>>
      tpu.enqueue_dma source(%dma_start3A_551 : memref<1x64xf32, #tpu.memory_space<hbm>>) target(%dma_start3A_549 : memref<1x64xf32, #tpu.memory_space<vmem>>) target_semaphore(%arg17 : memref<!tpu.dma_semaphore, #tpu.memory_space<semaphore_mem>>)
    }
    %scan3A_323 = arith.constant 20 : i32
    %add3A_324 = arith.constant 512 : i32
    %add3A_325 = arith.addi %mul3A_124, %add3A_324 : i32
    %dma_start3A_326 = tpu.memref_slice %arg2[%add3A_325] : memref<557056xi32, #tpu.memory_space<hbm>> -> memref<512xi32, #tpu.memory_space<hbm>>
    %dma_start3A_327 = tpu.memref_slice %arg2[%add3A_325] : memref<557056xi32, #tpu.memory_space<hbm>> -> memref<512xi32, #tpu.memory_space<hbm>>
    tpu.enqueue_dma source(%dma_start3A_327 : memref<512xi32, #tpu.memory_space<hbm>>) target(%arg7 : memref<512xi32, #tpu.memory_space<vmem>>) target_semaphore(%arg14 : memref<!tpu.dma_semaphore, #tpu.memory_space<semaphore_mem>>)
    %scan3A_328 = arith.constant 0 : i32
    %scan3A_329 = arith.constant 16 : i32
    %scan3A_330 = arith.addi %scan3A_328, %scan3A_329 : i32
    %scan3A_331 = arith.constant 1 : i32
    scf.for %scan3A_351 = %scan3A_328 to %scan3A_330 step %scan3A_331  : i32 {
      %mul3A_352 = arith.constant 2 : i32
      %mul3A_353 = arith.muli %mul3A_352, %scan3A_351 : i32
      %dma_wait3A_354 = arith.constant 0 : i32
      %dma_wait3A_355 = arith.constant 0 : i32
      %dma_wait3A_356 = tpu.memref_slice %arg3[%dma_wait3A_354, %dma_wait3A_355] : memref<1000000x64xf32, #tpu.memory_space<hbm>> -> memref<16x64xf32, #tpu.memory_space<hbm>>
      %dma_wait3A_357 = arith.constant 0 : i32
      %dma_wait3A_358 = arith.constant 0 : i32
      %dma_wait3A_359 = tpu.memref_slice %arg3[%dma_wait3A_357, %dma_wait3A_358] : memref<1000000x64xf32, #tpu.memory_space<hbm>> -> memref<16x64xf32, #tpu.memory_space<hbm>>
      tpu.wait_dma2 semaphore(%arg15 : memref<!tpu.dma_semaphore, #tpu.memory_space<semaphore_mem>>) src(%dma_wait3A_359 : memref<16x64xf32, #tpu.memory_space<hbm>>) dst(%arg8 : memref<16x64xf32, #tpu.memory_space<vmem>>)
      %dma_wait3A_360 = arith.constant 0 : i32
      %dma_wait3A_361 = arith.constant 0 : i32
      %dma_wait3A_362 = tpu.memref_slice %arg4[%dma_wait3A_360, %dma_wait3A_361] : memref<1000000x64xf32, #tpu.memory_space<hbm>> -> memref<320x64xf32, #tpu.memory_space<hbm>>
      %dma_wait3A_363 = arith.constant 0 : i32
      %dma_wait3A_364 = arith.constant 0 : i32
      %dma_wait3A_365 = tpu.memref_slice %arg4[%dma_wait3A_363, %dma_wait3A_364] : memref<1000000x64xf32, #tpu.memory_space<hbm>> -> memref<320x64xf32, #tpu.memory_space<hbm>>
      tpu.wait_dma2 semaphore(%arg17 : memref<!tpu.dma_semaphore, #tpu.memory_space<semaphore_mem>>) src(%dma_wait3A_365 : memref<320x64xf32, #tpu.memory_space<hbm>>) dst(%arg10 : memref<320x64xf32, #tpu.memory_space<vmem>>)
      %add3A_366 = arith.constant 1 : i32
      %add3A_367 = arith.addi %mul3A_353, %add3A_366 : i32
      %mul3A_368 = arith.constant 512 : i32
      %mul3A_369 = arith.muli %add3A_367, %mul3A_368 : i32
      %add3A_370 = arith.addi %mul3A_124, %mul3A_369 : i32
      %dma_wait3A_371 = tpu.memref_slice %arg2[%add3A_370] : memref<557056xi32, #tpu.memory_space<hbm>> -> memref<512xi32, #tpu.memory_space<hbm>>
      %dma_wait3A_372 = tpu.memref_slice %arg2[%add3A_370] : memref<557056xi32, #tpu.memory_space<hbm>> -> memref<512xi32, #tpu.memory_space<hbm>>
      tpu.wait_dma2 semaphore(%arg14 : memref<!tpu.dma_semaphore, #tpu.memory_space<semaphore_mem>>) src(%dma_wait3A_372 : memref<512xi32, #tpu.memory_space<hbm>>) dst(%arg7 : memref<512xi32, #tpu.memory_space<vmem>>)
      %add3A_373 = arith.constant 1 : i32
      %add3A_374 = arith.addi %mul3A_353, %add3A_373 : i32
      %get3A_375 = arith.constant 0 : index
      %get3A_376 = tpu.vector_load %arg7[%get3A_375] {strides = array<i32>} : memref<512xi32, #tpu.memory_space<vmem>>, vector<16xi32>,
      %slice3A_377 = vector.extract_strided_slice %get3A_376 {offsets = [0], sizes = [1], strides = [1]} : vector<16xi32> to vector<1xi32>
      %squeeze3A_378 = vector.extract %slice3A_377[0] : i32 from vector<1xi32>
      %dma_start3A_379 = arith.constant 0 : i32
      %dma_start3A_380 = arith.constant 0 : i32
      %dma_start3A_381 = tpu.memref_slice %arg9[%dma_start3A_379, %dma_start3A_380] : memref<16x64xf32, #tpu.memory_space<vmem>> -> memref<1x64xf32, #tpu.memory_space<vmem>>
      %dma_start3A_382 = arith.constant 0 : i32
      %dma_start3A_383 = tpu.memref_slice %arg3[%squeeze3A_378, %dma_start3A_382] : memref<1000000x64xf32, #tpu.memory_space<hbm>> -> memref<1x64xf32, #tpu.memory_space<hbm>>
      %dma_start3A_384 = arith.constant 0 : i32
      %dma_start3A_385 = arith.constant 0 : i32
      %dma_start3A_386 = tpu.memref_slice %arg9[%dma_start3A_384, %dma_start3A_385] : memref<16x64xf32, #tpu.memory_space<vmem>> -> memref<1x64xf32, #tpu.memory_space<vmem>>
      %dma_start3A_387 = arith.constant 0 : i32
      %dma_start3A_388 = tpu.memref_slice %arg3[%squeeze3A_378, %dma_start3A_387] : memref<1000000x64xf32, #tpu.memory_space<hbm>> -> memref<1x64xf32, #tpu.memory_space<hbm>>
      tpu.enqueue_dma source(%dma_start3A_388 : memref<1x64xf32, #tpu.memory_space<hbm>>) target(%dma_start3A_386 : memref<1x64xf32, #tpu.memory_space<vmem>>) target_semaphore(%arg16 : memref<!tpu.dma_semaphore, #tpu.memory_space<semaphore_mem>>)
      %slice3A_389 = vector.extract_strided_slice %get3A_376 {offsets = [1], sizes = [1], strides = [1]} : vector<16xi32> to vector<1xi32>
      %squeeze3A_390 = vector.extract %slice3A_389[0] : i32 from vector<1xi32>
      %dma_start3A_391 = arith.constant 1 : i32
      %dma_start3A_392 = arith.constant 0 : i32
      %dma_start3A_393 = tpu.memref_slice %arg9[%dma_start3A_391, %dma_start3A_392] : memref<16x64xf32, #tpu.memory_space<vmem>> -> memref<1x64xf32, #tpu.memory_space<vmem>>
      %dma_start3A_394 = arith.constant 0 : i32
      %dma_start3A_395 = tpu.memref_slice %arg3[%squeeze3A_390, %dma_start3A_394] : memref<1000000x64xf32, #tpu.memory_space<hbm>> -> memref<1x64xf32, #tpu.memory_space<hbm>>
      %dma_start3A_396 = arith.constant 1 : i32
      %dma_start3A_397 = arith.constant 0 : i32
      %dma_start3A_398 = tpu.memref_slice %arg9[%dma_start3A_396, %dma_start3A_397] : memref<16x64xf32, #tpu.memory_space<vmem>> -> memref<1x64xf32, #tpu.memory_space<vmem>>
      %dma_start3A_399 = arith.constant 0 : i32
      %dma_start3A_400 = tpu.memref_slice %arg3[%squeeze3A_390, %dma_start3A_399] : memref<1000000x64xf32, #tpu.memory_space<hbm>> -> memref<1x64xf32, #tpu.memory_space<hbm>>
      tpu.enqueue_dma source(%dma_start3A_400 : memref<1x64xf32, #tpu.memory_space<hbm>>) target(%dma_start3A_398 : memref<1x64xf32, #tpu.memory_space<vmem>>) target_semaphore(%arg16 : memref<!tpu.dma_semaphore, #tpu.memory_space<semaphore_mem>>)
      %slice3A_401 = vector.extract_strided_slice %get3A_376 {offsets = [2], sizes = [1], strides = [1]} : vector<16xi32> to vector<1xi32>
      %squeeze3A_402 = vector.extract %slice3A_401[0] : i32 from vector<1xi32>
      %dma_start3A_403 = arith.constant 2 : i32
      %dma_start3A_404 = arith.constant 0 : i32
      %dma_start3A_405 = tpu.memref_slice %arg9[%dma_start3A_403, %dma_start3A_404] : memref<16x64xf32, #tpu.memory_space<vmem>> -> memref<1x64xf32, #tpu.memory_space<vmem>>
      %dma_start3A_406 = arith.constant 0 : i32
      %dma_start3A_407 = tpu.memref_slice %arg3[%squeeze3A_402, %dma_start3A_406] : memref<1000000x64xf32, #tpu.memory_space<hbm>> -> memref<1x64xf32, #tpu.memory_space<hbm>>
      %dma_start3A_408 = arith.constant 2 : i32
      %dma_start3A_409 = arith.constant 0 : i32
      %dma_start3A_410 = tpu.memref_slice %arg9[%dma_start3A_408, %dma_start3A_409] : memref<16x64xf32, #tpu.memory_space<vmem>> -> memref<1x64xf32, #tpu.memory_space<vmem>>
      %dma_start3A_411 = arith.constant 0 : i32
      %dma_start3A_412 = tpu.memref_slice %arg3[%squeeze3A_402, %dma_start3A_411] : memref<1000000x64xf32, #tpu.memory_space<hbm>> -> memref<1x64xf32, #tpu.memory_space<hbm>>
      tpu.enqueue_dma source(%dma_start3A_412 : memref<1x64xf32, #tpu.memory_space<hbm>>) target(%dma_start3A_410 : memref<1x64xf32, #tpu.memory_space<vmem>>) target_semaphore(%arg16 : memref<!tpu.dma_semaphore, #tpu.memory_space<semaphore_mem>>)
      %slice3A_413 = vector.extract_strided_slice %get3A_376 {offsets = [3], sizes = [1], strides = [1]} : vector<16xi32> to vector<1xi32>
      %squeeze3A_414 = vector.extract %slice3A_413[0] : i32 from vector<1xi32>
      %dma_start3A_415 = arith.constant 3 : i32
      %dma_start3A_416 = arith.constant 0 : i32
      %dma_start3A_417 = tpu.memref_slice %arg9[%dma_start3A_415, %dma_start3A_416] : memref<16x64xf32, #tpu.memory_space<vmem>> -> memref<1x64xf32, #tpu.memory_space<vmem>>
      %dma_start3A_418 = arith.constant 0 : i32
      %dma_start3A_419 = tpu.memref_slice %arg3[%squeeze3A_414, %dma_start3A_418] : memref<1000000x64xf32, #tpu.memory_space<hbm>> -> memref<1x64xf32, #tpu.memory_space<hbm>>
      %dma_start3A_420 = arith.constant 3 : i32
      %dma_start3A_421 = arith.constant 0 : i32
      %dma_start3A_422 = tpu.memref_slice %arg9[%dma_start3A_420, %dma_start3A_421] : memref<16x64xf32, #tpu.memory_space<vmem>> -> memref<1x64xf32, #tpu.memory_space<vmem>>
      %dma_start3A_423 = arith.constant 0 : i32
      %dma_start3A_424 = tpu.memref_slice %arg3[%squeeze3A_414, %dma_start3A_423] : memref<1000000x64xf32, #tpu.memory_space<hbm>> -> memref<1x64xf32, #tpu.memory_space<hbm>>
      tpu.enqueue_dma source(%dma_start3A_424 : memref<1x64xf32, #tpu.memory_space<hbm>>) target(%dma_start3A_422 : memref<1x64xf32, #tpu.memory_space<vmem>>) target_semaphore(%arg16 : memref<!tpu.dma_semaphore, #tpu.memory_space<semaphore_mem>>)
      %slice3A_425 = vector.extract_strided_slice %get3A_376 {offsets = [4], sizes = [1], strides = [1]} : vector<16xi32> to vector<1xi32>
      %squeeze3A_426 = vector.extract %slice3A_425[0] : i32 from vector<1xi32>
      %dma_start3A_427 = arith.constant 4 : i32
      %dma_start3A_428 = arith.constant 0 : i32
      %dma_start3A_429 = tpu.memref_slice %arg9[%dma_start3A_427, %dma_start3A_428] : memref<16x64xf32, #tpu.memory_space<vmem>> -> memref<1x64xf32, #tpu.memory_space<vmem>>
      %dma_start3A_430 = arith.constant 0 : i32
      %dma_start3A_431 = tpu.memref_slice %arg3[%squeeze3A_426, %dma_start3A_430] : memref<1000000x64xf32, #tpu.memory_space<hbm>> -> memref<1x64xf32, #tpu.memory_space<hbm>>
      %dma_start3A_432 = arith.constant 4 : i32
      %dma_start3A_433 = arith.constant 0 : i32
      %dma_start3A_434 = tpu.memref_slice %arg9[%dma_start3A_432, %dma_start3A_433] : memref<16x64xf32, #tpu.memory_space<vmem>> -> memref<1x64xf32, #tpu.memory_space<vmem>>
      %dma_start3A_435 = arith.constant 0 : i32
      %dma_start3A_436 = tpu.memref_slice %arg3[%squeeze3A_426, %dma_start3A_435] : memref<1000000x64xf32, #tpu.memory_space<hbm>> -> memref<1x64xf32, #tpu.memory_space<hbm>>
      tpu.enqueue_dma source(%dma_start3A_436 : memref<1x64xf32, #tpu.memory_space<hbm>>) target(%dma_start3A_434 : memref<1x64xf32, #tpu.memory_space<vmem>>) target_semaphore(%arg16 : memref<!tpu.dma_semaphore, #tpu.memory_space<semaphore_mem>>)
      %slice3A_437 = vector.extract_strided_slice %get3A_376 {offsets = [5], sizes = [1], strides = [1]} : vector<16xi32> to vector<1xi32>
      %squeeze3A_438 = vector.extract %slice3A_437[0] : i32 from vector<1xi32>
      %dma_start3A_439 = arith.constant 5 : i32
      %dma_start3A_440 = arith.constant 0 : i32
      %dma_start3A_441 = tpu.memref_slice %arg9[%dma_start3A_439, %dma_start3A_440] : memref<16x64xf32, #tpu.memory_space<vmem>> -> memref<1x64xf32, #tpu.memory_space<vmem>>
      %dma_start3A_442 = arith.constant 0 : i32
      %dma_start3A_443 = tpu.memref_slice %arg3[%squeeze3A_438, %dma_start3A_442] : memref<1000000x64xf32, #tpu.memory_space<hbm>> -> memref<1x64xf32, #tpu.memory_space<hbm>>
      %dma_start3A_444 = arith.constant 5 : i32
      %dma_start3A_445 = arith.constant 0 : i32
      %dma_start3A_446 = tpu.memref_slice %arg9[%dma_start3A_444, %dma_start3A_445] : memref<16x64xf32, #tpu.memory_space<vmem>> -> memref<1x64xf32, #tpu.memory_space<vmem>>
      %dma_start3A_447 = arith.constant 0 : i32
      %dma_start3A_448 = tpu.memref_slice %arg3[%squeeze3A_438, %dma_start3A_447] : memref<1000000x64xf32, #tpu.memory_space<hbm>> -> memref<1x64xf32, #tpu.memory_space<hbm>>
      tpu.enqueue_dma source(%dma_start3A_448 : memref<1x64xf32, #tpu.memory_space<hbm>>) target(%dma_start3A_446 : memref<1x64xf32, #tpu.memory_space<vmem>>) target_semaphore(%arg16 : memref<!tpu.dma_semaphore, #tpu.memory_space<semaphore_mem>>)
      %slice3A_449 = vector.extract_strided_slice %get3A_376 {offsets = [6], sizes = [1], strides = [1]} : vector<16xi32> to vector<1xi32>
      %squeeze3A_450 = vector.extract %slice3A_449[0] : i32 from vector<1xi32>
      %dma_start3A_451 = arith.constant 6 : i32
      %dma_start3A_452 = arith.constant 0 : i32
      %dma_start3A_453 = tpu.memref_slice %arg9[%dma_start3A_451, %dma_start3A_452] : memref<16x64xf32, #tpu.memory_space<vmem>> -> memref<1x64xf32, #tpu.memory_space<vmem>>
      %dma_start3A_454 = arith.constant 0 : i32
      %dma_start3A_455 = tpu.memref_slice %arg3[%squeeze3A_450, %dma_start3A_454] : memref<1000000x64xf32, #tpu.memory_space<hbm>> -> memref<1x64xf32, #tpu.memory_space<hbm>>
      %dma_start3A_456 = arith.constant 6 : i32
      %dma_start3A_457 = arith.constant 0 : i32
      %dma_start3A_458 = tpu.memref_slice %arg9[%dma_start3A_456, %dma_start3A_457] : memref<16x64xf32, #tpu.memory_space<vmem>> -> memref<1x64xf32, #tpu.memory_space<vmem>>
      %dma_start3A_459 = arith.constant 0 : i32
      %dma_start3A_460 = tpu.memref_slice %arg3[%squeeze3A_450, %dma_start3A_459] : memref<1000000x64xf32, #tpu.memory_space<hbm>> -> memref<1x64xf32, #tpu.memory_space<hbm>>
      tpu.enqueue_dma source(%dma_start3A_460 : memref<1x64xf32, #tpu.memory_space<hbm>>) target(%dma_start3A_458 : memref<1x64xf32, #tpu.memory_space<vmem>>) target_semaphore(%arg16 : memref<!tpu.dma_semaphore, #tpu.memory_space<semaphore_mem>>)
      %slice3A_461 = vector.extract_strided_slice %get3A_376 {offsets = [7], sizes = [1], strides = [1]} : vector<16xi32> to vector<1xi32>
      %squeeze3A_462 = vector.extract %slice3A_461[0] : i32 from vector<1xi32>
      %dma_start3A_463 = arith.constant 7 : i32
      %dma_start3A_464 = arith.constant 0 : i32
      %dma_start3A_465 = tpu.memref_slice %arg9[%dma_start3A_463, %dma_start3A_464] : memref<16x64xf32, #tpu.memory_space<vmem>> -> memref<1x64xf32, #tpu.memory_space<vmem>>
      %dma_start3A_466 = arith.constant 0 : i32
      %dma_start3A_467 = tpu.memref_slice %arg3[%squeeze3A_462, %dma_start3A_466] : memref<1000000x64xf32, #tpu.memory_space<hbm>> -> memref<1x64xf32, #tpu.memory_space<hbm>>
      %dma_start3A_468 = arith.constant 7 : i32
      %dma_start3A_469 = arith.constant 0 : i32
      %dma_start3A_470 = tpu.memref_slice %arg9[%dma_start3A_468, %dma_start3A_469] : memref<16x64xf32, #tpu.memory_space<vmem>> -> memref<1x64xf32, #tpu.memory_space<vmem>>
      %dma_start3A_471 = arith.constant 0 : i32
      %dma_start3A_472 = tpu.memref_slice %arg3[%squeeze3A_462, %dma_start3A_471] : memref<1000000x64xf32, #tpu.memory_space<hbm>> -> memref<1x64xf32, #tpu.memory_space<hbm>>
      tpu.enqueue_dma source(%dma_start3A_472 : memref<1x64xf32, #tpu.memory_space<hbm>>) target(%dma_start3A_470 : memref<1x64xf32, #tpu.memory_space<vmem>>) target_semaphore(%arg16 : memref<!tpu.dma_semaphore, #tpu.memory_space<semaphore_mem>>)
      %slice3A_473 = vector.extract_strided_slice %get3A_376 {offsets = [8], sizes = [1], strides = [1]} : vector<16xi32> to vector<1xi32>
      %squeeze3A_474 = vector.extract %slice3A_473[0] : i32 from vector<1xi32>
      %dma_start3A_475 = arith.constant 8 : i32
      %dma_start3A_476 = arith.constant 0 : i32
      %dma_start3A_477 = tpu.memref_slice %arg9[%dma_start3A_475, %dma_start3A_476] : memref<16x64xf32, #tpu.memory_space<vmem>> -> memref<1x64xf32, #tpu.memory_space<vmem>>
      %dma_start3A_478 = arith.constant 0 : i32
      %dma_start3A_479 = tpu.memref_slice %arg3[%squeeze3A_474, %dma_start3A_478] : memref<1000000x64xf32, #tpu.memory_space<hbm>> -> memref<1x64xf32, #tpu.memory_space<hbm>>
      %dma_start3A_480 = arith.constant 8 : i32
      %dma_start3A_481 = arith.constant 0 : i32
      %dma_start3A_482 = tpu.memref_slice %arg9[%dma_start3A_480, %dma_start3A_481] : memref<16x64xf32, #tpu.memory_space<vmem>> -> memref<1x64xf32, #tpu.memory_space<vmem>>
      %dma_start3A_483 = arith.constant 0 : i32
      %dma_start3A_484 = tpu.memref_slice %arg3[%squeeze3A_474, %dma_start3A_483] : memref<1000000x64xf32, #tpu.memory_space<hbm>> -> memref<1x64xf32, #tpu.memory_space<hbm>>
      tpu.enqueue_dma source(%dma_start3A_484 : memref<1x64xf32, #tpu.memory_space<hbm>>) target(%dma_start3A_482 : memref<1x64xf32, #tpu.memory_space<vmem>>) target_semaphore(%arg16 : memref<!tpu.dma_semaphore, #tpu.memory_space<semaphore_mem>>)
      %slice3A_485 = vector.extract_strided_slice %get3A_376 {offsets = [9], sizes = [1], strides = [1]} : vector<16xi32> to vector<1xi32>
      %squeeze3A_486 = vector.extract %slice3A_485[0] : i32 from vector<1xi32>
      %dma_start3A_487 = arith.constant 9 : i32
      %dma_start3A_488 = arith.constant 0 : i32
      %dma_start3A_489 = tpu.memref_slice %arg9[%dma_start3A_487, %dma_start3A_488] : memref<16x64xf32, #tpu.memory_space<vmem>> -> memref<1x64xf32, #tpu.memory_space<vmem>>
      %dma_start3A_490 = arith.constant 0 : i32
      %dma_start3A_491 = tpu.memref_slice %arg3[%squeeze3A_486, %dma_start3A_490] : memref<1000000x64xf32, #tpu.memory_space<hbm>> -> memref<1x64xf32, #tpu.memory_space<hbm>>
      %dma_start3A_492 = arith.constant 9 : i32
      %dma_start3A_493 = arith.constant 0 : i32
      %dma_start3A_494 = tpu.memref_slice %arg9[%dma_start3A_492, %dma_start3A_493] : memref<16x64xf32, #tpu.memory_space<vmem>> -> memref<1x64xf32, #tpu.memory_space<vmem>>
      %dma_start3A_495 = arith.constant 0 : i32
      %dma_start3A_496 = tpu.memref_slice %arg3[%squeeze3A_486, %dma_start3A_495] : memref<1000000x64xf32, #tpu.memory_space<hbm>> -> memref<1x64xf32, #tpu.memory_space<hbm>>
      tpu.enqueue_dma source(%dma_start3A_496 : memref<1x64xf32, #tpu.memory_space<hbm>>) target(%dma_start3A_494 : memref<1x64xf32, #tpu.memory_space<vmem>>) target_semaphore(%arg16 : memref<!tpu.dma_semaphore, #tpu.memory_space<semaphore_mem>>)
      %slice3A_497 = vector.extract_strided_slice %get3A_376 {offsets = [10], sizes = [1], strides = [1]} : vector<16xi32> to vector<1xi32>
      %squeeze3A_498 = vector.extract %slice3A_497[0] : i32 from vector<1xi32>
      %dma_start3A_499 = arith.constant 10 : i32
      %dma_start3A_500 = arith.constant 0 : i32
      %dma_start3A_501 = tpu.memref_slice %arg9[%dma_start3A_499, %dma_start3A_500] : memref<16x64xf32, #tpu.memory_space<vmem>> -> memref<1x64xf32, #tpu.memory_space<vmem>>
      %dma_start3A_502 = arith.constant 0 : i32
      %dma_start3A_503 = tpu.memref_slice %arg3[%squeeze3A_498, %dma_start3A_502] : memref<1000000x64xf32, #tpu.memory_space<hbm>> -> memref<1x64xf32, #tpu.memory_space<hbm>>
      %dma_start3A_504 = arith.constant 10 : i32
      %dma_start3A_505 = arith.constant 0 : i32
      %dma_start3A_506 = tpu.memref_slice %arg9[%dma_start3A_504, %dma_start3A_505] : memref<16x64xf32, #tpu.memory_space<vmem>> -> memref<1x64xf32, #tpu.memory_space<vmem>>
      %dma_start3A_507 = arith.constant 0 : i32
      %dma_start3A_508 = tpu.memref_slice %arg3[%squeeze3A_498, %dma_start3A_507] : memref<1000000x64xf32, #tpu.memory_space<hbm>> -> memref<1x64xf32, #tpu.memory_space<hbm>>
      tpu.enqueue_dma source(%dma_start3A_508 : memref<1x64xf32, #tpu.memory_space<hbm>>) target(%dma_start3A_506 : memref<1x64xf32, #tpu.memory_space<vmem>>) target_semaphore(%arg16 : memref<!tpu.dma_semaphore, #tpu.memory_space<semaphore_mem>>)
      %slice3A_509 = vector.extract_strided_slice %get3A_376 {offsets = [11], sizes = [1], strides = [1]} : vector<16xi32> to vector<1xi32>
      %squeeze3A_510 = vector.extract %slice3A_509[0] : i32 from vector<1xi32>
      %dma_start3A_511 = arith.constant 11 : i32
      %dma_start3A_512 = arith.constant 0 : i32
      %dma_start3A_513 = tpu.memref_slice %arg9[%dma_start3A_511, %dma_start3A_512] : memref<16x64xf32, #tpu.memory_space<vmem>> -> memref<1x64xf32, #tpu.memory_space<vmem>>
      %dma_start3A_514 = arith.constant 0 : i32
      %dma_start3A_515 = tpu.memref_slice %arg3[%squeeze3A_510, %dma_start3A_514] : memref<1000000x64xf32, #tpu.memory_space<hbm>> -> memref<1x64xf32, #tpu.memory_space<hbm>>
      %dma_start3A_516 = arith.constant 11 : i32
      %dma_start3A_517 = arith.constant 0 : i32
      %dma_start3A_518 = tpu.memref_slice %arg9[%dma_start3A_516, %dma_start3A_517] : memref<16x64xf32, #tpu.memory_space<vmem>> -> memref<1x64xf32, #tpu.memory_space<vmem>>
      %dma_start3A_519 = arith.constant 0 : i32
      %dma_start3A_520 = tpu.memref_slice %arg3[%squeeze3A_510, %dma_start3A_519] : memref<1000000x64xf32, #tpu.memory_space<hbm>> -> memref<1x64xf32, #tpu.memory_space<hbm>>
      tpu.enqueue_dma source(%dma_start3A_520 : memref<1x64xf32, #tpu.memory_space<hbm>>) target(%dma_start3A_518 : memref<1x64xf32, #tpu.memory_space<vmem>>) target_semaphore(%arg16 : memref<!tpu.dma_semaphore, #tpu.memory_space<semaphore_mem>>)
      %slice3A_521 = vector.extract_strided_slice %get3A_376 {offsets = [12], sizes = [1], strides = [1]} : vector<16xi32> to vector<1xi32>
      %squeeze3A_522 = vector.extract %slice3A_521[0] : i32 from vector<1xi32>
      %dma_start3A_523 = arith.constant 12 : i32
      %dma_start3A_524 = arith.constant 0 : i32
      %dma_start3A_525 = tpu.memref_slice %arg9[%dma_start3A_523, %dma_start3A_524] : memref<16x64xf32, #tpu.memory_space<vmem>> -> memref<1x64xf32, #tpu.memory_space<vmem>>
      %dma_start3A_526 = arith.constant 0 : i32
      %dma_start3A_527 = tpu.memref_slice %arg3[%squeeze3A_522, %dma_start3A_526] : memref<1000000x64xf32, #tpu.memory_space<hbm>> -> memref<1x64xf32, #tpu.memory_space<hbm>>
      %dma_start3A_528 = arith.constant 12 : i32
      %dma_start3A_529 = arith.constant 0 : i32
      %dma_start3A_530 = tpu.memref_slice %arg9[%dma_start3A_528, %dma_start3A_529] : memref<16x64xf32, #tpu.memory_space<vmem>> -> memref<1x64xf32, #tpu.memory_space<vmem>>
      %dma_start3A_531 = arith.constant 0 : i32
      %dma_start3A_532 = tpu.memref_slice %arg3[%squeeze3A_522, %dma_start3A_531] : memref<1000000x64xf32, #tpu.memory_space<hbm>> -> memref<1x64xf32, #tpu.memory_space<hbm>>
      tpu.enqueue_dma source(%dma_start3A_532 : memref<1x64xf32, #tpu.memory_space<hbm>>) target(%dma_start3A_530 : memref<1x64xf32, #tpu.memory_space<vmem>>) target_semaphore(%arg16 : memref<!tpu.dma_semaphore, #tpu.memory_space<semaphore_mem>>)
      %slice3A_533 = vector.extract_strided_slice %get3A_376 {offsets = [13], sizes = [1], strides = [1]} : vector<16xi32> to vector<1xi32>
      %squeeze3A_534 = vector.extract %slice3A_533[0] : i32 from vector<1xi32>
      %dma_start3A_535 = arith.constant 13 : i32
      %dma_start3A_536 = arith.constant 0 : i32
      %dma_start3A_537 = tpu.memref_slice %arg9[%dma_start3A_535, %dma_start3A_536] : memref<16x64xf32, #tpu.memory_space<vmem>> -> memref<1x64xf32, #tpu.memory_space<vmem>>
      %dma_start3A_538 = arith.constant 0 : i32
      %dma_start3A_539 = tpu.memref_slice %arg3[%squeeze3A_534, %dma_start3A_538] : memref<1000000x64xf32, #tpu.memory_space<hbm>> -> memref<1x64xf32, #tpu.memory_space<hbm>>
      %dma_start3A_540 = arith.constant 13 : i32
      %dma_start3A_541 = arith.constant 0 : i32
      %dma_start3A_542 = tpu.memref_slice %arg9[%dma_start3A_540, %dma_start3A_541] : memref<16x64xf32, #tpu.memory_space<vmem>> -> memref<1x64xf32, #tpu.memory_space<vmem>>
      %dma_start3A_543 = arith.constant 0 : i32
      %dma_start3A_544 = tpu.memref_slice %arg3[%squeeze3A_534, %dma_start3A_543] : memref<1000000x64xf32, #tpu.memory_space<hbm>> -> memref<1x64xf32, #tpu.memory_space<hbm>>
      tpu.enqueue_dma source(%dma_start3A_544 : memref<1x64xf32, #tpu.memory_space<hbm>>) target(%dma_start3A_542 : memref<1x64xf32, #tpu.memory_space<vmem>>) target_semaphore(%arg16 : memref<!tpu.dma_semaphore, #tpu.memory_space<semaphore_mem>>)
      %slice3A_545 = vector.extract_strided_slice %get3A_376 {offsets = [14], sizes = [1], strides = [1]} : vector<16xi32> to vector<1xi32>
      %squeeze3A_546 = vector.extract %slice3A_545[0] : i32 from vector<1xi32>
      %dma_start3A_547 = arith.constant 14 : i32
      %dma_start3A_548 = arith.constant 0 : i32
      %dma_start3A_549 = tpu.memref_slice %arg9[%dma_start3A_547, %dma_start3A_548] : memref<16x64xf32, #tpu.memory_space<vmem>> -> memref<1x64xf32, #tpu.memory_space<vmem>>
      %dma_start3A_550 = arith.constant 0 : i32
      %dma_start3A_551 = tpu.memref_slice %arg3[%squeeze3A_546, %dma_start3A_550] : memref<1000000x64xf32, #tpu.memory_space<hbm>> -> memref<1x64xf32, #tpu.memory_space<hbm>>
      %dma_start3A_552 = arith.constant 14 : i32
      %dma_start3A_553 = arith.constant 0 : i32
      %dma_start3A_554 = tpu.memref_slice %arg9[%dma_start3A_552, %dma_start3A_553] : memref<16x64xf32, #tpu.memory_space<vmem>> -> memref<1x64xf32, #tpu.memory_space<vmem>>
      %dma_start3A_555 = arith.constant 0 : i32
      %dma_start3A_556 = tpu.memref_slice %arg3[%squeeze3A_546, %dma_start3A_555] : memref<1000000x64xf32, #tpu.memory_space<hbm>> -> memref<1x64xf32, #tpu.memory_space<hbm>>
      tpu.enqueue_dma source(%dma_start3A_556 : memref<1x64xf32, #tpu.memory_space<hbm>>) target(%dma_start3A_554 : memref<1x64xf32, #tpu.memory_space<vmem>>) target_semaphore(%arg16 : memref<!tpu.dma_semaphore, #tpu.memory_space<semaphore_mem>>)
      %slice3A_557 = vector.extract_strided_slice %get3A_376 {offsets = [15], sizes = [1], strides = [1]} : vector<16xi32> to vector<1xi32>
      %squeeze3A_558 = vector.extract %slice3A_557[0] : i32 from vector<1xi32>
      %dma_start3A_559 = arith.constant 15 : i32
      %dma_start3A_560 = arith.constant 0 : i32
      %dma_start3A_561 = tpu.memref_slice %arg9[%dma_start3A_559, %dma_start3A_560] : memref<16x64xf32, #tpu.memory_space<vmem>> -> memref<1x64xf32, #tpu.memory_space<vmem>>
      %dma_start3A_562 = arith.constant 0 : i32
      %dma_start3A_563 = tpu.memref_slice %arg3[%squeeze3A_558, %dma_start3A_562] : memref<1000000x64xf32, #tpu.memory_space<hbm>> -> memref<1x64xf32, #tpu.memory_space<hbm>>
      %dma_start3A_564 = arith.constant 15 : i32
      %dma_start3A_565 = arith.constant 0 : i32
      %dma_start3A_566 = tpu.memref_slice %arg9[%dma_start3A_564, %dma_start3A_565] : memref<16x64xf32, #tpu.memory_space<vmem>> -> memref<1x64xf32, #tpu.memory_space<vmem>>
      %dma_start3A_567 = arith.constant 0 : i32
      %dma_start3A_568 = tpu.memref_slice %arg3[%squeeze3A_558, %dma_start3A_567] : memref<1000000x64xf32, #tpu.memory_space<hbm>> -> memref<1x64xf32, #tpu.memory_space<hbm>>
      tpu.enqueue_dma source(%dma_start3A_568 : memref<1x64xf32, #tpu.memory_space<hbm>>) target(%dma_start3A_566 : memref<1x64xf32, #tpu.memory_space<vmem>>) target_semaphore(%arg16 : memref<!tpu.dma_semaphore, #tpu.memory_space<semaphore_mem>>)
      %scan3A_569 = arith.constant 0 : i32
      %scan3A_570 = arith.constant 20 : i32
      %scan3A_571 = arith.addi %scan3A_569, %scan3A_570 : i32
      %scan3A_572 = arith.constant 1 : i32
      scf.for %scan3A_1382 = %scan3A_569 to %scan3A_571 step %scan3A_572  : i32 {
        %mul3A_1383 = arith.constant 16 : i32
        %mul3A_1384 = arith.muli %scan3A_1382, %mul3A_1383 : i32
        %add3A_1385 = arith.constant 32 : i32
        %add3A_1386 = arith.addi %add3A_1385, %mul3A_1384 : i32
        %get3A_1387 = arith.index_cast %add3A_1386 : i32 to index
        %get3A_1388 = tpu.vector_load %arg7[%get3A_1387] {strides = array<i32>} : memref<512xi32, #tpu.memory_space<vmem>>, vector<16xi32>,
        %mul3A_1389 = arith.constant 16 : i32
        %mul3A_1390 = arith.muli %scan3A_1382, %mul3A_1389 : i32
        %slice3A_1391 = vector.extract_strided_slice %get3A_1388 {offsets = [0], sizes = [1], strides = [1]} : vector<16xi32> to vector<1xi32>
        %squeeze3A_1392 = vector.extract %slice3A_1391[0] : i32 from vector<1xi32>
        %add3A_1393 = arith.constant 0 : i32
        %add3A_1394 = arith.addi %mul3A_1390, %add3A_1393 : i32
        %dma_start3A_1395 = arith.constant 0 : i32
        %dma_start3A_1396 = tpu.memref_slice %arg11[%add3A_1394, %dma_start3A_1395] : memref<320x64xf32, #tpu.memory_space<vmem>> -> memref<1x64xf32, #tpu.memory_space<vmem>>
        %dma_start3A_1397 = arith.constant 0 : i32
        %dma_start3A_1398 = tpu.memref_slice %arg4[%squeeze3A_1392, %dma_start3A_1397] : memref<1000000x64xf32, #tpu.memory_space<hbm>> -> memref<1x64xf32, #tpu.memory_space<hbm>>
        %dma_start3A_1399 = arith.constant 0 : i32
        %dma_start3A_1400 = tpu.memref_slice %arg11[%add3A_1394, %dma_start3A_1399] : memref<320x64xf32, #tpu.memory_space<vmem>> -> memref<1x64xf32, #tpu.memory_space<vmem>>
        %dma_start3A_1401 = arith.constant 0 : i32
        %dma_start3A_1402 = tpu.memref_slice %arg4[%squeeze3A_1392, %dma_start3A_1401] : memref<1000000x64xf32, #tpu.memory_space<hbm>> -> memref<1x64xf32, #tpu.memory_space<hbm>>
        tpu.enqueue_dma source(%dma_start3A_1402 : memref<1x64xf32, #tpu.memory_space<hbm>>) target(%dma_start3A_1400 : memref<1x64xf32, #tpu.memory_space<vmem>>) target_semaphore(%arg18 : memref<!tpu.dma_semaphore, #tpu.memory_space<semaphore_mem>>)
        %slice3A_1403 = vector.extract_strided_slice %get3A_1388 {offsets = [1], sizes = [1], strides = [1]} : vector<16xi32> to vector<1xi32>
        %squeeze3A_1404 = vector.extract %slice3A_1403[0] : i32 from vector<1xi32>
        %add3A_1405 = arith.constant 1 : i32
        %add3A_1406 = arith.addi %mul3A_1390, %add3A_1405 : i32
        %dma_start3A_1407 = arith.constant 0 : i32
        %dma_start3A_1408 = tpu.memref_slice %arg11[%add3A_1406, %dma_start3A_1407] : memref<320x64xf32, #tpu.memory_space<vmem>> -> memref<1x64xf32, #tpu.memory_space<vmem>>
        %dma_start3A_1409 = arith.constant 0 : i32
        %dma_start3A_1410 = tpu.memref_slice %arg4[%squeeze3A_1404, %dma_start3A_1409] : memref<1000000x64xf32, #tpu.memory_space<hbm>> -> memref<1x64xf32, #tpu.memory_space<hbm>>
        %dma_start3A_1411 = arith.constant 0 : i32
        %dma_start3A_1412 = tpu.memref_slice %arg11[%add3A_1406, %dma_start3A_1411] : memref<320x64xf32, #tpu.memory_space<vmem>> -> memref<1x64xf32, #tpu.memory_space<vmem>>
        %dma_start3A_1413 = arith.constant 0 : i32
        %dma_start3A_1414 = tpu.memref_slice %arg4[%squeeze3A_1404, %dma_start3A_1413] : memref<1000000x64xf32, #tpu.memory_space<hbm>> -> memref<1x64xf32, #tpu.memory_space<hbm>>
        tpu.enqueue_dma source(%dma_start3A_1414 : memref<1x64xf32, #tpu.memory_space<hbm>>) target(%dma_start3A_1412 : memref<1x64xf32, #tpu.memory_space<vmem>>) target_semaphore(%arg18 : memref<!tpu.dma_semaphore, #tpu.memory_space<semaphore_mem>>)
        %slice3A_1415 = vector.extract_strided_slice %get3A_1388 {offsets = [2], sizes = [1], strides = [1]} : vector<16xi32> to vector<1xi32>
        %squeeze3A_1416 = vector.extract %slice3A_1415[0] : i32 from vector<1xi32>
        %add3A_1417 = arith.constant 2 : i32
        %add3A_1418 = arith.addi %mul3A_1390, %add3A_1417 : i32
        %dma_start3A_1419 = arith.constant 0 : i32
        %dma_start3A_1420 = tpu.memref_slice %arg11[%add3A_1418, %dma_start3A_1419] : memref<320x64xf32, #tpu.memory_space<vmem>> -> memref<1x64xf32, #tpu.memory_space<vmem>>
        %dma_start3A_1421 = arith.constant 0 : i32
        %dma_start3A_1422 = tpu.memref_slice %arg4[%squeeze3A_1416, %dma_start3A_1421] : memref<1000000x64xf32, #tpu.memory_space<hbm>> -> memref<1x64xf32, #tpu.memory_space<hbm>>
        %dma_start3A_1423 = arith.constant 0 : i32
        %dma_start3A_1424 = tpu.memref_slice %arg11[%add3A_1418, %dma_start3A_1423] : memref<320x64xf32, #tpu.memory_space<vmem>> -> memref<1x64xf32, #tpu.memory_space<vmem>>
        %dma_start3A_1425 = arith.constant 0 : i32
        %dma_start3A_1426 = tpu.memref_slice %arg4[%squeeze3A_1416, %dma_start3A_1425] : memref<1000000x64xf32, #tpu.memory_space<hbm>> -> memref<1x64xf32, #tpu.memory_space<hbm>>
        tpu.enqueue_dma source(%dma_start3A_1426 : memref<1x64xf32, #tpu.memory_space<hbm>>) target(%dma_start3A_1424 : memref<1x64xf32, #tpu.memory_space<vmem>>) target_semaphore(%arg18 : memref<!tpu.dma_semaphore, #tpu.memory_space<semaphore_mem>>)
        %slice3A_1427 = vector.extract_strided_slice %get3A_1388 {offsets = [3], sizes = [1], strides = [1]} : vector<16xi32> to vector<1xi32>
        %squeeze3A_1428 = vector.extract %slice3A_1427[0] : i32 from vector<1xi32>
        %add3A_1429 = arith.constant 3 : i32
        %add3A_1430 = arith.addi %mul3A_1390, %add3A_1429 : i32
        %dma_start3A_1431 = arith.constant 0 : i32
        %dma_start3A_1432 = tpu.memref_slice %arg11[%add3A_1430, %dma_start3A_1431] : memref<320x64xf32, #tpu.memory_space<vmem>> -> memref<1x64xf32, #tpu.memory_space<vmem>>
        %dma_start3A_1433 = arith.constant 0 : i32
        %dma_start3A_1434 = tpu.memref_slice %arg4[%squeeze3A_1428, %dma_start3A_1433] : memref<1000000x64xf32, #tpu.memory_space<hbm>> -> memref<1x64xf32, #tpu.memory_space<hbm>>
        %dma_start3A_1435 = arith.constant 0 : i32
        %dma_start3A_1436 = tpu.memref_slice %arg11[%add3A_1430, %dma_start3A_1435] : memref<320x64xf32, #tpu.memory_space<vmem>> -> memref<1x64xf32, #tpu.memory_space<vmem>>
        %dma_start3A_1437 = arith.constant 0 : i32
        %dma_start3A_1438 = tpu.memref_slice %arg4[%squeeze3A_1428, %dma_start3A_1437] : memref<1000000x64xf32, #tpu.memory_space<hbm>> -> memref<1x64xf32, #tpu.memory_space<hbm>>
        tpu.enqueue_dma source(%dma_start3A_1438 : memref<1x64xf32, #tpu.memory_space<hbm>>) target(%dma_start3A_1436 : memref<1x64xf32, #tpu.memory_space<vmem>>) target_semaphore(%arg18 : memref<!tpu.dma_semaphore, #tpu.memory_space<semaphore_mem>>)
        %slice3A_1439 = vector.extract_strided_slice %get3A_1388 {offsets = [4], sizes = [1], strides = [1]} : vector<16xi32> to vector<1xi32>
        %squeeze3A_1440 = vector.extract %slice3A_1439[0] : i32 from vector<1xi32>
        %add3A_1441 = arith.constant 4 : i32
        %add3A_1442 = arith.addi %mul3A_1390, %add3A_1441 : i32
        %dma_start3A_1443 = arith.constant 0 : i32
        %dma_start3A_1444 = tpu.memref_slice %arg11[%add3A_1442, %dma_start3A_1443] : memref<320x64xf32, #tpu.memory_space<vmem>> -> memref<1x64xf32, #tpu.memory_space<vmem>>
        %dma_start3A_1445 = arith.constant 0 : i32
        %dma_start3A_1446 = tpu.memref_slice %arg4[%squeeze3A_1440, %dma_start3A_1445] : memref<1000000x64xf32, #tpu.memory_space<hbm>> -> memref<1x64xf32, #tpu.memory_space<hbm>>
        %dma_start3A_1447 = arith.constant 0 : i32
        %dma_start3A_1448 = tpu.memref_slice %arg11[%add3A_1442, %dma_start3A_1447] : memref<320x64xf32, #tpu.memory_space<vmem>> -> memref<1x64xf32, #tpu.memory_space<vmem>>
        %dma_start3A_1449 = arith.constant 0 : i32
        %dma_start3A_1450 = tpu.memref_slice %arg4[%squeeze3A_1440, %dma_start3A_1449] : memref<1000000x64xf32, #tpu.memory_space<hbm>> -> memref<1x64xf32, #tpu.memory_space<hbm>>
        tpu.enqueue_dma source(%dma_start3A_1450 : memref<1x64xf32, #tpu.memory_space<hbm>>) target(%dma_start3A_1448 : memref<1x64xf32, #tpu.memory_space<vmem>>) target_semaphore(%arg18 : memref<!tpu.dma_semaphore, #tpu.memory_space<semaphore_mem>>)
        %slice3A_1451 = vector.extract_strided_slice %get3A_1388 {offsets = [5], sizes = [1], strides = [1]} : vector<16xi32> to vector<1xi32>
        %squeeze3A_1452 = vector.extract %slice3A_1451[0] : i32 from vector<1xi32>
        %add3A_1453 = arith.constant 5 : i32
        %add3A_1454 = arith.addi %mul3A_1390, %add3A_1453 : i32
        %dma_start3A_1455 = arith.constant 0 : i32
        %dma_start3A_1456 = tpu.memref_slice %arg11[%add3A_1454, %dma_start3A_1455] : memref<320x64xf32, #tpu.memory_space<vmem>> -> memref<1x64xf32, #tpu.memory_space<vmem>>
        %dma_start3A_1457 = arith.constant 0 : i32
        %dma_start3A_1458 = tpu.memref_slice %arg4[%squeeze3A_1452, %dma_start3A_1457] : memref<1000000x64xf32, #tpu.memory_space<hbm>> -> memref<1x64xf32, #tpu.memory_space<hbm>>
        %dma_start3A_1459 = arith.constant 0 : i32
        %dma_start3A_1460 = tpu.memref_slice %arg11[%add3A_1454, %dma_start3A_1459] : memref<320x64xf32, #tpu.memory_space<vmem>> -> memref<1x64xf32, #tpu.memory_space<vmem>>
        %dma_start3A_1461 = arith.constant 0 : i32
        %dma_start3A_1462 = tpu.memref_slice %arg4[%squeeze3A_1452, %dma_start3A_1461] : memref<1000000x64xf32, #tpu.memory_space<hbm>> -> memref<1x64xf32, #tpu.memory_space<hbm>>
        tpu.enqueue_dma source(%dma_start3A_1462 : memref<1x64xf32, #tpu.memory_space<hbm>>) target(%dma_start3A_1460 : memref<1x64xf32, #tpu.memory_space<vmem>>) target_semaphore(%arg18 : memref<!tpu.dma_semaphore, #tpu.memory_space<semaphore_mem>>)
        %slice3A_1463 = vector.extract_strided_slice %get3A_1388 {offsets = [6], sizes = [1], strides = [1]} : vector<16xi32> to vector<1xi32>
        %squeeze3A_1464 = vector.extract %slice3A_1463[0] : i32 from vector<1xi32>
        %add3A_1465 = arith.constant 6 : i32
        %add3A_1466 = arith.addi %mul3A_1390, %add3A_1465 : i32
        %dma_start3A_1467 = arith.constant 0 : i32
        %dma_start3A_1468 = tpu.memref_slice %arg11[%add3A_1466, %dma_start3A_1467] : memref<320x64xf32, #tpu.memory_space<vmem>> -> memref<1x64xf32, #tpu.memory_space<vmem>>
        %dma_start3A_1469 = arith.constant 0 : i32
        %dma_start3A_1470 = tpu.memref_slice %arg4[%squeeze3A_1464, %dma_start3A_1469] : memref<1000000x64xf32, #tpu.memory_space<hbm>> -> memref<1x64xf32, #tpu.memory_space<hbm>>
        %dma_start3A_1471 = arith.constant 0 : i32
        %dma_start3A_1472 = tpu.memref_slice %arg11[%add3A_1466, %dma_start3A_1471] : memref<320x64xf32, #tpu.memory_space<vmem>> -> memref<1x64xf32, #tpu.memory_space<vmem>>
        %dma_start3A_1473 = arith.constant 0 : i32
        %dma_start3A_1474 = tpu.memref_slice %arg4[%squeeze3A_1464, %dma_start3A_1473] : memref<1000000x64xf32, #tpu.memory_space<hbm>> -> memref<1x64xf32, #tpu.memory_space<hbm>>
        tpu.enqueue_dma source(%dma_start3A_1474 : memref<1x64xf32, #tpu.memory_space<hbm>>) target(%dma_start3A_1472 : memref<1x64xf32, #tpu.memory_space<vmem>>) target_semaphore(%arg18 : memref<!tpu.dma_semaphore, #tpu.memory_space<semaphore_mem>>)
        %slice3A_1475 = vector.extract_strided_slice %get3A_1388 {offsets = [7], sizes = [1], strides = [1]} : vector<16xi32> to vector<1xi32>
        %squeeze3A_1476 = vector.extract %slice3A_1475[0] : i32 from vector<1xi32>
        %add3A_1477 = arith.constant 7 : i32
        %add3A_1478 = arith.addi %mul3A_1390, %add3A_1477 : i32
        %dma_start3A_1479 = arith.constant 0 : i32
        %dma_start3A_1480 = tpu.memref_slice %arg11[%add3A_1478, %dma_start3A_1479] : memref<320x64xf32, #tpu.memory_space<vmem>> -> memref<1x64xf32, #tpu.memory_space<vmem>>
        %dma_start3A_1481 = arith.constant 0 : i32
        %dma_start3A_1482 = tpu.memref_slice %arg4[%squeeze3A_1476, %dma_start3A_1481] : memref<1000000x64xf32, #tpu.memory_space<hbm>> -> memref<1x64xf32, #tpu.memory_space<hbm>>
        %dma_start3A_1483 = arith.constant 0 : i32
        %dma_start3A_1484 = tpu.memref_slice %arg11[%add3A_1478, %dma_start3A_1483] : memref<320x64xf32, #tpu.memory_space<vmem>> -> memref<1x64xf32, #tpu.memory_space<vmem>>
        %dma_start3A_1485 = arith.constant 0 : i32
        %dma_start3A_1486 = tpu.memref_slice %arg4[%squeeze3A_1476, %dma_start3A_1485] : memref<1000000x64xf32, #tpu.memory_space<hbm>> -> memref<1x64xf32, #tpu.memory_space<hbm>>
        tpu.enqueue_dma source(%dma_start3A_1486 : memref<1x64xf32, #tpu.memory_space<hbm>>) target(%dma_start3A_1484 : memref<1x64xf32, #tpu.memory_space<vmem>>) target_semaphore(%arg18 : memref<!tpu.dma_semaphore, #tpu.memory_space<semaphore_mem>>)
        %slice3A_1487 = vector.extract_strided_slice %get3A_1388 {offsets = [8], sizes = [1], strides = [1]} : vector<16xi32> to vector<1xi32>
        %squeeze3A_1488 = vector.extract %slice3A_1487[0] : i32 from vector<1xi32>
        %add3A_1489 = arith.constant 8 : i32
        %add3A_1490 = arith.addi %mul3A_1390, %add3A_1489 : i32
        %dma_start3A_1491 = arith.constant 0 : i32
        %dma_start3A_1492 = tpu.memref_slice %arg11[%add3A_1490, %dma_start3A_1491] : memref<320x64xf32, #tpu.memory_space<vmem>> -> memref<1x64xf32, #tpu.memory_space<vmem>>
        %dma_start3A_1493 = arith.constant 0 : i32
        %dma_start3A_1494 = tpu.memref_slice %arg4[%squeeze3A_1488, %dma_start3A_1493] : memref<1000000x64xf32, #tpu.memory_space<hbm>> -> memref<1x64xf32, #tpu.memory_space<hbm>>
        %dma_start3A_1495 = arith.constant 0 : i32
        %dma_start3A_1496 = tpu.memref_slice %arg11[%add3A_1490, %dma_start3A_1495] : memref<320x64xf32, #tpu.memory_space<vmem>> -> memref<1x64xf32, #tpu.memory_space<vmem>>
        %dma_start3A_1497 = arith.constant 0 : i32
        %dma_start3A_1498 = tpu.memref_slice %arg4[%squeeze3A_1488, %dma_start3A_1497] : memref<1000000x64xf32, #tpu.memory_space<hbm>> -> memref<1x64xf32, #tpu.memory_space<hbm>>
        tpu.enqueue_dma source(%dma_start3A_1498 : memref<1x64xf32, #tpu.memory_space<hbm>>) target(%dma_start3A_1496 : memref<1x64xf32, #tpu.memory_space<vmem>>) target_semaphore(%arg18 : memref<!tpu.dma_semaphore, #tpu.memory_space<semaphore_mem>>)
        %slice3A_1499 = vector.extract_strided_slice %get3A_1388 {offsets = [9], sizes = [1], strides = [1]} : vector<16xi32> to vector<1xi32>
        %squeeze3A_1500 = vector.extract %slice3A_1499[0] : i32 from vector<1xi32>
        %add3A_1501 = arith.constant 9 : i32
        %add3A_1502 = arith.addi %mul3A_1390, %add3A_1501 : i32
        %dma_start3A_1503 = arith.constant 0 : i32
        %dma_start3A_1504 = tpu.memref_slice %arg11[%add3A_1502, %dma_start3A_1503] : memref<320x64xf32, #tpu.memory_space<vmem>> -> memref<1x64xf32, #tpu.memory_space<vmem>>
        %dma_start3A_1505 = arith.constant 0 : i32
        %dma_start3A_1506 = tpu.memref_slice %arg4[%squeeze3A_1500, %dma_start3A_1505] : memref<1000000x64xf32, #tpu.memory_space<hbm>> -> memref<1x64xf32, #tpu.memory_space<hbm>>
        %dma_start3A_1507 = arith.constant 0 : i32
        %dma_start3A_1508 = tpu.memref_slice %arg11[%add3A_1502, %dma_start3A_1507] : memref<320x64xf32, #tpu.memory_space<vmem>> -> memref<1x64xf32, #tpu.memory_space<vmem>>
        %dma_start3A_1509 = arith.constant 0 : i32
        %dma_start3A_1510 = tpu.memref_slice %arg4[%squeeze3A_1500, %dma_start3A_1509] : memref<1000000x64xf32, #tpu.memory_space<hbm>> -> memref<1x64xf32, #tpu.memory_space<hbm>>
        tpu.enqueue_dma source(%dma_start3A_1510 : memref<1x64xf32, #tpu.memory_space<hbm>>) target(%dma_start3A_1508 : memref<1x64xf32, #tpu.memory_space<vmem>>) target_semaphore(%arg18 : memref<!tpu.dma_semaphore, #tpu.memory_space<semaphore_mem>>)
        %slice3A_1511 = vector.extract_strided_slice %get3A_1388 {offsets = [10], sizes = [1], strides = [1]} : vector<16xi32> to vector<1xi32>
        %squeeze3A_1512 = vector.extract %slice3A_1511[0] : i32 from vector<1xi32>
        %add3A_1513 = arith.constant 10 : i32
        %add3A_1514 = arith.addi %mul3A_1390, %add3A_1513 : i32
        %dma_start3A_1515 = arith.constant 0 : i32
        %dma_start3A_1516 = tpu.memref_slice %arg11[%add3A_1514, %dma_start3A_1515] : memref<320x64xf32, #tpu.memory_space<vmem>> -> memref<1x64xf32, #tpu.memory_space<vmem>>
        %dma_start3A_1517 = arith.constant 0 : i32
        %dma_start3A_1518 = tpu.memref_slice %arg4[%squeeze3A_1512, %dma_start3A_1517] : memref<1000000x64xf32, #tpu.memory_space<hbm>> -> memref<1x64xf32, #tpu.memory_space<hbm>>
        %dma_start3A_1519 = arith.constant 0 : i32
        %dma_start3A_1520 = tpu.memref_slice %arg11[%add3A_1514, %dma_start3A_1519] : memref<320x64xf32, #tpu.memory_space<vmem>> -> memref<1x64xf32, #tpu.memory_space<vmem>>
        %dma_start3A_1521 = arith.constant 0 : i32
        %dma_start3A_1522 = tpu.memref_slice %arg4[%squeeze3A_1512, %dma_start3A_1521] : memref<1000000x64xf32, #tpu.memory_space<hbm>> -> memref<1x64xf32, #tpu.memory_space<hbm>>
        tpu.enqueue_dma source(%dma_start3A_1522 : memref<1x64xf32, #tpu.memory_space<hbm>>) target(%dma_start3A_1520 : memref<1x64xf32, #tpu.memory_space<vmem>>) target_semaphore(%arg18 : memref<!tpu.dma_semaphore, #tpu.memory_space<semaphore_mem>>)
        %slice3A_1523 = vector.extract_strided_slice %get3A_1388 {offsets = [11], sizes = [1], strides = [1]} : vector<16xi32> to vector<1xi32>
        %squeeze3A_1524 = vector.extract %slice3A_1523[0] : i32 from vector<1xi32>
        %add3A_1525 = arith.constant 11 : i32
        %add3A_1526 = arith.addi %mul3A_1390, %add3A_1525 : i32
        %dma_start3A_1527 = arith.constant 0 : i32
        %dma_start3A_1528 = tpu.memref_slice %arg11[%add3A_1526, %dma_start3A_1527] : memref<320x64xf32, #tpu.memory_space<vmem>> -> memref<1x64xf32, #tpu.memory_space<vmem>>
        %dma_start3A_1529 = arith.constant 0 : i32
        %dma_start3A_1530 = tpu.memref_slice %arg4[%squeeze3A_1524, %dma_start3A_1529] : memref<1000000x64xf32, #tpu.memory_space<hbm>> -> memref<1x64xf32, #tpu.memory_space<hbm>>
        %dma_start3A_1531 = arith.constant 0 : i32
        %dma_start3A_1532 = tpu.memref_slice %arg11[%add3A_1526, %dma_start3A_1531] : memref<320x64xf32, #tpu.memory_space<vmem>> -> memref<1x64xf32, #tpu.memory_space<vmem>>
        %dma_start3A_1533 = arith.constant 0 : i32
        %dma_start3A_1534 = tpu.memref_slice %arg4[%squeeze3A_1524, %dma_start3A_1533] : memref<1000000x64xf32, #tpu.memory_space<hbm>> -> memref<1x64xf32, #tpu.memory_space<hbm>>
        tpu.enqueue_dma source(%dma_start3A_1534 : memref<1x64xf32, #tpu.memory_space<hbm>>) target(%dma_start3A_1532 : memref<1x64xf32, #tpu.memory_space<vmem>>) target_semaphore(%arg18 : memref<!tpu.dma_semaphore, #tpu.memory_space<semaphore_mem>>)
        %slice3A_1535 = vector.extract_strided_slice %get3A_1388 {offsets = [12], sizes = [1], strides = [1]} : vector<16xi32> to vector<1xi32>
        %squeeze3A_1536 = vector.extract %slice3A_1535[0] : i32 from vector<1xi32>
        %add3A_1537 = arith.constant 12 : i32
        %add3A_1538 = arith.addi %mul3A_1390, %add3A_1537 : i32
        %dma_start3A_1539 = arith.constant 0 : i32
        %dma_start3A_1540 = tpu.memref_slice %arg11[%add3A_1538, %dma_start3A_1539] : memref<320x64xf32, #tpu.memory_space<vmem>> -> memref<1x64xf32, #tpu.memory_space<vmem>>
        %dma_start3A_1541 = arith.constant 0 : i32
        %dma_start3A_1542 = tpu.memref_slice %arg4[%squeeze3A_1536, %dma_start3A_1541] : memref<1000000x64xf32, #tpu.memory_space<hbm>> -> memref<1x64xf32, #tpu.memory_space<hbm>>
        %dma_start3A_1543 = arith.constant 0 : i32
        %dma_start3A_1544 = tpu.memref_slice %arg11[%add3A_1538, %dma_start3A_1543] : memref<320x64xf32, #tpu.memory_space<vmem>> -> memref<1x64xf32, #tpu.memory_space<vmem>>
        %dma_start3A_1545 = arith.constant 0 : i32
        %dma_start3A_1546 = tpu.memref_slice %arg4[%squeeze3A_1536, %dma_start3A_1545] : memref<1000000x64xf32, #tpu.memory_space<hbm>> -> memref<1x64xf32, #tpu.memory_space<hbm>>
        tpu.enqueue_dma source(%dma_start3A_1546 : memref<1x64xf32, #tpu.memory_space<hbm>>) target(%dma_start3A_1544 : memref<1x64xf32, #tpu.memory_space<vmem>>) target_semaphore(%arg18 : memref<!tpu.dma_semaphore, #tpu.memory_space<semaphore_mem>>)
        %slice3A_1547 = vector.extract_strided_slice %get3A_1388 {offsets = [13], sizes = [1], strides = [1]} : vector<16xi32> to vector<1xi32>
        %squeeze3A_1548 = vector.extract %slice3A_1547[0] : i32 from vector<1xi32>
        %add3A_1549 = arith.constant 13 : i32
        %add3A_1550 = arith.addi %mul3A_1390, %add3A_1549 : i32
        %dma_start3A_1551 = arith.constant 0 : i32
        %dma_start3A_1552 = tpu.memref_slice %arg11[%add3A_1550, %dma_start3A_1551] : memref<320x64xf32, #tpu.memory_space<vmem>> -> memref<1x64xf32, #tpu.memory_space<vmem>>
        %dma_start3A_1553 = arith.constant 0 : i32
        %dma_start3A_1554 = tpu.memref_slice %arg4[%squeeze3A_1548, %dma_start3A_1553] : memref<1000000x64xf32, #tpu.memory_space<hbm>> -> memref<1x64xf32, #tpu.memory_space<hbm>>
        %dma_start3A_1555 = arith.constant 0 : i32
        %dma_start3A_1556 = tpu.memref_slice %arg11[%add3A_1550, %dma_start3A_1555] : memref<320x64xf32, #tpu.memory_space<vmem>> -> memref<1x64xf32, #tpu.memory_space<vmem>>
        %dma_start3A_1557 = arith.constant 0 : i32
        %dma_start3A_1558 = tpu.memref_slice %arg4[%squeeze3A_1548, %dma_start3A_1557] : memref<1000000x64xf32, #tpu.memory_space<hbm>> -> memref<1x64xf32, #tpu.memory_space<hbm>>
        tpu.enqueue_dma source(%dma_start3A_1558 : memref<1x64xf32, #tpu.memory_space<hbm>>) target(%dma_start3A_1556 : memref<1x64xf32, #tpu.memory_space<vmem>>) target_semaphore(%arg18 : memref<!tpu.dma_semaphore, #tpu.memory_space<semaphore_mem>>)
        %slice3A_1559 = vector.extract_strided_slice %get3A_1388 {offsets = [14], sizes = [1], strides = [1]} : vector<16xi32> to vector<1xi32>
        %squeeze3A_1560 = vector.extract %slice3A_1559[0] : i32 from vector<1xi32>
        %add3A_1561 = arith.constant 14 : i32
        %add3A_1562 = arith.addi %mul3A_1390, %add3A_1561 : i32
        %dma_start3A_1563 = arith.constant 0 : i32
        %dma_start3A_1564 = tpu.memref_slice %arg11[%add3A_1562, %dma_start3A_1563] : memref<320x64xf32, #tpu.memory_space<vmem>> -> memref<1x64xf32, #tpu.memory_space<vmem>>
        %dma_start3A_1565 = arith.constant 0 : i32
        %dma_start3A_1566 = tpu.memref_slice %arg4[%squeeze3A_1560, %dma_start3A_1565] : memref<1000000x64xf32, #tpu.memory_space<hbm>> -> memref<1x64xf32, #tpu.memory_space<hbm>>
        %dma_start3A_1567 = arith.constant 0 : i32
        %dma_start3A_1568 = tpu.memref_slice %arg11[%add3A_1562, %dma_start3A_1567] : memref<320x64xf32, #tpu.memory_space<vmem>> -> memref<1x64xf32, #tpu.memory_space<vmem>>
        %dma_start3A_1569 = arith.constant 0 : i32
        %dma_start3A_1570 = tpu.memref_slice %arg4[%squeeze3A_1560, %dma_start3A_1569] : memref<1000000x64xf32, #tpu.memory_space<hbm>> -> memref<1x64xf32, #tpu.memory_space<hbm>>
        tpu.enqueue_dma source(%dma_start3A_1570 : memref<1x64xf32, #tpu.memory_space<hbm>>) target(%dma_start3A_1568 : memref<1x64xf32, #tpu.memory_space<vmem>>) target_semaphore(%arg18 : memref<!tpu.dma_semaphore, #tpu.memory_space<semaphore_mem>>)
        %slice3A_1571 = vector.extract_strided_slice %get3A_1388 {offsets = [15], sizes = [1], strides = [1]} : vector<16xi32> to vector<1xi32>
        %squeeze3A_1572 = vector.extract %slice3A_1571[0] : i32 from vector<1xi32>
        %add3A_1573 = arith.constant 15 : i32
        %add3A_1574 = arith.addi %mul3A_1390, %add3A_1573 : i32
        %dma_start3A_1575 = arith.constant 0 : i32
        %dma_start3A_1576 = tpu.memref_slice %arg11[%add3A_1574, %dma_start3A_1575] : memref<320x64xf32, #tpu.memory_space<vmem>> -> memref<1x64xf32, #tpu.memory_space<vmem>>
        %dma_start3A_1577 = arith.constant 0 : i32
        %dma_start3A_1578 = tpu.memref_slice %arg4[%squeeze3A_1572, %dma_start3A_1577] : memref<1000000x64xf32, #tpu.memory_space<hbm>> -> memref<1x64xf32, #tpu.memory_space<hbm>>
        %dma_start3A_1579 = arith.constant 0 : i32
        %dma_start3A_1580 = tpu.memref_slice %arg11[%add3A_1574, %dma_start3A_1579] : memref<320x64xf32, #tpu.memory_space<vmem>> -> memref<1x64xf32, #tpu.memory_space<vmem>>
        %dma_start3A_1581 = arith.constant 0 : i32
        %dma_start3A_1582 = tpu.memref_slice %arg4[%squeeze3A_1572, %dma_start3A_1581] : memref<1000000x64xf32, #tpu.memory_space<hbm>> -> memref<1x64xf32, #tpu.memory_space<hbm>>
        tpu.enqueue_dma source(%dma_start3A_1582 : memref<1x64xf32, #tpu.memory_space<hbm>>) target(%dma_start3A_1580 : memref<1x64xf32, #tpu.memory_space<vmem>>) target_semaphore(%arg18 : memref<!tpu.dma_semaphore, #tpu.memory_space<semaphore_mem>>)
      }
      %scan3A_573 = arith.constant 20 : i32
      %add3A_574 = arith.constant 2 : i32
      %add3A_575 = arith.addi %mul3A_353, %add3A_574 : i32
      %mul3A_576 = arith.constant 512 : i32
      %mul3A_577 = arith.muli %add3A_575, %mul3A_576 : i32
      %add3A_578 = arith.addi %mul3A_124, %mul3A_577 : i32
      %dma_start3A_579 = tpu.memref_slice %arg2[%add3A_578] : memref<557056xi32, #tpu.memory_space<hbm>> -> memref<512xi32, #tpu.memory_space<hbm>>
      %dma_start3A_580 = tpu.memref_slice %arg2[%add3A_578] : memref<557056xi32, #tpu.memory_space<hbm>> -> memref<512xi32, #tpu.memory_space<hbm>>
      tpu.enqueue_dma source(%dma_start3A_580 : memref<512xi32, #tpu.memory_space<hbm>>) target(%arg6 : memref<512xi32, #tpu.memory_space<vmem>>) target_semaphore(%arg13 : memref<!tpu.dma_semaphore, #tpu.memory_space<semaphore_mem>>)
      %broadcast_in_dim3A = arith.constant 0.000000e+00 : f32
      %broadcast_in_dim3A_581 = vector.broadcast %broadcast_in_dim3A : f32 to vector<16xf32>
      %broadcast_in_dim3A_582 = arith.constant 0.000000e+00 : f32
      %broadcast_in_dim3A_583 = vector.broadcast %broadcast_in_dim3A_582 : f32 to vector<16xf32>
      %broadcast_in_dim3A_584 = arith.constant 0.000000e+00 : f32
      %broadcast_in_dim3A_585 = vector.broadcast %broadcast_in_dim3A_584 : f32 to vector<16xf32>
      %broadcast_in_dim3A_586 = arith.constant 0.000000e+00 : f32
      %broadcast_in_dim3A_587 = vector.broadcast %broadcast_in_dim3A_586 : f32 to vector<16xf32>
      %broadcast_in_dim3A_588 = arith.constant 0.000000e+00 : f32
      %broadcast_in_dim3A_589 = vector.broadcast %broadcast_in_dim3A_588 : f32 to vector<16xf32>
      %broadcast_in_dim3A_590 = arith.constant 0.000000e+00 : f32
      %broadcast_in_dim3A_591 = vector.broadcast %broadcast_in_dim3A_590 : f32 to vector<16xf32>
      %broadcast_in_dim3A_592 = arith.constant 0.000000e+00 : f32
      %broadcast_in_dim3A_593 = vector.broadcast %broadcast_in_dim3A_592 : f32 to vector<16xf32>
      %broadcast_in_dim3A_594 = arith.constant 0.000000e+00 : f32
      %broadcast_in_dim3A_595 = vector.broadcast %broadcast_in_dim3A_594 : f32 to vector<16xf32>
      %broadcast_in_dim3A_596 = arith.constant 0.000000e+00 : f32
      %broadcast_in_dim3A_597 = vector.broadcast %broadcast_in_dim3A_596 : f32 to vector<16xf32>
      %broadcast_in_dim3A_598 = arith.constant 0.000000e+00 : f32
      %broadcast_in_dim3A_599 = vector.broadcast %broadcast_in_dim3A_598 : f32 to vector<16xf32>
      %broadcast_in_dim3A_600 = arith.constant 0.000000e+00 : f32
      %broadcast_in_dim3A_601 = vector.broadcast %broadcast_in_dim3A_600 : f32 to vector<16xf32>
      %broadcast_in_dim3A_602 = arith.constant 0.000000e+00 : f32
      %broadcast_in_dim3A_603 = vector.broadcast %broadcast_in_dim3A_602 : f32 to vector<16xf32>
      %broadcast_in_dim3A_604 = arith.constant 0.000000e+00 : f32
      %broadcast_in_dim3A_605 = vector.broadcast %broadcast_in_dim3A_604 : f32 to vector<16xf32>
      %broadcast_in_dim3A_606 = arith.constant 0.000000e+00 : f32
      %broadcast_in_dim3A_607 = vector.broadcast %broadcast_in_dim3A_606 : f32 to vector<16xf32>
      %broadcast_in_dim3A_608 = arith.constant 0.000000e+00 : f32
      %broadcast_in_dim3A_609 = vector.broadcast %broadcast_in_dim3A_608 : f32 to vector<16xf32>
      %broadcast_in_dim3A_610 = arith.constant 0.000000e+00 : f32
      %broadcast_in_dim3A_611 = vector.broadcast %broadcast_in_dim3A_610 : f32 to vector<16xf32>
      %broadcast_in_dim3A_612 = arith.constant 0.000000e+00 : f32
      %broadcast_in_dim3A_613 = vector.broadcast %broadcast_in_dim3A_612 : f32 to vector<16xf32>
      %broadcast_in_dim3A_614 = arith.constant 0.000000e+00 : f32
      %broadcast_in_dim3A_615 = vector.broadcast %broadcast_in_dim3A_614 : f32 to vector<16xf32>
      %broadcast_in_dim3A_616 = arith.constant 0.000000e+00 : f32
      %broadcast_in_dim3A_617 = vector.broadcast %broadcast_in_dim3A_616 : f32 to vector<16xf32>
      %broadcast_in_dim3A_618 = arith.constant 0.000000e+00 : f32
      %broadcast_in_dim3A_619 = vector.broadcast %broadcast_in_dim3A_618 : f32 to vector<16xf32>
      %scan3A_620 = arith.constant 0 : i32
      %scan3A_621 = arith.constant 64 : i32
      %scan3A_622 = arith.addi %scan3A_620, %scan3A_621 : i32
      %scan3A_623 = arith.constant 4 : i32
      %scan3A_624:20 = scf.for %scan3A_1382 = %scan3A_620 to %scan3A_622 step %scan3A_623 iter_args(%scan3A_1383 = %broadcast_in_dim3A_581, %scan3A_1384 = %broadcast_in_dim3A_583, %scan3A_1385 = %broadcast_in_dim3A_585, %scan3A_1386 = %broadcast_in_dim3A_587, %scan3A_1387 = %broadcast_in_dim3A_589, %scan3A_1388 = %broadcast_in_dim3A_591, %scan3A_1389 = %broadcast_in_dim3A_593, %scan3A_1390 = %broadcast_in_dim3A_595, %scan3A_1391 = %broadcast_in_dim3A_597, %scan3A_1392 = %broadcast_in_dim3A_599, %scan3A_1393 = %broadcast_in_dim3A_601, %scan3A_1394 = %broadcast_in_dim3A_603, %scan3A_1395 = %broadcast_in_dim3A_605, %scan3A_1396 = %broadcast_in_dim3A_607, %scan3A_1397 = %broadcast_in_dim3A_609, %scan3A_1398 = %broadcast_in_dim3A_611, %scan3A_1399 = %broadcast_in_dim3A_613, %scan3A_1400 = %broadcast_in_dim3A_615, %scan3A_1401 = %broadcast_in_dim3A_617, %scan3A_1402 = %broadcast_in_dim3A_619) -> (vector<16xf32>, vector<16xf32>, vector<16xf32>, vector<16xf32>, vector<16xf32>, vector<16xf32>, vector<16xf32>, vector<16xf32>, vector<16xf32>, vector<16xf32>, vector<16xf32>, vector<16xf32>, vector<16xf32>, vector<16xf32>, vector<16xf32>, vector<16xf32>, vector<16xf32>, vector<16xf32>, vector<16xf32>, vector<16xf32>)  : i32 {
        %add3A_1403 = vector.broadcast %scan3A_1382 : i32 to vector<16xi32>
        %add3A_1404 = arith.addi %iota3A, %add3A_1403 : vector<16xi32>
        %and3A = arith.constant 63 : i32
        %and3A_1405 = vector.broadcast %and3A : i32 to vector<16xi32>
        %and3A_1406 = arith.andi %add3A_1404, %and3A_1405 : vector<16xi32>
        %gather3A = tpu.vector_load_idx %arg8[%iota3A, %and3A_1406] : memref<16x64xf32, #tpu.memory_space<vmem>>[vector<16xi32>, vector<16xi32>], vector<16xf32>,
        %gather3A_1407 = tpu.vector_load_idx %arg10[%add3A_6, %and3A_1406] : memref<320x64xf32, #tpu.memory_space<vmem>>[vector<16xi32>, vector<16xi32>], vector<16xf32>,
        %mul3A_1408 = arith.mulf %gather3A, %gather3A_1407 : vector<16xf32>
        %add3A_1409 = arith.addf %scan3A_1383, %mul3A_1408 : vector<16xf32>
        %gather3A_1410 = tpu.vector_load_idx %arg10[%add3A_12, %and3A_1406] : memref<320x64xf32, #tpu.memory_space<vmem>>[vector<16xi32>, vector<16xi32>], vector<16xf32>,
        %mul3A_1411 = arith.mulf %gather3A, %gather3A_1410 : vector<16xf32>
        %add3A_1412 = arith.addf %scan3A_1384, %mul3A_1411 : vector<16xf32>
        %gather3A_1413 = tpu.vector_load_idx %arg10[%add3A_18, %and3A_1406] : memref<320x64xf32, #tpu.memory_space<vmem>>[vector<16xi32>, vector<16xi32>], vector<16xf32>,
        %mul3A_1414 = arith.mulf %gather3A, %gather3A_1413 : vector<16xf32>
        %add3A_1415 = arith.addf %scan3A_1385, %mul3A_1414 : vector<16xf32>
        %gather3A_1416 = tpu.vector_load_idx %arg10[%add3A_24, %and3A_1406] : memref<320x64xf32, #tpu.memory_space<vmem>>[vector<16xi32>, vector<16xi32>], vector<16xf32>,
        %mul3A_1417 = arith.mulf %gather3A, %gather3A_1416 : vector<16xf32>
        %add3A_1418 = arith.addf %scan3A_1386, %mul3A_1417 : vector<16xf32>
        %gather3A_1419 = tpu.vector_load_idx %arg10[%add3A_30, %and3A_1406] : memref<320x64xf32, #tpu.memory_space<vmem>>[vector<16xi32>, vector<16xi32>], vector<16xf32>,
        %mul3A_1420 = arith.mulf %gather3A, %gather3A_1419 : vector<16xf32>
        %add3A_1421 = arith.addf %scan3A_1387, %mul3A_1420 : vector<16xf32>
        %gather3A_1422 = tpu.vector_load_idx %arg10[%add3A_36, %and3A_1406] : memref<320x64xf32, #tpu.memory_space<vmem>>[vector<16xi32>, vector<16xi32>], vector<16xf32>,
        %mul3A_1423 = arith.mulf %gather3A, %gather3A_1422 : vector<16xf32>
        %add3A_1424 = arith.addf %scan3A_1388, %mul3A_1423 : vector<16xf32>
        %gather3A_1425 = tpu.vector_load_idx %arg10[%add3A_42, %and3A_1406] : memref<320x64xf32, #tpu.memory_space<vmem>>[vector<16xi32>, vector<16xi32>], vector<16xf32>,
        %mul3A_1426 = arith.mulf %gather3A, %gather3A_1425 : vector<16xf32>
        %add3A_1427 = arith.addf %scan3A_1389, %mul3A_1426 : vector<16xf32>
        %gather3A_1428 = tpu.vector_load_idx %arg10[%add3A_48, %and3A_1406] : memref<320x64xf32, #tpu.memory_space<vmem>>[vector<16xi32>, vector<16xi32>], vector<16xf32>,
        %mul3A_1429 = arith.mulf %gather3A, %gather3A_1428 : vector<16xf32>
        %add3A_1430 = arith.addf %scan3A_1390, %mul3A_1429 : vector<16xf32>
        %gather3A_1431 = tpu.vector_load_idx %arg10[%add3A_54, %and3A_1406] : memref<320x64xf32, #tpu.memory_space<vmem>>[vector<16xi32>, vector<16xi32>], vector<16xf32>,
        %mul3A_1432 = arith.mulf %gather3A, %gather3A_1431 : vector<16xf32>
        %add3A_1433 = arith.addf %scan3A_1391, %mul3A_1432 : vector<16xf32>
        %gather3A_1434 = tpu.vector_load_idx %arg10[%add3A_60, %and3A_1406] : memref<320x64xf32, #tpu.memory_space<vmem>>[vector<16xi32>, vector<16xi32>], vector<16xf32>,
        %mul3A_1435 = arith.mulf %gather3A, %gather3A_1434 : vector<16xf32>
        %add3A_1436 = arith.addf %scan3A_1392, %mul3A_1435 : vector<16xf32>
        %gather3A_1437 = tpu.vector_load_idx %arg10[%add3A_66, %and3A_1406] : memref<320x64xf32, #tpu.memory_space<vmem>>[vector<16xi32>, vector<16xi32>], vector<16xf32>,
        %mul3A_1438 = arith.mulf %gather3A, %gather3A_1437 : vector<16xf32>
        %add3A_1439 = arith.addf %scan3A_1393, %mul3A_1438 : vector<16xf32>
        %gather3A_1440 = tpu.vector_load_idx %arg10[%add3A_72, %and3A_1406] : memref<320x64xf32, #tpu.memory_space<vmem>>[vector<16xi32>, vector<16xi32>], vector<16xf32>,
        %mul3A_1441 = arith.mulf %gather3A, %gather3A_1440 : vector<16xf32>
        %add3A_1442 = arith.addf %scan3A_1394, %mul3A_1441 : vector<16xf32>
        %gather3A_1443 = tpu.vector_load_idx %arg10[%add3A_78, %and3A_1406] : memref<320x64xf32, #tpu.memory_space<vmem>>[vector<16xi32>, vector<16xi32>], vector<16xf32>,
        %mul3A_1444 = arith.mulf %gather3A, %gather3A_1443 : vector<16xf32>
        %add3A_1445 = arith.addf %scan3A_1395, %mul3A_1444 : vector<16xf32>
        %gather3A_1446 = tpu.vector_load_idx %arg10[%add3A_84, %and3A_1406] : memref<320x64xf32, #tpu.memory_space<vmem>>[vector<16xi32>, vector<16xi32>], vector<16xf32>,
        %mul3A_1447 = arith.mulf %gather3A, %gather3A_1446 : vector<16xf32>
        %add3A_1448 = arith.addf %scan3A_1396, %mul3A_1447 : vector<16xf32>
        %gather3A_1449 = tpu.vector_load_idx %arg10[%add3A_90, %and3A_1406] : memref<320x64xf32, #tpu.memory_space<vmem>>[vector<16xi32>, vector<16xi32>], vector<16xf32>,
        %mul3A_1450 = arith.mulf %gather3A, %gather3A_1449 : vector<16xf32>
        %add3A_1451 = arith.addf %scan3A_1397, %mul3A_1450 : vector<16xf32>
        %gather3A_1452 = tpu.vector_load_idx %arg10[%add3A_96, %and3A_1406] : memref<320x64xf32, #tpu.memory_space<vmem>>[vector<16xi32>, vector<16xi32>], vector<16xf32>,
        %mul3A_1453 = arith.mulf %gather3A, %gather3A_1452 : vector<16xf32>
        %add3A_1454 = arith.addf %scan3A_1398, %mul3A_1453 : vector<16xf32>
        %gather3A_1455 = tpu.vector_load_idx %arg10[%add3A_102, %and3A_1406] : memref<320x64xf32, #tpu.memory_space<vmem>>[vector<16xi32>, vector<16xi32>], vector<16xf32>,
        %mul3A_1456 = arith.mulf %gather3A, %gather3A_1455 : vector<16xf32>
        %add3A_1457 = arith.addf %scan3A_1399, %mul3A_1456 : vector<16xf32>
        %gather3A_1458 = tpu.vector_load_idx %arg10[%add3A_108, %and3A_1406] : memref<320x64xf32, #tpu.memory_space<vmem>>[vector<16xi32>, vector<16xi32>], vector<16xf32>,
        %mul3A_1459 = arith.mulf %gather3A, %gather3A_1458 : vector<16xf32>
        %add3A_1460 = arith.addf %scan3A_1400, %mul3A_1459 : vector<16xf32>
        %gather3A_1461 = tpu.vector_load_idx %arg10[%add3A_114, %and3A_1406] : memref<320x64xf32, #tpu.memory_space<vmem>>[vector<16xi32>, vector<16xi32>], vector<16xf32>,
        %mul3A_1462 = arith.mulf %gather3A, %gather3A_1461 : vector<16xf32>
        %add3A_1463 = arith.addf %scan3A_1401, %mul3A_1462 : vector<16xf32>
        %gather3A_1464 = tpu.vector_load_idx %arg10[%add3A_120, %and3A_1406] : memref<320x64xf32, #tpu.memory_space<vmem>>[vector<16xi32>, vector<16xi32>], vector<16xf32>,
        %mul3A_1465 = arith.mulf %gather3A, %gather3A_1464 : vector<16xf32>
        %add3A_1466 = arith.addf %scan3A_1402, %mul3A_1465 : vector<16xf32>
        %scan3A_1467 = arith.constant 1 : i32
        %scan3A_1468 = arith.addi %scan3A_1382, %scan3A_1467 : i32
        %add3A_1469 = vector.broadcast %scan3A_1468 : i32 to vector<16xi32>
        %add3A_1470 = arith.addi %iota3A, %add3A_1469 : vector<16xi32>
        %and3A_1471 = arith.constant 63 : i32
        %and3A_1472 = vector.broadcast %and3A_1471 : i32 to vector<16xi32>
        %and3A_1473 = arith.andi %add3A_1470, %and3A_1472 : vector<16xi32>
        %gather3A_1474 = tpu.vector_load_idx %arg8[%iota3A, %and3A_1473] : memref<16x64xf32, #tpu.memory_space<vmem>>[vector<16xi32>, vector<16xi32>], vector<16xf32>,
        %gather3A_1475 = tpu.vector_load_idx %arg10[%add3A_6, %and3A_1473] : memref<320x64xf32, #tpu.memory_space<vmem>>[vector<16xi32>, vector<16xi32>], vector<16xf32>,
        %mul3A_1476 = arith.mulf %gather3A_1474, %gather3A_1475 : vector<16xf32>
        %add3A_1477 = arith.addf %add3A_1409, %mul3A_1476 : vector<16xf32>
        %gather3A_1478 = tpu.vector_load_idx %arg10[%add3A_12, %and3A_1473] : memref<320x64xf32, #tpu.memory_space<vmem>>[vector<16xi32>, vector<16xi32>], vector<16xf32>,
        %mul3A_1479 = arith.mulf %gather3A_1474, %gather3A_1478 : vector<16xf32>
        %add3A_1480 = arith.addf %add3A_1412, %mul3A_1479 : vector<16xf32>
        %gather3A_1481 = tpu.vector_load_idx %arg10[%add3A_18, %and3A_1473] : memref<320x64xf32, #tpu.memory_space<vmem>>[vector<16xi32>, vector<16xi32>], vector<16xf32>,
        %mul3A_1482 = arith.mulf %gather3A_1474, %gather3A_1481 : vector<16xf32>
        %add3A_1483 = arith.addf %add3A_1415, %mul3A_1482 : vector<16xf32>
        %gather3A_1484 = tpu.vector_load_idx %arg10[%add3A_24, %and3A_1473] : memref<320x64xf32, #tpu.memory_space<vmem>>[vector<16xi32>, vector<16xi32>], vector<16xf32>,
        %mul3A_1485 = arith.mulf %gather3A_1474, %gather3A_1484 : vector<16xf32>
        %add3A_1486 = arith.addf %add3A_1418, %mul3A_1485 : vector<16xf32>
        %gather3A_1487 = tpu.vector_load_idx %arg10[%add3A_30, %and3A_1473] : memref<320x64xf32, #tpu.memory_space<vmem>>[vector<16xi32>, vector<16xi32>], vector<16xf32>,
        %mul3A_1488 = arith.mulf %gather3A_1474, %gather3A_1487 : vector<16xf32>
        %add3A_1489 = arith.addf %add3A_1421, %mul3A_1488 : vector<16xf32>
        %gather3A_1490 = tpu.vector_load_idx %arg10[%add3A_36, %and3A_1473] : memref<320x64xf32, #tpu.memory_space<vmem>>[vector<16xi32>, vector<16xi32>], vector<16xf32>,
        %mul3A_1491 = arith.mulf %gather3A_1474, %gather3A_1490 : vector<16xf32>
        %add3A_1492 = arith.addf %add3A_1424, %mul3A_1491 : vector<16xf32>
        %gather3A_1493 = tpu.vector_load_idx %arg10[%add3A_42, %and3A_1473] : memref<320x64xf32, #tpu.memory_space<vmem>>[vector<16xi32>, vector<16xi32>], vector<16xf32>,
        %mul3A_1494 = arith.mulf %gather3A_1474, %gather3A_1493 : vector<16xf32>
        %add3A_1495 = arith.addf %add3A_1427, %mul3A_1494 : vector<16xf32>
        %gather3A_1496 = tpu.vector_load_idx %arg10[%add3A_48, %and3A_1473] : memref<320x64xf32, #tpu.memory_space<vmem>>[vector<16xi32>, vector<16xi32>], vector<16xf32>,
        %mul3A_1497 = arith.mulf %gather3A_1474, %gather3A_1496 : vector<16xf32>
        %add3A_1498 = arith.addf %add3A_1430, %mul3A_1497 : vector<16xf32>
        %gather3A_1499 = tpu.vector_load_idx %arg10[%add3A_54, %and3A_1473] : memref<320x64xf32, #tpu.memory_space<vmem>>[vector<16xi32>, vector<16xi32>], vector<16xf32>,
        %mul3A_1500 = arith.mulf %gather3A_1474, %gather3A_1499 : vector<16xf32>
        %add3A_1501 = arith.addf %add3A_1433, %mul3A_1500 : vector<16xf32>
        %gather3A_1502 = tpu.vector_load_idx %arg10[%add3A_60, %and3A_1473] : memref<320x64xf32, #tpu.memory_space<vmem>>[vector<16xi32>, vector<16xi32>], vector<16xf32>,
        %mul3A_1503 = arith.mulf %gather3A_1474, %gather3A_1502 : vector<16xf32>
        %add3A_1504 = arith.addf %add3A_1436, %mul3A_1503 : vector<16xf32>
        %gather3A_1505 = tpu.vector_load_idx %arg10[%add3A_66, %and3A_1473] : memref<320x64xf32, #tpu.memory_space<vmem>>[vector<16xi32>, vector<16xi32>], vector<16xf32>,
        %mul3A_1506 = arith.mulf %gather3A_1474, %gather3A_1505 : vector<16xf32>
        %add3A_1507 = arith.addf %add3A_1439, %mul3A_1506 : vector<16xf32>
        %gather3A_1508 = tpu.vector_load_idx %arg10[%add3A_72, %and3A_1473] : memref<320x64xf32, #tpu.memory_space<vmem>>[vector<16xi32>, vector<16xi32>], vector<16xf32>,
        %mul3A_1509 = arith.mulf %gather3A_1474, %gather3A_1508 : vector<16xf32>
        %add3A_1510 = arith.addf %add3A_1442, %mul3A_1509 : vector<16xf32>
        %gather3A_1511 = tpu.vector_load_idx %arg10[%add3A_78, %and3A_1473] : memref<320x64xf32, #tpu.memory_space<vmem>>[vector<16xi32>, vector<16xi32>], vector<16xf32>,
        %mul3A_1512 = arith.mulf %gather3A_1474, %gather3A_1511 : vector<16xf32>
        %add3A_1513 = arith.addf %add3A_1445, %mul3A_1512 : vector<16xf32>
        %gather3A_1514 = tpu.vector_load_idx %arg10[%add3A_84, %and3A_1473] : memref<320x64xf32, #tpu.memory_space<vmem>>[vector<16xi32>, vector<16xi32>], vector<16xf32>,
        %mul3A_1515 = arith.mulf %gather3A_1474, %gather3A_1514 : vector<16xf32>
        %add3A_1516 = arith.addf %add3A_1448, %mul3A_1515 : vector<16xf32>
        %gather3A_1517 = tpu.vector_load_idx %arg10[%add3A_90, %and3A_1473] : memref<320x64xf32, #tpu.memory_space<vmem>>[vector<16xi32>, vector<16xi32>], vector<16xf32>,
        %mul3A_1518 = arith.mulf %gather3A_1474, %gather3A_1517 : vector<16xf32>
        %add3A_1519 = arith.addf %add3A_1451, %mul3A_1518 : vector<16xf32>
        %gather3A_1520 = tpu.vector_load_idx %arg10[%add3A_96, %and3A_1473] : memref<320x64xf32, #tpu.memory_space<vmem>>[vector<16xi32>, vector<16xi32>], vector<16xf32>,
        %mul3A_1521 = arith.mulf %gather3A_1474, %gather3A_1520 : vector<16xf32>
        %add3A_1522 = arith.addf %add3A_1454, %mul3A_1521 : vector<16xf32>
        %gather3A_1523 = tpu.vector_load_idx %arg10[%add3A_102, %and3A_1473] : memref<320x64xf32, #tpu.memory_space<vmem>>[vector<16xi32>, vector<16xi32>], vector<16xf32>,
        %mul3A_1524 = arith.mulf %gather3A_1474, %gather3A_1523 : vector<16xf32>
        %add3A_1525 = arith.addf %add3A_1457, %mul3A_1524 : vector<16xf32>
        %gather3A_1526 = tpu.vector_load_idx %arg10[%add3A_108, %and3A_1473] : memref<320x64xf32, #tpu.memory_space<vmem>>[vector<16xi32>, vector<16xi32>], vector<16xf32>,
        %mul3A_1527 = arith.mulf %gather3A_1474, %gather3A_1526 : vector<16xf32>
        %add3A_1528 = arith.addf %add3A_1460, %mul3A_1527 : vector<16xf32>
        %gather3A_1529 = tpu.vector_load_idx %arg10[%add3A_114, %and3A_1473] : memref<320x64xf32, #tpu.memory_space<vmem>>[vector<16xi32>, vector<16xi32>], vector<16xf32>,
        %mul3A_1530 = arith.mulf %gather3A_1474, %gather3A_1529 : vector<16xf32>
        %add3A_1531 = arith.addf %add3A_1463, %mul3A_1530 : vector<16xf32>
        %gather3A_1532 = tpu.vector_load_idx %arg10[%add3A_120, %and3A_1473] : memref<320x64xf32, #tpu.memory_space<vmem>>[vector<16xi32>, vector<16xi32>], vector<16xf32>,
        %mul3A_1533 = arith.mulf %gather3A_1474, %gather3A_1532 : vector<16xf32>
        %add3A_1534 = arith.addf %add3A_1466, %mul3A_1533 : vector<16xf32>
        %scan3A_1535 = arith.constant 2 : i32
        %scan3A_1536 = arith.addi %scan3A_1382, %scan3A_1535 : i32
        %add3A_1537 = vector.broadcast %scan3A_1536 : i32 to vector<16xi32>
        %add3A_1538 = arith.addi %iota3A, %add3A_1537 : vector<16xi32>
        %and3A_1539 = arith.constant 63 : i32
        %and3A_1540 = vector.broadcast %and3A_1539 : i32 to vector<16xi32>
        %and3A_1541 = arith.andi %add3A_1538, %and3A_1540 : vector<16xi32>
        %gather3A_1542 = tpu.vector_load_idx %arg8[%iota3A, %and3A_1541] : memref<16x64xf32, #tpu.memory_space<vmem>>[vector<16xi32>, vector<16xi32>], vector<16xf32>,
        %gather3A_1543 = tpu.vector_load_idx %arg10[%add3A_6, %and3A_1541] : memref<320x64xf32, #tpu.memory_space<vmem>>[vector<16xi32>, vector<16xi32>], vector<16xf32>,
        %mul3A_1544 = arith.mulf %gather3A_1542, %gather3A_1543 : vector<16xf32>
        %add3A_1545 = arith.addf %add3A_1477, %mul3A_1544 : vector<16xf32>
        %gather3A_1546 = tpu.vector_load_idx %arg10[%add3A_12, %and3A_1541] : memref<320x64xf32, #tpu.memory_space<vmem>>[vector<16xi32>, vector<16xi32>], vector<16xf32>,
        %mul3A_1547 = arith.mulf %gather3A_1542, %gather3A_1546 : vector<16xf32>
        %add3A_1548 = arith.addf %add3A_1480, %mul3A_1547 : vector<16xf32>
        %gather3A_1549 = tpu.vector_load_idx %arg10[%add3A_18, %and3A_1541] : memref<320x64xf32, #tpu.memory_space<vmem>>[vector<16xi32>, vector<16xi32>], vector<16xf32>,
        %mul3A_1550 = arith.mulf %gather3A_1542, %gather3A_1549 : vector<16xf32>
        %add3A_1551 = arith.addf %add3A_1483, %mul3A_1550 : vector<16xf32>
        %gather3A_1552 = tpu.vector_load_idx %arg10[%add3A_24, %and3A_1541] : memref<320x64xf32, #tpu.memory_space<vmem>>[vector<16xi32>, vector<16xi32>], vector<16xf32>,
        %mul3A_1553 = arith.mulf %gather3A_1542, %gather3A_1552 : vector<16xf32>
        %add3A_1554 = arith.addf %add3A_1486, %mul3A_1553 : vector<16xf32>
        %gather3A_1555 = tpu.vector_load_idx %arg10[%add3A_30, %and3A_1541] : memref<320x64xf32, #tpu.memory_space<vmem>>[vector<16xi32>, vector<16xi32>], vector<16xf32>,
        %mul3A_1556 = arith.mulf %gather3A_1542, %gather3A_1555 : vector<16xf32>
        %add3A_1557 = arith.addf %add3A_1489, %mul3A_1556 : vector<16xf32>
        %gather3A_1558 = tpu.vector_load_idx %arg10[%add3A_36, %and3A_1541] : memref<320x64xf32, #tpu.memory_space<vmem>>[vector<16xi32>, vector<16xi32>], vector<16xf32>,
        %mul3A_1559 = arith.mulf %gather3A_1542, %gather3A_1558 : vector<16xf32>
        %add3A_1560 = arith.addf %add3A_1492, %mul3A_1559 : vector<16xf32>
        %gather3A_1561 = tpu.vector_load_idx %arg10[%add3A_42, %and3A_1541] : memref<320x64xf32, #tpu.memory_space<vmem>>[vector<16xi32>, vector<16xi32>], vector<16xf32>,
        %mul3A_1562 = arith.mulf %gather3A_1542, %gather3A_1561 : vector<16xf32>
        %add3A_1563 = arith.addf %add3A_1495, %mul3A_1562 : vector<16xf32>
        %gather3A_1564 = tpu.vector_load_idx %arg10[%add3A_48, %and3A_1541] : memref<320x64xf32, #tpu.memory_space<vmem>>[vector<16xi32>, vector<16xi32>], vector<16xf32>,
        %mul3A_1565 = arith.mulf %gather3A_1542, %gather3A_1564 : vector<16xf32>
        %add3A_1566 = arith.addf %add3A_1498, %mul3A_1565 : vector<16xf32>
        %gather3A_1567 = tpu.vector_load_idx %arg10[%add3A_54, %and3A_1541] : memref<320x64xf32, #tpu.memory_space<vmem>>[vector<16xi32>, vector<16xi32>], vector<16xf32>,
        %mul3A_1568 = arith.mulf %gather3A_1542, %gather3A_1567 : vector<16xf32>
        %add3A_1569 = arith.addf %add3A_1501, %mul3A_1568 : vector<16xf32>
        %gather3A_1570 = tpu.vector_load_idx %arg10[%add3A_60, %and3A_1541] : memref<320x64xf32, #tpu.memory_space<vmem>>[vector<16xi32>, vector<16xi32>], vector<16xf32>,
        %mul3A_1571 = arith.mulf %gather3A_1542, %gather3A_1570 : vector<16xf32>
        %add3A_1572 = arith.addf %add3A_1504, %mul3A_1571 : vector<16xf32>
        %gather3A_1573 = tpu.vector_load_idx %arg10[%add3A_66, %and3A_1541] : memref<320x64xf32, #tpu.memory_space<vmem>>[vector<16xi32>, vector<16xi32>], vector<16xf32>,
        %mul3A_1574 = arith.mulf %gather3A_1542, %gather3A_1573 : vector<16xf32>
        %add3A_1575 = arith.addf %add3A_1507, %mul3A_1574 : vector<16xf32>
        %gather3A_1576 = tpu.vector_load_idx %arg10[%add3A_72, %and3A_1541] : memref<320x64xf32, #tpu.memory_space<vmem>>[vector<16xi32>, vector<16xi32>], vector<16xf32>,
        %mul3A_1577 = arith.mulf %gather3A_1542, %gather3A_1576 : vector<16xf32>
        %add3A_1578 = arith.addf %add3A_1510, %mul3A_1577 : vector<16xf32>
        %gather3A_1579 = tpu.vector_load_idx %arg10[%add3A_78, %and3A_1541] : memref<320x64xf32, #tpu.memory_space<vmem>>[vector<16xi32>, vector<16xi32>], vector<16xf32>,
        %mul3A_1580 = arith.mulf %gather3A_1542, %gather3A_1579 : vector<16xf32>
        %add3A_1581 = arith.addf %add3A_1513, %mul3A_1580 : vector<16xf32>
        %gather3A_1582 = tpu.vector_load_idx %arg10[%add3A_84, %and3A_1541] : memref<320x64xf32, #tpu.memory_space<vmem>>[vector<16xi32>, vector<16xi32>], vector<16xf32>,
        %mul3A_1583 = arith.mulf %gather3A_1542, %gather3A_1582 : vector<16xf32>
        %add3A_1584 = arith.addf %add3A_1516, %mul3A_1583 : vector<16xf32>
        %gather3A_1585 = tpu.vector_load_idx %arg10[%add3A_90, %and3A_1541] : memref<320x64xf32, #tpu.memory_space<vmem>>[vector<16xi32>, vector<16xi32>], vector<16xf32>,
        %mul3A_1586 = arith.mulf %gather3A_1542, %gather3A_1585 : vector<16xf32>
        %add3A_1587 = arith.addf %add3A_1519, %mul3A_1586 : vector<16xf32>
        %gather3A_1588 = tpu.vector_load_idx %arg10[%add3A_96, %and3A_1541] : memref<320x64xf32, #tpu.memory_space<vmem>>[vector<16xi32>, vector<16xi32>], vector<16xf32>,
        %mul3A_1589 = arith.mulf %gather3A_1542, %gather3A_1588 : vector<16xf32>
        %add3A_1590 = arith.addf %add3A_1522, %mul3A_1589 : vector<16xf32>
        %gather3A_1591 = tpu.vector_load_idx %arg10[%add3A_102, %and3A_1541] : memref<320x64xf32, #tpu.memory_space<vmem>>[vector<16xi32>, vector<16xi32>], vector<16xf32>,
        %mul3A_1592 = arith.mulf %gather3A_1542, %gather3A_1591 : vector<16xf32>
        %add3A_1593 = arith.addf %add3A_1525, %mul3A_1592 : vector<16xf32>
        %gather3A_1594 = tpu.vector_load_idx %arg10[%add3A_108, %and3A_1541] : memref<320x64xf32, #tpu.memory_space<vmem>>[vector<16xi32>, vector<16xi32>], vector<16xf32>,
        %mul3A_1595 = arith.mulf %gather3A_1542, %gather3A_1594 : vector<16xf32>
        %add3A_1596 = arith.addf %add3A_1528, %mul3A_1595 : vector<16xf32>
        %gather3A_1597 = tpu.vector_load_idx %arg10[%add3A_114, %and3A_1541] : memref<320x64xf32, #tpu.memory_space<vmem>>[vector<16xi32>, vector<16xi32>], vector<16xf32>,
        %mul3A_1598 = arith.mulf %gather3A_1542, %gather3A_1597 : vector<16xf32>
        %add3A_1599 = arith.addf %add3A_1531, %mul3A_1598 : vector<16xf32>
        %gather3A_1600 = tpu.vector_load_idx %arg10[%add3A_120, %and3A_1541] : memref<320x64xf32, #tpu.memory_space<vmem>>[vector<16xi32>, vector<16xi32>], vector<16xf32>,
        %mul3A_1601 = arith.mulf %gather3A_1542, %gather3A_1600 : vector<16xf32>
        %add3A_1602 = arith.addf %add3A_1534, %mul3A_1601 : vector<16xf32>
        %scan3A_1603 = arith.constant 3 : i32
        %scan3A_1604 = arith.addi %scan3A_1382, %scan3A_1603 : i32
        %add3A_1605 = vector.broadcast %scan3A_1604 : i32 to vector<16xi32>
        %add3A_1606 = arith.addi %iota3A, %add3A_1605 : vector<16xi32>
        %and3A_1607 = arith.constant 63 : i32
        %and3A_1608 = vector.broadcast %and3A_1607 : i32 to vector<16xi32>
        %and3A_1609 = arith.andi %add3A_1606, %and3A_1608 : vector<16xi32>
        %gather3A_1610 = tpu.vector_load_idx %arg8[%iota3A, %and3A_1609] : memref<16x64xf32, #tpu.memory_space<vmem>>[vector<16xi32>, vector<16xi32>], vector<16xf32>,
        %gather3A_1611 = tpu.vector_load_idx %arg10[%add3A_6, %and3A_1609] : memref<320x64xf32, #tpu.memory_space<vmem>>[vector<16xi32>, vector<16xi32>], vector<16xf32>,
        %mul3A_1612 = arith.mulf %gather3A_1610, %gather3A_1611 : vector<16xf32>
        %add3A_1613 = arith.addf %add3A_1545, %mul3A_1612 : vector<16xf32>
        %gather3A_1614 = tpu.vector_load_idx %arg10[%add3A_12, %and3A_1609] : memref<320x64xf32, #tpu.memory_space<vmem>>[vector<16xi32>, vector<16xi32>], vector<16xf32>,
        %mul3A_1615 = arith.mulf %gather3A_1610, %gather3A_1614 : vector<16xf32>
        %add3A_1616 = arith.addf %add3A_1548, %mul3A_1615 : vector<16xf32>
        %gather3A_1617 = tpu.vector_load_idx %arg10[%add3A_18, %and3A_1609] : memref<320x64xf32, #tpu.memory_space<vmem>>[vector<16xi32>, vector<16xi32>], vector<16xf32>,
        %mul3A_1618 = arith.mulf %gather3A_1610, %gather3A_1617 : vector<16xf32>
        %add3A_1619 = arith.addf %add3A_1551, %mul3A_1618 : vector<16xf32>
        %gather3A_1620 = tpu.vector_load_idx %arg10[%add3A_24, %and3A_1609] : memref<320x64xf32, #tpu.memory_space<vmem>>[vector<16xi32>, vector<16xi32>], vector<16xf32>,
        %mul3A_1621 = arith.mulf %gather3A_1610, %gather3A_1620 : vector<16xf32>
        %add3A_1622 = arith.addf %add3A_1554, %mul3A_1621 : vector<16xf32>
        %gather3A_1623 = tpu.vector_load_idx %arg10[%add3A_30, %and3A_1609] : memref<320x64xf32, #tpu.memory_space<vmem>>[vector<16xi32>, vector<16xi32>], vector<16xf32>,
        %mul3A_1624 = arith.mulf %gather3A_1610, %gather3A_1623 : vector<16xf32>
        %add3A_1625 = arith.addf %add3A_1557, %mul3A_1624 : vector<16xf32>
        %gather3A_1626 = tpu.vector_load_idx %arg10[%add3A_36, %and3A_1609] : memref<320x64xf32, #tpu.memory_space<vmem>>[vector<16xi32>, vector<16xi32>], vector<16xf32>,
        %mul3A_1627 = arith.mulf %gather3A_1610, %gather3A_1626 : vector<16xf32>
        %add3A_1628 = arith.addf %add3A_1560, %mul3A_1627 : vector<16xf32>
        %gather3A_1629 = tpu.vector_load_idx %arg10[%add3A_42, %and3A_1609] : memref<320x64xf32, #tpu.memory_space<vmem>>[vector<16xi32>, vector<16xi32>], vector<16xf32>,
        %mul3A_1630 = arith.mulf %gather3A_1610, %gather3A_1629 : vector<16xf32>
        %add3A_1631 = arith.addf %add3A_1563, %mul3A_1630 : vector<16xf32>
        %gather3A_1632 = tpu.vector_load_idx %arg10[%add3A_48, %and3A_1609] : memref<320x64xf32, #tpu.memory_space<vmem>>[vector<16xi32>, vector<16xi32>], vector<16xf32>,
        %mul3A_1633 = arith.mulf %gather3A_1610, %gather3A_1632 : vector<16xf32>
        %add3A_1634 = arith.addf %add3A_1566, %mul3A_1633 : vector<16xf32>
        %gather3A_1635 = tpu.vector_load_idx %arg10[%add3A_54, %and3A_1609] : memref<320x64xf32, #tpu.memory_space<vmem>>[vector<16xi32>, vector<16xi32>], vector<16xf32>,
        %mul3A_1636 = arith.mulf %gather3A_1610, %gather3A_1635 : vector<16xf32>
        %add3A_1637 = arith.addf %add3A_1569, %mul3A_1636 : vector<16xf32>
        %gather3A_1638 = tpu.vector_load_idx %arg10[%add3A_60, %and3A_1609] : memref<320x64xf32, #tpu.memory_space<vmem>>[vector<16xi32>, vector<16xi32>], vector<16xf32>,
        %mul3A_1639 = arith.mulf %gather3A_1610, %gather3A_1638 : vector<16xf32>
        %add3A_1640 = arith.addf %add3A_1572, %mul3A_1639 : vector<16xf32>
        %gather3A_1641 = tpu.vector_load_idx %arg10[%add3A_66, %and3A_1609] : memref<320x64xf32, #tpu.memory_space<vmem>>[vector<16xi32>, vector<16xi32>], vector<16xf32>,
        %mul3A_1642 = arith.mulf %gather3A_1610, %gather3A_1641 : vector<16xf32>
        %add3A_1643 = arith.addf %add3A_1575, %mul3A_1642 : vector<16xf32>
        %gather3A_1644 = tpu.vector_load_idx %arg10[%add3A_72, %and3A_1609] : memref<320x64xf32, #tpu.memory_space<vmem>>[vector<16xi32>, vector<16xi32>], vector<16xf32>,
        %mul3A_1645 = arith.mulf %gather3A_1610, %gather3A_1644 : vector<16xf32>
        %add3A_1646 = arith.addf %add3A_1578, %mul3A_1645 : vector<16xf32>
        %gather3A_1647 = tpu.vector_load_idx %arg10[%add3A_78, %and3A_1609] : memref<320x64xf32, #tpu.memory_space<vmem>>[vector<16xi32>, vector<16xi32>], vector<16xf32>,
        %mul3A_1648 = arith.mulf %gather3A_1610, %gather3A_1647 : vector<16xf32>
        %add3A_1649 = arith.addf %add3A_1581, %mul3A_1648 : vector<16xf32>
        %gather3A_1650 = tpu.vector_load_idx %arg10[%add3A_84, %and3A_1609] : memref<320x64xf32, #tpu.memory_space<vmem>>[vector<16xi32>, vector<16xi32>], vector<16xf32>,
        %mul3A_1651 = arith.mulf %gather3A_1610, %gather3A_1650 : vector<16xf32>
        %add3A_1652 = arith.addf %add3A_1584, %mul3A_1651 : vector<16xf32>
        %gather3A_1653 = tpu.vector_load_idx %arg10[%add3A_90, %and3A_1609] : memref<320x64xf32, #tpu.memory_space<vmem>>[vector<16xi32>, vector<16xi32>], vector<16xf32>,
        %mul3A_1654 = arith.mulf %gather3A_1610, %gather3A_1653 : vector<16xf32>
        %add3A_1655 = arith.addf %add3A_1587, %mul3A_1654 : vector<16xf32>
        %gather3A_1656 = tpu.vector_load_idx %arg10[%add3A_96, %and3A_1609] : memref<320x64xf32, #tpu.memory_space<vmem>>[vector<16xi32>, vector<16xi32>], vector<16xf32>,
        %mul3A_1657 = arith.mulf %gather3A_1610, %gather3A_1656 : vector<16xf32>
        %add3A_1658 = arith.addf %add3A_1590, %mul3A_1657 : vector<16xf32>
        %gather3A_1659 = tpu.vector_load_idx %arg10[%add3A_102, %and3A_1609] : memref<320x64xf32, #tpu.memory_space<vmem>>[vector<16xi32>, vector<16xi32>], vector<16xf32>,
        %mul3A_1660 = arith.mulf %gather3A_1610, %gather3A_1659 : vector<16xf32>
        %add3A_1661 = arith.addf %add3A_1593, %mul3A_1660 : vector<16xf32>
        %gather3A_1662 = tpu.vector_load_idx %arg10[%add3A_108, %and3A_1609] : memref<320x64xf32, #tpu.memory_space<vmem>>[vector<16xi32>, vector<16xi32>], vector<16xf32>,
        %mul3A_1663 = arith.mulf %gather3A_1610, %gather3A_1662 : vector<16xf32>
        %add3A_1664 = arith.addf %add3A_1596, %mul3A_1663 : vector<16xf32>
        %gather3A_1665 = tpu.vector_load_idx %arg10[%add3A_114, %and3A_1609] : memref<320x64xf32, #tpu.memory_space<vmem>>[vector<16xi32>, vector<16xi32>], vector<16xf32>,
        %mul3A_1666 = arith.mulf %gather3A_1610, %gather3A_1665 : vector<16xf32>
        %add3A_1667 = arith.addf %add3A_1599, %mul3A_1666 : vector<16xf32>
        %gather3A_1668 = tpu.vector_load_idx %arg10[%add3A_120, %and3A_1609] : memref<320x64xf32, #tpu.memory_space<vmem>>[vector<16xi32>, vector<16xi32>], vector<16xf32>,
        %mul3A_1669 = arith.mulf %gather3A_1610, %gather3A_1668 : vector<16xf32>
        %add3A_1670 = arith.addf %add3A_1602, %mul3A_1669 : vector<16xf32>
        scf.yield %add3A_1613, %add3A_1616, %add3A_1619, %add3A_1622, %add3A_1625, %add3A_1628, %add3A_1631, %add3A_1634, %add3A_1637, %add3A_1640, %add3A_1643, %add3A_1646, %add3A_1649, %add3A_1652, %add3A_1655, %add3A_1658, %add3A_1661, %add3A_1664, %add3A_1667, %add3A_1670 : vector<16xf32>, vector<16xf32>, vector<16xf32>, vector<16xf32>, vector<16xf32>, vector<16xf32>, vector<16xf32>, vector<16xf32>, vector<16xf32>, vector<16xf32>, vector<16xf32>, vector<16xf32>, vector<16xf32>, vector<16xf32>, vector<16xf32>, vector<16xf32>, vector<16xf32>, vector<16xf32>, vector<16xf32>, vector<16xf32>
      }
      %scan3A_625 = arith.constant 64 : i32
      %mul3A_626 = arith.constant 320 : i32
      %mul3A_627 = arith.muli %mul3A_353, %mul3A_626 : i32
      %neg3A = arith.constant 0.000000e+00 : f32
      %neg3A_628 = vector.broadcast %neg3A : f32 to vector<16xf32>
      %neg3A_629 = arith.subf %neg3A_628, %scan3A_624#0 : vector<16xf32>
      %exp3A = math.exp %neg3A_629 : vector<16xf32>
      %add3A_630 = arith.constant 1.000000e+00 : f32
      %add3A_631 = vector.broadcast %add3A_630 : f32 to vector<16xf32>
      %add3A_632 = arith.addf %add3A_631, %exp3A : vector<16xf32>
      %div3A = arith.constant 1.000000e+00 : f32
      %div3A_633 = vector.broadcast %div3A : f32 to vector<16xf32>
      %div3A_634 = arith.divf %div3A_633, %add3A_632 : vector<16xf32>
      %add3A_635 = vector.broadcast %mul3A_627 : i32 to vector<16xi32>
      %add3A_636 = arith.addi %add3A_635, %add3A_6 : vector<16xi32>
      tpu.vector_store_idx %arg12[%add3A_636], %div3A_634 : memref<10240xf32, #tpu.memory_space<vmem>>[vector<16xi32>], vector<16xf32>,
      %neg3A_637 = arith.constant 0.000000e+00 : f32
      %neg3A_638 = vector.broadcast %neg3A_637 : f32 to vector<16xf32>
      %neg3A_639 = arith.subf %neg3A_638, %scan3A_624#1 : vector<16xf32>
      %exp3A_640 = math.exp %neg3A_639 : vector<16xf32>
      %add3A_641 = arith.constant 1.000000e+00 : f32
      %add3A_642 = vector.broadcast %add3A_641 : f32 to vector<16xf32>
      %add3A_643 = arith.addf %add3A_642, %exp3A_640 : vector<16xf32>
      %div3A_644 = arith.constant 1.000000e+00 : f32
      %div3A_645 = vector.broadcast %div3A_644 : f32 to vector<16xf32>
      %div3A_646 = arith.divf %div3A_645, %add3A_643 : vector<16xf32>
      %add3A_647 = vector.broadcast %mul3A_627 : i32 to vector<16xi32>
      %add3A_648 = arith.addi %add3A_647, %add3A_12 : vector<16xi32>
      tpu.vector_store_idx %arg12[%add3A_648], %div3A_646 : memref<10240xf32, #tpu.memory_space<vmem>>[vector<16xi32>], vector<16xf32>,
      %neg3A_649 = arith.constant 0.000000e+00 : f32
      %neg3A_650 = vector.broadcast %neg3A_649 : f32 to vector<16xf32>
      %neg3A_651 = arith.subf %neg3A_650, %scan3A_624#2 : vector<16xf32>
      %exp3A_652 = math.exp %neg3A_651 : vector<16xf32>
      %add3A_653 = arith.constant 1.000000e+00 : f32
      %add3A_654 = vector.broadcast %add3A_653 : f32 to vector<16xf32>
      %add3A_655 = arith.addf %add3A_654, %exp3A_652 : vector<16xf32>
      %div3A_656 = arith.constant 1.000000e+00 : f32
      %div3A_657 = vector.broadcast %div3A_656 : f32 to vector<16xf32>
      %div3A_658 = arith.divf %div3A_657, %add3A_655 : vector<16xf32>
      %add3A_659 = vector.broadcast %mul3A_627 : i32 to vector<16xi32>
      %add3A_660 = arith.addi %add3A_659, %add3A_18 : vector<16xi32>
      tpu.vector_store_idx %arg12[%add3A_660], %div3A_658 : memref<10240xf32, #tpu.memory_space<vmem>>[vector<16xi32>], vector<16xf32>,
      %neg3A_661 = arith.constant 0.000000e+00 : f32
      %neg3A_662 = vector.broadcast %neg3A_661 : f32 to vector<16xf32>
      %neg3A_663 = arith.subf %neg3A_662, %scan3A_624#3 : vector<16xf32>
      %exp3A_664 = math.exp %neg3A_663 : vector<16xf32>
      %add3A_665 = arith.constant 1.000000e+00 : f32
      %add3A_666 = vector.broadcast %add3A_665 : f32 to vector<16xf32>
      %add3A_667 = arith.addf %add3A_666, %exp3A_664 : vector<16xf32>
      %div3A_668 = arith.constant 1.000000e+00 : f32
      %div3A_669 = vector.broadcast %div3A_668 : f32 to vector<16xf32>
      %div3A_670 = arith.divf %div3A_669, %add3A_667 : vector<16xf32>
      %add3A_671 = vector.broadcast %mul3A_627 : i32 to vector<16xi32>
      %add3A_672 = arith.addi %add3A_671, %add3A_24 : vector<16xi32>
      tpu.vector_store_idx %arg12[%add3A_672], %div3A_670 : memref<10240xf32, #tpu.memory_space<vmem>>[vector<16xi32>], vector<16xf32>,
      %neg3A_673 = arith.constant 0.000000e+00 : f32
      %neg3A_674 = vector.broadcast %neg3A_673 : f32 to vector<16xf32>
      %neg3A_675 = arith.subf %neg3A_674, %scan3A_624#4 : vector<16xf32>
      %exp3A_676 = math.exp %neg3A_675 : vector<16xf32>
      %add3A_677 = arith.constant 1.000000e+00 : f32
      %add3A_678 = vector.broadcast %add3A_677 : f32 to vector<16xf32>
      %add3A_679 = arith.addf %add3A_678, %exp3A_676 : vector<16xf32>
      %div3A_680 = arith.constant 1.000000e+00 : f32
      %div3A_681 = vector.broadcast %div3A_680 : f32 to vector<16xf32>
      %div3A_682 = arith.divf %div3A_681, %add3A_679 : vector<16xf32>
      %add3A_683 = vector.broadcast %mul3A_627 : i32 to vector<16xi32>
      %add3A_684 = arith.addi %add3A_683, %add3A_30 : vector<16xi32>
      tpu.vector_store_idx %arg12[%add3A_684], %div3A_682 : memref<10240xf32, #tpu.memory_space<vmem>>[vector<16xi32>], vector<16xf32>,
      %neg3A_685 = arith.constant 0.000000e+00 : f32
      %neg3A_686 = vector.broadcast %neg3A_685 : f32 to vector<16xf32>
      %neg3A_687 = arith.subf %neg3A_686, %scan3A_624#5 : vector<16xf32>
      %exp3A_688 = math.exp %neg3A_687 : vector<16xf32>
      %add3A_689 = arith.constant 1.000000e+00 : f32
      %add3A_690 = vector.broadcast %add3A_689 : f32 to vector<16xf32>
      %add3A_691 = arith.addf %add3A_690, %exp3A_688 : vector<16xf32>
      %div3A_692 = arith.constant 1.000000e+00 : f32
      %div3A_693 = vector.broadcast %div3A_692 : f32 to vector<16xf32>
      %div3A_694 = arith.divf %div3A_693, %add3A_691 : vector<16xf32>
      %add3A_695 = vector.broadcast %mul3A_627 : i32 to vector<16xi32>
      %add3A_696 = arith.addi %add3A_695, %add3A_36 : vector<16xi32>
      tpu.vector_store_idx %arg12[%add3A_696], %div3A_694 : memref<10240xf32, #tpu.memory_space<vmem>>[vector<16xi32>], vector<16xf32>,
      %neg3A_697 = arith.constant 0.000000e+00 : f32
      %neg3A_698 = vector.broadcast %neg3A_697 : f32 to vector<16xf32>
      %neg3A_699 = arith.subf %neg3A_698, %scan3A_624#6 : vector<16xf32>
      %exp3A_700 = math.exp %neg3A_699 : vector<16xf32>
      %add3A_701 = arith.constant 1.000000e+00 : f32
      %add3A_702 = vector.broadcast %add3A_701 : f32 to vector<16xf32>
      %add3A_703 = arith.addf %add3A_702, %exp3A_700 : vector<16xf32>
      %div3A_704 = arith.constant 1.000000e+00 : f32
      %div3A_705 = vector.broadcast %div3A_704 : f32 to vector<16xf32>
      %div3A_706 = arith.divf %div3A_705, %add3A_703 : vector<16xf32>
      %add3A_707 = vector.broadcast %mul3A_627 : i32 to vector<16xi32>
      %add3A_708 = arith.addi %add3A_707, %add3A_42 : vector<16xi32>
      tpu.vector_store_idx %arg12[%add3A_708], %div3A_706 : memref<10240xf32, #tpu.memory_space<vmem>>[vector<16xi32>], vector<16xf32>,
      %neg3A_709 = arith.constant 0.000000e+00 : f32
      %neg3A_710 = vector.broadcast %neg3A_709 : f32 to vector<16xf32>
      %neg3A_711 = arith.subf %neg3A_710, %scan3A_624#7 : vector<16xf32>
      %exp3A_712 = math.exp %neg3A_711 : vector<16xf32>
      %add3A_713 = arith.constant 1.000000e+00 : f32
      %add3A_714 = vector.broadcast %add3A_713 : f32 to vector<16xf32>
      %add3A_715 = arith.addf %add3A_714, %exp3A_712 : vector<16xf32>
      %div3A_716 = arith.constant 1.000000e+00 : f32
      %div3A_717 = vector.broadcast %div3A_716 : f32 to vector<16xf32>
      %div3A_718 = arith.divf %div3A_717, %add3A_715 : vector<16xf32>
      %add3A_719 = vector.broadcast %mul3A_627 : i32 to vector<16xi32>
      %add3A_720 = arith.addi %add3A_719, %add3A_48 : vector<16xi32>
      tpu.vector_store_idx %arg12[%add3A_720], %div3A_718 : memref<10240xf32, #tpu.memory_space<vmem>>[vector<16xi32>], vector<16xf32>,
      %neg3A_721 = arith.constant 0.000000e+00 : f32
      %neg3A_722 = vector.broadcast %neg3A_721 : f32 to vector<16xf32>
      %neg3A_723 = arith.subf %neg3A_722, %scan3A_624#8 : vector<16xf32>
      %exp3A_724 = math.exp %neg3A_723 : vector<16xf32>
      %add3A_725 = arith.constant 1.000000e+00 : f32
      %add3A_726 = vector.broadcast %add3A_725 : f32 to vector<16xf32>
      %add3A_727 = arith.addf %add3A_726, %exp3A_724 : vector<16xf32>
      %div3A_728 = arith.constant 1.000000e+00 : f32
      %div3A_729 = vector.broadcast %div3A_728 : f32 to vector<16xf32>
      %div3A_730 = arith.divf %div3A_729, %add3A_727 : vector<16xf32>
      %add3A_731 = vector.broadcast %mul3A_627 : i32 to vector<16xi32>
      %add3A_732 = arith.addi %add3A_731, %add3A_54 : vector<16xi32>
      tpu.vector_store_idx %arg12[%add3A_732], %div3A_730 : memref<10240xf32, #tpu.memory_space<vmem>>[vector<16xi32>], vector<16xf32>,
      %neg3A_733 = arith.constant 0.000000e+00 : f32
      %neg3A_734 = vector.broadcast %neg3A_733 : f32 to vector<16xf32>
      %neg3A_735 = arith.subf %neg3A_734, %scan3A_624#9 : vector<16xf32>
      %exp3A_736 = math.exp %neg3A_735 : vector<16xf32>
      %add3A_737 = arith.constant 1.000000e+00 : f32
      %add3A_738 = vector.broadcast %add3A_737 : f32 to vector<16xf32>
      %add3A_739 = arith.addf %add3A_738, %exp3A_736 : vector<16xf32>
      %div3A_740 = arith.constant 1.000000e+00 : f32
      %div3A_741 = vector.broadcast %div3A_740 : f32 to vector<16xf32>
      %div3A_742 = arith.divf %div3A_741, %add3A_739 : vector<16xf32>
      %add3A_743 = vector.broadcast %mul3A_627 : i32 to vector<16xi32>
      %add3A_744 = arith.addi %add3A_743, %add3A_60 : vector<16xi32>
      tpu.vector_store_idx %arg12[%add3A_744], %div3A_742 : memref<10240xf32, #tpu.memory_space<vmem>>[vector<16xi32>], vector<16xf32>,
      %neg3A_745 = arith.constant 0.000000e+00 : f32
      %neg3A_746 = vector.broadcast %neg3A_745 : f32 to vector<16xf32>
      %neg3A_747 = arith.subf %neg3A_746, %scan3A_624#10 : vector<16xf32>
      %exp3A_748 = math.exp %neg3A_747 : vector<16xf32>
      %add3A_749 = arith.constant 1.000000e+00 : f32
      %add3A_750 = vector.broadcast %add3A_749 : f32 to vector<16xf32>
      %add3A_751 = arith.addf %add3A_750, %exp3A_748 : vector<16xf32>
      %div3A_752 = arith.constant 1.000000e+00 : f32
      %div3A_753 = vector.broadcast %div3A_752 : f32 to vector<16xf32>
      %div3A_754 = arith.divf %div3A_753, %add3A_751 : vector<16xf32>
      %add3A_755 = vector.broadcast %mul3A_627 : i32 to vector<16xi32>
      %add3A_756 = arith.addi %add3A_755, %add3A_66 : vector<16xi32>
      tpu.vector_store_idx %arg12[%add3A_756], %div3A_754 : memref<10240xf32, #tpu.memory_space<vmem>>[vector<16xi32>], vector<16xf32>,
      %neg3A_757 = arith.constant 0.000000e+00 : f32
      %neg3A_758 = vector.broadcast %neg3A_757 : f32 to vector<16xf32>
      %neg3A_759 = arith.subf %neg3A_758, %scan3A_624#11 : vector<16xf32>
      %exp3A_760 = math.exp %neg3A_759 : vector<16xf32>
      %add3A_761 = arith.constant 1.000000e+00 : f32
      %add3A_762 = vector.broadcast %add3A_761 : f32 to vector<16xf32>
      %add3A_763 = arith.addf %add3A_762, %exp3A_760 : vector<16xf32>
      %div3A_764 = arith.constant 1.000000e+00 : f32
      %div3A_765 = vector.broadcast %div3A_764 : f32 to vector<16xf32>
      %div3A_766 = arith.divf %div3A_765, %add3A_763 : vector<16xf32>
      %add3A_767 = vector.broadcast %mul3A_627 : i32 to vector<16xi32>
      %add3A_768 = arith.addi %add3A_767, %add3A_72 : vector<16xi32>
      tpu.vector_store_idx %arg12[%add3A_768], %div3A_766 : memref<10240xf32, #tpu.memory_space<vmem>>[vector<16xi32>], vector<16xf32>,
      %neg3A_769 = arith.constant 0.000000e+00 : f32
      %neg3A_770 = vector.broadcast %neg3A_769 : f32 to vector<16xf32>
      %neg3A_771 = arith.subf %neg3A_770, %scan3A_624#12 : vector<16xf32>
      %exp3A_772 = math.exp %neg3A_771 : vector<16xf32>
      %add3A_773 = arith.constant 1.000000e+00 : f32
      %add3A_774 = vector.broadcast %add3A_773 : f32 to vector<16xf32>
      %add3A_775 = arith.addf %add3A_774, %exp3A_772 : vector<16xf32>
      %div3A_776 = arith.constant 1.000000e+00 : f32
      %div3A_777 = vector.broadcast %div3A_776 : f32 to vector<16xf32>
      %div3A_778 = arith.divf %div3A_777, %add3A_775 : vector<16xf32>
      %add3A_779 = vector.broadcast %mul3A_627 : i32 to vector<16xi32>
      %add3A_780 = arith.addi %add3A_779, %add3A_78 : vector<16xi32>
      tpu.vector_store_idx %arg12[%add3A_780], %div3A_778 : memref<10240xf32, #tpu.memory_space<vmem>>[vector<16xi32>], vector<16xf32>,
      %neg3A_781 = arith.constant 0.000000e+00 : f32
      %neg3A_782 = vector.broadcast %neg3A_781 : f32 to vector<16xf32>
      %neg3A_783 = arith.subf %neg3A_782, %scan3A_624#13 : vector<16xf32>
      %exp3A_784 = math.exp %neg3A_783 : vector<16xf32>
      %add3A_785 = arith.constant 1.000000e+00 : f32
      %add3A_786 = vector.broadcast %add3A_785 : f32 to vector<16xf32>
      %add3A_787 = arith.addf %add3A_786, %exp3A_784 : vector<16xf32>
      %div3A_788 = arith.constant 1.000000e+00 : f32
      %div3A_789 = vector.broadcast %div3A_788 : f32 to vector<16xf32>
      %div3A_790 = arith.divf %div3A_789, %add3A_787 : vector<16xf32>
      %add3A_791 = vector.broadcast %mul3A_627 : i32 to vector<16xi32>
      %add3A_792 = arith.addi %add3A_791, %add3A_84 : vector<16xi32>
      tpu.vector_store_idx %arg12[%add3A_792], %div3A_790 : memref<10240xf32, #tpu.memory_space<vmem>>[vector<16xi32>], vector<16xf32>,
      %neg3A_793 = arith.constant 0.000000e+00 : f32
      %neg3A_794 = vector.broadcast %neg3A_793 : f32 to vector<16xf32>
      %neg3A_795 = arith.subf %neg3A_794, %scan3A_624#14 : vector<16xf32>
      %exp3A_796 = math.exp %neg3A_795 : vector<16xf32>
      %add3A_797 = arith.constant 1.000000e+00 : f32
      %add3A_798 = vector.broadcast %add3A_797 : f32 to vector<16xf32>
      %add3A_799 = arith.addf %add3A_798, %exp3A_796 : vector<16xf32>
      %div3A_800 = arith.constant 1.000000e+00 : f32
      %div3A_801 = vector.broadcast %div3A_800 : f32 to vector<16xf32>
      %div3A_802 = arith.divf %div3A_801, %add3A_799 : vector<16xf32>
      %add3A_803 = vector.broadcast %mul3A_627 : i32 to vector<16xi32>
      %add3A_804 = arith.addi %add3A_803, %add3A_90 : vector<16xi32>
      tpu.vector_store_idx %arg12[%add3A_804], %div3A_802 : memref<10240xf32, #tpu.memory_space<vmem>>[vector<16xi32>], vector<16xf32>,
      %neg3A_805 = arith.constant 0.000000e+00 : f32
      %neg3A_806 = vector.broadcast %neg3A_805 : f32 to vector<16xf32>
      %neg3A_807 = arith.subf %neg3A_806, %scan3A_624#15 : vector<16xf32>
      %exp3A_808 = math.exp %neg3A_807 : vector<16xf32>
      %add3A_809 = arith.constant 1.000000e+00 : f32
      %add3A_810 = vector.broadcast %add3A_809 : f32 to vector<16xf32>
      %add3A_811 = arith.addf %add3A_810, %exp3A_808 : vector<16xf32>
      %div3A_812 = arith.constant 1.000000e+00 : f32
      %div3A_813 = vector.broadcast %div3A_812 : f32 to vector<16xf32>
      %div3A_814 = arith.divf %div3A_813, %add3A_811 : vector<16xf32>
      %add3A_815 = vector.broadcast %mul3A_627 : i32 to vector<16xi32>
      %add3A_816 = arith.addi %add3A_815, %add3A_96 : vector<16xi32>
      tpu.vector_store_idx %arg12[%add3A_816], %div3A_814 : memref<10240xf32, #tpu.memory_space<vmem>>[vector<16xi32>], vector<16xf32>,
      %neg3A_817 = arith.constant 0.000000e+00 : f32
      %neg3A_818 = vector.broadcast %neg3A_817 : f32 to vector<16xf32>
      %neg3A_819 = arith.subf %neg3A_818, %scan3A_624#16 : vector<16xf32>
      %exp3A_820 = math.exp %neg3A_819 : vector<16xf32>
      %add3A_821 = arith.constant 1.000000e+00 : f32
      %add3A_822 = vector.broadcast %add3A_821 : f32 to vector<16xf32>
      %add3A_823 = arith.addf %add3A_822, %exp3A_820 : vector<16xf32>
      %div3A_824 = arith.constant 1.000000e+00 : f32
      %div3A_825 = vector.broadcast %div3A_824 : f32 to vector<16xf32>
      %div3A_826 = arith.divf %div3A_825, %add3A_823 : vector<16xf32>
      %add3A_827 = vector.broadcast %mul3A_627 : i32 to vector<16xi32>
      %add3A_828 = arith.addi %add3A_827, %add3A_102 : vector<16xi32>
      tpu.vector_store_idx %arg12[%add3A_828], %div3A_826 : memref<10240xf32, #tpu.memory_space<vmem>>[vector<16xi32>], vector<16xf32>,
      %neg3A_829 = arith.constant 0.000000e+00 : f32
      %neg3A_830 = vector.broadcast %neg3A_829 : f32 to vector<16xf32>
      %neg3A_831 = arith.subf %neg3A_830, %scan3A_624#17 : vector<16xf32>
      %exp3A_832 = math.exp %neg3A_831 : vector<16xf32>
      %add3A_833 = arith.constant 1.000000e+00 : f32
      %add3A_834 = vector.broadcast %add3A_833 : f32 to vector<16xf32>
      %add3A_835 = arith.addf %add3A_834, %exp3A_832 : vector<16xf32>
      %div3A_836 = arith.constant 1.000000e+00 : f32
      %div3A_837 = vector.broadcast %div3A_836 : f32 to vector<16xf32>
      %div3A_838 = arith.divf %div3A_837, %add3A_835 : vector<16xf32>
      %add3A_839 = vector.broadcast %mul3A_627 : i32 to vector<16xi32>
      %add3A_840 = arith.addi %add3A_839, %add3A_108 : vector<16xi32>
      tpu.vector_store_idx %arg12[%add3A_840], %div3A_838 : memref<10240xf32, #tpu.memory_space<vmem>>[vector<16xi32>], vector<16xf32>,
      %neg3A_841 = arith.constant 0.000000e+00 : f32
      %neg3A_842 = vector.broadcast %neg3A_841 : f32 to vector<16xf32>
      %neg3A_843 = arith.subf %neg3A_842, %scan3A_624#18 : vector<16xf32>
      %exp3A_844 = math.exp %neg3A_843 : vector<16xf32>
      %add3A_845 = arith.constant 1.000000e+00 : f32
      %add3A_846 = vector.broadcast %add3A_845 : f32 to vector<16xf32>
      %add3A_847 = arith.addf %add3A_846, %exp3A_844 : vector<16xf32>
      %div3A_848 = arith.constant 1.000000e+00 : f32
      %div3A_849 = vector.broadcast %div3A_848 : f32 to vector<16xf32>
      %div3A_850 = arith.divf %div3A_849, %add3A_847 : vector<16xf32>
      %add3A_851 = vector.broadcast %mul3A_627 : i32 to vector<16xi32>
      %add3A_852 = arith.addi %add3A_851, %add3A_114 : vector<16xi32>
      tpu.vector_store_idx %arg12[%add3A_852], %div3A_850 : memref<10240xf32, #tpu.memory_space<vmem>>[vector<16xi32>], vector<16xf32>,
      %neg3A_853 = arith.constant 0.000000e+00 : f32
      %neg3A_854 = vector.broadcast %neg3A_853 : f32 to vector<16xf32>
      %neg3A_855 = arith.subf %neg3A_854, %scan3A_624#19 : vector<16xf32>
      %exp3A_856 = math.exp %neg3A_855 : vector<16xf32>
      %add3A_857 = arith.constant 1.000000e+00 : f32
      %add3A_858 = vector.broadcast %add3A_857 : f32 to vector<16xf32>
      %add3A_859 = arith.addf %add3A_858, %exp3A_856 : vector<16xf32>
      %div3A_860 = arith.constant 1.000000e+00 : f32
      %div3A_861 = vector.broadcast %div3A_860 : f32 to vector<16xf32>
      %div3A_862 = arith.divf %div3A_861, %add3A_859 : vector<16xf32>
      %add3A_863 = vector.broadcast %mul3A_627 : i32 to vector<16xi32>
      %add3A_864 = arith.addi %add3A_863, %add3A_120 : vector<16xi32>
      tpu.vector_store_idx %arg12[%add3A_864], %div3A_862 : memref<10240xf32, #tpu.memory_space<vmem>>[vector<16xi32>], vector<16xf32>,
      %add3A_865 = arith.constant 1 : i32
      %add3A_866 = arith.addi %mul3A_353, %add3A_865 : i32
      %dma_wait3A_867 = arith.constant 0 : i32
      %dma_wait3A_868 = arith.constant 0 : i32
      %dma_wait3A_869 = tpu.memref_slice %arg3[%dma_wait3A_867, %dma_wait3A_868] : memref<1000000x64xf32, #tpu.memory_space<hbm>> -> memref<16x64xf32, #tpu.memory_space<hbm>>
      %dma_wait3A_870 = arith.constant 0 : i32
      %dma_wait3A_871 = arith.constant 0 : i32
      %dma_wait3A_872 = tpu.memref_slice %arg3[%dma_wait3A_870, %dma_wait3A_871] : memref<1000000x64xf32, #tpu.memory_space<hbm>> -> memref<16x64xf32, #tpu.memory_space<hbm>>
      tpu.wait_dma2 semaphore(%arg16 : memref<!tpu.dma_semaphore, #tpu.memory_space<semaphore_mem>>) src(%dma_wait3A_872 : memref<16x64xf32, #tpu.memory_space<hbm>>) dst(%arg9 : memref<16x64xf32, #tpu.memory_space<vmem>>)
      %dma_wait3A_873 = arith.constant 0 : i32
      %dma_wait3A_874 = arith.constant 0 : i32
      %dma_wait3A_875 = tpu.memref_slice %arg4[%dma_wait3A_873, %dma_wait3A_874] : memref<1000000x64xf32, #tpu.memory_space<hbm>> -> memref<320x64xf32, #tpu.memory_space<hbm>>
      %dma_wait3A_876 = arith.constant 0 : i32
      %dma_wait3A_877 = arith.constant 0 : i32
      %dma_wait3A_878 = tpu.memref_slice %arg4[%dma_wait3A_876, %dma_wait3A_877] : memref<1000000x64xf32, #tpu.memory_space<hbm>> -> memref<320x64xf32, #tpu.memory_space<hbm>>
      tpu.wait_dma2 semaphore(%arg18 : memref<!tpu.dma_semaphore, #tpu.memory_space<semaphore_mem>>) src(%dma_wait3A_878 : memref<320x64xf32, #tpu.memory_space<hbm>>) dst(%arg11 : memref<320x64xf32, #tpu.memory_space<vmem>>)
      %add3A_879 = arith.constant 1 : i32
      %add3A_880 = arith.addi %add3A_866, %add3A_879 : i32
      %mul3A_881 = arith.constant 512 : i32
      %mul3A_882 = arith.muli %add3A_880, %mul3A_881 : i32
      %add3A_883 = arith.addi %mul3A_124, %mul3A_882 : i32
      %dma_wait3A_884 = tpu.memref_slice %arg2[%add3A_883] : memref<557056xi32, #tpu.memory_space<hbm>> -> memref<512xi32, #tpu.memory_space<hbm>>
      %dma_wait3A_885 = tpu.memref_slice %arg2[%add3A_883] : memref<557056xi32, #tpu.memory_space<hbm>> -> memref<512xi32, #tpu.memory_space<hbm>>
      tpu.wait_dma2 semaphore(%arg13 : memref<!tpu.dma_semaphore, #tpu.memory_space<semaphore_mem>>) src(%dma_wait3A_885 : memref<512xi32, #tpu.memory_space<hbm>>) dst(%arg6 : memref<512xi32, #tpu.memory_space<vmem>>)
      %add3A_886 = arith.constant 1 : i32
      %add3A_887 = arith.addi %add3A_866, %add3A_886 : i32
      %get3A_888 = arith.constant 0 : index
      %get3A_889 = tpu.vector_load %arg6[%get3A_888] {strides = array<i32>} : memref<512xi32, #tpu.memory_space<vmem>>, vector<16xi32>,
      %slice3A_890 = vector.extract_strided_slice %get3A_889 {offsets = [0], sizes = [1], strides = [1]} : vector<16xi32> to vector<1xi32>
      %squeeze3A_891 = vector.extract %slice3A_890[0] : i32 from vector<1xi32>
      %dma_start3A_892 = arith.constant 0 : i32
      %dma_start3A_893 = arith.constant 0 : i32
      %dma_start3A_894 = tpu.memref_slice %arg8[%dma_start3A_892, %dma_start3A_893] : memref<16x64xf32, #tpu.memory_space<vmem>> -> memref<1x64xf32, #tpu.memory_space<vmem>>
      %dma_start3A_895 = arith.constant 0 : i32
      %dma_start3A_896 = tpu.memref_slice %arg3[%squeeze3A_891, %dma_start3A_895] : memref<1000000x64xf32, #tpu.memory_space<hbm>> -> memref<1x64xf32, #tpu.memory_space<hbm>>
      %dma_start3A_897 = arith.constant 0 : i32
      %dma_start3A_898 = arith.constant 0 : i32
      %dma_start3A_899 = tpu.memref_slice %arg8[%dma_start3A_897, %dma_start3A_898] : memref<16x64xf32, #tpu.memory_space<vmem>> -> memref<1x64xf32, #tpu.memory_space<vmem>>
      %dma_start3A_900 = arith.constant 0 : i32
      %dma_start3A_901 = tpu.memref_slice %arg3[%squeeze3A_891, %dma_start3A_900] : memref<1000000x64xf32, #tpu.memory_space<hbm>> -> memref<1x64xf32, #tpu.memory_space<hbm>>
      tpu.enqueue_dma source(%dma_start3A_901 : memref<1x64xf32, #tpu.memory_space<hbm>>) target(%dma_start3A_899 : memref<1x64xf32, #tpu.memory_space<vmem>>) target_semaphore(%arg15 : memref<!tpu.dma_semaphore, #tpu.memory_space<semaphore_mem>>)
      %slice3A_902 = vector.extract_strided_slice %get3A_889 {offsets = [1], sizes = [1], strides = [1]} : vector<16xi32> to vector<1xi32>
      %squeeze3A_903 = vector.extract %slice3A_902[0] : i32 from vector<1xi32>
      %dma_start3A_904 = arith.constant 1 : i32
      %dma_start3A_905 = arith.constant 0 : i32
      %dma_start3A_906 = tpu.memref_slice %arg8[%dma_start3A_904, %dma_start3A_905] : memref<16x64xf32, #tpu.memory_space<vmem>> -> memref<1x64xf32, #tpu.memory_space<vmem>>
      %dma_start3A_907 = arith.constant 0 : i32
      %dma_start3A_908 = tpu.memref_slice %arg3[%squeeze3A_903, %dma_start3A_907] : memref<1000000x64xf32, #tpu.memory_space<hbm>> -> memref<1x64xf32, #tpu.memory_space<hbm>>
      %dma_start3A_909 = arith.constant 1 : i32
      %dma_start3A_910 = arith.constant 0 : i32
      %dma_start3A_911 = tpu.memref_slice %arg8[%dma_start3A_909, %dma_start3A_910] : memref<16x64xf32, #tpu.memory_space<vmem>> -> memref<1x64xf32, #tpu.memory_space<vmem>>
      %dma_start3A_912 = arith.constant 0 : i32
      %dma_start3A_913 = tpu.memref_slice %arg3[%squeeze3A_903, %dma_start3A_912] : memref<1000000x64xf32, #tpu.memory_space<hbm>> -> memref<1x64xf32, #tpu.memory_space<hbm>>
      tpu.enqueue_dma source(%dma_start3A_913 : memref<1x64xf32, #tpu.memory_space<hbm>>) target(%dma_start3A_911 : memref<1x64xf32, #tpu.memory_space<vmem>>) target_semaphore(%arg15 : memref<!tpu.dma_semaphore, #tpu.memory_space<semaphore_mem>>)
      %slice3A_914 = vector.extract_strided_slice %get3A_889 {offsets = [2], sizes = [1], strides = [1]} : vector<16xi32> to vector<1xi32>
      %squeeze3A_915 = vector.extract %slice3A_914[0] : i32 from vector<1xi32>
      %dma_start3A_916 = arith.constant 2 : i32
      %dma_start3A_917 = arith.constant 0 : i32
      %dma_start3A_918 = tpu.memref_slice %arg8[%dma_start3A_916, %dma_start3A_917] : memref<16x64xf32, #tpu.memory_space<vmem>> -> memref<1x64xf32, #tpu.memory_space<vmem>>
      %dma_start3A_919 = arith.constant 0 : i32
      %dma_start3A_920 = tpu.memref_slice %arg3[%squeeze3A_915, %dma_start3A_919] : memref<1000000x64xf32, #tpu.memory_space<hbm>> -> memref<1x64xf32, #tpu.memory_space<hbm>>
      %dma_start3A_921 = arith.constant 2 : i32
      %dma_start3A_922 = arith.constant 0 : i32
      %dma_start3A_923 = tpu.memref_slice %arg8[%dma_start3A_921, %dma_start3A_922] : memref<16x64xf32, #tpu.memory_space<vmem>> -> memref<1x64xf32, #tpu.memory_space<vmem>>
      %dma_start3A_924 = arith.constant 0 : i32
      %dma_start3A_925 = tpu.memref_slice %arg3[%squeeze3A_915, %dma_start3A_924] : memref<1000000x64xf32, #tpu.memory_space<hbm>> -> memref<1x64xf32, #tpu.memory_space<hbm>>
      tpu.enqueue_dma source(%dma_start3A_925 : memref<1x64xf32, #tpu.memory_space<hbm>>) target(%dma_start3A_923 : memref<1x64xf32, #tpu.memory_space<vmem>>) target_semaphore(%arg15 : memref<!tpu.dma_semaphore, #tpu.memory_space<semaphore_mem>>)
      %slice3A_926 = vector.extract_strided_slice %get3A_889 {offsets = [3], sizes = [1], strides = [1]} : vector<16xi32> to vector<1xi32>
      %squeeze3A_927 = vector.extract %slice3A_926[0] : i32 from vector<1xi32>
      %dma_start3A_928 = arith.constant 3 : i32
      %dma_start3A_929 = arith.constant 0 : i32
      %dma_start3A_930 = tpu.memref_slice %arg8[%dma_start3A_928, %dma_start3A_929] : memref<16x64xf32, #tpu.memory_space<vmem>> -> memref<1x64xf32, #tpu.memory_space<vmem>>
      %dma_start3A_931 = arith.constant 0 : i32
      %dma_start3A_932 = tpu.memref_slice %arg3[%squeeze3A_927, %dma_start3A_931] : memref<1000000x64xf32, #tpu.memory_space<hbm>> -> memref<1x64xf32, #tpu.memory_space<hbm>>
      %dma_start3A_933 = arith.constant 3 : i32
      %dma_start3A_934 = arith.constant 0 : i32
      %dma_start3A_935 = tpu.memref_slice %arg8[%dma_start3A_933, %dma_start3A_934] : memref<16x64xf32, #tpu.memory_space<vmem>> -> memref<1x64xf32, #tpu.memory_space<vmem>>
      %dma_start3A_936 = arith.constant 0 : i32
      %dma_start3A_937 = tpu.memref_slice %arg3[%squeeze3A_927, %dma_start3A_936] : memref<1000000x64xf32, #tpu.memory_space<hbm>> -> memref<1x64xf32, #tpu.memory_space<hbm>>
      tpu.enqueue_dma source(%dma_start3A_937 : memref<1x64xf32, #tpu.memory_space<hbm>>) target(%dma_start3A_935 : memref<1x64xf32, #tpu.memory_space<vmem>>) target_semaphore(%arg15 : memref<!tpu.dma_semaphore, #tpu.memory_space<semaphore_mem>>)
      %slice3A_938 = vector.extract_strided_slice %get3A_889 {offsets = [4], sizes = [1], strides = [1]} : vector<16xi32> to vector<1xi32>
      %squeeze3A_939 = vector.extract %slice3A_938[0] : i32 from vector<1xi32>
      %dma_start3A_940 = arith.constant 4 : i32
      %dma_start3A_941 = arith.constant 0 : i32
      %dma_start3A_942 = tpu.memref_slice %arg8[%dma_start3A_940, %dma_start3A_941] : memref<16x64xf32, #tpu.memory_space<vmem>> -> memref<1x64xf32, #tpu.memory_space<vmem>>
      %dma_start3A_943 = arith.constant 0 : i32
      %dma_start3A_944 = tpu.memref_slice %arg3[%squeeze3A_939, %dma_start3A_943] : memref<1000000x64xf32, #tpu.memory_space<hbm>> -> memref<1x64xf32, #tpu.memory_space<hbm>>
      %dma_start3A_945 = arith.constant 4 : i32
      %dma_start3A_946 = arith.constant 0 : i32
      %dma_start3A_947 = tpu.memref_slice %arg8[%dma_start3A_945, %dma_start3A_946] : memref<16x64xf32, #tpu.memory_space<vmem>> -> memref<1x64xf32, #tpu.memory_space<vmem>>
      %dma_start3A_948 = arith.constant 0 : i32
      %dma_start3A_949 = tpu.memref_slice %arg3[%squeeze3A_939, %dma_start3A_948] : memref<1000000x64xf32, #tpu.memory_space<hbm>> -> memref<1x64xf32, #tpu.memory_space<hbm>>
      tpu.enqueue_dma source(%dma_start3A_949 : memref<1x64xf32, #tpu.memory_space<hbm>>) target(%dma_start3A_947 : memref<1x64xf32, #tpu.memory_space<vmem>>) target_semaphore(%arg15 : memref<!tpu.dma_semaphore, #tpu.memory_space<semaphore_mem>>)
      %slice3A_950 = vector.extract_strided_slice %get3A_889 {offsets = [5], sizes = [1], strides = [1]} : vector<16xi32> to vector<1xi32>
      %squeeze3A_951 = vector.extract %slice3A_950[0] : i32 from vector<1xi32>
      %dma_start3A_952 = arith.constant 5 : i32
      %dma_start3A_953 = arith.constant 0 : i32
      %dma_start3A_954 = tpu.memref_slice %arg8[%dma_start3A_952, %dma_start3A_953] : memref<16x64xf32, #tpu.memory_space<vmem>> -> memref<1x64xf32, #tpu.memory_space<vmem>>
      %dma_start3A_955 = arith.constant 0 : i32
      %dma_start3A_956 = tpu.memref_slice %arg3[%squeeze3A_951, %dma_start3A_955] : memref<1000000x64xf32, #tpu.memory_space<hbm>> -> memref<1x64xf32, #tpu.memory_space<hbm>>
      %dma_start3A_957 = arith.constant 5 : i32
      %dma_start3A_958 = arith.constant 0 : i32
      %dma_start3A_959 = tpu.memref_slice %arg8[%dma_start3A_957, %dma_start3A_958] : memref<16x64xf32, #tpu.memory_space<vmem>> -> memref<1x64xf32, #tpu.memory_space<vmem>>
      %dma_start3A_960 = arith.constant 0 : i32
      %dma_start3A_961 = tpu.memref_slice %arg3[%squeeze3A_951, %dma_start3A_960] : memref<1000000x64xf32, #tpu.memory_space<hbm>> -> memref<1x64xf32, #tpu.memory_space<hbm>>
      tpu.enqueue_dma source(%dma_start3A_961 : memref<1x64xf32, #tpu.memory_space<hbm>>) target(%dma_start3A_959 : memref<1x64xf32, #tpu.memory_space<vmem>>) target_semaphore(%arg15 : memref<!tpu.dma_semaphore, #tpu.memory_space<semaphore_mem>>)
      %slice3A_962 = vector.extract_strided_slice %get3A_889 {offsets = [6], sizes = [1], strides = [1]} : vector<16xi32> to vector<1xi32>
      %squeeze3A_963 = vector.extract %slice3A_962[0] : i32 from vector<1xi32>
      %dma_start3A_964 = arith.constant 6 : i32
      %dma_start3A_965 = arith.constant 0 : i32
      %dma_start3A_966 = tpu.memref_slice %arg8[%dma_start3A_964, %dma_start3A_965] : memref<16x64xf32, #tpu.memory_space<vmem>> -> memref<1x64xf32, #tpu.memory_space<vmem>>
      %dma_start3A_967 = arith.constant 0 : i32
      %dma_start3A_968 = tpu.memref_slice %arg3[%squeeze3A_963, %dma_start3A_967] : memref<1000000x64xf32, #tpu.memory_space<hbm>> -> memref<1x64xf32, #tpu.memory_space<hbm>>
      %dma_start3A_969 = arith.constant 6 : i32
      %dma_start3A_970 = arith.constant 0 : i32
      %dma_start3A_971 = tpu.memref_slice %arg8[%dma_start3A_969, %dma_start3A_970] : memref<16x64xf32, #tpu.memory_space<vmem>> -> memref<1x64xf32, #tpu.memory_space<vmem>>
      %dma_start3A_972 = arith.constant 0 : i32
      %dma_start3A_973 = tpu.memref_slice %arg3[%squeeze3A_963, %dma_start3A_972] : memref<1000000x64xf32, #tpu.memory_space<hbm>> -> memref<1x64xf32, #tpu.memory_space<hbm>>
      tpu.enqueue_dma source(%dma_start3A_973 : memref<1x64xf32, #tpu.memory_space<hbm>>) target(%dma_start3A_971 : memref<1x64xf32, #tpu.memory_space<vmem>>) target_semaphore(%arg15 : memref<!tpu.dma_semaphore, #tpu.memory_space<semaphore_mem>>)
      %slice3A_974 = vector.extract_strided_slice %get3A_889 {offsets = [7], sizes = [1], strides = [1]} : vector<16xi32> to vector<1xi32>
      %squeeze3A_975 = vector.extract %slice3A_974[0] : i32 from vector<1xi32>
      %dma_start3A_976 = arith.constant 7 : i32
      %dma_start3A_977 = arith.constant 0 : i32
      %dma_start3A_978 = tpu.memref_slice %arg8[%dma_start3A_976, %dma_start3A_977] : memref<16x64xf32, #tpu.memory_space<vmem>> -> memref<1x64xf32, #tpu.memory_space<vmem>>
      %dma_start3A_979 = arith.constant 0 : i32
      %dma_start3A_980 = tpu.memref_slice %arg3[%squeeze3A_975, %dma_start3A_979] : memref<1000000x64xf32, #tpu.memory_space<hbm>> -> memref<1x64xf32, #tpu.memory_space<hbm>>
      %dma_start3A_981 = arith.constant 7 : i32
      %dma_start3A_982 = arith.constant 0 : i32
      %dma_start3A_983 = tpu.memref_slice %arg8[%dma_start3A_981, %dma_start3A_982] : memref<16x64xf32, #tpu.memory_space<vmem>> -> memref<1x64xf32, #tpu.memory_space<vmem>>
      %dma_start3A_984 = arith.constant 0 : i32
      %dma_start3A_985 = tpu.memref_slice %arg3[%squeeze3A_975, %dma_start3A_984] : memref<1000000x64xf32, #tpu.memory_space<hbm>> -> memref<1x64xf32, #tpu.memory_space<hbm>>
      tpu.enqueue_dma source(%dma_start3A_985 : memref<1x64xf32, #tpu.memory_space<hbm>>) target(%dma_start3A_983 : memref<1x64xf32, #tpu.memory_space<vmem>>) target_semaphore(%arg15 : memref<!tpu.dma_semaphore, #tpu.memory_space<semaphore_mem>>)
      %slice3A_986 = vector.extract_strided_slice %get3A_889 {offsets = [8], sizes = [1], strides = [1]} : vector<16xi32> to vector<1xi32>
      %squeeze3A_987 = vector.extract %slice3A_986[0] : i32 from vector<1xi32>
      %dma_start3A_988 = arith.constant 8 : i32
      %dma_start3A_989 = arith.constant 0 : i32
      %dma_start3A_990 = tpu.memref_slice %arg8[%dma_start3A_988, %dma_start3A_989] : memref<16x64xf32, #tpu.memory_space<vmem>> -> memref<1x64xf32, #tpu.memory_space<vmem>>
      %dma_start3A_991 = arith.constant 0 : i32
      %dma_start3A_992 = tpu.memref_slice %arg3[%squeeze3A_987, %dma_start3A_991] : memref<1000000x64xf32, #tpu.memory_space<hbm>> -> memref<1x64xf32, #tpu.memory_space<hbm>>
      %dma_start3A_993 = arith.constant 8 : i32
      %dma_start3A_994 = arith.constant 0 : i32
      %dma_start3A_995 = tpu.memref_slice %arg8[%dma_start3A_993, %dma_start3A_994] : memref<16x64xf32, #tpu.memory_space<vmem>> -> memref<1x64xf32, #tpu.memory_space<vmem>>
      %dma_start3A_996 = arith.constant 0 : i32
      %dma_start3A_997 = tpu.memref_slice %arg3[%squeeze3A_987, %dma_start3A_996] : memref<1000000x64xf32, #tpu.memory_space<hbm>> -> memref<1x64xf32, #tpu.memory_space<hbm>>
      tpu.enqueue_dma source(%dma_start3A_997 : memref<1x64xf32, #tpu.memory_space<hbm>>) target(%dma_start3A_995 : memref<1x64xf32, #tpu.memory_space<vmem>>) target_semaphore(%arg15 : memref<!tpu.dma_semaphore, #tpu.memory_space<semaphore_mem>>)
      %slice3A_998 = vector.extract_strided_slice %get3A_889 {offsets = [9], sizes = [1], strides = [1]} : vector<16xi32> to vector<1xi32>
      %squeeze3A_999 = vector.extract %slice3A_998[0] : i32 from vector<1xi32>
      %dma_start3A_1000 = arith.constant 9 : i32
      %dma_start3A_1001 = arith.constant 0 : i32
      %dma_start3A_1002 = tpu.memref_slice %arg8[%dma_start3A_1000, %dma_start3A_1001] : memref<16x64xf32, #tpu.memory_space<vmem>> -> memref<1x64xf32, #tpu.memory_space<vmem>>
      %dma_start3A_1003 = arith.constant 0 : i32
      %dma_start3A_1004 = tpu.memref_slice %arg3[%squeeze3A_999, %dma_start3A_1003] : memref<1000000x64xf32, #tpu.memory_space<hbm>> -> memref<1x64xf32, #tpu.memory_space<hbm>>
      %dma_start3A_1005 = arith.constant 9 : i32
      %dma_start3A_1006 = arith.constant 0 : i32
      %dma_start3A_1007 = tpu.memref_slice %arg8[%dma_start3A_1005, %dma_start3A_1006] : memref<16x64xf32, #tpu.memory_space<vmem>> -> memref<1x64xf32, #tpu.memory_space<vmem>>
      %dma_start3A_1008 = arith.constant 0 : i32
      %dma_start3A_1009 = tpu.memref_slice %arg3[%squeeze3A_999, %dma_start3A_1008] : memref<1000000x64xf32, #tpu.memory_space<hbm>> -> memref<1x64xf32, #tpu.memory_space<hbm>>
      tpu.enqueue_dma source(%dma_start3A_1009 : memref<1x64xf32, #tpu.memory_space<hbm>>) target(%dma_start3A_1007 : memref<1x64xf32, #tpu.memory_space<vmem>>) target_semaphore(%arg15 : memref<!tpu.dma_semaphore, #tpu.memory_space<semaphore_mem>>)
      %slice3A_1010 = vector.extract_strided_slice %get3A_889 {offsets = [10], sizes = [1], strides = [1]} : vector<16xi32> to vector<1xi32>
      %squeeze3A_1011 = vector.extract %slice3A_1010[0] : i32 from vector<1xi32>
      %dma_start3A_1012 = arith.constant 10 : i32
      %dma_start3A_1013 = arith.constant 0 : i32
      %dma_start3A_1014 = tpu.memref_slice %arg8[%dma_start3A_1012, %dma_start3A_1013] : memref<16x64xf32, #tpu.memory_space<vmem>> -> memref<1x64xf32, #tpu.memory_space<vmem>>
      %dma_start3A_1015 = arith.constant 0 : i32
      %dma_start3A_1016 = tpu.memref_slice %arg3[%squeeze3A_1011, %dma_start3A_1015] : memref<1000000x64xf32, #tpu.memory_space<hbm>> -> memref<1x64xf32, #tpu.memory_space<hbm>>
      %dma_start3A_1017 = arith.constant 10 : i32
      %dma_start3A_1018 = arith.constant 0 : i32
      %dma_start3A_1019 = tpu.memref_slice %arg8[%dma_start3A_1017, %dma_start3A_1018] : memref<16x64xf32, #tpu.memory_space<vmem>> -> memref<1x64xf32, #tpu.memory_space<vmem>>
      %dma_start3A_1020 = arith.constant 0 : i32
      %dma_start3A_1021 = tpu.memref_slice %arg3[%squeeze3A_1011, %dma_start3A_1020] : memref<1000000x64xf32, #tpu.memory_space<hbm>> -> memref<1x64xf32, #tpu.memory_space<hbm>>
      tpu.enqueue_dma source(%dma_start3A_1021 : memref<1x64xf32, #tpu.memory_space<hbm>>) target(%dma_start3A_1019 : memref<1x64xf32, #tpu.memory_space<vmem>>) target_semaphore(%arg15 : memref<!tpu.dma_semaphore, #tpu.memory_space<semaphore_mem>>)
      %slice3A_1022 = vector.extract_strided_slice %get3A_889 {offsets = [11], sizes = [1], strides = [1]} : vector<16xi32> to vector<1xi32>
      %squeeze3A_1023 = vector.extract %slice3A_1022[0] : i32 from vector<1xi32>
      %dma_start3A_1024 = arith.constant 11 : i32
      %dma_start3A_1025 = arith.constant 0 : i32
      %dma_start3A_1026 = tpu.memref_slice %arg8[%dma_start3A_1024, %dma_start3A_1025] : memref<16x64xf32, #tpu.memory_space<vmem>> -> memref<1x64xf32, #tpu.memory_space<vmem>>
      %dma_start3A_1027 = arith.constant 0 : i32
      %dma_start3A_1028 = tpu.memref_slice %arg3[%squeeze3A_1023, %dma_start3A_1027] : memref<1000000x64xf32, #tpu.memory_space<hbm>> -> memref<1x64xf32, #tpu.memory_space<hbm>>
      %dma_start3A_1029 = arith.constant 11 : i32
      %dma_start3A_1030 = arith.constant 0 : i32
      %dma_start3A_1031 = tpu.memref_slice %arg8[%dma_start3A_1029, %dma_start3A_1030] : memref<16x64xf32, #tpu.memory_space<vmem>> -> memref<1x64xf32, #tpu.memory_space<vmem>>
      %dma_start3A_1032 = arith.constant 0 : i32
      %dma_start3A_1033 = tpu.memref_slice %arg3[%squeeze3A_1023, %dma_start3A_1032] : memref<1000000x64xf32, #tpu.memory_space<hbm>> -> memref<1x64xf32, #tpu.memory_space<hbm>>
      tpu.enqueue_dma source(%dma_start3A_1033 : memref<1x64xf32, #tpu.memory_space<hbm>>) target(%dma_start3A_1031 : memref<1x64xf32, #tpu.memory_space<vmem>>) target_semaphore(%arg15 : memref<!tpu.dma_semaphore, #tpu.memory_space<semaphore_mem>>)
      %slice3A_1034 = vector.extract_strided_slice %get3A_889 {offsets = [12], sizes = [1], strides = [1]} : vector<16xi32> to vector<1xi32>
      %squeeze3A_1035 = vector.extract %slice3A_1034[0] : i32 from vector<1xi32>
      %dma_start3A_1036 = arith.constant 12 : i32
      %dma_start3A_1037 = arith.constant 0 : i32
      %dma_start3A_1038 = tpu.memref_slice %arg8[%dma_start3A_1036, %dma_start3A_1037] : memref<16x64xf32, #tpu.memory_space<vmem>> -> memref<1x64xf32, #tpu.memory_space<vmem>>
      %dma_start3A_1039 = arith.constant 0 : i32
      %dma_start3A_1040 = tpu.memref_slice %arg3[%squeeze3A_1035, %dma_start3A_1039] : memref<1000000x64xf32, #tpu.memory_space<hbm>> -> memref<1x64xf32, #tpu.memory_space<hbm>>
      %dma_start3A_1041 = arith.constant 12 : i32
      %dma_start3A_1042 = arith.constant 0 : i32
      %dma_start3A_1043 = tpu.memref_slice %arg8[%dma_start3A_1041, %dma_start3A_1042] : memref<16x64xf32, #tpu.memory_space<vmem>> -> memref<1x64xf32, #tpu.memory_space<vmem>>
      %dma_start3A_1044 = arith.constant 0 : i32
      %dma_start3A_1045 = tpu.memref_slice %arg3[%squeeze3A_1035, %dma_start3A_1044] : memref<1000000x64xf32, #tpu.memory_space<hbm>> -> memref<1x64xf32, #tpu.memory_space<hbm>>
      tpu.enqueue_dma source(%dma_start3A_1045 : memref<1x64xf32, #tpu.memory_space<hbm>>) target(%dma_start3A_1043 : memref<1x64xf32, #tpu.memory_space<vmem>>) target_semaphore(%arg15 : memref<!tpu.dma_semaphore, #tpu.memory_space<semaphore_mem>>)
      %slice3A_1046 = vector.extract_strided_slice %get3A_889 {offsets = [13], sizes = [1], strides = [1]} : vector<16xi32> to vector<1xi32>
      %squeeze3A_1047 = vector.extract %slice3A_1046[0] : i32 from vector<1xi32>
      %dma_start3A_1048 = arith.constant 13 : i32
      %dma_start3A_1049 = arith.constant 0 : i32
      %dma_start3A_1050 = tpu.memref_slice %arg8[%dma_start3A_1048, %dma_start3A_1049] : memref<16x64xf32, #tpu.memory_space<vmem>> -> memref<1x64xf32, #tpu.memory_space<vmem>>
      %dma_start3A_1051 = arith.constant 0 : i32
      %dma_start3A_1052 = tpu.memref_slice %arg3[%squeeze3A_1047, %dma_start3A_1051] : memref<1000000x64xf32, #tpu.memory_space<hbm>> -> memref<1x64xf32, #tpu.memory_space<hbm>>
      %dma_start3A_1053 = arith.constant 13 : i32
      %dma_start3A_1054 = arith.constant 0 : i32
      %dma_start3A_1055 = tpu.memref_slice %arg8[%dma_start3A_1053, %dma_start3A_1054] : memref<16x64xf32, #tpu.memory_space<vmem>> -> memref<1x64xf32, #tpu.memory_space<vmem>>
      %dma_start3A_1056 = arith.constant 0 : i32
      %dma_start3A_1057 = tpu.memref_slice %arg3[%squeeze3A_1047, %dma_start3A_1056] : memref<1000000x64xf32, #tpu.memory_space<hbm>> -> memref<1x64xf32, #tpu.memory_space<hbm>>
      tpu.enqueue_dma source(%dma_start3A_1057 : memref<1x64xf32, #tpu.memory_space<hbm>>) target(%dma_start3A_1055 : memref<1x64xf32, #tpu.memory_space<vmem>>) target_semaphore(%arg15 : memref<!tpu.dma_semaphore, #tpu.memory_space<semaphore_mem>>)
      %slice3A_1058 = vector.extract_strided_slice %get3A_889 {offsets = [14], sizes = [1], strides = [1]} : vector<16xi32> to vector<1xi32>
      %squeeze3A_1059 = vector.extract %slice3A_1058[0] : i32 from vector<1xi32>
      %dma_start3A_1060 = arith.constant 14 : i32
      %dma_start3A_1061 = arith.constant 0 : i32
      %dma_start3A_1062 = tpu.memref_slice %arg8[%dma_start3A_1060, %dma_start3A_1061] : memref<16x64xf32, #tpu.memory_space<vmem>> -> memref<1x64xf32, #tpu.memory_space<vmem>>
      %dma_start3A_1063 = arith.constant 0 : i32
      %dma_start3A_1064 = tpu.memref_slice %arg3[%squeeze3A_1059, %dma_start3A_1063] : memref<1000000x64xf32, #tpu.memory_space<hbm>> -> memref<1x64xf32, #tpu.memory_space<hbm>>
      %dma_start3A_1065 = arith.constant 14 : i32
      %dma_start3A_1066 = arith.constant 0 : i32
      %dma_start3A_1067 = tpu.memref_slice %arg8[%dma_start3A_1065, %dma_start3A_1066] : memref<16x64xf32, #tpu.memory_space<vmem>> -> memref<1x64xf32, #tpu.memory_space<vmem>>
      %dma_start3A_1068 = arith.constant 0 : i32
      %dma_start3A_1069 = tpu.memref_slice %arg3[%squeeze3A_1059, %dma_start3A_1068] : memref<1000000x64xf32, #tpu.memory_space<hbm>> -> memref<1x64xf32, #tpu.memory_space<hbm>>
      tpu.enqueue_dma source(%dma_start3A_1069 : memref<1x64xf32, #tpu.memory_space<hbm>>) target(%dma_start3A_1067 : memref<1x64xf32, #tpu.memory_space<vmem>>) target_semaphore(%arg15 : memref<!tpu.dma_semaphore, #tpu.memory_space<semaphore_mem>>)
      %slice3A_1070 = vector.extract_strided_slice %get3A_889 {offsets = [15], sizes = [1], strides = [1]} : vector<16xi32> to vector<1xi32>
      %squeeze3A_1071 = vector.extract %slice3A_1070[0] : i32 from vector<1xi32>
      %dma_start3A_1072 = arith.constant 15 : i32
      %dma_start3A_1073 = arith.constant 0 : i32
      %dma_start3A_1074 = tpu.memref_slice %arg8[%dma_start3A_1072, %dma_start3A_1073] : memref<16x64xf32, #tpu.memory_space<vmem>> -> memref<1x64xf32, #tpu.memory_space<vmem>>
      %dma_start3A_1075 = arith.constant 0 : i32
      %dma_start3A_1076 = tpu.memref_slice %arg3[%squeeze3A_1071, %dma_start3A_1075] : memref<1000000x64xf32, #tpu.memory_space<hbm>> -> memref<1x64xf32, #tpu.memory_space<hbm>>
      %dma_start3A_1077 = arith.constant 15 : i32
      %dma_start3A_1078 = arith.constant 0 : i32
      %dma_start3A_1079 = tpu.memref_slice %arg8[%dma_start3A_1077, %dma_start3A_1078] : memref<16x64xf32, #tpu.memory_space<vmem>> -> memref<1x64xf32, #tpu.memory_space<vmem>>
      %dma_start3A_1080 = arith.constant 0 : i32
      %dma_start3A_1081 = tpu.memref_slice %arg3[%squeeze3A_1071, %dma_start3A_1080] : memref<1000000x64xf32, #tpu.memory_space<hbm>> -> memref<1x64xf32, #tpu.memory_space<hbm>>
      tpu.enqueue_dma source(%dma_start3A_1081 : memref<1x64xf32, #tpu.memory_space<hbm>>) target(%dma_start3A_1079 : memref<1x64xf32, #tpu.memory_space<vmem>>) target_semaphore(%arg15 : memref<!tpu.dma_semaphore, #tpu.memory_space<semaphore_mem>>)
      %scan3A_1082 = arith.constant 0 : i32
      %scan3A_1083 = arith.constant 20 : i32
      %scan3A_1084 = arith.addi %scan3A_1082, %scan3A_1083 : i32
      %scan3A_1085 = arith.constant 1 : i32
      scf.for %scan3A_1382 = %scan3A_1082 to %scan3A_1084 step %scan3A_1085  : i32 {
        %mul3A_1383 = arith.constant 16 : i32
        %mul3A_1384 = arith.muli %scan3A_1382, %mul3A_1383 : i32
        %add3A_1385 = arith.constant 32 : i32
        %add3A_1386 = arith.addi %add3A_1385, %mul3A_1384 : i32
        %get3A_1387 = arith.index_cast %add3A_1386 : i32 to index
        %get3A_1388 = tpu.vector_load %arg6[%get3A_1387] {strides = array<i32>} : memref<512xi32, #tpu.memory_space<vmem>>, vector<16xi32>,
        %mul3A_1389 = arith.constant 16 : i32
        %mul3A_1390 = arith.muli %scan3A_1382, %mul3A_1389 : i32
        %slice3A_1391 = vector.extract_strided_slice %get3A_1388 {offsets = [0], sizes = [1], strides = [1]} : vector<16xi32> to vector<1xi32>
        %squeeze3A_1392 = vector.extract %slice3A_1391[0] : i32 from vector<1xi32>
        %add3A_1393 = arith.constant 0 : i32
        %add3A_1394 = arith.addi %mul3A_1390, %add3A_1393 : i32
        %dma_start3A_1395 = arith.constant 0 : i32
        %dma_start3A_1396 = tpu.memref_slice %arg10[%add3A_1394, %dma_start3A_1395] : memref<320x64xf32, #tpu.memory_space<vmem>> -> memref<1x64xf32, #tpu.memory_space<vmem>>
        %dma_start3A_1397 = arith.constant 0 : i32
        %dma_start3A_1398 = tpu.memref_slice %arg4[%squeeze3A_1392, %dma_start3A_1397] : memref<1000000x64xf32, #tpu.memory_space<hbm>> -> memref<1x64xf32, #tpu.memory_space<hbm>>
        %dma_start3A_1399 = arith.constant 0 : i32
        %dma_start3A_1400 = tpu.memref_slice %arg10[%add3A_1394, %dma_start3A_1399] : memref<320x64xf32, #tpu.memory_space<vmem>> -> memref<1x64xf32, #tpu.memory_space<vmem>>
        %dma_start3A_1401 = arith.constant 0 : i32
        %dma_start3A_1402 = tpu.memref_slice %arg4[%squeeze3A_1392, %dma_start3A_1401] : memref<1000000x64xf32, #tpu.memory_space<hbm>> -> memref<1x64xf32, #tpu.memory_space<hbm>>
        tpu.enqueue_dma source(%dma_start3A_1402 : memref<1x64xf32, #tpu.memory_space<hbm>>) target(%dma_start3A_1400 : memref<1x64xf32, #tpu.memory_space<vmem>>) target_semaphore(%arg17 : memref<!tpu.dma_semaphore, #tpu.memory_space<semaphore_mem>>)
        %slice3A_1403 = vector.extract_strided_slice %get3A_1388 {offsets = [1], sizes = [1], strides = [1]} : vector<16xi32> to vector<1xi32>
        %squeeze3A_1404 = vector.extract %slice3A_1403[0] : i32 from vector<1xi32>
        %add3A_1405 = arith.constant 1 : i32
        %add3A_1406 = arith.addi %mul3A_1390, %add3A_1405 : i32
        %dma_start3A_1407 = arith.constant 0 : i32
        %dma_start3A_1408 = tpu.memref_slice %arg10[%add3A_1406, %dma_start3A_1407] : memref<320x64xf32, #tpu.memory_space<vmem>> -> memref<1x64xf32, #tpu.memory_space<vmem>>
        %dma_start3A_1409 = arith.constant 0 : i32
        %dma_start3A_1410 = tpu.memref_slice %arg4[%squeeze3A_1404, %dma_start3A_1409] : memref<1000000x64xf32, #tpu.memory_space<hbm>> -> memref<1x64xf32, #tpu.memory_space<hbm>>
        %dma_start3A_1411 = arith.constant 0 : i32
        %dma_start3A_1412 = tpu.memref_slice %arg10[%add3A_1406, %dma_start3A_1411] : memref<320x64xf32, #tpu.memory_space<vmem>> -> memref<1x64xf32, #tpu.memory_space<vmem>>
        %dma_start3A_1413 = arith.constant 0 : i32
        %dma_start3A_1414 = tpu.memref_slice %arg4[%squeeze3A_1404, %dma_start3A_1413] : memref<1000000x64xf32, #tpu.memory_space<hbm>> -> memref<1x64xf32, #tpu.memory_space<hbm>>
        tpu.enqueue_dma source(%dma_start3A_1414 : memref<1x64xf32, #tpu.memory_space<hbm>>) target(%dma_start3A_1412 : memref<1x64xf32, #tpu.memory_space<vmem>>) target_semaphore(%arg17 : memref<!tpu.dma_semaphore, #tpu.memory_space<semaphore_mem>>)
        %slice3A_1415 = vector.extract_strided_slice %get3A_1388 {offsets = [2], sizes = [1], strides = [1]} : vector<16xi32> to vector<1xi32>
        %squeeze3A_1416 = vector.extract %slice3A_1415[0] : i32 from vector<1xi32>
        %add3A_1417 = arith.constant 2 : i32
        %add3A_1418 = arith.addi %mul3A_1390, %add3A_1417 : i32
        %dma_start3A_1419 = arith.constant 0 : i32
        %dma_start3A_1420 = tpu.memref_slice %arg10[%add3A_1418, %dma_start3A_1419] : memref<320x64xf32, #tpu.memory_space<vmem>> -> memref<1x64xf32, #tpu.memory_space<vmem>>
        %dma_start3A_1421 = arith.constant 0 : i32
        %dma_start3A_1422 = tpu.memref_slice %arg4[%squeeze3A_1416, %dma_start3A_1421] : memref<1000000x64xf32, #tpu.memory_space<hbm>> -> memref<1x64xf32, #tpu.memory_space<hbm>>
        %dma_start3A_1423 = arith.constant 0 : i32
        %dma_start3A_1424 = tpu.memref_slice %arg10[%add3A_1418, %dma_start3A_1423] : memref<320x64xf32, #tpu.memory_space<vmem>> -> memref<1x64xf32, #tpu.memory_space<vmem>>
        %dma_start3A_1425 = arith.constant 0 : i32
        %dma_start3A_1426 = tpu.memref_slice %arg4[%squeeze3A_1416, %dma_start3A_1425] : memref<1000000x64xf32, #tpu.memory_space<hbm>> -> memref<1x64xf32, #tpu.memory_space<hbm>>
        tpu.enqueue_dma source(%dma_start3A_1426 : memref<1x64xf32, #tpu.memory_space<hbm>>) target(%dma_start3A_1424 : memref<1x64xf32, #tpu.memory_space<vmem>>) target_semaphore(%arg17 : memref<!tpu.dma_semaphore, #tpu.memory_space<semaphore_mem>>)
        %slice3A_1427 = vector.extract_strided_slice %get3A_1388 {offsets = [3], sizes = [1], strides = [1]} : vector<16xi32> to vector<1xi32>
        %squeeze3A_1428 = vector.extract %slice3A_1427[0] : i32 from vector<1xi32>
        %add3A_1429 = arith.constant 3 : i32
        %add3A_1430 = arith.addi %mul3A_1390, %add3A_1429 : i32
        %dma_start3A_1431 = arith.constant 0 : i32
        %dma_start3A_1432 = tpu.memref_slice %arg10[%add3A_1430, %dma_start3A_1431] : memref<320x64xf32, #tpu.memory_space<vmem>> -> memref<1x64xf32, #tpu.memory_space<vmem>>
        %dma_start3A_1433 = arith.constant 0 : i32
        %dma_start3A_1434 = tpu.memref_slice %arg4[%squeeze3A_1428, %dma_start3A_1433] : memref<1000000x64xf32, #tpu.memory_space<hbm>> -> memref<1x64xf32, #tpu.memory_space<hbm>>
        %dma_start3A_1435 = arith.constant 0 : i32
        %dma_start3A_1436 = tpu.memref_slice %arg10[%add3A_1430, %dma_start3A_1435] : memref<320x64xf32, #tpu.memory_space<vmem>> -> memref<1x64xf32, #tpu.memory_space<vmem>>
        %dma_start3A_1437 = arith.constant 0 : i32
        %dma_start3A_1438 = tpu.memref_slice %arg4[%squeeze3A_1428, %dma_start3A_1437] : memref<1000000x64xf32, #tpu.memory_space<hbm>> -> memref<1x64xf32, #tpu.memory_space<hbm>>
        tpu.enqueue_dma source(%dma_start3A_1438 : memref<1x64xf32, #tpu.memory_space<hbm>>) target(%dma_start3A_1436 : memref<1x64xf32, #tpu.memory_space<vmem>>) target_semaphore(%arg17 : memref<!tpu.dma_semaphore, #tpu.memory_space<semaphore_mem>>)
        %slice3A_1439 = vector.extract_strided_slice %get3A_1388 {offsets = [4], sizes = [1], strides = [1]} : vector<16xi32> to vector<1xi32>
        %squeeze3A_1440 = vector.extract %slice3A_1439[0] : i32 from vector<1xi32>
        %add3A_1441 = arith.constant 4 : i32
        %add3A_1442 = arith.addi %mul3A_1390, %add3A_1441 : i32
        %dma_start3A_1443 = arith.constant 0 : i32
        %dma_start3A_1444 = tpu.memref_slice %arg10[%add3A_1442, %dma_start3A_1443] : memref<320x64xf32, #tpu.memory_space<vmem>> -> memref<1x64xf32, #tpu.memory_space<vmem>>
        %dma_start3A_1445 = arith.constant 0 : i32
        %dma_start3A_1446 = tpu.memref_slice %arg4[%squeeze3A_1440, %dma_start3A_1445] : memref<1000000x64xf32, #tpu.memory_space<hbm>> -> memref<1x64xf32, #tpu.memory_space<hbm>>
        %dma_start3A_1447 = arith.constant 0 : i32
        %dma_start3A_1448 = tpu.memref_slice %arg10[%add3A_1442, %dma_start3A_1447] : memref<320x64xf32, #tpu.memory_space<vmem>> -> memref<1x64xf32, #tpu.memory_space<vmem>>
        %dma_start3A_1449 = arith.constant 0 : i32
        %dma_start3A_1450 = tpu.memref_slice %arg4[%squeeze3A_1440, %dma_start3A_1449] : memref<1000000x64xf32, #tpu.memory_space<hbm>> -> memref<1x64xf32, #tpu.memory_space<hbm>>
        tpu.enqueue_dma source(%dma_start3A_1450 : memref<1x64xf32, #tpu.memory_space<hbm>>) target(%dma_start3A_1448 : memref<1x64xf32, #tpu.memory_space<vmem>>) target_semaphore(%arg17 : memref<!tpu.dma_semaphore, #tpu.memory_space<semaphore_mem>>)
        %slice3A_1451 = vector.extract_strided_slice %get3A_1388 {offsets = [5], sizes = [1], strides = [1]} : vector<16xi32> to vector<1xi32>
        %squeeze3A_1452 = vector.extract %slice3A_1451[0] : i32 from vector<1xi32>
        %add3A_1453 = arith.constant 5 : i32
        %add3A_1454 = arith.addi %mul3A_1390, %add3A_1453 : i32
        %dma_start3A_1455 = arith.constant 0 : i32
        %dma_start3A_1456 = tpu.memref_slice %arg10[%add3A_1454, %dma_start3A_1455] : memref<320x64xf32, #tpu.memory_space<vmem>> -> memref<1x64xf32, #tpu.memory_space<vmem>>
        %dma_start3A_1457 = arith.constant 0 : i32
        %dma_start3A_1458 = tpu.memref_slice %arg4[%squeeze3A_1452, %dma_start3A_1457] : memref<1000000x64xf32, #tpu.memory_space<hbm>> -> memref<1x64xf32, #tpu.memory_space<hbm>>
        %dma_start3A_1459 = arith.constant 0 : i32
        %dma_start3A_1460 = tpu.memref_slice %arg10[%add3A_1454, %dma_start3A_1459] : memref<320x64xf32, #tpu.memory_space<vmem>> -> memref<1x64xf32, #tpu.memory_space<vmem>>
        %dma_start3A_1461 = arith.constant 0 : i32
        %dma_start3A_1462 = tpu.memref_slice %arg4[%squeeze3A_1452, %dma_start3A_1461] : memref<1000000x64xf32, #tpu.memory_space<hbm>> -> memref<1x64xf32, #tpu.memory_space<hbm>>
        tpu.enqueue_dma source(%dma_start3A_1462 : memref<1x64xf32, #tpu.memory_space<hbm>>) target(%dma_start3A_1460 : memref<1x64xf32, #tpu.memory_space<vmem>>) target_semaphore(%arg17 : memref<!tpu.dma_semaphore, #tpu.memory_space<semaphore_mem>>)
        %slice3A_1463 = vector.extract_strided_slice %get3A_1388 {offsets = [6], sizes = [1], strides = [1]} : vector<16xi32> to vector<1xi32>
        %squeeze3A_1464 = vector.extract %slice3A_1463[0] : i32 from vector<1xi32>
        %add3A_1465 = arith.constant 6 : i32
        %add3A_1466 = arith.addi %mul3A_1390, %add3A_1465 : i32
        %dma_start3A_1467 = arith.constant 0 : i32
        %dma_start3A_1468 = tpu.memref_slice %arg10[%add3A_1466, %dma_start3A_1467] : memref<320x64xf32, #tpu.memory_space<vmem>> -> memref<1x64xf32, #tpu.memory_space<vmem>>
        %dma_start3A_1469 = arith.constant 0 : i32
        %dma_start3A_1470 = tpu.memref_slice %arg4[%squeeze3A_1464, %dma_start3A_1469] : memref<1000000x64xf32, #tpu.memory_space<hbm>> -> memref<1x64xf32, #tpu.memory_space<hbm>>
        %dma_start3A_1471 = arith.constant 0 : i32
        %dma_start3A_1472 = tpu.memref_slice %arg10[%add3A_1466, %dma_start3A_1471] : memref<320x64xf32, #tpu.memory_space<vmem>> -> memref<1x64xf32, #tpu.memory_space<vmem>>
        %dma_start3A_1473 = arith.constant 0 : i32
        %dma_start3A_1474 = tpu.memref_slice %arg4[%squeeze3A_1464, %dma_start3A_1473] : memref<1000000x64xf32, #tpu.memory_space<hbm>> -> memref<1x64xf32, #tpu.memory_space<hbm>>
        tpu.enqueue_dma source(%dma_start3A_1474 : memref<1x64xf32, #tpu.memory_space<hbm>>) target(%dma_start3A_1472 : memref<1x64xf32, #tpu.memory_space<vmem>>) target_semaphore(%arg17 : memref<!tpu.dma_semaphore, #tpu.memory_space<semaphore_mem>>)
        %slice3A_1475 = vector.extract_strided_slice %get3A_1388 {offsets = [7], sizes = [1], strides = [1]} : vector<16xi32> to vector<1xi32>
        %squeeze3A_1476 = vector.extract %slice3A_1475[0] : i32 from vector<1xi32>
        %add3A_1477 = arith.constant 7 : i32
        %add3A_1478 = arith.addi %mul3A_1390, %add3A_1477 : i32
        %dma_start3A_1479 = arith.constant 0 : i32
        %dma_start3A_1480 = tpu.memref_slice %arg10[%add3A_1478, %dma_start3A_1479] : memref<320x64xf32, #tpu.memory_space<vmem>> -> memref<1x64xf32, #tpu.memory_space<vmem>>
        %dma_start3A_1481 = arith.constant 0 : i32
        %dma_start3A_1482 = tpu.memref_slice %arg4[%squeeze3A_1476, %dma_start3A_1481] : memref<1000000x64xf32, #tpu.memory_space<hbm>> -> memref<1x64xf32, #tpu.memory_space<hbm>>
        %dma_start3A_1483 = arith.constant 0 : i32
        %dma_start3A_1484 = tpu.memref_slice %arg10[%add3A_1478, %dma_start3A_1483] : memref<320x64xf32, #tpu.memory_space<vmem>> -> memref<1x64xf32, #tpu.memory_space<vmem>>
        %dma_start3A_1485 = arith.constant 0 : i32
        %dma_start3A_1486 = tpu.memref_slice %arg4[%squeeze3A_1476, %dma_start3A_1485] : memref<1000000x64xf32, #tpu.memory_space<hbm>> -> memref<1x64xf32, #tpu.memory_space<hbm>>
        tpu.enqueue_dma source(%dma_start3A_1486 : memref<1x64xf32, #tpu.memory_space<hbm>>) target(%dma_start3A_1484 : memref<1x64xf32, #tpu.memory_space<vmem>>) target_semaphore(%arg17 : memref<!tpu.dma_semaphore, #tpu.memory_space<semaphore_mem>>)
        %slice3A_1487 = vector.extract_strided_slice %get3A_1388 {offsets = [8], sizes = [1], strides = [1]} : vector<16xi32> to vector<1xi32>
        %squeeze3A_1488 = vector.extract %slice3A_1487[0] : i32 from vector<1xi32>
        %add3A_1489 = arith.constant 8 : i32
        %add3A_1490 = arith.addi %mul3A_1390, %add3A_1489 : i32
        %dma_start3A_1491 = arith.constant 0 : i32
        %dma_start3A_1492 = tpu.memref_slice %arg10[%add3A_1490, %dma_start3A_1491] : memref<320x64xf32, #tpu.memory_space<vmem>> -> memref<1x64xf32, #tpu.memory_space<vmem>>
        %dma_start3A_1493 = arith.constant 0 : i32
        %dma_start3A_1494 = tpu.memref_slice %arg4[%squeeze3A_1488, %dma_start3A_1493] : memref<1000000x64xf32, #tpu.memory_space<hbm>> -> memref<1x64xf32, #tpu.memory_space<hbm>>
        %dma_start3A_1495 = arith.constant 0 : i32
        %dma_start3A_1496 = tpu.memref_slice %arg10[%add3A_1490, %dma_start3A_1495] : memref<320x64xf32, #tpu.memory_space<vmem>> -> memref<1x64xf32, #tpu.memory_space<vmem>>
        %dma_start3A_1497 = arith.constant 0 : i32
        %dma_start3A_1498 = tpu.memref_slice %arg4[%squeeze3A_1488, %dma_start3A_1497] : memref<1000000x64xf32, #tpu.memory_space<hbm>> -> memref<1x64xf32, #tpu.memory_space<hbm>>
        tpu.enqueue_dma source(%dma_start3A_1498 : memref<1x64xf32, #tpu.memory_space<hbm>>) target(%dma_start3A_1496 : memref<1x64xf32, #tpu.memory_space<vmem>>) target_semaphore(%arg17 : memref<!tpu.dma_semaphore, #tpu.memory_space<semaphore_mem>>)
        %slice3A_1499 = vector.extract_strided_slice %get3A_1388 {offsets = [9], sizes = [1], strides = [1]} : vector<16xi32> to vector<1xi32>
        %squeeze3A_1500 = vector.extract %slice3A_1499[0] : i32 from vector<1xi32>
        %add3A_1501 = arith.constant 9 : i32
        %add3A_1502 = arith.addi %mul3A_1390, %add3A_1501 : i32
        %dma_start3A_1503 = arith.constant 0 : i32
        %dma_start3A_1504 = tpu.memref_slice %arg10[%add3A_1502, %dma_start3A_1503] : memref<320x64xf32, #tpu.memory_space<vmem>> -> memref<1x64xf32, #tpu.memory_space<vmem>>
        %dma_start3A_1505 = arith.constant 0 : i32
        %dma_start3A_1506 = tpu.memref_slice %arg4[%squeeze3A_1500, %dma_start3A_1505] : memref<1000000x64xf32, #tpu.memory_space<hbm>> -> memref<1x64xf32, #tpu.memory_space<hbm>>
        %dma_start3A_1507 = arith.constant 0 : i32
        %dma_start3A_1508 = tpu.memref_slice %arg10[%add3A_1502, %dma_start3A_1507] : memref<320x64xf32, #tpu.memory_space<vmem>> -> memref<1x64xf32, #tpu.memory_space<vmem>>
        %dma_start3A_1509 = arith.constant 0 : i32
        %dma_start3A_1510 = tpu.memref_slice %arg4[%squeeze3A_1500, %dma_start3A_1509] : memref<1000000x64xf32, #tpu.memory_space<hbm>> -> memref<1x64xf32, #tpu.memory_space<hbm>>
        tpu.enqueue_dma source(%dma_start3A_1510 : memref<1x64xf32, #tpu.memory_space<hbm>>) target(%dma_start3A_1508 : memref<1x64xf32, #tpu.memory_space<vmem>>) target_semaphore(%arg17 : memref<!tpu.dma_semaphore, #tpu.memory_space<semaphore_mem>>)
        %slice3A_1511 = vector.extract_strided_slice %get3A_1388 {offsets = [10], sizes = [1], strides = [1]} : vector<16xi32> to vector<1xi32>
        %squeeze3A_1512 = vector.extract %slice3A_1511[0] : i32 from vector<1xi32>
        %add3A_1513 = arith.constant 10 : i32
        %add3A_1514 = arith.addi %mul3A_1390, %add3A_1513 : i32
        %dma_start3A_1515 = arith.constant 0 : i32
        %dma_start3A_1516 = tpu.memref_slice %arg10[%add3A_1514, %dma_start3A_1515] : memref<320x64xf32, #tpu.memory_space<vmem>> -> memref<1x64xf32, #tpu.memory_space<vmem>>
        %dma_start3A_1517 = arith.constant 0 : i32
        %dma_start3A_1518 = tpu.memref_slice %arg4[%squeeze3A_1512, %dma_start3A_1517] : memref<1000000x64xf32, #tpu.memory_space<hbm>> -> memref<1x64xf32, #tpu.memory_space<hbm>>
        %dma_start3A_1519 = arith.constant 0 : i32
        %dma_start3A_1520 = tpu.memref_slice %arg10[%add3A_1514, %dma_start3A_1519] : memref<320x64xf32, #tpu.memory_space<vmem>> -> memref<1x64xf32, #tpu.memory_space<vmem>>
        %dma_start3A_1521 = arith.constant 0 : i32
        %dma_start3A_1522 = tpu.memref_slice %arg4[%squeeze3A_1512, %dma_start3A_1521] : memref<1000000x64xf32, #tpu.memory_space<hbm>> -> memref<1x64xf32, #tpu.memory_space<hbm>>
        tpu.enqueue_dma source(%dma_start3A_1522 : memref<1x64xf32, #tpu.memory_space<hbm>>) target(%dma_start3A_1520 : memref<1x64xf32, #tpu.memory_space<vmem>>) target_semaphore(%arg17 : memref<!tpu.dma_semaphore, #tpu.memory_space<semaphore_mem>>)
        %slice3A_1523 = vector.extract_strided_slice %get3A_1388 {offsets = [11], sizes = [1], strides = [1]} : vector<16xi32> to vector<1xi32>
        %squeeze3A_1524 = vector.extract %slice3A_1523[0] : i32 from vector<1xi32>
        %add3A_1525 = arith.constant 11 : i32
        %add3A_1526 = arith.addi %mul3A_1390, %add3A_1525 : i32
        %dma_start3A_1527 = arith.constant 0 : i32
        %dma_start3A_1528 = tpu.memref_slice %arg10[%add3A_1526, %dma_start3A_1527] : memref<320x64xf32, #tpu.memory_space<vmem>> -> memref<1x64xf32, #tpu.memory_space<vmem>>
        %dma_start3A_1529 = arith.constant 0 : i32
        %dma_start3A_1530 = tpu.memref_slice %arg4[%squeeze3A_1524, %dma_start3A_1529] : memref<1000000x64xf32, #tpu.memory_space<hbm>> -> memref<1x64xf32, #tpu.memory_space<hbm>>
        %dma_start3A_1531 = arith.constant 0 : i32
        %dma_start3A_1532 = tpu.memref_slice %arg10[%add3A_1526, %dma_start3A_1531] : memref<320x64xf32, #tpu.memory_space<vmem>> -> memref<1x64xf32, #tpu.memory_space<vmem>>
        %dma_start3A_1533 = arith.constant 0 : i32
        %dma_start3A_1534 = tpu.memref_slice %arg4[%squeeze3A_1524, %dma_start3A_1533] : memref<1000000x64xf32, #tpu.memory_space<hbm>> -> memref<1x64xf32, #tpu.memory_space<hbm>>
        tpu.enqueue_dma source(%dma_start3A_1534 : memref<1x64xf32, #tpu.memory_space<hbm>>) target(%dma_start3A_1532 : memref<1x64xf32, #tpu.memory_space<vmem>>) target_semaphore(%arg17 : memref<!tpu.dma_semaphore, #tpu.memory_space<semaphore_mem>>)
        %slice3A_1535 = vector.extract_strided_slice %get3A_1388 {offsets = [12], sizes = [1], strides = [1]} : vector<16xi32> to vector<1xi32>
        %squeeze3A_1536 = vector.extract %slice3A_1535[0] : i32 from vector<1xi32>
        %add3A_1537 = arith.constant 12 : i32
        %add3A_1538 = arith.addi %mul3A_1390, %add3A_1537 : i32
        %dma_start3A_1539 = arith.constant 0 : i32
        %dma_start3A_1540 = tpu.memref_slice %arg10[%add3A_1538, %dma_start3A_1539] : memref<320x64xf32, #tpu.memory_space<vmem>> -> memref<1x64xf32, #tpu.memory_space<vmem>>
        %dma_start3A_1541 = arith.constant 0 : i32
        %dma_start3A_1542 = tpu.memref_slice %arg4[%squeeze3A_1536, %dma_start3A_1541] : memref<1000000x64xf32, #tpu.memory_space<hbm>> -> memref<1x64xf32, #tpu.memory_space<hbm>>
        %dma_start3A_1543 = arith.constant 0 : i32
        %dma_start3A_1544 = tpu.memref_slice %arg10[%add3A_1538, %dma_start3A_1543] : memref<320x64xf32, #tpu.memory_space<vmem>> -> memref<1x64xf32, #tpu.memory_space<vmem>>
        %dma_start3A_1545 = arith.constant 0 : i32
        %dma_start3A_1546 = tpu.memref_slice %arg4[%squeeze3A_1536, %dma_start3A_1545] : memref<1000000x64xf32, #tpu.memory_space<hbm>> -> memref<1x64xf32, #tpu.memory_space<hbm>>
        tpu.enqueue_dma source(%dma_start3A_1546 : memref<1x64xf32, #tpu.memory_space<hbm>>) target(%dma_start3A_1544 : memref<1x64xf32, #tpu.memory_space<vmem>>) target_semaphore(%arg17 : memref<!tpu.dma_semaphore, #tpu.memory_space<semaphore_mem>>)
        %slice3A_1547 = vector.extract_strided_slice %get3A_1388 {offsets = [13], sizes = [1], strides = [1]} : vector<16xi32> to vector<1xi32>
        %squeeze3A_1548 = vector.extract %slice3A_1547[0] : i32 from vector<1xi32>
        %add3A_1549 = arith.constant 13 : i32
        %add3A_1550 = arith.addi %mul3A_1390, %add3A_1549 : i32
        %dma_start3A_1551 = arith.constant 0 : i32
        %dma_start3A_1552 = tpu.memref_slice %arg10[%add3A_1550, %dma_start3A_1551] : memref<320x64xf32, #tpu.memory_space<vmem>> -> memref<1x64xf32, #tpu.memory_space<vmem>>
        %dma_start3A_1553 = arith.constant 0 : i32
        %dma_start3A_1554 = tpu.memref_slice %arg4[%squeeze3A_1548, %dma_start3A_1553] : memref<1000000x64xf32, #tpu.memory_space<hbm>> -> memref<1x64xf32, #tpu.memory_space<hbm>>
        %dma_start3A_1555 = arith.constant 0 : i32
        %dma_start3A_1556 = tpu.memref_slice %arg10[%add3A_1550, %dma_start3A_1555] : memref<320x64xf32, #tpu.memory_space<vmem>> -> memref<1x64xf32, #tpu.memory_space<vmem>>
        %dma_start3A_1557 = arith.constant 0 : i32
        %dma_start3A_1558 = tpu.memref_slice %arg4[%squeeze3A_1548, %dma_start3A_1557] : memref<1000000x64xf32, #tpu.memory_space<hbm>> -> memref<1x64xf32, #tpu.memory_space<hbm>>
        tpu.enqueue_dma source(%dma_start3A_1558 : memref<1x64xf32, #tpu.memory_space<hbm>>) target(%dma_start3A_1556 : memref<1x64xf32, #tpu.memory_space<vmem>>) target_semaphore(%arg17 : memref<!tpu.dma_semaphore, #tpu.memory_space<semaphore_mem>>)
        %slice3A_1559 = vector.extract_strided_slice %get3A_1388 {offsets = [14], sizes = [1], strides = [1]} : vector<16xi32> to vector<1xi32>
        %squeeze3A_1560 = vector.extract %slice3A_1559[0] : i32 from vector<1xi32>
        %add3A_1561 = arith.constant 14 : i32
        %add3A_1562 = arith.addi %mul3A_1390, %add3A_1561 : i32
        %dma_start3A_1563 = arith.constant 0 : i32
        %dma_start3A_1564 = tpu.memref_slice %arg10[%add3A_1562, %dma_start3A_1563] : memref<320x64xf32, #tpu.memory_space<vmem>> -> memref<1x64xf32, #tpu.memory_space<vmem>>
        %dma_start3A_1565 = arith.constant 0 : i32
        %dma_start3A_1566 = tpu.memref_slice %arg4[%squeeze3A_1560, %dma_start3A_1565] : memref<1000000x64xf32, #tpu.memory_space<hbm>> -> memref<1x64xf32, #tpu.memory_space<hbm>>
        %dma_start3A_1567 = arith.constant 0 : i32
        %dma_start3A_1568 = tpu.memref_slice %arg10[%add3A_1562, %dma_start3A_1567] : memref<320x64xf32, #tpu.memory_space<vmem>> -> memref<1x64xf32, #tpu.memory_space<vmem>>
        %dma_start3A_1569 = arith.constant 0 : i32
        %dma_start3A_1570 = tpu.memref_slice %arg4[%squeeze3A_1560, %dma_start3A_1569] : memref<1000000x64xf32, #tpu.memory_space<hbm>> -> memref<1x64xf32, #tpu.memory_space<hbm>>
        tpu.enqueue_dma source(%dma_start3A_1570 : memref<1x64xf32, #tpu.memory_space<hbm>>) target(%dma_start3A_1568 : memref<1x64xf32, #tpu.memory_space<vmem>>) target_semaphore(%arg17 : memref<!tpu.dma_semaphore, #tpu.memory_space<semaphore_mem>>)
        %slice3A_1571 = vector.extract_strided_slice %get3A_1388 {offsets = [15], sizes = [1], strides = [1]} : vector<16xi32> to vector<1xi32>
        %squeeze3A_1572 = vector.extract %slice3A_1571[0] : i32 from vector<1xi32>
        %add3A_1573 = arith.constant 15 : i32
        %add3A_1574 = arith.addi %mul3A_1390, %add3A_1573 : i32
        %dma_start3A_1575 = arith.constant 0 : i32
        %dma_start3A_1576 = tpu.memref_slice %arg10[%add3A_1574, %dma_start3A_1575] : memref<320x64xf32, #tpu.memory_space<vmem>> -> memref<1x64xf32, #tpu.memory_space<vmem>>
        %dma_start3A_1577 = arith.constant 0 : i32
        %dma_start3A_1578 = tpu.memref_slice %arg4[%squeeze3A_1572, %dma_start3A_1577] : memref<1000000x64xf32, #tpu.memory_space<hbm>> -> memref<1x64xf32, #tpu.memory_space<hbm>>
        %dma_start3A_1579 = arith.constant 0 : i32
        %dma_start3A_1580 = tpu.memref_slice %arg10[%add3A_1574, %dma_start3A_1579] : memref<320x64xf32, #tpu.memory_space<vmem>> -> memref<1x64xf32, #tpu.memory_space<vmem>>
        %dma_start3A_1581 = arith.constant 0 : i32
        %dma_start3A_1582 = tpu.memref_slice %arg4[%squeeze3A_1572, %dma_start3A_1581] : memref<1000000x64xf32, #tpu.memory_space<hbm>> -> memref<1x64xf32, #tpu.memory_space<hbm>>
        tpu.enqueue_dma source(%dma_start3A_1582 : memref<1x64xf32, #tpu.memory_space<hbm>>) target(%dma_start3A_1580 : memref<1x64xf32, #tpu.memory_space<vmem>>) target_semaphore(%arg17 : memref<!tpu.dma_semaphore, #tpu.memory_space<semaphore_mem>>)
      }
      %scan3A_1086 = arith.constant 20 : i32
      %add3A_1087 = arith.constant 2 : i32
      %add3A_1088 = arith.addi %add3A_866, %add3A_1087 : i32
      %mul3A_1089 = arith.constant 512 : i32
      %mul3A_1090 = arith.muli %add3A_1088, %mul3A_1089 : i32
      %add3A_1091 = arith.addi %mul3A_124, %mul3A_1090 : i32
      %dma_start3A_1092 = tpu.memref_slice %arg2[%add3A_1091] : memref<557056xi32, #tpu.memory_space<hbm>> -> memref<512xi32, #tpu.memory_space<hbm>>
      %dma_start3A_1093 = tpu.memref_slice %arg2[%add3A_1091] : memref<557056xi32, #tpu.memory_space<hbm>> -> memref<512xi32, #tpu.memory_space<hbm>>
      tpu.enqueue_dma source(%dma_start3A_1093 : memref<512xi32, #tpu.memory_space<hbm>>) target(%arg7 : memref<512xi32, #tpu.memory_space<vmem>>) target_semaphore(%arg14 : memref<!tpu.dma_semaphore, #tpu.memory_space<semaphore_mem>>)
      %broadcast_in_dim3A_1094 = arith.constant 0.000000e+00 : f32
      %broadcast_in_dim3A_1095 = vector.broadcast %broadcast_in_dim3A_1094 : f32 to vector<16xf32>
      %broadcast_in_dim3A_1096 = arith.constant 0.000000e+00 : f32
      %broadcast_in_dim3A_1097 = vector.broadcast %broadcast_in_dim3A_1096 : f32 to vector<16xf32>
      %broadcast_in_dim3A_1098 = arith.constant 0.000000e+00 : f32
      %broadcast_in_dim3A_1099 = vector.broadcast %broadcast_in_dim3A_1098 : f32 to vector<16xf32>
      %broadcast_in_dim3A_1100 = arith.constant 0.000000e+00 : f32
      %broadcast_in_dim3A_1101 = vector.broadcast %broadcast_in_dim3A_1100 : f32 to vector<16xf32>
      %broadcast_in_dim3A_1102 = arith.constant 0.000000e+00 : f32
      %broadcast_in_dim3A_1103 = vector.broadcast %broadcast_in_dim3A_1102 : f32 to vector<16xf32>
      %broadcast_in_dim3A_1104 = arith.constant 0.000000e+00 : f32
      %broadcast_in_dim3A_1105 = vector.broadcast %broadcast_in_dim3A_1104 : f32 to vector<16xf32>
      %broadcast_in_dim3A_1106 = arith.constant 0.000000e+00 : f32
      %broadcast_in_dim3A_1107 = vector.broadcast %broadcast_in_dim3A_1106 : f32 to vector<16xf32>
      %broadcast_in_dim3A_1108 = arith.constant 0.000000e+00 : f32
      %broadcast_in_dim3A_1109 = vector.broadcast %broadcast_in_dim3A_1108 : f32 to vector<16xf32>
      %broadcast_in_dim3A_1110 = arith.constant 0.000000e+00 : f32
      %broadcast_in_dim3A_1111 = vector.broadcast %broadcast_in_dim3A_1110 : f32 to vector<16xf32>
      %broadcast_in_dim3A_1112 = arith.constant 0.000000e+00 : f32
      %broadcast_in_dim3A_1113 = vector.broadcast %broadcast_in_dim3A_1112 : f32 to vector<16xf32>
      %broadcast_in_dim3A_1114 = arith.constant 0.000000e+00 : f32
      %broadcast_in_dim3A_1115 = vector.broadcast %broadcast_in_dim3A_1114 : f32 to vector<16xf32>
      %broadcast_in_dim3A_1116 = arith.constant 0.000000e+00 : f32
      %broadcast_in_dim3A_1117 = vector.broadcast %broadcast_in_dim3A_1116 : f32 to vector<16xf32>
      %broadcast_in_dim3A_1118 = arith.constant 0.000000e+00 : f32
      %broadcast_in_dim3A_1119 = vector.broadcast %broadcast_in_dim3A_1118 : f32 to vector<16xf32>
      %broadcast_in_dim3A_1120 = arith.constant 0.000000e+00 : f32
      %broadcast_in_dim3A_1121 = vector.broadcast %broadcast_in_dim3A_1120 : f32 to vector<16xf32>
      %broadcast_in_dim3A_1122 = arith.constant 0.000000e+00 : f32
      %broadcast_in_dim3A_1123 = vector.broadcast %broadcast_in_dim3A_1122 : f32 to vector<16xf32>
      %broadcast_in_dim3A_1124 = arith.constant 0.000000e+00 : f32
      %broadcast_in_dim3A_1125 = vector.broadcast %broadcast_in_dim3A_1124 : f32 to vector<16xf32>
      %broadcast_in_dim3A_1126 = arith.constant 0.000000e+00 : f32
      %broadcast_in_dim3A_1127 = vector.broadcast %broadcast_in_dim3A_1126 : f32 to vector<16xf32>
      %broadcast_in_dim3A_1128 = arith.constant 0.000000e+00 : f32
      %broadcast_in_dim3A_1129 = vector.broadcast %broadcast_in_dim3A_1128 : f32 to vector<16xf32>
      %broadcast_in_dim3A_1130 = arith.constant 0.000000e+00 : f32
      %broadcast_in_dim3A_1131 = vector.broadcast %broadcast_in_dim3A_1130 : f32 to vector<16xf32>
      %broadcast_in_dim3A_1132 = arith.constant 0.000000e+00 : f32
      %broadcast_in_dim3A_1133 = vector.broadcast %broadcast_in_dim3A_1132 : f32 to vector<16xf32>
      %scan3A_1134 = arith.constant 0 : i32
      %scan3A_1135 = arith.constant 64 : i32
      %scan3A_1136 = arith.addi %scan3A_1134, %scan3A_1135 : i32
      %scan3A_1137 = arith.constant 4 : i32
      %scan3A_1138:20 = scf.for %scan3A_1382 = %scan3A_1134 to %scan3A_1136 step %scan3A_1137 iter_args(%scan3A_1383 = %broadcast_in_dim3A_1095, %scan3A_1384 = %broadcast_in_dim3A_1097, %scan3A_1385 = %broadcast_in_dim3A_1099, %scan3A_1386 = %broadcast_in_dim3A_1101, %scan3A_1387 = %broadcast_in_dim3A_1103, %scan3A_1388 = %broadcast_in_dim3A_1105, %scan3A_1389 = %broadcast_in_dim3A_1107, %scan3A_1390 = %broadcast_in_dim3A_1109, %scan3A_1391 = %broadcast_in_dim3A_1111, %scan3A_1392 = %broadcast_in_dim3A_1113, %scan3A_1393 = %broadcast_in_dim3A_1115, %scan3A_1394 = %broadcast_in_dim3A_1117, %scan3A_1395 = %broadcast_in_dim3A_1119, %scan3A_1396 = %broadcast_in_dim3A_1121, %scan3A_1397 = %broadcast_in_dim3A_1123, %scan3A_1398 = %broadcast_in_dim3A_1125, %scan3A_1399 = %broadcast_in_dim3A_1127, %scan3A_1400 = %broadcast_in_dim3A_1129, %scan3A_1401 = %broadcast_in_dim3A_1131, %scan3A_1402 = %broadcast_in_dim3A_1133) -> (vector<16xf32>, vector<16xf32>, vector<16xf32>, vector<16xf32>, vector<16xf32>, vector<16xf32>, vector<16xf32>, vector<16xf32>, vector<16xf32>, vector<16xf32>, vector<16xf32>, vector<16xf32>, vector<16xf32>, vector<16xf32>, vector<16xf32>, vector<16xf32>, vector<16xf32>, vector<16xf32>, vector<16xf32>, vector<16xf32>)  : i32 {
        %add3A_1403 = vector.broadcast %scan3A_1382 : i32 to vector<16xi32>
        %add3A_1404 = arith.addi %iota3A, %add3A_1403 : vector<16xi32>
        %and3A = arith.constant 63 : i32
        %and3A_1405 = vector.broadcast %and3A : i32 to vector<16xi32>
        %and3A_1406 = arith.andi %add3A_1404, %and3A_1405 : vector<16xi32>
        %gather3A = tpu.vector_load_idx %arg9[%iota3A, %and3A_1406] : memref<16x64xf32, #tpu.memory_space<vmem>>[vector<16xi32>, vector<16xi32>], vector<16xf32>,
        %gather3A_1407 = tpu.vector_load_idx %arg11[%add3A_6, %and3A_1406] : memref<320x64xf32, #tpu.memory_space<vmem>>[vector<16xi32>, vector<16xi32>], vector<16xf32>,
        %mul3A_1408 = arith.mulf %gather3A, %gather3A_1407 : vector<16xf32>
        %add3A_1409 = arith.addf %scan3A_1383, %mul3A_1408 : vector<16xf32>
        %gather3A_1410 = tpu.vector_load_idx %arg11[%add3A_12, %and3A_1406] : memref<320x64xf32, #tpu.memory_space<vmem>>[vector<16xi32>, vector<16xi32>], vector<16xf32>,
        %mul3A_1411 = arith.mulf %gather3A, %gather3A_1410 : vector<16xf32>
        %add3A_1412 = arith.addf %scan3A_1384, %mul3A_1411 : vector<16xf32>
        %gather3A_1413 = tpu.vector_load_idx %arg11[%add3A_18, %and3A_1406] : memref<320x64xf32, #tpu.memory_space<vmem>>[vector<16xi32>, vector<16xi32>], vector<16xf32>,
        %mul3A_1414 = arith.mulf %gather3A, %gather3A_1413 : vector<16xf32>
        %add3A_1415 = arith.addf %scan3A_1385, %mul3A_1414 : vector<16xf32>
        %gather3A_1416 = tpu.vector_load_idx %arg11[%add3A_24, %and3A_1406] : memref<320x64xf32, #tpu.memory_space<vmem>>[vector<16xi32>, vector<16xi32>], vector<16xf32>,
        %mul3A_1417 = arith.mulf %gather3A, %gather3A_1416 : vector<16xf32>
        %add3A_1418 = arith.addf %scan3A_1386, %mul3A_1417 : vector<16xf32>
        %gather3A_1419 = tpu.vector_load_idx %arg11[%add3A_30, %and3A_1406] : memref<320x64xf32, #tpu.memory_space<vmem>>[vector<16xi32>, vector<16xi32>], vector<16xf32>,
        %mul3A_1420 = arith.mulf %gather3A, %gather3A_1419 : vector<16xf32>
        %add3A_1421 = arith.addf %scan3A_1387, %mul3A_1420 : vector<16xf32>
        %gather3A_1422 = tpu.vector_load_idx %arg11[%add3A_36, %and3A_1406] : memref<320x64xf32, #tpu.memory_space<vmem>>[vector<16xi32>, vector<16xi32>], vector<16xf32>,
        %mul3A_1423 = arith.mulf %gather3A, %gather3A_1422 : vector<16xf32>
        %add3A_1424 = arith.addf %scan3A_1388, %mul3A_1423 : vector<16xf32>
        %gather3A_1425 = tpu.vector_load_idx %arg11[%add3A_42, %and3A_1406] : memref<320x64xf32, #tpu.memory_space<vmem>>[vector<16xi32>, vector<16xi32>], vector<16xf32>,
        %mul3A_1426 = arith.mulf %gather3A, %gather3A_1425 : vector<16xf32>
        %add3A_1427 = arith.addf %scan3A_1389, %mul3A_1426 : vector<16xf32>
        %gather3A_1428 = tpu.vector_load_idx %arg11[%add3A_48, %and3A_1406] : memref<320x64xf32, #tpu.memory_space<vmem>>[vector<16xi32>, vector<16xi32>], vector<16xf32>,
        %mul3A_1429 = arith.mulf %gather3A, %gather3A_1428 : vector<16xf32>
        %add3A_1430 = arith.addf %scan3A_1390, %mul3A_1429 : vector<16xf32>
        %gather3A_1431 = tpu.vector_load_idx %arg11[%add3A_54, %and3A_1406] : memref<320x64xf32, #tpu.memory_space<vmem>>[vector<16xi32>, vector<16xi32>], vector<16xf32>,
        %mul3A_1432 = arith.mulf %gather3A, %gather3A_1431 : vector<16xf32>
        %add3A_1433 = arith.addf %scan3A_1391, %mul3A_1432 : vector<16xf32>
        %gather3A_1434 = tpu.vector_load_idx %arg11[%add3A_60, %and3A_1406] : memref<320x64xf32, #tpu.memory_space<vmem>>[vector<16xi32>, vector<16xi32>], vector<16xf32>,
        %mul3A_1435 = arith.mulf %gather3A, %gather3A_1434 : vector<16xf32>
        %add3A_1436 = arith.addf %scan3A_1392, %mul3A_1435 : vector<16xf32>
        %gather3A_1437 = tpu.vector_load_idx %arg11[%add3A_66, %and3A_1406] : memref<320x64xf32, #tpu.memory_space<vmem>>[vector<16xi32>, vector<16xi32>], vector<16xf32>,
        %mul3A_1438 = arith.mulf %gather3A, %gather3A_1437 : vector<16xf32>
        %add3A_1439 = arith.addf %scan3A_1393, %mul3A_1438 : vector<16xf32>
        %gather3A_1440 = tpu.vector_load_idx %arg11[%add3A_72, %and3A_1406] : memref<320x64xf32, #tpu.memory_space<vmem>>[vector<16xi32>, vector<16xi32>], vector<16xf32>,
        %mul3A_1441 = arith.mulf %gather3A, %gather3A_1440 : vector<16xf32>
        %add3A_1442 = arith.addf %scan3A_1394, %mul3A_1441 : vector<16xf32>
        %gather3A_1443 = tpu.vector_load_idx %arg11[%add3A_78, %and3A_1406] : memref<320x64xf32, #tpu.memory_space<vmem>>[vector<16xi32>, vector<16xi32>], vector<16xf32>,
        %mul3A_1444 = arith.mulf %gather3A, %gather3A_1443 : vector<16xf32>
        %add3A_1445 = arith.addf %scan3A_1395, %mul3A_1444 : vector<16xf32>
        %gather3A_1446 = tpu.vector_load_idx %arg11[%add3A_84, %and3A_1406] : memref<320x64xf32, #tpu.memory_space<vmem>>[vector<16xi32>, vector<16xi32>], vector<16xf32>,
        %mul3A_1447 = arith.mulf %gather3A, %gather3A_1446 : vector<16xf32>
        %add3A_1448 = arith.addf %scan3A_1396, %mul3A_1447 : vector<16xf32>
        %gather3A_1449 = tpu.vector_load_idx %arg11[%add3A_90, %and3A_1406] : memref<320x64xf32, #tpu.memory_space<vmem>>[vector<16xi32>, vector<16xi32>], vector<16xf32>,
        %mul3A_1450 = arith.mulf %gather3A, %gather3A_1449 : vector<16xf32>
        %add3A_1451 = arith.addf %scan3A_1397, %mul3A_1450 : vector<16xf32>
        %gather3A_1452 = tpu.vector_load_idx %arg11[%add3A_96, %and3A_1406] : memref<320x64xf32, #tpu.memory_space<vmem>>[vector<16xi32>, vector<16xi32>], vector<16xf32>,
        %mul3A_1453 = arith.mulf %gather3A, %gather3A_1452 : vector<16xf32>
        %add3A_1454 = arith.addf %scan3A_1398, %mul3A_1453 : vector<16xf32>
        %gather3A_1455 = tpu.vector_load_idx %arg11[%add3A_102, %and3A_1406] : memref<320x64xf32, #tpu.memory_space<vmem>>[vector<16xi32>, vector<16xi32>], vector<16xf32>,
        %mul3A_1456 = arith.mulf %gather3A, %gather3A_1455 : vector<16xf32>
        %add3A_1457 = arith.addf %scan3A_1399, %mul3A_1456 : vector<16xf32>
        %gather3A_1458 = tpu.vector_load_idx %arg11[%add3A_108, %and3A_1406] : memref<320x64xf32, #tpu.memory_space<vmem>>[vector<16xi32>, vector<16xi32>], vector<16xf32>,
        %mul3A_1459 = arith.mulf %gather3A, %gather3A_1458 : vector<16xf32>
        %add3A_1460 = arith.addf %scan3A_1400, %mul3A_1459 : vector<16xf32>
        %gather3A_1461 = tpu.vector_load_idx %arg11[%add3A_114, %and3A_1406] : memref<320x64xf32, #tpu.memory_space<vmem>>[vector<16xi32>, vector<16xi32>], vector<16xf32>,
        %mul3A_1462 = arith.mulf %gather3A, %gather3A_1461 : vector<16xf32>
        %add3A_1463 = arith.addf %scan3A_1401, %mul3A_1462 : vector<16xf32>
        %gather3A_1464 = tpu.vector_load_idx %arg11[%add3A_120, %and3A_1406] : memref<320x64xf32, #tpu.memory_space<vmem>>[vector<16xi32>, vector<16xi32>], vector<16xf32>,
        %mul3A_1465 = arith.mulf %gather3A, %gather3A_1464 : vector<16xf32>
        %add3A_1466 = arith.addf %scan3A_1402, %mul3A_1465 : vector<16xf32>
        %scan3A_1467 = arith.constant 1 : i32
        %scan3A_1468 = arith.addi %scan3A_1382, %scan3A_1467 : i32
        %add3A_1469 = vector.broadcast %scan3A_1468 : i32 to vector<16xi32>
        %add3A_1470 = arith.addi %iota3A, %add3A_1469 : vector<16xi32>
        %and3A_1471 = arith.constant 63 : i32
        %and3A_1472 = vector.broadcast %and3A_1471 : i32 to vector<16xi32>
        %and3A_1473 = arith.andi %add3A_1470, %and3A_1472 : vector<16xi32>
        %gather3A_1474 = tpu.vector_load_idx %arg9[%iota3A, %and3A_1473] : memref<16x64xf32, #tpu.memory_space<vmem>>[vector<16xi32>, vector<16xi32>], vector<16xf32>,
        %gather3A_1475 = tpu.vector_load_idx %arg11[%add3A_6, %and3A_1473] : memref<320x64xf32, #tpu.memory_space<vmem>>[vector<16xi32>, vector<16xi32>], vector<16xf32>,
        %mul3A_1476 = arith.mulf %gather3A_1474, %gather3A_1475 : vector<16xf32>
        %add3A_1477 = arith.addf %add3A_1409, %mul3A_1476 : vector<16xf32>
        %gather3A_1478 = tpu.vector_load_idx %arg11[%add3A_12, %and3A_1473] : memref<320x64xf32, #tpu.memory_space<vmem>>[vector<16xi32>, vector<16xi32>], vector<16xf32>,
        %mul3A_1479 = arith.mulf %gather3A_1474, %gather3A_1478 : vector<16xf32>
        %add3A_1480 = arith.addf %add3A_1412, %mul3A_1479 : vector<16xf32>
        %gather3A_1481 = tpu.vector_load_idx %arg11[%add3A_18, %and3A_1473] : memref<320x64xf32, #tpu.memory_space<vmem>>[vector<16xi32>, vector<16xi32>], vector<16xf32>,
        %mul3A_1482 = arith.mulf %gather3A_1474, %gather3A_1481 : vector<16xf32>
        %add3A_1483 = arith.addf %add3A_1415, %mul3A_1482 : vector<16xf32>
        %gather3A_1484 = tpu.vector_load_idx %arg11[%add3A_24, %and3A_1473] : memref<320x64xf32, #tpu.memory_space<vmem>>[vector<16xi32>, vector<16xi32>], vector<16xf32>,
        %mul3A_1485 = arith.mulf %gather3A_1474, %gather3A_1484 : vector<16xf32>
        %add3A_1486 = arith.addf %add3A_1418, %mul3A_1485 : vector<16xf32>
        %gather3A_1487 = tpu.vector_load_idx %arg11[%add3A_30, %and3A_1473] : memref<320x64xf32, #tpu.memory_space<vmem>>[vector<16xi32>, vector<16xi32>], vector<16xf32>,
        %mul3A_1488 = arith.mulf %gather3A_1474, %gather3A_1487 : vector<16xf32>
        %add3A_1489 = arith.addf %add3A_1421, %mul3A_1488 : vector<16xf32>
        %gather3A_1490 = tpu.vector_load_idx %arg11[%add3A_36, %and3A_1473] : memref<320x64xf32, #tpu.memory_space<vmem>>[vector<16xi32>, vector<16xi32>], vector<16xf32>,
        %mul3A_1491 = arith.mulf %gather3A_1474, %gather3A_1490 : vector<16xf32>
        %add3A_1492 = arith.addf %add3A_1424, %mul3A_1491 : vector<16xf32>
        %gather3A_1493 = tpu.vector_load_idx %arg11[%add3A_42, %and3A_1473] : memref<320x64xf32, #tpu.memory_space<vmem>>[vector<16xi32>, vector<16xi32>], vector<16xf32>,
        %mul3A_1494 = arith.mulf %gather3A_1474, %gather3A_1493 : vector<16xf32>
        %add3A_1495 = arith.addf %add3A_1427, %mul3A_1494 : vector<16xf32>
        %gather3A_1496 = tpu.vector_load_idx %arg11[%add3A_48, %and3A_1473] : memref<320x64xf32, #tpu.memory_space<vmem>>[vector<16xi32>, vector<16xi32>], vector<16xf32>,
        %mul3A_1497 = arith.mulf %gather3A_1474, %gather3A_1496 : vector<16xf32>
        %add3A_1498 = arith.addf %add3A_1430, %mul3A_1497 : vector<16xf32>
        %gather3A_1499 = tpu.vector_load_idx %arg11[%add3A_54, %and3A_1473] : memref<320x64xf32, #tpu.memory_space<vmem>>[vector<16xi32>, vector<16xi32>], vector<16xf32>,
        %mul3A_1500 = arith.mulf %gather3A_1474, %gather3A_1499 : vector<16xf32>
        %add3A_1501 = arith.addf %add3A_1433, %mul3A_1500 : vector<16xf32>
        %gather3A_1502 = tpu.vector_load_idx %arg11[%add3A_60, %and3A_1473] : memref<320x64xf32, #tpu.memory_space<vmem>>[vector<16xi32>, vector<16xi32>], vector<16xf32>,
        %mul3A_1503 = arith.mulf %gather3A_1474, %gather3A_1502 : vector<16xf32>
        %add3A_1504 = arith.addf %add3A_1436, %mul3A_1503 : vector<16xf32>
        %gather3A_1505 = tpu.vector_load_idx %arg11[%add3A_66, %and3A_1473] : memref<320x64xf32, #tpu.memory_space<vmem>>[vector<16xi32>, vector<16xi32>], vector<16xf32>,
        %mul3A_1506 = arith.mulf %gather3A_1474, %gather3A_1505 : vector<16xf32>
        %add3A_1507 = arith.addf %add3A_1439, %mul3A_1506 : vector<16xf32>
        %gather3A_1508 = tpu.vector_load_idx %arg11[%add3A_72, %and3A_1473] : memref<320x64xf32, #tpu.memory_space<vmem>>[vector<16xi32>, vector<16xi32>], vector<16xf32>,
        %mul3A_1509 = arith.mulf %gather3A_1474, %gather3A_1508 : vector<16xf32>
        %add3A_1510 = arith.addf %add3A_1442, %mul3A_1509 : vector<16xf32>
        %gather3A_1511 = tpu.vector_load_idx %arg11[%add3A_78, %and3A_1473] : memref<320x64xf32, #tpu.memory_space<vmem>>[vector<16xi32>, vector<16xi32>], vector<16xf32>,
        %mul3A_1512 = arith.mulf %gather3A_1474, %gather3A_1511 : vector<16xf32>
        %add3A_1513 = arith.addf %add3A_1445, %mul3A_1512 : vector<16xf32>
        %gather3A_1514 = tpu.vector_load_idx %arg11[%add3A_84, %and3A_1473] : memref<320x64xf32, #tpu.memory_space<vmem>>[vector<16xi32>, vector<16xi32>], vector<16xf32>,
        %mul3A_1515 = arith.mulf %gather3A_1474, %gather3A_1514 : vector<16xf32>
        %add3A_1516 = arith.addf %add3A_1448, %mul3A_1515 : vector<16xf32>
        %gather3A_1517 = tpu.vector_load_idx %arg11[%add3A_90, %and3A_1473] : memref<320x64xf32, #tpu.memory_space<vmem>>[vector<16xi32>, vector<16xi32>], vector<16xf32>,
        %mul3A_1518 = arith.mulf %gather3A_1474, %gather3A_1517 : vector<16xf32>
        %add3A_1519 = arith.addf %add3A_1451, %mul3A_1518 : vector<16xf32>
        %gather3A_1520 = tpu.vector_load_idx %arg11[%add3A_96, %and3A_1473] : memref<320x64xf32, #tpu.memory_space<vmem>>[vector<16xi32>, vector<16xi32>], vector<16xf32>,
        %mul3A_1521 = arith.mulf %gather3A_1474, %gather3A_1520 : vector<16xf32>
        %add3A_1522 = arith.addf %add3A_1454, %mul3A_1521 : vector<16xf32>
        %gather3A_1523 = tpu.vector_load_idx %arg11[%add3A_102, %and3A_1473] : memref<320x64xf32, #tpu.memory_space<vmem>>[vector<16xi32>, vector<16xi32>], vector<16xf32>,
        %mul3A_1524 = arith.mulf %gather3A_1474, %gather3A_1523 : vector<16xf32>
        %add3A_1525 = arith.addf %add3A_1457, %mul3A_1524 : vector<16xf32>
        %gather3A_1526 = tpu.vector_load_idx %arg11[%add3A_108, %and3A_1473] : memref<320x64xf32, #tpu.memory_space<vmem>>[vector<16xi32>, vector<16xi32>], vector<16xf32>,
        %mul3A_1527 = arith.mulf %gather3A_1474, %gather3A_1526 : vector<16xf32>
        %add3A_1528 = arith.addf %add3A_1460, %mul3A_1527 : vector<16xf32>
        %gather3A_1529 = tpu.vector_load_idx %arg11[%add3A_114, %and3A_1473] : memref<320x64xf32, #tpu.memory_space<vmem>>[vector<16xi32>, vector<16xi32>], vector<16xf32>,
        %mul3A_1530 = arith.mulf %gather3A_1474, %gather3A_1529 : vector<16xf32>
        %add3A_1531 = arith.addf %add3A_1463, %mul3A_1530 : vector<16xf32>
        %gather3A_1532 = tpu.vector_load_idx %arg11[%add3A_120, %and3A_1473] : memref<320x64xf32, #tpu.memory_space<vmem>>[vector<16xi32>, vector<16xi32>], vector<16xf32>,
        %mul3A_1533 = arith.mulf %gather3A_1474, %gather3A_1532 : vector<16xf32>
        %add3A_1534 = arith.addf %add3A_1466, %mul3A_1533 : vector<16xf32>
        %scan3A_1535 = arith.constant 2 : i32
        %scan3A_1536 = arith.addi %scan3A_1382, %scan3A_1535 : i32
        %add3A_1537 = vector.broadcast %scan3A_1536 : i32 to vector<16xi32>
        %add3A_1538 = arith.addi %iota3A, %add3A_1537 : vector<16xi32>
        %and3A_1539 = arith.constant 63 : i32
        %and3A_1540 = vector.broadcast %and3A_1539 : i32 to vector<16xi32>
        %and3A_1541 = arith.andi %add3A_1538, %and3A_1540 : vector<16xi32>
        %gather3A_1542 = tpu.vector_load_idx %arg9[%iota3A, %and3A_1541] : memref<16x64xf32, #tpu.memory_space<vmem>>[vector<16xi32>, vector<16xi32>], vector<16xf32>,
        %gather3A_1543 = tpu.vector_load_idx %arg11[%add3A_6, %and3A_1541] : memref<320x64xf32, #tpu.memory_space<vmem>>[vector<16xi32>, vector<16xi32>], vector<16xf32>,
        %mul3A_1544 = arith.mulf %gather3A_1542, %gather3A_1543 : vector<16xf32>
        %add3A_1545 = arith.addf %add3A_1477, %mul3A_1544 : vector<16xf32>
        %gather3A_1546 = tpu.vector_load_idx %arg11[%add3A_12, %and3A_1541] : memref<320x64xf32, #tpu.memory_space<vmem>>[vector<16xi32>, vector<16xi32>], vector<16xf32>,
        %mul3A_1547 = arith.mulf %gather3A_1542, %gather3A_1546 : vector<16xf32>
        %add3A_1548 = arith.addf %add3A_1480, %mul3A_1547 : vector<16xf32>
        %gather3A_1549 = tpu.vector_load_idx %arg11[%add3A_18, %and3A_1541] : memref<320x64xf32, #tpu.memory_space<vmem>>[vector<16xi32>, vector<16xi32>], vector<16xf32>,
        %mul3A_1550 = arith.mulf %gather3A_1542, %gather3A_1549 : vector<16xf32>
        %add3A_1551 = arith.addf %add3A_1483, %mul3A_1550 : vector<16xf32>
        %gather3A_1552 = tpu.vector_load_idx %arg11[%add3A_24, %and3A_1541] : memref<320x64xf32, #tpu.memory_space<vmem>>[vector<16xi32>, vector<16xi32>], vector<16xf32>,
        %mul3A_1553 = arith.mulf %gather3A_1542, %gather3A_1552 : vector<16xf32>
        %add3A_1554 = arith.addf %add3A_1486, %mul3A_1553 : vector<16xf32>
        %gather3A_1555 = tpu.vector_load_idx %arg11[%add3A_30, %and3A_1541] : memref<320x64xf32, #tpu.memory_space<vmem>>[vector<16xi32>, vector<16xi32>], vector<16xf32>,
        %mul3A_1556 = arith.mulf %gather3A_1542, %gather3A_1555 : vector<16xf32>
        %add3A_1557 = arith.addf %add3A_1489, %mul3A_1556 : vector<16xf32>
        %gather3A_1558 = tpu.vector_load_idx %arg11[%add3A_36, %and3A_1541] : memref<320x64xf32, #tpu.memory_space<vmem>>[vector<16xi32>, vector<16xi32>], vector<16xf32>,
        %mul3A_1559 = arith.mulf %gather3A_1542, %gather3A_1558 : vector<16xf32>
        %add3A_1560 = arith.addf %add3A_1492, %mul3A_1559 : vector<16xf32>
        %gather3A_1561 = tpu.vector_load_idx %arg11[%add3A_42, %and3A_1541] : memref<320x64xf32, #tpu.memory_space<vmem>>[vector<16xi32>, vector<16xi32>], vector<16xf32>,
        %mul3A_1562 = arith.mulf %gather3A_1542, %gather3A_1561 : vector<16xf32>
        %add3A_1563 = arith.addf %add3A_1495, %mul3A_1562 : vector<16xf32>
        %gather3A_1564 = tpu.vector_load_idx %arg11[%add3A_48, %and3A_1541] : memref<320x64xf32, #tpu.memory_space<vmem>>[vector<16xi32>, vector<16xi32>], vector<16xf32>,
        %mul3A_1565 = arith.mulf %gather3A_1542, %gather3A_1564 : vector<16xf32>
        %add3A_1566 = arith.addf %add3A_1498, %mul3A_1565 : vector<16xf32>
        %gather3A_1567 = tpu.vector_load_idx %arg11[%add3A_54, %and3A_1541] : memref<320x64xf32, #tpu.memory_space<vmem>>[vector<16xi32>, vector<16xi32>], vector<16xf32>,
        %mul3A_1568 = arith.mulf %gather3A_1542, %gather3A_1567 : vector<16xf32>
        %add3A_1569 = arith.addf %add3A_1501, %mul3A_1568 : vector<16xf32>
        %gather3A_1570 = tpu.vector_load_idx %arg11[%add3A_60, %and3A_1541] : memref<320x64xf32, #tpu.memory_space<vmem>>[vector<16xi32>, vector<16xi32>], vector<16xf32>,
        %mul3A_1571 = arith.mulf %gather3A_1542, %gather3A_1570 : vector<16xf32>
        %add3A_1572 = arith.addf %add3A_1504, %mul3A_1571 : vector<16xf32>
        %gather3A_1573 = tpu.vector_load_idx %arg11[%add3A_66, %and3A_1541] : memref<320x64xf32, #tpu.memory_space<vmem>>[vector<16xi32>, vector<16xi32>], vector<16xf32>,
        %mul3A_1574 = arith.mulf %gather3A_1542, %gather3A_1573 : vector<16xf32>
        %add3A_1575 = arith.addf %add3A_1507, %mul3A_1574 : vector<16xf32>
        %gather3A_1576 = tpu.vector_load_idx %arg11[%add3A_72, %and3A_1541] : memref<320x64xf32, #tpu.memory_space<vmem>>[vector<16xi32>, vector<16xi32>], vector<16xf32>,
        %mul3A_1577 = arith.mulf %gather3A_1542, %gather3A_1576 : vector<16xf32>
        %add3A_1578 = arith.addf %add3A_1510, %mul3A_1577 : vector<16xf32>
        %gather3A_1579 = tpu.vector_load_idx %arg11[%add3A_78, %and3A_1541] : memref<320x64xf32, #tpu.memory_space<vmem>>[vector<16xi32>, vector<16xi32>], vector<16xf32>,
        %mul3A_1580 = arith.mulf %gather3A_1542, %gather3A_1579 : vector<16xf32>
        %add3A_1581 = arith.addf %add3A_1513, %mul3A_1580 : vector<16xf32>
        %gather3A_1582 = tpu.vector_load_idx %arg11[%add3A_84, %and3A_1541] : memref<320x64xf32, #tpu.memory_space<vmem>>[vector<16xi32>, vector<16xi32>], vector<16xf32>,
        %mul3A_1583 = arith.mulf %gather3A_1542, %gather3A_1582 : vector<16xf32>
        %add3A_1584 = arith.addf %add3A_1516, %mul3A_1583 : vector<16xf32>
        %gather3A_1585 = tpu.vector_load_idx %arg11[%add3A_90, %and3A_1541] : memref<320x64xf32, #tpu.memory_space<vmem>>[vector<16xi32>, vector<16xi32>], vector<16xf32>,
        %mul3A_1586 = arith.mulf %gather3A_1542, %gather3A_1585 : vector<16xf32>
        %add3A_1587 = arith.addf %add3A_1519, %mul3A_1586 : vector<16xf32>
        %gather3A_1588 = tpu.vector_load_idx %arg11[%add3A_96, %and3A_1541] : memref<320x64xf32, #tpu.memory_space<vmem>>[vector<16xi32>, vector<16xi32>], vector<16xf32>,
        %mul3A_1589 = arith.mulf %gather3A_1542, %gather3A_1588 : vector<16xf32>
        %add3A_1590 = arith.addf %add3A_1522, %mul3A_1589 : vector<16xf32>
        %gather3A_1591 = tpu.vector_load_idx %arg11[%add3A_102, %and3A_1541] : memref<320x64xf32, #tpu.memory_space<vmem>>[vector<16xi32>, vector<16xi32>], vector<16xf32>,
        %mul3A_1592 = arith.mulf %gather3A_1542, %gather3A_1591 : vector<16xf32>
        %add3A_1593 = arith.addf %add3A_1525, %mul3A_1592 : vector<16xf32>
        %gather3A_1594 = tpu.vector_load_idx %arg11[%add3A_108, %and3A_1541] : memref<320x64xf32, #tpu.memory_space<vmem>>[vector<16xi32>, vector<16xi32>], vector<16xf32>,
        %mul3A_1595 = arith.mulf %gather3A_1542, %gather3A_1594 : vector<16xf32>
        %add3A_1596 = arith.addf %add3A_1528, %mul3A_1595 : vector<16xf32>
        %gather3A_1597 = tpu.vector_load_idx %arg11[%add3A_114, %and3A_1541] : memref<320x64xf32, #tpu.memory_space<vmem>>[vector<16xi32>, vector<16xi32>], vector<16xf32>,
        %mul3A_1598 = arith.mulf %gather3A_1542, %gather3A_1597 : vector<16xf32>
        %add3A_1599 = arith.addf %add3A_1531, %mul3A_1598 : vector<16xf32>
        %gather3A_1600 = tpu.vector_load_idx %arg11[%add3A_120, %and3A_1541] : memref<320x64xf32, #tpu.memory_space<vmem>>[vector<16xi32>, vector<16xi32>], vector<16xf32>,
        %mul3A_1601 = arith.mulf %gather3A_1542, %gather3A_1600 : vector<16xf32>
        %add3A_1602 = arith.addf %add3A_1534, %mul3A_1601 : vector<16xf32>
        %scan3A_1603 = arith.constant 3 : i32
        %scan3A_1604 = arith.addi %scan3A_1382, %scan3A_1603 : i32
        %add3A_1605 = vector.broadcast %scan3A_1604 : i32 to vector<16xi32>
        %add3A_1606 = arith.addi %iota3A, %add3A_1605 : vector<16xi32>
        %and3A_1607 = arith.constant 63 : i32
        %and3A_1608 = vector.broadcast %and3A_1607 : i32 to vector<16xi32>
        %and3A_1609 = arith.andi %add3A_1606, %and3A_1608 : vector<16xi32>
        %gather3A_1610 = tpu.vector_load_idx %arg9[%iota3A, %and3A_1609] : memref<16x64xf32, #tpu.memory_space<vmem>>[vector<16xi32>, vector<16xi32>], vector<16xf32>,
        %gather3A_1611 = tpu.vector_load_idx %arg11[%add3A_6, %and3A_1609] : memref<320x64xf32, #tpu.memory_space<vmem>>[vector<16xi32>, vector<16xi32>], vector<16xf32>,
        %mul3A_1612 = arith.mulf %gather3A_1610, %gather3A_1611 : vector<16xf32>
        %add3A_1613 = arith.addf %add3A_1545, %mul3A_1612 : vector<16xf32>
        %gather3A_1614 = tpu.vector_load_idx %arg11[%add3A_12, %and3A_1609] : memref<320x64xf32, #tpu.memory_space<vmem>>[vector<16xi32>, vector<16xi32>], vector<16xf32>,
        %mul3A_1615 = arith.mulf %gather3A_1610, %gather3A_1614 : vector<16xf32>
        %add3A_1616 = arith.addf %add3A_1548, %mul3A_1615 : vector<16xf32>
        %gather3A_1617 = tpu.vector_load_idx %arg11[%add3A_18, %and3A_1609] : memref<320x64xf32, #tpu.memory_space<vmem>>[vector<16xi32>, vector<16xi32>], vector<16xf32>,
        %mul3A_1618 = arith.mulf %gather3A_1610, %gather3A_1617 : vector<16xf32>
        %add3A_1619 = arith.addf %add3A_1551, %mul3A_1618 : vector<16xf32>
        %gather3A_1620 = tpu.vector_load_idx %arg11[%add3A_24, %and3A_1609] : memref<320x64xf32, #tpu.memory_space<vmem>>[vector<16xi32>, vector<16xi32>], vector<16xf32>,
        %mul3A_1621 = arith.mulf %gather3A_1610, %gather3A_1620 : vector<16xf32>
        %add3A_1622 = arith.addf %add3A_1554, %mul3A_1621 : vector<16xf32>
        %gather3A_1623 = tpu.vector_load_idx %arg11[%add3A_30, %and3A_1609] : memref<320x64xf32, #tpu.memory_space<vmem>>[vector<16xi32>, vector<16xi32>], vector<16xf32>,
        %mul3A_1624 = arith.mulf %gather3A_1610, %gather3A_1623 : vector<16xf32>
        %add3A_1625 = arith.addf %add3A_1557, %mul3A_1624 : vector<16xf32>
        %gather3A_1626 = tpu.vector_load_idx %arg11[%add3A_36, %and3A_1609] : memref<320x64xf32, #tpu.memory_space<vmem>>[vector<16xi32>, vector<16xi32>], vector<16xf32>,
        %mul3A_1627 = arith.mulf %gather3A_1610, %gather3A_1626 : vector<16xf32>
        %add3A_1628 = arith.addf %add3A_1560, %mul3A_1627 : vector<16xf32>
        %gather3A_1629 = tpu.vector_load_idx %arg11[%add3A_42, %and3A_1609] : memref<320x64xf32, #tpu.memory_space<vmem>>[vector<16xi32>, vector<16xi32>], vector<16xf32>,
        %mul3A_1630 = arith.mulf %gather3A_1610, %gather3A_1629 : vector<16xf32>
        %add3A_1631 = arith.addf %add3A_1563, %mul3A_1630 : vector<16xf32>
        %gather3A_1632 = tpu.vector_load_idx %arg11[%add3A_48, %and3A_1609] : memref<320x64xf32, #tpu.memory_space<vmem>>[vector<16xi32>, vector<16xi32>], vector<16xf32>,
        %mul3A_1633 = arith.mulf %gather3A_1610, %gather3A_1632 : vector<16xf32>
        %add3A_1634 = arith.addf %add3A_1566, %mul3A_1633 : vector<16xf32>
        %gather3A_1635 = tpu.vector_load_idx %arg11[%add3A_54, %and3A_1609] : memref<320x64xf32, #tpu.memory_space<vmem>>[vector<16xi32>, vector<16xi32>], vector<16xf32>,
        %mul3A_1636 = arith.mulf %gather3A_1610, %gather3A_1635 : vector<16xf32>
        %add3A_1637 = arith.addf %add3A_1569, %mul3A_1636 : vector<16xf32>
        %gather3A_1638 = tpu.vector_load_idx %arg11[%add3A_60, %and3A_1609] : memref<320x64xf32, #tpu.memory_space<vmem>>[vector<16xi32>, vector<16xi32>], vector<16xf32>,
        %mul3A_1639 = arith.mulf %gather3A_1610, %gather3A_1638 : vector<16xf32>
        %add3A_1640 = arith.addf %add3A_1572, %mul3A_1639 : vector<16xf32>
        %gather3A_1641 = tpu.vector_load_idx %arg11[%add3A_66, %and3A_1609] : memref<320x64xf32, #tpu.memory_space<vmem>>[vector<16xi32>, vector<16xi32>], vector<16xf32>,
        %mul3A_1642 = arith.mulf %gather3A_1610, %gather3A_1641 : vector<16xf32>
        %add3A_1643 = arith.addf %add3A_1575, %mul3A_1642 : vector<16xf32>
        %gather3A_1644 = tpu.vector_load_idx %arg11[%add3A_72, %and3A_1609] : memref<320x64xf32, #tpu.memory_space<vmem>>[vector<16xi32>, vector<16xi32>], vector<16xf32>,
        %mul3A_1645 = arith.mulf %gather3A_1610, %gather3A_1644 : vector<16xf32>
        %add3A_1646 = arith.addf %add3A_1578, %mul3A_1645 : vector<16xf32>
        %gather3A_1647 = tpu.vector_load_idx %arg11[%add3A_78, %and3A_1609] : memref<320x64xf32, #tpu.memory_space<vmem>>[vector<16xi32>, vector<16xi32>], vector<16xf32>,
        %mul3A_1648 = arith.mulf %gather3A_1610, %gather3A_1647 : vector<16xf32>
        %add3A_1649 = arith.addf %add3A_1581, %mul3A_1648 : vector<16xf32>
        %gather3A_1650 = tpu.vector_load_idx %arg11[%add3A_84, %and3A_1609] : memref<320x64xf32, #tpu.memory_space<vmem>>[vector<16xi32>, vector<16xi32>], vector<16xf32>,
        %mul3A_1651 = arith.mulf %gather3A_1610, %gather3A_1650 : vector<16xf32>
        %add3A_1652 = arith.addf %add3A_1584, %mul3A_1651 : vector<16xf32>
        %gather3A_1653 = tpu.vector_load_idx %arg11[%add3A_90, %and3A_1609] : memref<320x64xf32, #tpu.memory_space<vmem>>[vector<16xi32>, vector<16xi32>], vector<16xf32>,
        %mul3A_1654 = arith.mulf %gather3A_1610, %gather3A_1653 : vector<16xf32>
        %add3A_1655 = arith.addf %add3A_1587, %mul3A_1654 : vector<16xf32>
        %gather3A_1656 = tpu.vector_load_idx %arg11[%add3A_96, %and3A_1609] : memref<320x64xf32, #tpu.memory_space<vmem>>[vector<16xi32>, vector<16xi32>], vector<16xf32>,
        %mul3A_1657 = arith.mulf %gather3A_1610, %gather3A_1656 : vector<16xf32>
        %add3A_1658 = arith.addf %add3A_1590, %mul3A_1657 : vector<16xf32>
        %gather3A_1659 = tpu.vector_load_idx %arg11[%add3A_102, %and3A_1609] : memref<320x64xf32, #tpu.memory_space<vmem>>[vector<16xi32>, vector<16xi32>], vector<16xf32>,
        %mul3A_1660 = arith.mulf %gather3A_1610, %gather3A_1659 : vector<16xf32>
        %add3A_1661 = arith.addf %add3A_1593, %mul3A_1660 : vector<16xf32>
        %gather3A_1662 = tpu.vector_load_idx %arg11[%add3A_108, %and3A_1609] : memref<320x64xf32, #tpu.memory_space<vmem>>[vector<16xi32>, vector<16xi32>], vector<16xf32>,
        %mul3A_1663 = arith.mulf %gather3A_1610, %gather3A_1662 : vector<16xf32>
        %add3A_1664 = arith.addf %add3A_1596, %mul3A_1663 : vector<16xf32>
        %gather3A_1665 = tpu.vector_load_idx %arg11[%add3A_114, %and3A_1609] : memref<320x64xf32, #tpu.memory_space<vmem>>[vector<16xi32>, vector<16xi32>], vector<16xf32>,
        %mul3A_1666 = arith.mulf %gather3A_1610, %gather3A_1665 : vector<16xf32>
        %add3A_1667 = arith.addf %add3A_1599, %mul3A_1666 : vector<16xf32>
        %gather3A_1668 = tpu.vector_load_idx %arg11[%add3A_120, %and3A_1609] : memref<320x64xf32, #tpu.memory_space<vmem>>[vector<16xi32>, vector<16xi32>], vector<16xf32>,
        %mul3A_1669 = arith.mulf %gather3A_1610, %gather3A_1668 : vector<16xf32>
        %add3A_1670 = arith.addf %add3A_1602, %mul3A_1669 : vector<16xf32>
        scf.yield %add3A_1613, %add3A_1616, %add3A_1619, %add3A_1622, %add3A_1625, %add3A_1628, %add3A_1631, %add3A_1634, %add3A_1637, %add3A_1640, %add3A_1643, %add3A_1646, %add3A_1649, %add3A_1652, %add3A_1655, %add3A_1658, %add3A_1661, %add3A_1664, %add3A_1667, %add3A_1670 : vector<16xf32>, vector<16xf32>, vector<16xf32>, vector<16xf32>, vector<16xf32>, vector<16xf32>, vector<16xf32>, vector<16xf32>, vector<16xf32>, vector<16xf32>, vector<16xf32>, vector<16xf32>, vector<16xf32>, vector<16xf32>, vector<16xf32>, vector<16xf32>, vector<16xf32>, vector<16xf32>, vector<16xf32>, vector<16xf32>
      }
      %scan3A_1139 = arith.constant 64 : i32
      %mul3A_1140 = arith.constant 320 : i32
      %mul3A_1141 = arith.muli %add3A_866, %mul3A_1140 : i32
      %neg3A_1142 = arith.constant 0.000000e+00 : f32
      %neg3A_1143 = vector.broadcast %neg3A_1142 : f32 to vector<16xf32>
      %neg3A_1144 = arith.subf %neg3A_1143, %scan3A_1138#0 : vector<16xf32>
      %exp3A_1145 = math.exp %neg3A_1144 : vector<16xf32>
      %add3A_1146 = arith.constant 1.000000e+00 : f32
      %add3A_1147 = vector.broadcast %add3A_1146 : f32 to vector<16xf32>
      %add3A_1148 = arith.addf %add3A_1147, %exp3A_1145 : vector<16xf32>
      %div3A_1149 = arith.constant 1.000000e+00 : f32
      %div3A_1150 = vector.broadcast %div3A_1149 : f32 to vector<16xf32>
      %div3A_1151 = arith.divf %div3A_1150, %add3A_1148 : vector<16xf32>
      %add3A_1152 = vector.broadcast %mul3A_1141 : i32 to vector<16xi32>
      %add3A_1153 = arith.addi %add3A_1152, %add3A_6 : vector<16xi32>
      tpu.vector_store_idx %arg12[%add3A_1153], %div3A_1151 : memref<10240xf32, #tpu.memory_space<vmem>>[vector<16xi32>], vector<16xf32>,
      %neg3A_1154 = arith.constant 0.000000e+00 : f32
      %neg3A_1155 = vector.broadcast %neg3A_1154 : f32 to vector<16xf32>
      %neg3A_1156 = arith.subf %neg3A_1155, %scan3A_1138#1 : vector<16xf32>
      %exp3A_1157 = math.exp %neg3A_1156 : vector<16xf32>
      %add3A_1158 = arith.constant 1.000000e+00 : f32
      %add3A_1159 = vector.broadcast %add3A_1158 : f32 to vector<16xf32>
      %add3A_1160 = arith.addf %add3A_1159, %exp3A_1157 : vector<16xf32>
      %div3A_1161 = arith.constant 1.000000e+00 : f32
      %div3A_1162 = vector.broadcast %div3A_1161 : f32 to vector<16xf32>
      %div3A_1163 = arith.divf %div3A_1162, %add3A_1160 : vector<16xf32>
      %add3A_1164 = vector.broadcast %mul3A_1141 : i32 to vector<16xi32>
      %add3A_1165 = arith.addi %add3A_1164, %add3A_12 : vector<16xi32>
      tpu.vector_store_idx %arg12[%add3A_1165], %div3A_1163 : memref<10240xf32, #tpu.memory_space<vmem>>[vector<16xi32>], vector<16xf32>,
      %neg3A_1166 = arith.constant 0.000000e+00 : f32
      %neg3A_1167 = vector.broadcast %neg3A_1166 : f32 to vector<16xf32>
      %neg3A_1168 = arith.subf %neg3A_1167, %scan3A_1138#2 : vector<16xf32>
      %exp3A_1169 = math.exp %neg3A_1168 : vector<16xf32>
      %add3A_1170 = arith.constant 1.000000e+00 : f32
      %add3A_1171 = vector.broadcast %add3A_1170 : f32 to vector<16xf32>
      %add3A_1172 = arith.addf %add3A_1171, %exp3A_1169 : vector<16xf32>
      %div3A_1173 = arith.constant 1.000000e+00 : f32
      %div3A_1174 = vector.broadcast %div3A_1173 : f32 to vector<16xf32>
      %div3A_1175 = arith.divf %div3A_1174, %add3A_1172 : vector<16xf32>
      %add3A_1176 = vector.broadcast %mul3A_1141 : i32 to vector<16xi32>
      %add3A_1177 = arith.addi %add3A_1176, %add3A_18 : vector<16xi32>
      tpu.vector_store_idx %arg12[%add3A_1177], %div3A_1175 : memref<10240xf32, #tpu.memory_space<vmem>>[vector<16xi32>], vector<16xf32>,
      %neg3A_1178 = arith.constant 0.000000e+00 : f32
      %neg3A_1179 = vector.broadcast %neg3A_1178 : f32 to vector<16xf32>
      %neg3A_1180 = arith.subf %neg3A_1179, %scan3A_1138#3 : vector<16xf32>
      %exp3A_1181 = math.exp %neg3A_1180 : vector<16xf32>
      %add3A_1182 = arith.constant 1.000000e+00 : f32
      %add3A_1183 = vector.broadcast %add3A_1182 : f32 to vector<16xf32>
      %add3A_1184 = arith.addf %add3A_1183, %exp3A_1181 : vector<16xf32>
      %div3A_1185 = arith.constant 1.000000e+00 : f32
      %div3A_1186 = vector.broadcast %div3A_1185 : f32 to vector<16xf32>
      %div3A_1187 = arith.divf %div3A_1186, %add3A_1184 : vector<16xf32>
      %add3A_1188 = vector.broadcast %mul3A_1141 : i32 to vector<16xi32>
      %add3A_1189 = arith.addi %add3A_1188, %add3A_24 : vector<16xi32>
      tpu.vector_store_idx %arg12[%add3A_1189], %div3A_1187 : memref<10240xf32, #tpu.memory_space<vmem>>[vector<16xi32>], vector<16xf32>,
      %neg3A_1190 = arith.constant 0.000000e+00 : f32
      %neg3A_1191 = vector.broadcast %neg3A_1190 : f32 to vector<16xf32>
      %neg3A_1192 = arith.subf %neg3A_1191, %scan3A_1138#4 : vector<16xf32>
      %exp3A_1193 = math.exp %neg3A_1192 : vector<16xf32>
      %add3A_1194 = arith.constant 1.000000e+00 : f32
      %add3A_1195 = vector.broadcast %add3A_1194 : f32 to vector<16xf32>
      %add3A_1196 = arith.addf %add3A_1195, %exp3A_1193 : vector<16xf32>
      %div3A_1197 = arith.constant 1.000000e+00 : f32
      %div3A_1198 = vector.broadcast %div3A_1197 : f32 to vector<16xf32>
      %div3A_1199 = arith.divf %div3A_1198, %add3A_1196 : vector<16xf32>
      %add3A_1200 = vector.broadcast %mul3A_1141 : i32 to vector<16xi32>
      %add3A_1201 = arith.addi %add3A_1200, %add3A_30 : vector<16xi32>
      tpu.vector_store_idx %arg12[%add3A_1201], %div3A_1199 : memref<10240xf32, #tpu.memory_space<vmem>>[vector<16xi32>], vector<16xf32>,
      %neg3A_1202 = arith.constant 0.000000e+00 : f32
      %neg3A_1203 = vector.broadcast %neg3A_1202 : f32 to vector<16xf32>
      %neg3A_1204 = arith.subf %neg3A_1203, %scan3A_1138#5 : vector<16xf32>
      %exp3A_1205 = math.exp %neg3A_1204 : vector<16xf32>
      %add3A_1206 = arith.constant 1.000000e+00 : f32
      %add3A_1207 = vector.broadcast %add3A_1206 : f32 to vector<16xf32>
      %add3A_1208 = arith.addf %add3A_1207, %exp3A_1205 : vector<16xf32>
      %div3A_1209 = arith.constant 1.000000e+00 : f32
      %div3A_1210 = vector.broadcast %div3A_1209 : f32 to vector<16xf32>
      %div3A_1211 = arith.divf %div3A_1210, %add3A_1208 : vector<16xf32>
      %add3A_1212 = vector.broadcast %mul3A_1141 : i32 to vector<16xi32>
      %add3A_1213 = arith.addi %add3A_1212, %add3A_36 : vector<16xi32>
      tpu.vector_store_idx %arg12[%add3A_1213], %div3A_1211 : memref<10240xf32, #tpu.memory_space<vmem>>[vector<16xi32>], vector<16xf32>,
      %neg3A_1214 = arith.constant 0.000000e+00 : f32
      %neg3A_1215 = vector.broadcast %neg3A_1214 : f32 to vector<16xf32>
      %neg3A_1216 = arith.subf %neg3A_1215, %scan3A_1138#6 : vector<16xf32>
      %exp3A_1217 = math.exp %neg3A_1216 : vector<16xf32>
      %add3A_1218 = arith.constant 1.000000e+00 : f32
      %add3A_1219 = vector.broadcast %add3A_1218 : f32 to vector<16xf32>
      %add3A_1220 = arith.addf %add3A_1219, %exp3A_1217 : vector<16xf32>
      %div3A_1221 = arith.constant 1.000000e+00 : f32
      %div3A_1222 = vector.broadcast %div3A_1221 : f32 to vector<16xf32>
      %div3A_1223 = arith.divf %div3A_1222, %add3A_1220 : vector<16xf32>
      %add3A_1224 = vector.broadcast %mul3A_1141 : i32 to vector<16xi32>
      %add3A_1225 = arith.addi %add3A_1224, %add3A_42 : vector<16xi32>
      tpu.vector_store_idx %arg12[%add3A_1225], %div3A_1223 : memref<10240xf32, #tpu.memory_space<vmem>>[vector<16xi32>], vector<16xf32>,
      %neg3A_1226 = arith.constant 0.000000e+00 : f32
      %neg3A_1227 = vector.broadcast %neg3A_1226 : f32 to vector<16xf32>
      %neg3A_1228 = arith.subf %neg3A_1227, %scan3A_1138#7 : vector<16xf32>
      %exp3A_1229 = math.exp %neg3A_1228 : vector<16xf32>
      %add3A_1230 = arith.constant 1.000000e+00 : f32
      %add3A_1231 = vector.broadcast %add3A_1230 : f32 to vector<16xf32>
      %add3A_1232 = arith.addf %add3A_1231, %exp3A_1229 : vector<16xf32>
      %div3A_1233 = arith.constant 1.000000e+00 : f32
      %div3A_1234 = vector.broadcast %div3A_1233 : f32 to vector<16xf32>
      %div3A_1235 = arith.divf %div3A_1234, %add3A_1232 : vector<16xf32>
      %add3A_1236 = vector.broadcast %mul3A_1141 : i32 to vector<16xi32>
      %add3A_1237 = arith.addi %add3A_1236, %add3A_48 : vector<16xi32>
      tpu.vector_store_idx %arg12[%add3A_1237], %div3A_1235 : memref<10240xf32, #tpu.memory_space<vmem>>[vector<16xi32>], vector<16xf32>,
      %neg3A_1238 = arith.constant 0.000000e+00 : f32
      %neg3A_1239 = vector.broadcast %neg3A_1238 : f32 to vector<16xf32>
      %neg3A_1240 = arith.subf %neg3A_1239, %scan3A_1138#8 : vector<16xf32>
      %exp3A_1241 = math.exp %neg3A_1240 : vector<16xf32>
      %add3A_1242 = arith.constant 1.000000e+00 : f32
      %add3A_1243 = vector.broadcast %add3A_1242 : f32 to vector<16xf32>
      %add3A_1244 = arith.addf %add3A_1243, %exp3A_1241 : vector<16xf32>
      %div3A_1245 = arith.constant 1.000000e+00 : f32
      %div3A_1246 = vector.broadcast %div3A_1245 : f32 to vector<16xf32>
      %div3A_1247 = arith.divf %div3A_1246, %add3A_1244 : vector<16xf32>
      %add3A_1248 = vector.broadcast %mul3A_1141 : i32 to vector<16xi32>
      %add3A_1249 = arith.addi %add3A_1248, %add3A_54 : vector<16xi32>
      tpu.vector_store_idx %arg12[%add3A_1249], %div3A_1247 : memref<10240xf32, #tpu.memory_space<vmem>>[vector<16xi32>], vector<16xf32>,
      %neg3A_1250 = arith.constant 0.000000e+00 : f32
      %neg3A_1251 = vector.broadcast %neg3A_1250 : f32 to vector<16xf32>
      %neg3A_1252 = arith.subf %neg3A_1251, %scan3A_1138#9 : vector<16xf32>
      %exp3A_1253 = math.exp %neg3A_1252 : vector<16xf32>
      %add3A_1254 = arith.constant 1.000000e+00 : f32
      %add3A_1255 = vector.broadcast %add3A_1254 : f32 to vector<16xf32>
      %add3A_1256 = arith.addf %add3A_1255, %exp3A_1253 : vector<16xf32>
      %div3A_1257 = arith.constant 1.000000e+00 : f32
      %div3A_1258 = vector.broadcast %div3A_1257 : f32 to vector<16xf32>
      %div3A_1259 = arith.divf %div3A_1258, %add3A_1256 : vector<16xf32>
      %add3A_1260 = vector.broadcast %mul3A_1141 : i32 to vector<16xi32>
      %add3A_1261 = arith.addi %add3A_1260, %add3A_60 : vector<16xi32>
      tpu.vector_store_idx %arg12[%add3A_1261], %div3A_1259 : memref<10240xf32, #tpu.memory_space<vmem>>[vector<16xi32>], vector<16xf32>,
      %neg3A_1262 = arith.constant 0.000000e+00 : f32
      %neg3A_1263 = vector.broadcast %neg3A_1262 : f32 to vector<16xf32>
      %neg3A_1264 = arith.subf %neg3A_1263, %scan3A_1138#10 : vector<16xf32>
      %exp3A_1265 = math.exp %neg3A_1264 : vector<16xf32>
      %add3A_1266 = arith.constant 1.000000e+00 : f32
      %add3A_1267 = vector.broadcast %add3A_1266 : f32 to vector<16xf32>
      %add3A_1268 = arith.addf %add3A_1267, %exp3A_1265 : vector<16xf32>
      %div3A_1269 = arith.constant 1.000000e+00 : f32
      %div3A_1270 = vector.broadcast %div3A_1269 : f32 to vector<16xf32>
      %div3A_1271 = arith.divf %div3A_1270, %add3A_1268 : vector<16xf32>
      %add3A_1272 = vector.broadcast %mul3A_1141 : i32 to vector<16xi32>
      %add3A_1273 = arith.addi %add3A_1272, %add3A_66 : vector<16xi32>
      tpu.vector_store_idx %arg12[%add3A_1273], %div3A_1271 : memref<10240xf32, #tpu.memory_space<vmem>>[vector<16xi32>], vector<16xf32>,
      %neg3A_1274 = arith.constant 0.000000e+00 : f32
      %neg3A_1275 = vector.broadcast %neg3A_1274 : f32 to vector<16xf32>
      %neg3A_1276 = arith.subf %neg3A_1275, %scan3A_1138#11 : vector<16xf32>
      %exp3A_1277 = math.exp %neg3A_1276 : vector<16xf32>
      %add3A_1278 = arith.constant 1.000000e+00 : f32
      %add3A_1279 = vector.broadcast %add3A_1278 : f32 to vector<16xf32>
      %add3A_1280 = arith.addf %add3A_1279, %exp3A_1277 : vector<16xf32>
      %div3A_1281 = arith.constant 1.000000e+00 : f32
      %div3A_1282 = vector.broadcast %div3A_1281 : f32 to vector<16xf32>
      %div3A_1283 = arith.divf %div3A_1282, %add3A_1280 : vector<16xf32>
      %add3A_1284 = vector.broadcast %mul3A_1141 : i32 to vector<16xi32>
      %add3A_1285 = arith.addi %add3A_1284, %add3A_72 : vector<16xi32>
      tpu.vector_store_idx %arg12[%add3A_1285], %div3A_1283 : memref<10240xf32, #tpu.memory_space<vmem>>[vector<16xi32>], vector<16xf32>,
      %neg3A_1286 = arith.constant 0.000000e+00 : f32
      %neg3A_1287 = vector.broadcast %neg3A_1286 : f32 to vector<16xf32>
      %neg3A_1288 = arith.subf %neg3A_1287, %scan3A_1138#12 : vector<16xf32>
      %exp3A_1289 = math.exp %neg3A_1288 : vector<16xf32>
      %add3A_1290 = arith.constant 1.000000e+00 : f32
      %add3A_1291 = vector.broadcast %add3A_1290 : f32 to vector<16xf32>
      %add3A_1292 = arith.addf %add3A_1291, %exp3A_1289 : vector<16xf32>
      %div3A_1293 = arith.constant 1.000000e+00 : f32
      %div3A_1294 = vector.broadcast %div3A_1293 : f32 to vector<16xf32>
      %div3A_1295 = arith.divf %div3A_1294, %add3A_1292 : vector<16xf32>
      %add3A_1296 = vector.broadcast %mul3A_1141 : i32 to vector<16xi32>
      %add3A_1297 = arith.addi %add3A_1296, %add3A_78 : vector<16xi32>
      tpu.vector_store_idx %arg12[%add3A_1297], %div3A_1295 : memref<10240xf32, #tpu.memory_space<vmem>>[vector<16xi32>], vector<16xf32>,
      %neg3A_1298 = arith.constant 0.000000e+00 : f32
      %neg3A_1299 = vector.broadcast %neg3A_1298 : f32 to vector<16xf32>
      %neg3A_1300 = arith.subf %neg3A_1299, %scan3A_1138#13 : vector<16xf32>
      %exp3A_1301 = math.exp %neg3A_1300 : vector<16xf32>
      %add3A_1302 = arith.constant 1.000000e+00 : f32
      %add3A_1303 = vector.broadcast %add3A_1302 : f32 to vector<16xf32>
      %add3A_1304 = arith.addf %add3A_1303, %exp3A_1301 : vector<16xf32>
      %div3A_1305 = arith.constant 1.000000e+00 : f32
      %div3A_1306 = vector.broadcast %div3A_1305 : f32 to vector<16xf32>
      %div3A_1307 = arith.divf %div3A_1306, %add3A_1304 : vector<16xf32>
      %add3A_1308 = vector.broadcast %mul3A_1141 : i32 to vector<16xi32>
      %add3A_1309 = arith.addi %add3A_1308, %add3A_84 : vector<16xi32>
      tpu.vector_store_idx %arg12[%add3A_1309], %div3A_1307 : memref<10240xf32, #tpu.memory_space<vmem>>[vector<16xi32>], vector<16xf32>,
      %neg3A_1310 = arith.constant 0.000000e+00 : f32
      %neg3A_1311 = vector.broadcast %neg3A_1310 : f32 to vector<16xf32>
      %neg3A_1312 = arith.subf %neg3A_1311, %scan3A_1138#14 : vector<16xf32>
      %exp3A_1313 = math.exp %neg3A_1312 : vector<16xf32>
      %add3A_1314 = arith.constant 1.000000e+00 : f32
      %add3A_1315 = vector.broadcast %add3A_1314 : f32 to vector<16xf32>
      %add3A_1316 = arith.addf %add3A_1315, %exp3A_1313 : vector<16xf32>
      %div3A_1317 = arith.constant 1.000000e+00 : f32
      %div3A_1318 = vector.broadcast %div3A_1317 : f32 to vector<16xf32>
      %div3A_1319 = arith.divf %div3A_1318, %add3A_1316 : vector<16xf32>
      %add3A_1320 = vector.broadcast %mul3A_1141 : i32 to vector<16xi32>
      %add3A_1321 = arith.addi %add3A_1320, %add3A_90 : vector<16xi32>
      tpu.vector_store_idx %arg12[%add3A_1321], %div3A_1319 : memref<10240xf32, #tpu.memory_space<vmem>>[vector<16xi32>], vector<16xf32>,
      %neg3A_1322 = arith.constant 0.000000e+00 : f32
      %neg3A_1323 = vector.broadcast %neg3A_1322 : f32 to vector<16xf32>
      %neg3A_1324 = arith.subf %neg3A_1323, %scan3A_1138#15 : vector<16xf32>
      %exp3A_1325 = math.exp %neg3A_1324 : vector<16xf32>
      %add3A_1326 = arith.constant 1.000000e+00 : f32
      %add3A_1327 = vector.broadcast %add3A_1326 : f32 to vector<16xf32>
      %add3A_1328 = arith.addf %add3A_1327, %exp3A_1325 : vector<16xf32>
      %div3A_1329 = arith.constant 1.000000e+00 : f32
      %div3A_1330 = vector.broadcast %div3A_1329 : f32 to vector<16xf32>
      %div3A_1331 = arith.divf %div3A_1330, %add3A_1328 : vector<16xf32>
      %add3A_1332 = vector.broadcast %mul3A_1141 : i32 to vector<16xi32>
      %add3A_1333 = arith.addi %add3A_1332, %add3A_96 : vector<16xi32>
      tpu.vector_store_idx %arg12[%add3A_1333], %div3A_1331 : memref<10240xf32, #tpu.memory_space<vmem>>[vector<16xi32>], vector<16xf32>,
      %neg3A_1334 = arith.constant 0.000000e+00 : f32
      %neg3A_1335 = vector.broadcast %neg3A_1334 : f32 to vector<16xf32>
      %neg3A_1336 = arith.subf %neg3A_1335, %scan3A_1138#16 : vector<16xf32>
      %exp3A_1337 = math.exp %neg3A_1336 : vector<16xf32>
      %add3A_1338 = arith.constant 1.000000e+00 : f32
      %add3A_1339 = vector.broadcast %add3A_1338 : f32 to vector<16xf32>
      %add3A_1340 = arith.addf %add3A_1339, %exp3A_1337 : vector<16xf32>
      %div3A_1341 = arith.constant 1.000000e+00 : f32
      %div3A_1342 = vector.broadcast %div3A_1341 : f32 to vector<16xf32>
      %div3A_1343 = arith.divf %div3A_1342, %add3A_1340 : vector<16xf32>
      %add3A_1344 = vector.broadcast %mul3A_1141 : i32 to vector<16xi32>
      %add3A_1345 = arith.addi %add3A_1344, %add3A_102 : vector<16xi32>
      tpu.vector_store_idx %arg12[%add3A_1345], %div3A_1343 : memref<10240xf32, #tpu.memory_space<vmem>>[vector<16xi32>], vector<16xf32>,
      %neg3A_1346 = arith.constant 0.000000e+00 : f32
      %neg3A_1347 = vector.broadcast %neg3A_1346 : f32 to vector<16xf32>
      %neg3A_1348 = arith.subf %neg3A_1347, %scan3A_1138#17 : vector<16xf32>
      %exp3A_1349 = math.exp %neg3A_1348 : vector<16xf32>
      %add3A_1350 = arith.constant 1.000000e+00 : f32
      %add3A_1351 = vector.broadcast %add3A_1350 : f32 to vector<16xf32>
      %add3A_1352 = arith.addf %add3A_1351, %exp3A_1349 : vector<16xf32>
      %div3A_1353 = arith.constant 1.000000e+00 : f32
      %div3A_1354 = vector.broadcast %div3A_1353 : f32 to vector<16xf32>
      %div3A_1355 = arith.divf %div3A_1354, %add3A_1352 : vector<16xf32>
      %add3A_1356 = vector.broadcast %mul3A_1141 : i32 to vector<16xi32>
      %add3A_1357 = arith.addi %add3A_1356, %add3A_108 : vector<16xi32>
      tpu.vector_store_idx %arg12[%add3A_1357], %div3A_1355 : memref<10240xf32, #tpu.memory_space<vmem>>[vector<16xi32>], vector<16xf32>,
      %neg3A_1358 = arith.constant 0.000000e+00 : f32
      %neg3A_1359 = vector.broadcast %neg3A_1358 : f32 to vector<16xf32>
      %neg3A_1360 = arith.subf %neg3A_1359, %scan3A_1138#18 : vector<16xf32>
      %exp3A_1361 = math.exp %neg3A_1360 : vector<16xf32>
      %add3A_1362 = arith.constant 1.000000e+00 : f32
      %add3A_1363 = vector.broadcast %add3A_1362 : f32 to vector<16xf32>
      %add3A_1364 = arith.addf %add3A_1363, %exp3A_1361 : vector<16xf32>
      %div3A_1365 = arith.constant 1.000000e+00 : f32
      %div3A_1366 = vector.broadcast %div3A_1365 : f32 to vector<16xf32>
      %div3A_1367 = arith.divf %div3A_1366, %add3A_1364 : vector<16xf32>
      %add3A_1368 = vector.broadcast %mul3A_1141 : i32 to vector<16xi32>
      %add3A_1369 = arith.addi %add3A_1368, %add3A_114 : vector<16xi32>
      tpu.vector_store_idx %arg12[%add3A_1369], %div3A_1367 : memref<10240xf32, #tpu.memory_space<vmem>>[vector<16xi32>], vector<16xf32>,
      %neg3A_1370 = arith.constant 0.000000e+00 : f32
      %neg3A_1371 = vector.broadcast %neg3A_1370 : f32 to vector<16xf32>
      %neg3A_1372 = arith.subf %neg3A_1371, %scan3A_1138#19 : vector<16xf32>
      %exp3A_1373 = math.exp %neg3A_1372 : vector<16xf32>
      %add3A_1374 = arith.constant 1.000000e+00 : f32
      %add3A_1375 = vector.broadcast %add3A_1374 : f32 to vector<16xf32>
      %add3A_1376 = arith.addf %add3A_1375, %exp3A_1373 : vector<16xf32>
      %div3A_1377 = arith.constant 1.000000e+00 : f32
      %div3A_1378 = vector.broadcast %div3A_1377 : f32 to vector<16xf32>
      %div3A_1379 = arith.divf %div3A_1378, %add3A_1376 : vector<16xf32>
      %add3A_1380 = vector.broadcast %mul3A_1141 : i32 to vector<16xi32>
      %add3A_1381 = arith.addi %add3A_1380, %add3A_120 : vector<16xi32>
      tpu.vector_store_idx %arg12[%add3A_1381], %div3A_1379 : memref<10240xf32, #tpu.memory_space<vmem>>[vector<16xi32>], vector<16xf32>,
    }
    %scan3A_332 = arith.constant 16 : i32
    %dma_wait3A_333 = arith.constant 0 : i32
    %dma_wait3A_334 = arith.constant 0 : i32
    %dma_wait3A_335 = tpu.memref_slice %arg3[%dma_wait3A_333, %dma_wait3A_334] : memref<1000000x64xf32, #tpu.memory_space<hbm>> -> memref<16x64xf32, #tpu.memory_space<hbm>>
    %dma_wait3A_336 = arith.constant 0 : i32
    %dma_wait3A_337 = arith.constant 0 : i32
    %dma_wait3A_338 = tpu.memref_slice %arg3[%dma_wait3A_336, %dma_wait3A_337] : memref<1000000x64xf32, #tpu.memory_space<hbm>> -> memref<16x64xf32, #tpu.memory_space<hbm>>
    tpu.wait_dma2 semaphore(%arg15 : memref<!tpu.dma_semaphore, #tpu.memory_space<semaphore_mem>>) src(%dma_wait3A_338 : memref<16x64xf32, #tpu.memory_space<hbm>>) dst(%arg8 : memref<16x64xf32, #tpu.memory_space<vmem>>)
    %dma_wait3A_339 = arith.constant 0 : i32
    %dma_wait3A_340 = arith.constant 0 : i32
    %dma_wait3A_341 = tpu.memref_slice %arg4[%dma_wait3A_339, %dma_wait3A_340] : memref<1000000x64xf32, #tpu.memory_space<hbm>> -> memref<320x64xf32, #tpu.memory_space<hbm>>
    %dma_wait3A_342 = arith.constant 0 : i32
    %dma_wait3A_343 = arith.constant 0 : i32
    %dma_wait3A_344 = tpu.memref_slice %arg4[%dma_wait3A_342, %dma_wait3A_343] : memref<1000000x64xf32, #tpu.memory_space<hbm>> -> memref<320x64xf32, #tpu.memory_space<hbm>>
    tpu.wait_dma2 semaphore(%arg17 : memref<!tpu.dma_semaphore, #tpu.memory_space<semaphore_mem>>) src(%dma_wait3A_344 : memref<320x64xf32, #tpu.memory_space<hbm>>) dst(%arg10 : memref<320x64xf32, #tpu.memory_space<vmem>>)
    %add3A_345 = arith.constant 16896 : i32
    %add3A_346 = arith.addi %mul3A_124, %add3A_345 : i32
    %dma_wait3A_347 = tpu.memref_slice %arg2[%add3A_346] : memref<557056xi32, #tpu.memory_space<hbm>> -> memref<512xi32, #tpu.memory_space<hbm>>
    %dma_wait3A_348 = tpu.memref_slice %arg2[%add3A_346] : memref<557056xi32, #tpu.memory_space<hbm>> -> memref<512xi32, #tpu.memory_space<hbm>>
    tpu.wait_dma2 semaphore(%arg14 : memref<!tpu.dma_semaphore, #tpu.memory_space<semaphore_mem>>) src(%dma_wait3A_348 : memref<512xi32, #tpu.memory_space<hbm>>) dst(%arg7 : memref<512xi32, #tpu.memory_space<vmem>>)
    %mul3A_349 = arith.constant 10240 : i32
    %mul3A_350 = arith.muli %add3A, %mul3A_349 : i32
    "tpu.region"() ({
      %run_scoped3A = tpu.sem_alloc : memref<!tpu.dma_semaphore, #tpu.memory_space<semaphore_mem>>
      %dma_start3A_351 = tpu.memref_slice %arg5[%mul3A_350] : memref<327680xf32, #tpu.memory_space<hbm>> -> memref<10240xf32, #tpu.memory_space<hbm>>
      %dma_start3A_352 = tpu.memref_slice %arg5[%mul3A_350] : memref<327680xf32, #tpu.memory_space<hbm>> -> memref<10240xf32, #tpu.memory_space<hbm>>
      tpu.enqueue_dma source(%arg12 : memref<10240xf32, #tpu.memory_space<vmem>>) target(%dma_start3A_352 : memref<10240xf32, #tpu.memory_space<hbm>>) target_semaphore(%run_scoped3A : memref<!tpu.dma_semaphore, #tpu.memory_space<semaphore_mem>>)
      %dma_wait3A_353 = tpu.memref_slice %arg5[%mul3A_350] : memref<327680xf32, #tpu.memory_space<hbm>> -> memref<10240xf32, #tpu.memory_space<hbm>>
      %dma_wait3A_354 = tpu.memref_slice %arg5[%mul3A_350] : memref<327680xf32, #tpu.memory_space<hbm>> -> memref<10240xf32, #tpu.memory_space<hbm>>
      tpu.wait_dma2 semaphore(%run_scoped3A : memref<!tpu.dma_semaphore, #tpu.memory_space<semaphore_mem>>) src(%arg12 : memref<10240xf32, #tpu.memory_space<vmem>>) dst(%dma_wait3A_354 : memref<10240xf32, #tpu.memory_space<hbm>>)
      tpu.yield
    }) : () -> ()
    return
  }
}

</mosaic_0001>

<sc_bundles>
// kernel: _run.3.cloned.1.call-start
scs
__scs_entry_jumppad:
0x0: {  	(pc) =	sbr.rel $0x88, $3  }
0x1: {  	(tag) =	ssettag $0x0;
	lr =	simm.s32 $0x1  }
0x2: {  	[smem:$0x3F9E] =	sst lr;
	_ =	strace $0xD0000000  }
0x3: {  	_ = 	snop  }
0x4: {  	_ = 	snop  }
0x5: {  	_ = 	snop  }
0x6: {  	_ = 	snop  }
0x7: {  	_ = 	snop  }
__scs_overlays_trampoline_lowered:
0x8: {  	[smem:$0x3FAD] =	sst s0  }
0x9: {  	[smem:$0x3FAE] =	sst s1  }
0xa: {  	[smem:$0x3FAF] =	sst s2  }
0xb: {  	[smem:$0x3FB0] =	sst s3  }
0xc: {  	[smem:$0x3FB1] =	sst s4  }
0xd: {  	[smem:$0x3FB2] =	sst s5  }
0xe: {  	[smem:$0x3FB3] =	sst s6  }
0xf: {  	[smem:$0x3FB4] =	sst s7  }
0x10: {  	[smem:$0x3FB5] =	sst s8  }
0x11: {  	[smem:$0x3FB6] =	sst s9;
	s0 =	simm.s32 @!p0 $0x0  }
0x12: {  	s1 =	sld [smem:$0x3F9C];
	s0 =	simm.s32 @p0 $0x1  }
0x13: {  	[smem:$0x3FB7] =	sst s0;
	s0 =	simm.s32 @!p1 $0x0  }
0x14: {  	s2 =	sld [smem:$0x3F9B];
	s0 =	simm.s32 @p1 $0x1  }
0x15: {  	[smem:$0x3FB8] =	sst s0;
	s0 =	simm.s32 @!p2 $0x0  }
0x16: {  	s3 =	sld [smem:$0x3FDB];
	s0 =	simm.s32 @p2 $0x1  }
0x17: {  	s4 =	simm.s32 $0x1BF5;
	[smem:$0x3FBA] =	sst s0  }
0x18: {  	s0 =	sld [smem:$0x3F9D];
	_ =	swait.ge [sflag:s4], $0x0  }
0x19: {  	s7 =	sld [smem:$0x3F9E]  }
0x1a: {  	s8 =	sadd.s32 $0xFFFFE003, lr  }
0x1b: {  	s9 =	sadd.s32 $0xFFFFFEF7, lr;
	s5 =	simm.s32 $0xFFFFFFFF;
	p2 =	slt.u32 s8, $0xFFFFF086  }
0x1c: {  	p1 =	slt.u32 s9, $0xF7A;
	s5 =	simm.s32 @!p2 $0x0  }
0x1d: {  	s5 =	simm.s32 @p1 $0x1;
	p0 =	seq.s32 s7, s2  }
0x1e: {  	s7 =	smul.u32 @!p0 $0xF7A, s2;
	p2 =	seq.s32 @!p0 s5, $0x0  }
0x1f: {  	s9 =	smul.u32 $0xF7A, s1;
	s8 =	simm.s32 @!p0 $0x1BF5;
	p2 =	por !p2, p0  }
0x20: {  	[sflag:s8] =	ssyncset.s32 @!p0 $0xFFFFF086;
	s6 =	sadd.s32 @!p0 s3, s7;
	s7 =	simm.s32 @!p0 $0x108  }
0x21: {  	s3 =	sadd.s32 s3, s9;
	s6 =	sadd.s32 @!p0 $0x88, s6;
	s7 =	simm.s32 @p2 $0x1082  }
0x22: {  	[simem:s7], [sflag:s8] =	dma.local @!p0 [hbm:s6], $0xF7A  }
0x23: {  	s9 =	sor.u32 $0xD0000000, s2;
	s6 =	simm.s32 $0x108;
	_ =	swait.ge @!p0 [sflag:s8], $0x0  }
0x24: {  	s3 =	sadd.s32 $0x88, s3;
	s6 =	simm.s32 @!p1 $0x1082;
	[sflag:s4] =	ssyncset.s32 $0xFFFFF086  }
0x25: {  	[simem:s6], [sflag:s4] =	dma.local [hbm:s3], $0xF7A  }
0x26: {  	[smem:$0x3F9E] =	sst s1;
	(tag) =	ssettag s2;
	_ =	strace s9  }
0x27: {  	s1 =	sld [smem:$0x3FAE]  }
0x28: {  	s2 =	sld [smem:$0x3FAF]  }
0x29: {  	s4 =	sld [smem:$0x3FB1]  }
0x2a: {  	p0 =	seq.s32 s5, $0x0;
	s5 =	sld [smem:$0x3FB2]  }
0x2b: {  	s6 =	sld [smem:$0x3FB3]  }
0x2c: {  	s7 =	sld [smem:$0x3FB4]  }
0x2d: {  	s3 =	simm.s32 $0x108;
	s8 =	sld [smem:$0x3FB5]  }
0x2e: {  	s3 =	simm.s32 @!p0 $0x1082;
	s9 =	sld [smem:$0x3FB6]  }
0x2f: {  	lr =	sadd.s32 s0, s3;
	s0 =	sld [smem:$0x3FAD]  }
0x30: {  	s3 =	sld [smem:$0x3FB0]  }
0x31: {  	[smem:$0x3FB9] =	sst s10  }
0x32: {  	s10 =	sld [smem:$0x3FB7];
	_ =	sdelay $0x3  }
0x33: {  	p0 =	seq.s32 s10, $0x1;
	s10 =	sld [smem:$0x3FB9];
	_ =	sdelay $0x3  }
0x34: {  	[smem:$0x3FB9] =	sst s10  }
0x35: {  	s10 =	sld [smem:$0x3FB8];
	_ =	sdelay $0x3  }
0x36: {  	p1 =	seq.s32 s10, $0x1;
	s10 =	sld [smem:$0x3FB9];
	_ =	sdelay $0x3  }
0x37: {  	[smem:$0x3FB9] =	sst s10  }
0x38: {  	s10 =	sld [smem:$0x3FBA]  }
0x39: {  	_ = 	snop;
	(pc) =	sbr.ind lr, $3  }
0x3a: {  	_ = 	snop  }
0x3b: {  	_ = 	snop  }
0x3c: {  	p2 =	seq.s32 s10, $0x1;
	s10 =	sld [smem:$0x3FB9]  }
0x3d: {  	_ =	shalt  }
0x3e: {  	_ =	shalt  }
0x3f: {  	_ =	shalt  }
0x40: {  	_ =	shalt  }
0x41: {  	_ =	shalt  }
0x42: {  	_ =	shalt  }
0x43: {  	_ =	shalt  }
0x44: {  	_ =	shalt  }
0x45: {  	_ =	shalt  }
0x46: {  	_ =	shalt  }
0x47: {  	_ =	shalt  }
0x48: {  	_ =	shalt  }
0x49: {  	_ =	shalt  }
0x4a: {  	_ =	shalt  }
0x4b: {  	_ =	shalt  }
0x4c: {  	_ =	shalt  }
0x4d: {  	_ =	shalt  }
0x4e: {  	_ =	shalt  }
0x4f: {  	_ =	shalt  }
0x50: {  	_ =	shalt  }
0x51: {  	_ =	shalt  }
0x52: {  	_ =	shalt  }
0x53: {  	_ =	shalt  }
0x54: {  	_ =	shalt  }
0x55: {  	_ =	shalt  }
0x56: {  	_ =	shalt  }
0x57: {  	_ =	shalt  }
0x58: {  	_ =	shalt  }
0x59: {  	_ =	shalt  }
0x5a: {  	_ =	shalt  }
0x5b: {  	_ =	shalt  }
0x5c: {  	_ =	shalt  }
0x5d: {  	_ =	shalt  }
0x5e: {  	_ =	shalt  }
0x5f: {  	_ =	shalt  }
0x60: {  	_ =	shalt  }
0x61: {  	_ =	shalt  }
0x62: {  	_ =	shalt  }
0x63: {  	_ =	shalt  }
0x64: {  	_ =	shalt  }
0x65: {  	_ =	shalt  }
0x66: {  	_ =	shalt  }
0x67: {  	_ =	shalt  }
0x68: {  	_ =	shalt  }
0x69: {  	_ =	shalt  }
0x6a: {  	_ =	shalt  }
0x6b: {  	_ =	shalt  }
0x6c: {  	_ =	shalt  }
0x6d: {  	_ =	shalt  }
0x6e: {  	_ =	shalt  }
0x6f: {  	_ =	shalt  }
0x70: {  	_ =	shalt  }
0x71: {  	_ =	shalt  }
0x72: {  	_ =	shalt  }
0x73: {  	_ =	shalt  }
0x74: {  	_ =	shalt  }
0x75: {  	_ =	shalt  }
0x76: {  	_ =	shalt  }
0x77: {  	_ =	shalt  }
0x78: {  	_ =	shalt  }
0x79: {  	_ =	shalt  }
0x7a: {  	_ =	shalt  }
0x7b: {  	_ =	shalt  }
0x7c: {  	_ =	shalt  }
0x7d: {  	_ =	shalt  }
0x7e: {  	_ =	shalt  }
0x7f: {  	_ =	shalt  }
0x80: {  	_ =	shalt  }
0x81: {  	_ =	shalt  }
0x82: {  	_ =	shalt  }
0x83: {  	_ =	shalt  }
0x84: {  	_ =	shalt  }
0x85: {  	_ =	shalt  }
0x86: {  	_ =	shalt  }
0x87: {  	_ =	shalt  }
.Lfunc_end0:
.L_simem_size_0:
called_computation_lowered:
.L_overlay_start_0:
0x88: {  	s2 =	sld [smem:$0x3FD9]  }
0x89: {  	s3 =	sld [smem:$0x3FFE];
	_ =	sdelay $0x1  }
0x8a: {  	s1 =	srdreg.scid  }
0x8b: {  	s0 =	sand.u32 $0x1, s1  }
0x8c: {  	s17 =	sshll.u32 s0, $0xA;
	s2 =	sadd.s32 s3, s2  }
0x8d: {  	s2 =	sadd.s32 s2, s17  }
0x8e: {  	[smem:$0x3FC5] =	sst s2  }
0x8f: {  	_ = 	snop  }
0x90: {  	s2 =	sld [smem:$0x3FC9]  }
0x91: {  	s18 =	sld [smem:$0x3FD0];
	(tm) =	ssettm $0x1  }
0x92: {  	s4 =	sld [smem:$0x3FFB];
	_ =	sdelay $0x3  }
0x93: {  	_ =	strace s4  }
0x94: {  	s4 =	sld [smem:$0x3FFC];
	_ =	sdelay $0x3  }
0x95: {  	_ =	strace s4  }
0x96: {  	s4 =	sld [smem:$0x3FFD];
	_ =	sdelay $0x3  }
0x97: {  	_ =	strace s4  }
0x98: {  	_ =	strace $0x8FFFFFFF  }
0x99: {  	s19 =	sld [smem:$0x3FDB];
	_ =	sdelay $0x1  }
0x9a: {  	s5 =	simm.s32 $_scs_section_size  }
0x9b: {  	s6 =	simm.s32 $_size__tile_overlayer_lowered;
	s7 =	simm.s32 $_tile_overlayer_lowered  }
0x9c: {  	s22 =	simm.s32 $0x1BFF;
	s21 =	sshll.u32 s7, $0x1;
	s4 =	sadd.s32 s5, s19  }
0x9d: {  	s8 =	simm.s32 $0x0;
	s20 =	sshll.u32 s6, $0x1;
	s6 =	sadd.s32 s21, s4  }
0x9e: {  	[timem:s8], [sflag:s22] =	dma.local [hbm:s6], s20  }
0x9f: {  	_ =	swait.ge [sflag:s22], s20  }
0xa0: {  	s5 =	ssub.s32 $0x0, s20;
	[sflag:s22] =	ssyncset.done $0x0  }
0xa1: {  	[sflag:s22] =	ssyncadd.s32 s5;
	_ =	sdelay $0x1  }
0xa2: {  	s23 =	simm.s32 $0x1B8B  }
0xa3: {  	_ =	swait.ge [sflag:s23], $0x1  }
0xa4: {  	[sflag:s23] =	ssyncset.done $0x0  }
0xa5: {  	s25 =	simm.s32 $0x1B8E;
	s24 =	sld [smem:$0x3FFE];
	[sflag:s23] =	ssyncadd.s32 $0xFFFFFFFF  }
0xa6: {  	s26 =	simm.s32 $execute0_lowered;
	[smem:$0x3FD2] =	sst s25  }
0xa7: {  	s6 =	sshll.u32 s26, $0x1;
	_ =	strace $0x80000046;
	[dreg:$0x1] =	wrdreg $0xFFFFFFFF  }
0xa8: {  	s28 =	simm.s32 $_size_execute0_lowered;
	s4 =	sadd.s32 s4, s6;
	[dreg:$0x0] =	wrdreg $0x0  }
0xa9: {  	s6 =	sshll.u32 s28, $0x1;
	[dreg:$0x2] =	wrdreg s4  }
0xaa: {  	[dreg:$0x3] =	wrdreg s6  }
0xab: {  	[dreg:$0x4] =	wrdreg $0xC0  }
0xac: {  	_ =	task [dreg:s8], $0x5FFFF  }
0xad: {  	[dreg:$0x1] =	wrdreg $0xFFFFFFFF  }
0xae: {  	[dreg:$0x0] =	wrdreg $0x60  }
0xaf: {  	[dreg:$0x2] =	wrdreg s2  }
0xb0: {  	[dreg:$0x3] =	wrdreg s24  }
0xb1: {  	[dreg:$0x4] =	wrdreg s18  }
0xb2: {  	[dreg:$0x5] =	wrdreg $0x9  }
0xb3: {  	_ =	task.clear_ibuf [dreg:s8], $0x6FFFF;
	_ =	strace $0x90000046  }
0xb4: {  	s29 =	simm.s32 $0x9;
	_ =	strace $0x80000048  }
0xb5: {  	_ =	swait.ge [sflag:s29], $0x1  }
0xb6: {  	[sflag:s29] =	ssyncadd.s32 $0xFFFFFFFF  }
0xb7: {  	_ =	strace $0x90000048  }
0xb8: {  	_ =	sfence  }
0xb9: {  	s30 =	sld [smem:$0x0];
	_ =	sdelay $0x2  }
0xba: {  	s31 =	sshll.u32 s1, $0xD;
	s1 =	sshrl.u32 s1, $0x2  }
0xbb: {  	s3 =	sand.u32 $0x4000, s31;
	s1 =	sadd.s32 s1, s30  }
0xbc: {  	s0 =	sor.u32 s3, s0;
	s1 =	sshll.u32 s1, $0x11  }
0xbd: {  	s0 =	sor.u32 s1, s0  }
0xbe: {  	s0 =	sadd.s32 $0x8F2B, s0  }
0xbf: {  	[sflag:s0] =	ssyncadd.remote.s32 $0x1  }
0xc0: {  	_ =	sfence.sel $0xFFFF  }
0xc1: {  	[dreg:$0x0] =	wrdreg $0xFFFFFFFF;
	(pc) =	sbr.abs _section_cstart, $3  }
0xc2: {  	[dreg:$0x1] =	wrdreg $0xFFFFFFFF  }
0xc3: {  	_ =	task.clear_ibuf [dreg:s8], $0x2FFFF;
	_ =	strace $0x9FFFFFFF  }
0xc4: {  	(tm) =	ssettm $0x7FFFFFFF  }
0xc5: {  	_ =	shalt  }
tec
execute0_lowered:
.L_overlay_start_1:
0x0: {  	(tag) =	ssettag $0x1  }
0x1: {  	v54 =	vlaneseq.u32  }
0x2: {  	v0 =	vimm.s32 $0x5C483420;
	v1 =	vimm.s32 $0x2C180470;
	v2 =	vimm.s32 $0xC786450  }
0x3: {  	v3 =	vimm.s32 $0x3C281400;
	vm0 =	vcmask $0x1F10;
	v59 =	vimm.s32 $0x5D493521  }
0x4: {  	v4 =	vimm.s32 $0x2D190571;
	v61 =	vimm.s32 $0xD796551;
	v62 =	vimm.s32 $0x3D291501  }
0x5: {  	v9 =	vimm.s32 $0x5E4A3622;
	v10 =	vimm.s32 $0x2E1A0672;
	v6 =	vimm.s32 $0xE7A6652  }
0x6: {  	v11 =	vimm.s32 $0x3E2A1602;
	v8 =	vimm.s32 $0x5F4B3723;
	v37 =	vimm.s32 $0xF7B6753  }
0x7: {  	v39 =	vimm.s32 $0x3F2B1703;
	v40 =	vimm.s32 $0x604C3824;
	v41 =	vimm.s32 $0x301C0874  }
0x8: {  	v42 =	vimm.s32 $0x402C1804;
	v43 =	vimm.s32 $0x107C6854;
	v45 =	vimm.s32 $0x614D3925  }
0x9: {  	v51 =	vimm.s32 $0x412D1905;
	v52 =	vimm.s32 $0x117D6955;
	v53 =	vimm.s32 $0x624E3A26  }
0xa: {  	v55 =	vimm.s32 $0x321E0A76;
	v57 =	vimm.s32 $0x422E1A06;
	v58 =	vimm.s32 $0x127E6A56  }
0xb: {  	v12 =	vimm.s32 $0x331F0B77;
	v0 =	vunpack.c.0.s8.s32 v0;
	v1 =	vunpack.c.0.s8.s32 v1  }
0xc: {  	v2 =	vunpack.c.0.s8.s32 v2;
	v3 =	vunpack.c.0.s8.s32 v3;
	v4 =	vunpack.c.0.s8.s32 v4  }
0xd: {  	v63 =	vunpack.c.0.s8.s32 v61;
	v5 =	vunpack.c.0.s8.s32 v9;
	v7 =	vunpack.c.0.s8.s32 v10  }
0xe: {  	v6 =	vunpack.c.0.s8.s32 v6;
	v9 =	vimm.s32 $0x2F1B0773;
	v8 =	vunpack.c.0.s8.s32 v8  }
0xf: {  	v38 =	vunpack.c.0.s8.s32 v37;
	v10 =	vimm.s32 $0x311D0975;
	v37 =	vimm.s32 $0x34200C78  }
0x10: {  	v22 =	vmul.u32 $0x14, v54;
	v9 =	vunpack.c.0.s8.s32 v9;
	v46 =	vunpack.c.0.s8.s32 v10  }
0x11: {  	v10 =	vunpack.c.0.s8.s32 v58;
	v58 =	vimm.s32 $0x67533F2B;
	v0 =	vsel vm0, v1, v0  }
0x12: {  	v2 =	vsel vm0, v2, v3;
	v1 =	vunpack.c.0.s8.s32 v59;
	v32 =	vsel vm0, v7, v5  }
0x13: {  	v7 =	vunpack.c.0.s8.s32 v41;
	v0 =	vcombine.low v2, v0;
	v2 =	vunpack.c.0.s8.s32 v11  }
0x14: {  	v34 =	vsel vm0, v9, v8;
	v8 =	vunpack.c.0.s8.s32 v42;
	v9 =	vunpack.c.0.s8.s32 v43  }
0x15: {  	v11 =	vimm.s32 $0x634F3B27;
	v42 =	vimm.s32 $0x65513D29;
	v43 =	vimm.s32 $0x35210D79  }
0x16: {  	v60 =	vsel vm0, v4, v1;
	v1 =	vunpack.c.0.s8.s32 v62;
	v59 =	vunpack.c.0.s8.s32 v11  }
0x17: {  	v11 =	vimm.s32 $0x17036F5B;
	v33 =	vsel vm0, v6, v2;
	v6 =	vunpack.c.0.s8.s32 v40  }
0x18: {  	v8 =	vsel vm0, v9, v8;
	v9 =	vunpack.c.0.s8.s32 v57;
	v4 =	vsel vm0, v63, v1  }
0x19: {  	[tilespmem:$0x1FD40] =	vst v0;
	v57 =	vimm.s32 $0x16026E5A;
	v0 =	vcombine.low v4, v60;
	v6 =	vsel vm0, v7, v6  }
0x1a: {  	v7 =	vunpack.c.0.s8.s32 v45;
	v60 =	vunpack.c.0.s8.s32 v12;
	v62 =	vsel vm0, v10, v9  }
0x1b: {  	v45 =	vunpack.c.0.s8.s32 v43;
	v10 =	vunpack.c.0.s8.s32 v57;
	v12 =	vimm.s32 $0x37230F7B  }
0x1c: {  	v47 =	vcombine.low v8, v6;
	v6 =	vunpack.c.0.s8.s32 v52;
	v8 =	vunpack.c.0.s8.s32 v55  }
0x1d: {  	v52 =	vimm.s32 $0x66523E2A;
	v55 =	vimm.s32 $0x46321E0A;
	[tilespmem:$0x1FD50] =	vst v0;
	v0 =	vcombine.low v33, v32  }
0x1e: {  	v49 =	vsel vm0, v46, v7;
	v7 =	vunpack.c.0.s8.s32 v53;
	v63 =	vsel vm0, v60, v59  }
0x1f: {  	v32 =	vimm.s32 $0x432F1B07;
	v33 =	vimm.s32 $0x137F6B57;
	v53 =	vimm.s32 $0x36220E7A  }
0x20: {  	v9 =	vunpack.c.0.s8.s32 v55;
	v59 =	vunpack.c.0.s8.s32 v58;
	v60 =	vunpack.c.0.s8.s32 v12  }
0x21: {  	v55 =	vimm.s32 $0x1A06725E;
	[tilespmem:$0x1FD60] =	vst v0;
	v0 =	vunpack.c.0.s8.s32 v39;
	v61 =	vsel vm0, v8, v7  }
0x22: {  	v8 =	vunpack.c.0.s8.s32 v37;
	v39 =	vimm.s32 $0x14006C58;
	v37 =	vimm.s32 $0x1804705C  }
0x23: {  	v41 =	vunpack.c.0.s8.s32 v39;
	v5 =	vsel vm0, v38, v0;
	v38 =	vimm.s32 $0x44301C08  }
0x24: {  	v4 =	vcombine.low v5, v34;
	v5 =	vunpack.c.0.s8.s32 v51;
	v34 =	vimm.s32 $0x64503C28  }
0x25: {  	v40 =	vunpack.c.0.s8.s32 v38;
	v51 =	vimm.s32 $0x15016D59;
	v7 =	vunpack.c.0.s8.s32 v34  }
0x26: {  	v34 =	vimm.s32 $0x4834200C;
	v5 =	vsel vm0, v6, v5;
	v6 =	vunpack.c.0.s8.s32 v33  }
0x27: {  	v33 =	vimm.s32 $0x3824107C;
	v39 =	vunpack.c.0.s8.s32 v34;
	v34 =	vimm.s32 $0x1C087460  }
0x28: {  	[tilespmem:$0x1FD70] =	vst v4;
	v4 =	vcombine.low v5, v49;
	v5 =	vunpack.c.0.s8.s32 v32;
	v7 =	vsel vm0, v8, v7  }
0x29: {  	v8 =	vunpack.c.0.s8.s32 v42;
	v49 =	vimm.s32 $0x45311D09;
	v42 =	vimm.s32 $0x3925117D  }
0x2a: {  	v32 =	vimm.s32 $0x6854402C;
	v43 =	vunpack.c.0.s8.s32 v42;
	[tilespmem:$0x1FD90] =	vst v4;
	v4 =	vcombine.low v62, v61  }
0x2b: {  	[tilespmem:$0x1FD80] =	vst v47;
	v5 =	vsel vm0, v6, v5;
	v6 =	vsel vm0, v41, v40;
	v47 =	vsel vm0, v45, v8  }
0x2c: {  	v8 =	vunpack.c.0.s8.s32 v53;
	v62 =	vsel vm0, v10, v9;
	v10 =	vimm.s32 $0x47331F0B  }
0x2d: {  	v40 =	vunpack.c.0.s8.s32 v37;
	v41 =	vimm.s32 $0x6955412D;
	v53 =	vimm.s32 $0x4A36220E  }
0x2e: {  	v46 =	vcombine.low v6, v7;
	v6 =	vunpack.c.0.s8.s32 v51;
	v7 =	vunpack.c.0.s8.s32 v52  }
0x2f: {  	v51 =	vimm.s32 $0x6A56422E;
	v52 =	vimm.s32 $0x3A26127E;
	v9 =	vunpack.c.0.s8.s32 v53  }
0x30: {  	[tilespmem:$0x1FDA0] =	vst v4;
	v4 =	vcombine.low v5, v63;
	v5 =	vunpack.c.0.s8.s32 v49;
	v61 =	vsel vm0, v8, v7  }
0x31: {  	v7 =	vunpack.c.0.s8.s32 v32;
	v8 =	vunpack.c.0.s8.s32 v33;
	v32 =	vimm.s32 $0x6C584430  }
0x32: {  	v33 =	vimm.s32 $0x4C382410;
	v5 =	vsel vm0, v6, v5;
	v6 =	vunpack.c.0.s8.s32 v11  }
0x33: {  	[tilespmem:$0x1FDB0] =	vst v4;
	v37 =	vunpack.c.0.s8.s32 v33;
	v4 =	vcombine.low v5, v47;
	v5 =	vunpack.c.0.s8.s32 v10  }
0x34: {  	v7 =	vsel vm0, v8, v7;
	v8 =	vunpack.c.0.s8.s32 v41;
	v10 =	vunpack.c.0.s8.s32 v55  }
0x35: {  	[tilespmem:$0x1FDD0] =	vst v4;
	v4 =	vcombine.low v62, v61;
	v5 =	vsel vm0, v6, v5;
	v6 =	vsel vm0, v40, v39  }
0x36: {  	v61 =	vsel vm0, v10, v9;
	v9 =	vunpack.c.0.s8.s32 v32;
	v39 =	vunpack.c.0.s8.s32 v34  }
0x37: {  	v63 =	vsel vm0, v60, v59;
	[tilespmem:$0x1FDC0] =	vst v46;
	v46 =	vsel vm0, v43, v8;
	v45 =	vcombine.low v6, v7  }
0x38: {  	s9 =	rddreg [dreg:$0x0];
	s3 =	stileid.u32;
	[tilespmem:$0x1FDE0] =	vst v4;
	v4 =	vcombine.low v5, v63;
	v3 =	vsel vm0, v3, v9;
	v41 =	vsel vm0, v39, v37  }
0x39: {  	s0 =	rddreg [dreg:$0x1];
	s4 =	sshll.u32 s3, $0x1;
	s3 =	simm.s32 $0x0;
	v8 =	vunpack.c.0.s8.s32 v52;
	v7 =	vunpack.c.0.s8.s32 v51;
	[tilespmem:$0x1FE00] =	vst v45;
	v3 =	vcombine.low v41, v3  }
0x3a: {  	[smem:$0x7FF] =	sst s3;
	v62 =	vimm.s32 $0x4B37230F;
	[tilespmem:$0x1FDF0] =	vst v4  }
0x3b: {  	s2 =	rddreg [dreg:$0x2];
	v60 =	vsel vm0, v8, v7;
	v7 =	vunpack.c.0.s8.s32 v62;
	v62 =	vor.u32 $0x1, v22;
	_ =	strace $0x80000047;
	[tilespmem:$0x1FE40] =	vst v3  }
0x3c: {  	v24 =	vmul.u32 $0xA00, v54;
	v63 =	vimm.s32 $0x1B07735F;
	[tilespmem:$0x1FE60] =	vst v62  }
0x3d: {  	v8 =	vunpack.c.0.s8.s32 v63;
	v63 =	vor.u32 $0x2, v22;
	[tilespmem:$0x1FE70] =	vst v22  }
0x3e: {  	v38 =	vadd.s32 $0x880, v24;
	v47 =	vimm.s32 $0x4935210D;
	v43 =	vimm.s32 $0x4D392511;
	[tilespmem:$0x1FE80] =	vst v63  }
0x3f: {  	v5 =	vunpack.c.0.s8.s32 v47;
	v47 =	vunpack.c.0.s8.s32 v43;
	v43 =	vadd.s32 $0x900, v24;
	[tilespmem:$0x1FEB0] =	vst v38  }
0x40: {  	v17 =	vmul.u32 $0x80, v54;
	v41 =	vadd.s32 $0x980, v24;
	[tilespmem:$0x1FEC0] =	vst v43  }
0x41: {  	[tilespmem:$0x1FED0] =	vst v41  }
0x42: {  	[tilespmem:$0x1FEE0] =	vst v17  }
0x43: {  	v25 =	vor.u32 $0x80, v24;
	[tilespmem:$0x1FEF0] =	vst v24  }
0x44: {  	v44 =	vor.u32 $0x100, v24;
	[tilespmem:$0x1FF00] =	vst v25  }
0x45: {  	v13 =	vor.u32 $0x180, v24;
	[tilespmem:$0x1FF10] =	vst v44  }
0x46: {  	v48 =	vadd.s32 $0x200, v24;
	v50 =	vadd.s32 $0x280, v24;
	v16 =	vadd.s32 $0x300, v24;
	[tilespmem:$0x1FF20] =	vst v13  }
0x47: {  	v56 =	vadd.s32 $0x380, v24;
	v18 =	vadd.s32 $0x400, v24;
	v19 =	vadd.s32 $0x480, v24;
	[tilespmem:$0x1FF30] =	vst v48  }
0x48: {  	v20 =	vadd.s32 $0x500, v24;
	v21 =	vadd.s32 $0x580, v24;
	v23 =	vadd.s32 $0x600, v24;
	[tilespmem:$0x1FF40] =	vst v50  }
0x49: {  	v28 =	vadd.s32 $0x680, v24;
	v31 =	vadd.s32 $0x700, v24;
	v49 =	vimm.s32 $0x1905715D;
	[tilespmem:$0x1FF50] =	vst v16  }
0x4a: {  	v35 =	vadd.s32 $0x780, v24;
	v57 =	vimm.s32 $0x6B57432F;
	v6 =	vunpack.c.0.s8.s32 v49;
	[tilespmem:$0x1FF60] =	vst v56  }
0x4b: {  	v36 =	vadd.s32 $0x800, v24;
	v12 =	vimm.s32 $0x3B27137F;
	v58 =	vunpack.c.0.s8.s32 v57;
	[tilespmem:$0x1FF70] =	vst v18  }
0x4c: {  	v42 =	vimm.s32 $0x6D594531;
	v59 =	vunpack.c.0.s8.s32 v12;
	v5 =	vsel vm0, v6, v5;
	[tilespmem:$0x1FF80] =	vst v19  }
0x4d: {  	s1 =	srdreg.scid;
	v55 =	vimm.s32 $0x6F5B4733;
	v52 =	vimm.s32 $0x1E0A7662;
	v4 =	vcombine.low v5, v46;
	[tilespmem:$0x1FF90] =	vst v20  }
0x4e: {  	s1 =	sand.u32 $0x1, s1;
	v49 =	vimm.s32 $0x6E5A4632;
	v51 =	vimm.s32 $0x4E3A2612;
	v45 =	vunpack.c.0.s8.s32 v42;
	[tilespmem:$0x1FFA0] =	vst v21  }
0x4f: {  	s5 =	sor.u32 s1, s4;
	v6 =	vsel vm0, v59, v58;
	v58 =	vimm.s32 $0x4F3B2713;
	[tilespmem:$0x1FE10] =	vst v4;
	v4 =	vcombine.low v61, v60  }
0x50: {  	s7 =	smul.u32 $0x4400, s5;
	v59 =	vunpack.c.0.s8.s32 v51;
	v7 =	vsel vm0, v8, v7;
	v46 =	vimm.s32 $0x1D097561;
	[tilespmem:$0x1FFB0] =	vst v23  }
0x51: {  	s11 =	simm.s32 $0x400;
	v40 =	vcombine.low v7, v6;
	v6 =	vunpack.c.0.s8.s32 v49;
	[tilespmem:$0x1FE20] =	vst v4;
	v4 =	vunpack.c.0.s8.s32 v46  }
0x52: {  	s10 =	simm.s32 $0x1400;
	s14 =	simm.s32 $0x15400;
	s6 =	sshrl.u32 s7, $0x3;
	v1 =	vsel vm0, v1, v45;
	[tilespmem:$0x1FFC0] =	vst v28;
	v60 =	vunpack.c.0.s8.s32 v52;
	v61 =	vimm.s32 $0x1F0B7763  }
0x53: {  	s13 =	simm.s32 $0xB400;
	s4 =	sadd.s32 $0x400, s0;
	s9 =	sadd.s32 s9, s6;
	[tilespmem:$0x1FFD0] =	vst v31;
	v57 =	vsel vm0, v2, v6;
	v2 =	vunpack.c.0.s8.s32 v58;
	v53 =	vsel vm0, v4, v47  }
0x54: {  	s1 =	ssub.s32 $0x2, s1;
	s28 =	sadd.s32 $0x40, s9;
	[dreg:$0x4] =	wrdreg s9;
	[tilespmem:$0x1FFE0] =	vst v35;
	v6 =	vunpack.c.0.s8.s32 v61;
	v4 =	vunpack.c.0.s8.s32 v55;
	v1 =	vcombine.low v53, v1  }
0x55: {  	s5 =	smul.u32 $0x500, s5;
	s29 =	sadd.s32 $0x400, s7;
	[dreg:$0x5] =	wrdreg s28;
	[tilespmem:$0x1FFF0] =	vst v36;
	v3 =	vsel vm0, v60, v59  }
0x56: {  	s8 =	sshrl.u32 s1, $0x1;
	s30 =	sadd.s32 $0x600, s7;
	[dreg:$0x6] =	wrdreg s29;
	v2 =	vsel vm0, v6, v2;
	v0 =	vsel vm0, v0, v4;
	[tilespmem:$0x1FE50] =	vst v1;
	v1 =	vcombine.low v3, v57  }
0x57: {  	s26 =	ssub.s32 s1, s8;
	s31 =	sadd.s32 s2, s5;
	[dreg:$0x7] =	wrdreg s30;
	[tilespmem:$0x1FE30] =	vst v40;
	v0 =	vcombine.low v2, v0  }
0x58: {  	s6 =	sadd.s32 $0xF42800, s0;
	s0 =	smax.u32 s26, $0x1;
	[dreg:$0x8] =	wrdreg s31;
	[tilespmem:$0x1FE90] =	vst v1  }
0x59: {  	s7 =	simm.s32 $0xC00;
	s2 =	simm.s32 $0x0;
	[dreg:$0x9] =	wrdreg s0;
	[tilespmem:$0x1FEA0] =	vst v0  }
.LBB2_1:
0x5a: {  	[dreg:$0xa] =	wrdreg s2  }
0x5b: {  	s0 =	rddreg [dreg:$0x4];
	s22 =	simm.s32 $0x1  }
0x5c: {  	[tilespmem:s3], [sflag:$0x1] =	stream.linear.gather [hbm4b:s0+s3], $0x200, $0x38;
	[tilespmem:$0x17C00] =	vst v63  }
0x5d: {  	_ =	swait.ge [sflag:s22], $0x200  }
0x5e: {  	[sflag:s22] =	ssyncset.done $0x0  }
0x5f: {  	[sflag:s22] =	ssyncadd.s32 $0xFFFFFE00  }
0x60: {  	v0 =	vld [tilespmem:$0x0];
	_ =	sdelay $0x4  }
0x61: {  	v0 =	vshll.u32 v0, $0x4  }
0x62: {  	(v2sf) =	vpush v0, $0x0;
	_ =	sdelay $0x6  }
0x63: {  	(v2sf) =	vpush v0, $0x1;
	_ =	sdelay $0x2  }
0x64: {  	(v2sf) =	vpush v0, $0x2;
	_ =	sdelay $0x2  }
0x65: {  	(v2sf) =	vpush v0, $0x3;
	_ =	sdelay $0x1  }
0x66: {  	s23 =	spop (v2sf);
	(v2sf) =	vpush v0, $0x4;
	_ =	sdelay $0x1  }
0x67: {  	(v2sf) =	vpush v0, $0x5;
	_ =	sdelay $0x1  }
0x68: {  	(v2sf) =	vpush v0, $0x6;
	_ =	sdelay $0x1  }
0x69: {  	s0 =	sand.u32 $0x1FFFFFF0, s23  }
0x6a: {  	s24 =	spop (v2sf);
	s0 =	sadd.s32 s4, s0;
	(v2sf) =	vpush v0, $0x7  }
0x6b: {  	[tilespmem:s11], [sflag:$0x3] =	stream.linear.gather [hbm4b:s0+s3], $0x80, $0x38;
	[tilespmem:$0x17C00] =	vst v63  }
0x6c: {  	s0 =	sand.u32 $0x1FFFFFF0, s24  }
0x6d: {  	s1 =	simm.s32 $0x480;
	s25 =	spop (v2sf);
	s0 =	sadd.s32 s4, s0  }
0x6e: {  	[tilespmem:s1], [sflag:$0x3] =	stream.linear.gather [hbm4b:s0+s3], $0x80, $0x38;
	[tilespmem:$0x17C00] =	vst v63  }
0x6f: {  	s0 =	sand.u32 $0x1FFFFFF0, s25  }
0x70: {  	s26 =	simm.s32 $0x500;
	s28 =	spop (v2sf);
	s0 =	sadd.s32 s4, s0  }
0x71: {  	[tilespmem:s26], [sflag:$0x3] =	stream.linear.gather [hbm4b:s0+s3], $0x80, $0x38;
	[tilespmem:$0x17C00] =	vst v63  }
0x72: {  	s30 =	spop (v2sf);
	(v2sf) =	vpush v0, $0x8  }
0x73: {  	s0 =	sand.u32 $0x1FFFFFF0, s28  }
0x74: {  	s29 =	simm.s32 $0x580;
	s0 =	sadd.s32 s4, s0;
	s1 =	spop (v2sf);
	(v2sf) =	vpush v0, $0x9  }
0x75: {  	[tilespmem:s29], [sflag:$0x3] =	stream.linear.gather [hbm4b:s0+s3], $0x80, $0x38;
	[tilespmem:$0x17C00] =	vst v63  }
0x76: {  	s0 =	sand.u32 $0x1FFFFFF0, s30;
	s5 =	spop (v2sf);
	(v2sf) =	vpush v0, $0xA  }
0x77: {  	s31 =	simm.s32 $0x600;
	s0 =	sadd.s32 s4, s0  }
0x78: {  	[tilespmem:s31], [sflag:$0x3] =	stream.linear.gather [hbm4b:s0+s3], $0x80, $0x38;
	[tilespmem:$0x17C00] =	vst v63  }
0x79: {  	s9 =	spop (v2sf);
	(v2sf) =	vpush v0, $0xB  }
0x7a: {  	s0 =	sand.u32 $0x1FFFFFF0, s1  }
0x7b: {  	s2 =	simm.s32 $0x680;
	s0 =	sadd.s32 s4, s0  }
0x7c: {  	[tilespmem:s2], [sflag:$0x3] =	stream.linear.gather [hbm4b:s0+s3], $0x80, $0x38;
	[tilespmem:$0x17C00] =	vst v63  }
0x7d: {  	s0 =	sand.u32 $0x1FFFFFF0, s5  }
0x7e: {  	s8 =	simm.s32 $0x700;
	s0 =	sadd.s32 s4, s0  }
0x7f: {  	[tilespmem:s8], [sflag:$0x3] =	stream.linear.gather [hbm4b:s0+s3], $0x80, $0x38;
	[tilespmem:$0x17C00] =	vst v63  }
0x80: {  	s0 =	sand.u32 $0x1FFFFFF0, s9  }
0x81: {  	s12 =	simm.s32 $0x780;
	s0 =	sadd.s32 s4, s0;
	s15 =	spop (v2sf);
	(v2sf) =	vpush v0, $0xC  }
0x82: {  	[tilespmem:s12], [sflag:$0x3] =	stream.linear.gather [hbm4b:s0+s3], $0x80, $0x38;
	[tilespmem:$0x17C00] =	vst v63  }
0x83: {  	s17 =	spop (v2sf);
	(v2sf) =	vpush v0, $0xD  }
0x84: {  	s0 =	sand.u32 $0x1FFFFFF0, s15  }
0x85: {  	s16 =	simm.s32 $0x800;
	s0 =	sadd.s32 s4, s0;
	s19 =	spop (v2sf)  }
0x86: {  	(v2sf) =	vpush v0, $0xE;
	[tilespmem:s16], [sflag:$0x3] =	stream.linear.gather [hbm4b:s0+s3], $0x80, $0x38;
	[tilespmem:$0x17C00] =	vst v63  }
0x87: {  	s0 =	sand.u32 $0x1FFFFFF0, s17  }
0x88: {  	s18 =	simm.s32 $0x880;
	s21 =	spop (v2sf);
	s0 =	sadd.s32 s4, s0  }
0x89: {  	(v2sf) =	vpush v0, $0xF;
	[tilespmem:s18], [sflag:$0x3] =	stream.linear.gather [hbm4b:s0+s3], $0x80, $0x38;
	[tilespmem:$0x17C00] =	vst v63  }
0x8a: {  	s0 =	sand.u32 $0x1FFFFFF0, s19  }
0x8b: {  	s20 =	simm.s32 $0x900;
	s0 =	sadd.s32 s4, s0  }
0x8c: {  	[tilespmem:s20], [sflag:$0x3] =	stream.linear.gather [hbm4b:s0+s3], $0x80, $0x38;
	[tilespmem:$0x17C00] =	vst v63  }
0x8d: {  	s0 =	sand.u32 $0x1FFFFFF0, s21  }
0x8e: {  	s22 =	simm.s32 $0x980;
	s0 =	sadd.s32 s4, s0  }
0x8f: {  	[tilespmem:s22], [sflag:$0x3] =	stream.linear.gather [hbm4b:s0+s3], $0x80, $0x38;
	[tilespmem:$0x17C00] =	vst v63  }
0x90: {  	s23 =	spop (v2sf)  }
0x91: {  	s0 =	sand.u32 $0x1FFFFFF0, s23  }
0x92: {  	s24 =	simm.s32 $0xA00;
	s25 =	spop (v2sf);
	s0 =	sadd.s32 s4, s0  }
0x93: {  	[tilespmem:s24], [sflag:$0x3] =	stream.linear.gather [hbm4b:s0+s3], $0x80, $0x38;
	[tilespmem:$0x17C00] =	vst v63  }
0x94: {  	s0 =	sand.u32 $0x1FFFFFF0, s25  }
0x95: {  	s26 =	simm.s32 $0xA80;
	s28 =	spop (v2sf);
	s0 =	sadd.s32 s4, s0  }
0x96: {  	[tilespmem:s26], [sflag:$0x3] =	stream.linear.gather [hbm4b:s0+s3], $0x80, $0x38;
	[tilespmem:$0x17C00] =	vst v63  }
0x97: {  	s0 =	sand.u32 $0x1FFFFFF0, s28  }
0x98: {  	s29 =	simm.s32 $0xB00;
	s30 =	spop (v2sf);
	s0 =	sadd.s32 s4, s0  }
0x99: {  	[tilespmem:s29], [sflag:$0x3] =	stream.linear.gather [hbm4b:s0+s3], $0x80, $0x38;
	[tilespmem:$0x17C00] =	vst v63  }
0x9a: {  	s0 =	sand.u32 $0x1FFFFFF0, s30  }
0x9b: {  	s31 =	simm.s32 $0xB80;
	s16 =	simm.s32 $0x20;
	s0 =	sadd.s32 s4, s0  }
0x9c: {  	[tilespmem:s31], [sflag:$0x3] =	stream.linear.gather [hbm4b:s0+s3], $0x80, $0x38;
	[tilespmem:$0x17C00] =	vst v63  }
0x9d: {  	v0 =	vld [tilespmem:s16+$0x0];
	_ =	sdelay $0x4  }
0x9e: {  	v0 =	vshll.u32 v0, $0x4  }
0x9f: {  	(v2sf) =	vpush v0, $0x0  }
0xa0: {  	(v2sf) =	vpush v0, $0x1  }
0xa1: {  	(v2sf) =	vpush v0, $0x2;
	_ =	sdelay $0x1  }
0xa2: {  	(v2sf) =	vpush v0, $0x4;
	_ =	sdelay $0x1  }
0xa3: {  	(v2sf) =	vpush v0, $0x3  }
0xa4: {  	(v2sf) =	vpush v0, $0x5  }
0xa5: {  	s15 =	simm.s32 $0x0;
	s17 =	simm.s32 $0x2000;
	(v2sf) =	vpush v0, $0x6  }
.LBB2_2:
0xa6: {  	p0 =	sne.s32 s17, $0x26000  }
0xa7: {  	s8 =	sadd.s32 $0x1480, s15;
	s21 =	sadd.s32 $0x1980, s15;
	s18 =	smov.u32 s17  }
0xa8: {  	s17 =	sadd.s32 $0x2000, s17;
	s25 =	sadd.s32 $0x1780, s15;
	s19 =	sadd.s32 $0x1A00, s15;
	(v2sf) =	vpush v0, $0x7  }
0xa9: {  	s0 =	sadd.s32 $0x1680, s15;
	s24 =	sadd.s32 $0x1800, s15;
	s20 =	sadd.s32 $0x1A80, s15  }
0xaa: {  	s28 =	sadd.s32 $0x1400, s15;
	s29 =	sadd.s32 $0x1600, s15;
	(v2sf) =	vpush v0, $0x8  }
0xab: {  	s30 =	sadd.s32 $0x1700, s15;
	s16 =	sadd.s32 $0x10, s16  }
0xac: {  	s9 =	sadd.s32 $0x1500, s15;
	s22 =	sadd.s32 $0x1900, s15;
	s26 =	spop (v2sf);
	(v2sf) =	vpush v0, $0x9  }
0xad: {  	s5 =	sand.u32 $0x1FFFFFF0, s26;
	s26 =	sadd.s32 $0x1880, s15;
	s12 =	spop (v2sf)  }
0xae: {  	s5 =	sadd.s32 s6, s5;
	s12 =	sand.u32 $0x1FFFFFF0, s12;
	s23 =	spop (v2sf);
	(v2sf) =	vpush v0, $0xA  }
0xaf: {  	[tilespmem:s28], [sflag:$0x5] =	stream.linear.gather [hbm4b:s5+s3], $0x80, $0x38;
	[tilespmem:$0x17C00] =	vst v63  }
0xb0: {  	s5 =	sadd.s32 s6, s12;
	s12 =	sadd.s32 $0x1580, s15;
	s28 =	spop (v2sf);
	(v2sf) =	vpush v0, $0xB  }
0xb1: {  	[tilespmem:s8], [sflag:$0x5] =	stream.linear.gather [hbm4b:s5+s3], $0x80, $0x38;
	[tilespmem:$0x17C00] =	vst v63  }
0xb2: {  	s5 =	sand.u32 $0x1FFFFFF0, s23;
	s8 =	sand.u32 $0x1FFFFFF0, s28;
	s23 =	spop (v2sf);
	(v2sf) =	vpush v0, $0xC  }
0xb3: {  	s5 =	sadd.s32 s6, s5;
	s23 =	sand.u32 $0x1FFFFFF0, s23;
	s28 =	spop (v2sf)  }
0xb4: {  	[tilespmem:s9], [sflag:$0x5] =	stream.linear.gather [hbm4b:s5+s3], $0x80, $0x38;
	(v2sf) =	vpush v0, $0xD;
	[tilespmem:$0x17C00] =	vst v63  }
0xb5: {  	s5 =	sadd.s32 s6, s23;
	s9 =	sand.u32 $0x1FFFFFF0, s28;
	s23 =	spop (v2sf)  }
0xb6: {  	[tilespmem:s12], [sflag:$0x5] =	stream.linear.gather [hbm4b:s5+s3], $0x80, $0x38;
	(v2sf) =	vpush v0, $0xE;
	[tilespmem:$0x17C00] =	vst v63  }
0xb7: {  	s5 =	sadd.s32 s6, s8;
	s8 =	sand.u32 $0x1FFFFFF0, s23;
	s12 =	spop (v2sf)  }
0xb8: {  	[tilespmem:s29], [sflag:$0x5] =	stream.linear.gather [hbm4b:s5+s3], $0x80, $0x38;
	(v2sf) =	vpush v0, $0xF;
	[tilespmem:$0x17C00] =	vst v63  }
0xb9: {  	s5 =	sadd.s32 s6, s9;
	s9 =	sand.u32 $0x1FFFFFF0, s12;
	s12 =	spop (v2sf)  }
0xba: {  	[tilespmem:s0], [sflag:$0x5] =	stream.linear.gather [hbm4b:s5+s3], $0x80, $0x38;
	[tilespmem:$0x17C00] =	vst v63  }
0xbb: {  	s0 =	sadd.s32 s6, s8;
	s5 =	sand.u32 $0x1FFFFFF0, s12;
	s8 =	spop (v2sf)  }
0xbc: {  	[tilespmem:s30], [sflag:$0x5] =	stream.linear.gather [hbm4b:s0+s3], $0x80, $0x38;
	[tilespmem:$0x17C00] =	vst v63  }
0xbd: {  	s0 =	sadd.s32 s6, s9;
	s8 =	sand.u32 $0x1FFFFFF0, s8;
	s9 =	spop (v2sf)  }
0xbe: {  	[tilespmem:s25], [sflag:$0x5] =	stream.linear.gather [hbm4b:s0+s3], $0x80, $0x38;
	[tilespmem:$0x17C00] =	vst v63  }
0xbf: {  	s0 =	sadd.s32 s6, s5;
	s5 =	sand.u32 $0x1FFFFFF0, s9;
	s9 =	spop (v2sf)  }
0xc0: {  	[tilespmem:s24], [sflag:$0x5] =	stream.linear.gather [hbm4b:s0+s3], $0x80, $0x38;
	[tilespmem:$0x17C00] =	vst v63  }
0xc1: {  	s0 =	sadd.s32 s6, s8;
	s8 =	sand.u32 $0x1FFFFFF0, s9;
	s9 =	spop (v2sf)  }
0xc2: {  	[tilespmem:s26], [sflag:$0x5] =	stream.linear.gather [hbm4b:s0+s3], $0x80, $0x38;
	[tilespmem:$0x17C00] =	vst v63  }
0xc3: {  	s0 =	sadd.s32 s6, s5;
	s5 =	sand.u32 $0x1FFFFFF0, s9;
	s9 =	spop (v2sf)  }
0xc4: {  	[tilespmem:s22], [sflag:$0x5] =	stream.linear.gather [hbm4b:s0+s3], $0x80, $0x38;
	[tilespmem:$0x17C00] =	vst v63  }
0xc5: {  	s0 =	sadd.s32 s6, s8;
	s8 =	sand.u32 $0x1FFFFFF0, s9;
	s9 =	spop (v2sf)  }
0xc6: {  	[tilespmem:s21], [sflag:$0x5] =	stream.linear.gather [hbm4b:s0+s3], $0x80, $0x38;
	[tilespmem:$0x17C00] =	vst v63  }
0xc7: {  	s0 =	sadd.s32 s6, s5;
	s5 =	sand.u32 $0x1FFFFFF0, s9;
	s9 =	spop (v2sf)  }
0xc8: {  	[tilespmem:s19], [sflag:$0x5] =	stream.linear.gather [hbm4b:s0+s3], $0x80, $0x38;
	[tilespmem:$0x17C00] =	vst v63  }
0xc9: {  	s0 =	sadd.s32 s6, s8;
	s8 =	sand.u32 $0x1FFFFFF0, s9  }
0xca: {  	[tilespmem:s20], [sflag:$0x5] =	stream.linear.gather [hbm4b:s0+s3], $0x80, $0x38;
	[tilespmem:$0x17C00] =	vst v63  }
0xcb: {  	s5 =	sadd.s32 s6, s5;
	s0 =	sadd.s32 $0x1B00, s15  }
0xcc: {  	[tilespmem:s0], [sflag:$0x5] =	stream.linear.gather [hbm4b:s5+s3], $0x80, $0x38;
	[tilespmem:$0x17C00] =	vst v63  }
0xcd: {  	s0 =	sadd.s32 $0x1B80, s15;
	s5 =	sadd.s32 s6, s8  }
0xce: {  	[tilespmem:s0], [sflag:$0x5] =	stream.linear.gather [hbm4b:s5+s3], $0x80, $0x38;
	[tilespmem:$0x17C00] =	vst v63  }
0xcf: {  	v0 =	vld [tilespmem:s16+$0x0];
	_ =	sdelay $0x4  }
0xd0: {  	v0 =	vshll.u32 v0, $0x4  }
0xd1: {  	(v2sf) =	vpush v0, $0x0  }
0xd2: {  	(v2sf) =	vpush v0, $0x1  }
0xd3: {  	(v2sf) =	vpush v0, $0x2;
	_ =	sdelay $0x1  }
0xd4: {  	(v2sf) =	vpush v0, $0x4  }
.Ltmp0:
0xd5: {  	(pc) =	sbr.rel @p0 .LBB2_2-.Ltmp0, $3  }
0xd6: {  	(v2sf) =	vpush v0, $0x3  }
0xd7: {  	(v2sf) =	vpush v0, $0x5;
	_ =	sdelay $0x1  }
0xd8: {  	s15 =	sshra.s32 s18, $0x2;
	(v2sf) =	vpush v0, $0x6  }
0xd9: {  	_ =	sdelay $0x1  }
0xda: {  	s0 =	sadd.s32 $0x1480, s15;
	s18 =	sadd.s32 $0x1980, s15  }
0xdb: {  	s5 =	sadd.s32 $0x1780, s15;
	s16 =	sadd.s32 $0x1A00, s15;
	(v2sf) =	vpush v0, $0x7;
	s8 =	sadd.s32 $0x1680, s15  }
0xdc: {  	s9 =	sadd.s32 $0x1800, s15;
	s17 =	sadd.s32 $0x1A80, s15;
	s12 =	sadd.s32 $0x1400, s15  }
0xdd: {  	s19 =	sadd.s32 $0x1600, s15;
	s20 =	sadd.s32 $0x1700, s15;
	(v2sf) =	vpush v0, $0x8;
	s21 =	spop (v2sf)  }
0xde: {  	s22 =	sadd.s32 $0x1500, s15;
	s21 =	sand.u32 $0x1FFFFFF0, s21;
	s23 =	spop (v2sf)  }
0xdf: {  	(v2sf) =	vpush v0, $0x9;
	s21 =	sadd.s32 s6, s21;
	s23 =	sand.u32 $0x1FFFFFF0, s23;
	s24 =	spop (v2sf)  }
0xe0: {  	[tilespmem:s12], [sflag:$0x5] =	stream.linear.gather [hbm4b:s21+s3], $0x80, $0x38;
	[tilespmem:$0x17C00] =	vst v63  }
0xe1: {  	s25 =	sadd.s32 $0x1580, s15;
	(v2sf) =	vpush v0, $0xA;
	s26 =	sadd.s32 s6, s23;
	s28 =	spop (v2sf)  }
0xe2: {  	[tilespmem:s0], [sflag:$0x5] =	stream.linear.gather [hbm4b:s26+s3], $0x80, $0x38;
	[tilespmem:$0x17C00] =	vst v63  }
0xe3: {  	s12 =	sadd.s32 $0x1900, s15;
	s29 =	sand.u32 $0x1FFFFFF0, s24;
	(v2sf) =	vpush v0, $0xB;
	s30 =	spop (v2sf)  }
0xe4: {  	s21 =	sadd.s32 s6, s29;
	s0 =	sadd.s32 $0x1880, s15;
	s24 =	sand.u32 $0x1FFFFFF0, s30  }
0xe5: {  	(v2sf) =	vpush v0, $0xC;
	[tilespmem:s22], [sflag:$0x5] =	stream.linear.gather [hbm4b:s21+s3], $0x80, $0x38;
	[tilespmem:$0x17C00] =	vst v63  }
0xe6: {  	s31 =	sand.u32 $0x1FFFFFF0, s28;
	s1 =	spop (v2sf);
	s2 =	sadd.s32 s6, s24  }
0xe7: {  	(v2sf) =	vpush v0, $0xD;
	[tilespmem:s25], [sflag:$0x5] =	stream.linear.gather [hbm4b:s2+s3], $0x80, $0x38;
	[tilespmem:$0x17C00] =	vst v63  }
0xe8: {  	s21 =	sadd.s32 s6, s31;
	s22 =	sand.u32 $0x1FFFFFF0, s1;
	s24 =	spop (v2sf)  }
0xe9: {  	(v2sf) =	vpush v0, $0xE;
	[tilespmem:s19], [sflag:$0x5] =	stream.linear.gather [hbm4b:s21+s3], $0x80, $0x38;
	[tilespmem:$0x17C00] =	vst v63  }
0xea: {  	s22 =	sadd.s32 s6, s22;
	s25 =	sand.u32 $0x1FFFFFF0, s24;
	s26 =	spop (v2sf)  }
0xeb: {  	(v2sf) =	vpush v0, $0xF;
	[tilespmem:s8], [sflag:$0x5] =	stream.linear.gather [hbm4b:s22+s3], $0x80, $0x38;
	[tilespmem:$0x17C00] =	vst v63  }
0xec: {  	s28 =	sand.u32 $0x1FFFFFF0, s26;
	s29 =	spop (v2sf);
	s19 =	sadd.s32 s6, s25  }
0xed: {  	[tilespmem:s20], [sflag:$0x5] =	stream.linear.gather [hbm4b:s19+s3], $0x80, $0x38;
	[tilespmem:$0x17C00] =	vst v63  }
0xee: {  	s30 =	sand.u32 $0x1FFFFFF0, s29;
	s8 =	sadd.s32 s6, s28;
	s31 =	spop (v2sf)  }
0xef: {  	[tilespmem:s5], [sflag:$0x5] =	stream.linear.gather [hbm4b:s8+s3], $0x80, $0x38;
	[tilespmem:$0x17C00] =	vst v63  }
0xf0: {  	s19 =	sadd.s32 s6, s30;
	s1 =	sand.u32 $0x1FFFFFF0, s31;
	s2 =	spop (v2sf)  }
0xf1: {  	[tilespmem:s9], [sflag:$0x5] =	stream.linear.gather [hbm4b:s19+s3], $0x80, $0x38;
	[tilespmem:$0x17C00] =	vst v63  }
0xf2: {  	s8 =	sand.u32 $0x1FFFFFF0, s2;
	s5 =	sadd.s32 s6, s1;
	s19 =	spop (v2sf)  }
0xf3: {  	[tilespmem:s0], [sflag:$0x5] =	stream.linear.gather [hbm4b:s5+s3], $0x80, $0x38;
	[tilespmem:$0x17C00] =	vst v63  }
0xf4: {  	s8 =	sadd.s32 s6, s8;
	s20 =	sand.u32 $0x1FFFFFF0, s19;
	s21 =	spop (v2sf)  }
0xf5: {  	[tilespmem:s12], [sflag:$0x5] =	stream.linear.gather [hbm4b:s8+s3], $0x80, $0x38;
	[tilespmem:$0x17C00] =	vst v63  }
0xf6: {  	s0 =	sadd.s32 s6, s20;
	s5 =	sand.u32 $0x1FFFFFF0, s21;
	s22 =	spop (v2sf)  }
0xf7: {  	[tilespmem:s18], [sflag:$0x5] =	stream.linear.gather [hbm4b:s0+s3], $0x80, $0x38;
	[tilespmem:$0x17C00] =	vst v63  }
0xf8: {  	s23 =	sand.u32 $0x1FFFFFF0, s22;
	s5 =	sadd.s32 s6, s5;
	s24 =	spop (v2sf)  }
0xf9: {  	[tilespmem:s16], [sflag:$0x5] =	stream.linear.gather [hbm4b:s5+s3], $0x80, $0x38;
	[tilespmem:$0x17C00] =	vst v63  }
0xfa: {  	s25 =	sand.u32 $0x1FFFFFF0, s24;
	s26 =	spop (v2sf);
	s0 =	sadd.s32 s6, s23  }
0xfb: {  	[tilespmem:s17], [sflag:$0x5] =	stream.linear.gather [hbm4b:s0+s3], $0x80, $0x38;
	[tilespmem:$0x17C00] =	vst v63  }
0xfc: {  	s29 =	sadd.s32 $0x1B00, s15;
	s28 =	sand.u32 $0x1FFFFFF0, s26;
	s5 =	sadd.s32 s6, s25  }
0xfd: {  	[tilespmem:s29], [sflag:$0x5] =	stream.linear.gather [hbm4b:s5+s3], $0x80, $0x38;
	[tilespmem:$0x17C00] =	vst v63  }
0xfe: {  	s30 =	sadd.s32 $0x1B80, s15;
	s15 =	simm.s32 $0x0;
	s0 =	sadd.s32 s6, s28  }
0xff: {  	[tilespmem:s30], [sflag:$0x5] =	stream.linear.gather [hbm4b:s0+s3], $0x80, $0x38;
	[tilespmem:$0x17C00] =	vst v63  }
0x100: {  	s31 =	rddreg [dreg:$0x5];
	s1 =	simm.s32 $0x200;
	s16 =	simm.s32 $0x0  }
0x101: {  	[tilespmem:s1], [sflag:$0x2] =	stream.linear.gather [hbm4b:s31+s15], $0x200, $0x38;
	[tilespmem:$0x17C00] =	vst v63  }
.LBB2_4:
0x102: {  	s0 =	simm.s32 $0x3  }
0x103: {  	_ =	swait.ge [sflag:s0], $0x800  }
0x104: {  	[sflag:s0] =	ssyncset.done $0x0  }
0x105: {  	s19 =	simm.s32 $0x5;
	[sflag:s0] =	ssyncadd.s32 $0xFFFFF800  }
0x106: {  	_ =	swait.ge [sflag:s19], $0xA000  }
0x107: {  	[sflag:s19] =	ssyncset.done $0x0  }
0x108: {  	s20 =	simm.s32 $0x2;
	[sflag:s19] =	ssyncadd.s32 $0xFFFF6000  }
0x109: {  	_ =	swait.ge [sflag:s20], $0x200  }
0x10a: {  	[sflag:s20] =	ssyncset.done $0x0  }
0x10b: {  	[sflag:s20] =	ssyncadd.s32 $0xFFFFFE00  }
0x10c: {  	v0 =	vld [tilespmem:$0x200];
	_ =	sdelay $0x4  }
0x10d: {  	v0 =	vshll.u32 v0, $0x4  }
0x10e: {  	(v2sf) =	vpush v0, $0x0;
	_ =	sdelay $0x6  }
0x10f: {  	(v2sf) =	vpush v0, $0x1;
	_ =	sdelay $0x2  }
0x110: {  	(v2sf) =	vpush v0, $0x2;
	_ =	sdelay $0x2  }
0x111: {  	(v2sf) =	vpush v0, $0x3;
	_ =	sdelay $0x1  }
0x112: {  	s21 =	spop (v2sf);
	(v2sf) =	vpush v0, $0x4;
	_ =	sdelay $0x1  }
0x113: {  	(v2sf) =	vpush v0, $0x5;
	_ =	sdelay $0x1  }
0x114: {  	(v2sf) =	vpush v0, $0x6;
	_ =	sdelay $0x1  }
0x115: {  	s0 =	sand.u32 $0x1FFFFFF0, s21  }
0x116: {  	s22 =	spop (v2sf);
	s0 =	sadd.s32 s4, s0;
	(v2sf) =	vpush v0, $0x7  }
0x117: {  	[tilespmem:s7], [sflag:$0x4] =	stream.linear.gather [hbm4b:s0+s15], $0x80, $0x38;
	[tilespmem:$0x17C00] =	vst v63  }
0x118: {  	s0 =	sand.u32 $0x1FFFFFF0, s22  }
0x119: {  	s1 =	simm.s32 $0xC80;
	s23 =	spop (v2sf);
	s0 =	sadd.s32 s4, s0  }
0x11a: {  	[tilespmem:s1], [sflag:$0x4] =	stream.linear.gather [hbm4b:s0+s15], $0x80, $0x38;
	[tilespmem:$0x17C00] =	vst v63  }
0x11b: {  	s0 =	sand.u32 $0x1FFFFFF0, s23  }
0x11c: {  	s24 =	simm.s32 $0xD00;
	s25 =	spop (v2sf);
	s0 =	sadd.s32 s4, s0  }
0x11d: {  	[tilespmem:s24], [sflag:$0x4] =	stream.linear.gather [hbm4b:s0+s15], $0x80, $0x38;
	[tilespmem:$0x17C00] =	vst v63  }
0x11e: {  	s28 =	spop (v2sf);
	(v2sf) =	vpush v0, $0x8  }
0x11f: {  	s0 =	sand.u32 $0x1FFFFFF0, s25  }
0x120: {  	s26 =	simm.s32 $0xD80;
	s0 =	sadd.s32 s4, s0;
	s30 =	spop (v2sf);
	(v2sf) =	vpush v0, $0x9  }
0x121: {  	[tilespmem:s26], [sflag:$0x4] =	stream.linear.gather [hbm4b:s0+s15], $0x80, $0x38;
	[tilespmem:$0x17C00] =	vst v63  }
0x122: {  	s0 =	sand.u32 $0x1FFFFFF0, s28;
	s1 =	spop (v2sf);
	(v2sf) =	vpush v0, $0xA  }
0x123: {  	s29 =	simm.s32 $0xE00;
	s0 =	sadd.s32 s4, s0  }
0x124: {  	[tilespmem:s29], [sflag:$0x4] =	stream.linear.gather [hbm4b:s0+s15], $0x80, $0x38;
	[tilespmem:$0x17C00] =	vst v63  }
0x125: {  	s5 =	spop (v2sf);
	(v2sf) =	vpush v0, $0xB  }
0x126: {  	s0 =	sand.u32 $0x1FFFFFF0, s30  }
0x127: {  	s31 =	simm.s32 $0xE80;
	s0 =	sadd.s32 s4, s0  }
0x128: {  	[tilespmem:s31], [sflag:$0x4] =	stream.linear.gather [hbm4b:s0+s15], $0x80, $0x38;
	[tilespmem:$0x17C00] =	vst v63  }
0x129: {  	s0 =	sand.u32 $0x1FFFFFF0, s1  }
0x12a: {  	s2 =	simm.s32 $0xF00;
	s0 =	sadd.s32 s4, s0  }
0x12b: {  	[tilespmem:s2], [sflag:$0x4] =	stream.linear.gather [hbm4b:s0+s15], $0x80, $0x38;
	[tilespmem:$0x17C00] =	vst v63  }
0x12c: {  	s0 =	sand.u32 $0x1FFFFFF0, s5  }
0x12d: {  	s8 =	simm.s32 $0xF80;
	s0 =	sadd.s32 s4, s0;
	s9 =	spop (v2sf);
	(v2sf) =	vpush v0, $0xC  }
0x12e: {  	[tilespmem:s8], [sflag:$0x4] =	stream.linear.gather [hbm4b:s0+s15], $0x80, $0x38;
	[tilespmem:$0x17C00] =	vst v63  }
0x12f: {  	s17 =	spop (v2sf);
	(v2sf) =	vpush v0, $0xD  }
0x130: {  	s0 =	sand.u32 $0x1FFFFFF0, s9  }
0x131: {  	s12 =	simm.s32 $0x1000;
	s0 =	sadd.s32 s4, s0;
	s19 =	spop (v2sf)  }
0x132: {  	(v2sf) =	vpush v0, $0xE;
	[tilespmem:s12], [sflag:$0x4] =	stream.linear.gather [hbm4b:s0+s15], $0x80, $0x38;
	[tilespmem:$0x17C00] =	vst v63  }
0x133: {  	s0 =	sand.u32 $0x1FFFFFF0, s17  }
0x134: {  	s18 =	simm.s32 $0x1080;
	s21 =	spop (v2sf);
	s0 =	sadd.s32 s4, s0  }
0x135: {  	(v2sf) =	vpush v0, $0xF;
	[tilespmem:s18], [sflag:$0x4] =	stream.linear.gather [hbm4b:s0+s15], $0x80, $0x38;
	[tilespmem:$0x17C00] =	vst v63  }
0x136: {  	s0 =	sand.u32 $0x1FFFFFF0, s19  }
0x137: {  	s20 =	simm.s32 $0x1100;
	s0 =	sadd.s32 s4, s0  }
0x138: {  	[tilespmem:s20], [sflag:$0x4] =	stream.linear.gather [hbm4b:s0+s15], $0x80, $0x38;
	[tilespmem:$0x17C00] =	vst v63  }
0x139: {  	s0 =	sand.u32 $0x1FFFFFF0, s21  }
0x13a: {  	s22 =	simm.s32 $0x1180;
	s0 =	sadd.s32 s4, s0  }
0x13b: {  	[tilespmem:s22], [sflag:$0x4] =	stream.linear.gather [hbm4b:s0+s15], $0x80, $0x38;
	[tilespmem:$0x17C00] =	vst v63  }
0x13c: {  	s23 =	spop (v2sf)  }
0x13d: {  	s0 =	sand.u32 $0x1FFFFFF0, s23  }
0x13e: {  	s24 =	simm.s32 $0x1200;
	s25 =	spop (v2sf);
	s0 =	sadd.s32 s4, s0  }
0x13f: {  	[tilespmem:s24], [sflag:$0x4] =	stream.linear.gather [hbm4b:s0+s15], $0x80, $0x38;
	[tilespmem:$0x17C00] =	vst v63  }
0x140: {  	s0 =	sand.u32 $0x1FFFFFF0, s25  }
0x141: {  	s26 =	simm.s32 $0x1280;
	s28 =	spop (v2sf);
	s0 =	sadd.s32 s4, s0  }
0x142: {  	[tilespmem:s26], [sflag:$0x4] =	stream.linear.gather [hbm4b:s0+s15], $0x80, $0x38;
	[tilespmem:$0x17C00] =	vst v63  }
0x143: {  	s0 =	sand.u32 $0x1FFFFFF0, s28  }
0x144: {  	s29 =	simm.s32 $0x1300;
	s30 =	spop (v2sf);
	s0 =	sadd.s32 s4, s0  }
0x145: {  	[tilespmem:s29], [sflag:$0x4] =	stream.linear.gather [hbm4b:s0+s15], $0x80, $0x38;
	[tilespmem:$0x17C00] =	vst v63  }
0x146: {  	s0 =	sand.u32 $0x1FFFFFF0, s30  }
0x147: {  	s31 =	simm.s32 $0x1380;
	s18 =	simm.s32 $0x220;
	s0 =	sadd.s32 s4, s0  }
0x148: {  	[tilespmem:s31], [sflag:$0x4] =	stream.linear.gather [hbm4b:s0+s15], $0x80, $0x38;
	[tilespmem:$0x17C00] =	vst v63  }
0x149: {  	v0 =	vld [tilespmem:s18+$0x0];
	_ =	sdelay $0x4  }
0x14a: {  	v0 =	vshll.u32 v0, $0x4  }
0x14b: {  	(v2sf) =	vpush v0, $0x0  }
0x14c: {  	(v2sf) =	vpush v0, $0x1  }
0x14d: {  	(v2sf) =	vpush v0, $0x2;
	_ =	sdelay $0x1  }
0x14e: {  	(v2sf) =	vpush v0, $0x4;
	_ =	sdelay $0x1  }
0x14f: {  	(v2sf) =	vpush v0, $0x3  }
0x150: {  	(v2sf) =	vpush v0, $0x5  }
0x151: {  	s17 =	simm.s32 $0x0;
	s19 =	simm.s32 $0x2000;
	(v2sf) =	vpush v0, $0x6  }
.LBB2_5:
0x152: {  	p0 =	sne.s32 s19, $0x26000  }
0x153: {  	s5 =	sadd.s32 $0xB480, s17;
	s24 =	sadd.s32 $0xB980, s17;
	s20 =	smov.u32 s19  }
0x154: {  	s19 =	sadd.s32 $0x2000, s19;
	s28 =	sadd.s32 $0xB780, s17;
	s21 =	sadd.s32 $0xBA00, s17;
	(v2sf) =	vpush v0, $0x7  }
0x155: {  	s0 =	sadd.s32 $0xB680, s17;
	s26 =	sadd.s32 $0xB800, s17;
	s22 =	sadd.s32 $0xBA80, s17  }
0x156: {  	s8 =	sadd.s32 $0xB400, s17;
	s9 =	sadd.s32 $0xB600, s17;
	(v2sf) =	vpush v0, $0x8  }
0x157: {  	s12 =	sadd.s32 $0xB700, s17;
	s18 =	sadd.s32 $0x10, s18  }
0x158: {  	s23 =	sadd.s32 $0xB500, s17;
	s25 =	sadd.s32 $0xB900, s17;
	s29 =	spop (v2sf);
	(v2sf) =	vpush v0, $0x9  }
0x159: {  	s30 =	sand.u32 $0x1FFFFFF0, s29;
	s29 =	sadd.s32 $0xB880, s17;
	s31 =	spop (v2sf)  }
0x15a: {  	s30 =	sadd.s32 s6, s30;
	s31 =	sand.u32 $0x1FFFFFF0, s31;
	s2 =	spop (v2sf);
	(v2sf) =	vpush v0, $0xA  }
0x15b: {  	[tilespmem:s8], [sflag:$0x6] =	stream.linear.gather [hbm4b:s30+s3], $0x80, $0x38;
	[tilespmem:$0x17C00] =	vst v63  }
0x15c: {  	s8 =	sadd.s32 s6, s31;
	s30 =	sadd.s32 $0xB580, s17;
	s31 =	spop (v2sf);
	(v2sf) =	vpush v0, $0xB  }
0x15d: {  	[tilespmem:s5], [sflag:$0x6] =	stream.linear.gather [hbm4b:s8+s3], $0x80, $0x38;
	[tilespmem:$0x17C00] =	vst v63  }
0x15e: {  	s2 =	sand.u32 $0x1FFFFFF0, s2;
	s5 =	sand.u32 $0x1FFFFFF0, s31;
	s8 =	spop (v2sf);
	(v2sf) =	vpush v0, $0xC  }
0x15f: {  	s2 =	sadd.s32 s6, s2;
	s8 =	sand.u32 $0x1FFFFFF0, s8;
	s31 =	spop (v2sf)  }
0x160: {  	[tilespmem:s23], [sflag:$0x6] =	stream.linear.gather [hbm4b:s2+s3], $0x80, $0x38;
	(v2sf) =	vpush v0, $0xD;
	[tilespmem:$0x17C00] =	vst v63  }
0x161: {  	s2 =	sadd.s32 s6, s8;
	s8 =	sand.u32 $0x1FFFFFF0, s31;
	s23 =	spop (v2sf)  }
0x162: {  	[tilespmem:s30], [sflag:$0x6] =	stream.linear.gather [hbm4b:s2+s3], $0x80, $0x38;
	(v2sf) =	vpush v0, $0xE;
	[tilespmem:$0x17C00] =	vst v63  }
0x163: {  	s2 =	sadd.s32 s6, s5;
	s5 =	sand.u32 $0x1FFFFFF0, s23;
	s23 =	spop (v2sf)  }
0x164: {  	[tilespmem:s9], [sflag:$0x6] =	stream.linear.gather [hbm4b:s2+s3], $0x80, $0x38;
	(v2sf) =	vpush v0, $0xF;
	[tilespmem:$0x17C00] =	vst v63  }
0x165: {  	s2 =	sadd.s32 s6, s8;
	s8 =	sand.u32 $0x1FFFFFF0, s23;
	s9 =	spop (v2sf)  }
0x166: {  	[tilespmem:s0], [sflag:$0x6] =	stream.linear.gather [hbm4b:s2+s3], $0x80, $0x38;
	[tilespmem:$0x17C00] =	vst v63  }
0x167: {  	s0 =	sadd.s32 s6, s5;
	s2 =	sand.u32 $0x1FFFFFF0, s9;
	s5 =	spop (v2sf)  }
0x168: {  	[tilespmem:s12], [sflag:$0x6] =	stream.linear.gather [hbm4b:s0+s3], $0x80, $0x38;
	[tilespmem:$0x17C00] =	vst v63  }
0x169: {  	s0 =	sadd.s32 s6, s8;
	s5 =	sand.u32 $0x1FFFFFF0, s5;
	s8 =	spop (v2sf)  }
0x16a: {  	[tilespmem:s28], [sflag:$0x6] =	stream.linear.gather [hbm4b:s0+s3], $0x80, $0x38;
	[tilespmem:$0x17C00] =	vst v63  }
0x16b: {  	s0 =	sadd.s32 s6, s2;
	s2 =	sand.u32 $0x1FFFFFF0, s8;
	s8 =	spop (v2sf)  }
0x16c: {  	[tilespmem:s26], [sflag:$0x6] =	stream.linear.gather [hbm4b:s0+s3], $0x80, $0x38;
	[tilespmem:$0x17C00] =	vst v63  }
0x16d: {  	s0 =	sadd.s32 s6, s5;
	s5 =	sand.u32 $0x1FFFFFF0, s8;
	s8 =	spop (v2sf)  }
0x16e: {  	[tilespmem:s29], [sflag:$0x6] =	stream.linear.gather [hbm4b:s0+s3], $0x80, $0x38;
	[tilespmem:$0x17C00] =	vst v63  }
0x16f: {  	s0 =	sadd.s32 s6, s2;
	s2 =	sand.u32 $0x1FFFFFF0, s8;
	s8 =	spop (v2sf)  }
0x170: {  	[tilespmem:s25], [sflag:$0x6] =	stream.linear.gather [hbm4b:s0+s3], $0x80, $0x38;
	[tilespmem:$0x17C00] =	vst v63  }
0x171: {  	s0 =	sadd.s32 s6, s5;
	s5 =	sand.u32 $0x1FFFFFF0, s8;
	s8 =	spop (v2sf)  }
0x172: {  	[tilespmem:s24], [sflag:$0x6] =	stream.linear.gather [hbm4b:s0+s3], $0x80, $0x38;
	[tilespmem:$0x17C00] =	vst v63  }
0x173: {  	s0 =	sadd.s32 s6, s2;
	s2 =	sand.u32 $0x1FFFFFF0, s8;
	s8 =	spop (v2sf)  }
0x174: {  	[tilespmem:s21], [sflag:$0x6] =	stream.linear.gather [hbm4b:s0+s3], $0x80, $0x38;
	[tilespmem:$0x17C00] =	vst v63  }
0x175: {  	s0 =	sadd.s32 s6, s5;
	s5 =	sand.u32 $0x1FFFFFF0, s8  }
0x176: {  	[tilespmem:s22], [sflag:$0x6] =	stream.linear.gather [hbm4b:s0+s3], $0x80, $0x38;
	[tilespmem:$0x17C00] =	vst v63  }
0x177: {  	s2 =	sadd.s32 s6, s2;
	s0 =	sadd.s32 $0xBB00, s17  }
0x178: {  	[tilespmem:s0], [sflag:$0x6] =	stream.linear.gather [hbm4b:s2+s3], $0x80, $0x38;
	[tilespmem:$0x17C00] =	vst v63  }
0x179: {  	s0 =	sadd.s32 $0xBB80, s17;
	s2 =	sadd.s32 s6, s5  }
0x17a: {  	[tilespmem:s0], [sflag:$0x6] =	stream.linear.gather [hbm4b:s2+s3], $0x80, $0x38;
	[tilespmem:$0x17C00] =	vst v63  }
0x17b: {  	v0 =	vld [tilespmem:s18+$0x0];
	_ =	sdelay $0x4  }
0x17c: {  	v0 =	vshll.u32 v0, $0x4  }
0x17d: {  	(v2sf) =	vpush v0, $0x0  }
0x17e: {  	(v2sf) =	vpush v0, $0x1  }
0x17f: {  	(v2sf) =	vpush v0, $0x2;
	_ =	sdelay $0x1  }
0x180: {  	(v2sf) =	vpush v0, $0x4  }
.Ltmp1:
0x181: {  	(pc) =	sbr.rel @p0 .LBB2_5-.Ltmp1, $3  }
0x182: {  	(v2sf) =	vpush v0, $0x3  }
0x183: {  	(v2sf) =	vpush v0, $0x5;
	_ =	sdelay $0x1  }
0x184: {  	s17 =	sshra.s32 s20, $0x2;
	(v2sf) =	vpush v0, $0x6  }
0x185: {  	_ =	sdelay $0x1  }
0x186: {  	s2 =	sadd.s32 $0xB480, s17;
	(v2sf) =	vpush v0, $0x7  }
0x187: {  	s0 =	sadd.s32 $0xB980, s17;
	s5 =	sadd.s32 $0xB780, s17;
	s18 =	sadd.s32 $0xBA00, s17  }
0x188: {  	s8 =	sadd.s32 $0xB680, s17;
	s9 =	sadd.s32 $0xB800, s17;
	s12 =	sadd.s32 $0xB400, s17;
	(v2sf) =	vpush v0, $0x8  }
0x189: {  	s19 =	sadd.s32 $0xB600, s17;
	s20 =	sadd.s32 $0xB700, s17;
	s21 =	spop (v2sf)  }
0x18a: {  	s22 =	sadd.s32 $0xB500, s17;
	s21 =	sand.u32 $0x1FFFFFF0, s21;
	s23 =	spop (v2sf)  }
0x18b: {  	s21 =	sadd.s32 s6, s21;
	s23 =	sand.u32 $0x1FFFFFF0, s23;
	s24 =	spop (v2sf)  }
0x18c: {  	(v2sf) =	vpush v0, $0x9;
	[tilespmem:s12], [sflag:$0x6] =	stream.linear.gather [hbm4b:s21+s3], $0x80, $0x38;
	[tilespmem:$0x17C00] =	vst v63  }
0x18d: {  	s25 =	sadd.s32 $0xB580, s17;
	s31 =	sadd.s32 s6, s23;
	s1 =	spop (v2sf)  }
0x18e: {  	(v2sf) =	vpush v0, $0xA;
	[tilespmem:s2], [sflag:$0x6] =	stream.linear.gather [hbm4b:s31+s3], $0x80, $0x38;
	[tilespmem:$0x17C00] =	vst v63  }
0x18f: {  	s12 =	sadd.s32 $0xB900, s17;
	s24 =	sand.u32 $0x1FFFFFF0, s24;
	s26 =	spop (v2sf)  }
0x190: {  	(v2sf) =	vpush v0, $0xB;
	s21 =	sadd.s32 s6, s24;
	s2 =	sadd.s32 $0xB880, s17;
	s24 =	sand.u32 $0x1FFFFFF0, s26  }
0x191: {  	[tilespmem:s22], [sflag:$0x6] =	stream.linear.gather [hbm4b:s21+s3], $0x80, $0x38;
	[tilespmem:$0x17C00] =	vst v63  }
0x192: {  	s28 =	sand.u32 $0x1FFFFFF0, s1;
	(v2sf) =	vpush v0, $0xC;
	s29 =	spop (v2sf);
	s30 =	sadd.s32 s6, s24  }
0x193: {  	[tilespmem:s25], [sflag:$0x6] =	stream.linear.gather [hbm4b:s30+s3], $0x80, $0x38;
	[tilespmem:$0x17C00] =	vst v63  }
0x194: {  	(v2sf) =	vpush v0, $0xD;
	s21 =	sadd.s32 s6, s28;
	s22 =	sand.u32 $0x1FFFFFF0, s29;
	s31 =	spop (v2sf)  }
0x195: {  	s22 =	sadd.s32 s6, s22;
	s1 =	sand.u32 $0x1FFFFFF0, s31;
	s23 =	spop (v2sf)  }
0x196: {  	(v2sf) =	vpush v0, $0xE;
	[tilespmem:s19], [sflag:$0x6] =	stream.linear.gather [hbm4b:s21+s3], $0x80, $0x38;
	[tilespmem:$0x17C00] =	vst v63  }
0x197: {  	s24 =	sand.u32 $0x1FFFFFF0, s23;
	s25 =	spop (v2sf);
	s19 =	sadd.s32 s6, s1  }
0x198: {  	(v2sf) =	vpush v0, $0xF;
	[tilespmem:s8], [sflag:$0x6] =	stream.linear.gather [hbm4b:s22+s3], $0x80, $0x38;
	[tilespmem:$0x17C00] =	vst v63  }
0x199: {  	s21 =	sadd.s32 $0xBA80, s17;
	s23 =	sadd.s32 $0xBB00, s17;
	s26 =	sand.u32 $0x1FFFFFF0, s25  }
0x19a: {  	[tilespmem:s20], [sflag:$0x6] =	stream.linear.gather [hbm4b:s19+s3], $0x80, $0x38;
	[tilespmem:$0x17C00] =	vst v63  }
0x19b: {  	s25 =	sadd.s32 $0xBB80, s17;
	s8 =	sadd.s32 s6, s24;
	s28 =	spop (v2sf)  }
0x19c: {  	[tilespmem:s5], [sflag:$0x6] =	stream.linear.gather [hbm4b:s8+s3], $0x80, $0x38;
	[tilespmem:$0x17C00] =	vst v63  }
0x19d: {  	s19 =	sadd.s32 s6, s26;
	s29 =	sand.u32 $0x1FFFFFF0, s28;
	s30 =	spop (v2sf)  }
0x19e: {  	[tilespmem:s9], [sflag:$0x6] =	stream.linear.gather [hbm4b:s19+s3], $0x80, $0x38;
	[tilespmem:$0x17C00] =	vst v63  }
0x19f: {  	s8 =	sand.u32 $0x1FFFFFF0, s30;
	s5 =	sadd.s32 s6, s29;
	s31 =	spop (v2sf)  }
0x1a0: {  	[tilespmem:s2], [sflag:$0x6] =	stream.linear.gather [hbm4b:s5+s3], $0x80, $0x38;
	[tilespmem:$0x17C00] =	vst v63  }
0x1a1: {  	s8 =	sadd.s32 s6, s8;
	s1 =	sand.u32 $0x1FFFFFF0, s31;
	s9 =	spop (v2sf)  }
0x1a2: {  	[tilespmem:s12], [sflag:$0x6] =	stream.linear.gather [hbm4b:s8+s3], $0x80, $0x38;
	[tilespmem:$0x17C00] =	vst v63  }
0x1a3: {  	s2 =	sadd.s32 s6, s1;
	s5 =	sand.u32 $0x1FFFFFF0, s9;
	s12 =	spop (v2sf)  }
0x1a4: {  	[tilespmem:s0], [sflag:$0x6] =	stream.linear.gather [hbm4b:s2+s3], $0x80, $0x38;
	[tilespmem:$0x17C00] =	vst v63  }
0x1a5: {  	s5 =	sadd.s32 s6, s5;
	s19 =	sand.u32 $0x1FFFFFF0, s12;
	s20 =	spop (v2sf)  }
0x1a6: {  	[tilespmem:s18], [sflag:$0x6] =	stream.linear.gather [hbm4b:s5+s3], $0x80, $0x38;
	[tilespmem:$0x17C00] =	vst v63  }
0x1a7: {  	s2 =	sand.u32 $0x1FFFFFF0, s20;
	s0 =	sadd.s32 s6, s19;
	s22 =	spop (v2sf)  }
0x1a8: {  	[tilespmem:s21], [sflag:$0x6] =	stream.linear.gather [hbm4b:s0+s3], $0x80, $0x38;
	[tilespmem:$0x17C00] =	vst v63  }
0x1a9: {  	s24 =	simm.s32 $0x0;
	s2 =	sadd.s32 s6, s2;
	s0 =	sand.u32 $0x1FFFFFF0, s22  }
0x1aa: {  	v0 =	vadd.s32 s24, v54;
	[tilespmem:s23], [sflag:$0x6] =	stream.linear.gather [hbm4b:s2+s3], $0x80, $0x38;
	[tilespmem:$0x17C00] =	vst v63  }
0x1ab: {  	v0 =	vand.u32 $0x3F, v0;
	s26 =	rddreg [dreg:$0x6];
	s1 =	sshll.u32 s16, $0xA;
	s0 =	sadd.s32 s6, s0  }
0x1ac: {  	v1 =	vor.u32 v17, v0;
	[tilespmem:s25], [sflag:$0x6] =	stream.linear.gather [hbm4b:s0+s3], $0x80, $0x38;
	[tilespmem:$0x17C00] =	vst v63  }
0x1ad: {  	s0 =	sadd.s32 s1, s26  }
0x1ae: {  	s28 =	rddreg [dreg:$0x0];
	s0 =	sshrl.u32 s0, $0x3  }
0x1af: {  	s0 =	sadd.s32 s28, s0  }
0x1b0: {  	[tilespmem:s24], [sflag:$0x1] =	stream.linear.gather [hbm4b:s0+s24], $0x200, $0x38;
	[tilespmem:$0x17C00] =	vst v63  }
0x1b1: {  	v6 =	vld.idx.msk [tilespmem:v1+s11+$0x0], $0xffff;
	v1 =	vor.u32 v48, v0  }
0x1b2: {  	v7 =	vor.u32 v50, v0  }
0x1b3: {  	v8 =	vor.u32 v16, v0  }
0x1b4: {  	v51 =	vmov v13;
	v5 =	vor.u32 v13, v0;
	v13 =	vor.u32 v21, v0  }
0x1b5: {  	v14 =	vor.u32 v23, v0  }
0x1b6: {  	v60 =	vld.idx.msk [tilespmem:v1+s10+$0x0], $0xffff;
	v1 =	vor.u32 v19, v0  }
0x1b7: {  	v2 =	vor.u32 v24, v0;
	v3 =	vor.u32 v25, v0;
	v4 =	vor.u32 v44, v0;
	v59 =	vld.idx.msk [tilespmem:v7+s10+$0x0], $0xffff  }
0x1b8: {  	v9 =	vor.u32 v56, v0;
	v10 =	vor.u32 v18, v0;
	v12 =	vor.u32 v20, v0;
	v47 =	vld.idx.msk [tilespmem:v8+s10+$0x0], $0xffff  }
0x1b9: {  	v15 =	vor.u32 v28, v0;
	v8 =	vmov v18;
	v18 =	vor.u32 v35, v0;
	v39 =	vld.idx.msk [tilespmem:v13+s10+$0x0], $0xffff  }
0x1ba: {  	v13 =	vor.u32 v36, v0;
	v7 =	vmov v19;
	v37 =	vld.idx.msk [tilespmem:v14+s10+$0x0], $0xffff;
	v14 =	vor.u32 v43, v0  }
0x1bb: {  	v19 =	vor.u32 v38, v0;
	v62 =	vld.idx.msk [tilespmem:v1+s10+$0x0], $0xffff;
	v1 =	vor.u32 v31, v0;
	v0 =	vor.u32 v41, v0;
	_ =	sdelay $0x1  }
0x1bc: {  	s29 =	simm.s32 $0x3;
	v46 =	vld.idx.msk [tilespmem:v9+s10+$0x0], $0xffff  }
0x1bd: {  	v61 =	vld.idx.msk [tilespmem:v12+s10+$0x0], $0xffff;
	v12 =	vadd.s32 s29, v54  }
0x1be: {  	v22 =	vld.idx.msk [tilespmem:v15+s10+$0x0], $0xffff;
	v9 =	vmov v23;
	v23 =	vand.u32 $0x3F, v12  }
0x1bf: {  	s30 =	simm.s32 $0x2;
	v40 =	vld.idx.msk [tilespmem:v0+s10+$0x0], $0xffff;
	v0 =	vor.u32 v9, v23  }
0x1c0: {  	v15 =	vadd.s32 s30, v54;
	v33 =	vld.idx.msk [tilespmem:v18+s10+$0x0], $0xffff;
	v18 =	vmov v31;
	[tilespmem:$0x1FB60] =	vst v0;
	v0 =	vor.u32 v28, v23  }
0x1c1: {  	v58 =	vmov v24;
	v26 =	vand.u32 $0x3F, v15;
	[tilespmem:$0x1FB90] =	vst v0;
	v0 =	vor.u32 v18, v23  }
0x1c2: {  	v15 =	vor.u32 v24, v23;
	v24 =	vor.u32 v25, v23;
	[tilespmem:$0x1FBE0] =	vst v0;
	v0 =	vor.u32 v35, v23  }
0x1c3: {  	[tilespmem:$0x1FC00] =	vst v0;
	v0 =	vor.u32 v36, v23  }
0x1c4: {  	[tilespmem:$0x1FC30] =	vst v0;
	v0 =	vor.u32 v38, v23  }
0x1c5: {  	[tilespmem:$0x1FC50] =	vst v0;
	v0 =	vor.u32 v43, v23  }
0x1c6: {  	[tilespmem:$0x1FA20] =	vst v0;
	v0 =	vor.u32 v41, v23  }
0x1c7: {  	v27 =	vor.u32 v44, v23;
	[tilespmem:$0x1FA30] =	vst v0;
	v0 =	vld.idx.msk [tilespmem:v24+s10+$0x0], $0xffff;
	_ =	sdelay $0x4  }
0x1c8: {  	[tilespmem:$0x1FB30] =	vst v0;
	v0 =	vld.idx.msk [tilespmem:v27+s10+$0x0], $0xffff  }
0x1c9: {  	v53 =	vld.idx.msk [tilespmem:v13+s10+$0x0], $0xffff;
	v13 =	vor.u32 v51, v23;
	_ =	sdelay $0x3  }
0x1ca: {  	v11 =	vld.idx.msk [tilespmem:v14+s10+$0x0], $0xffff;
	[tilespmem:$0x1FB70] =	vst v0;
	v0 =	vor.u32 v48, v26  }
0x1cb: {  	v14 =	vor.u32 v7, v23;
	[tilespmem:$0x1FBF0] =	vst v0;
	v0 =	vld.idx.msk [tilespmem:v13+s10+$0x0], $0xffff;
	v13 =	vor.u32 v8, v26  }
0x1cc: {  	v34 =	vld.idx.msk [tilespmem:v1+s10+$0x0], $0xffff;
	v1 =	vor.u32 v17, v23;
	[tilespmem:$0x1FC70] =	vst v13;
	v13 =	vmul.f32 v61, v6  }
0x1cd: {  	[tilespmem:$0x1FAE0] =	vst v14  }
0x1ce: {  	v14 =	vor.u32 v20, v23;
	[tilespmem:$0x1FCF0] =	vst v13;
	v13 =	vmul.f32 v39, v6  }
0x1cf: {  	s31 =	simm.s32 $0x1;
	v10 =	vld.idx.msk [tilespmem:v10+s10+$0x0], $0xffff;
	v30 =	vor.u32 v50, v23;
	[tilespmem:$0x1FB00] =	vst v14  }
0x1d0: {  	v2 =	vld.idx.msk [tilespmem:v2+s10+$0x0], $0xffff;
	v12 =	vadd.s32 s31, v54;
	[tilespmem:$0x1FD00] =	vst v13;
	v13 =	vor.u32 v20, v26  }
0x1d1: {  	v12 =	vand.u32 $0x3F, v12;
	v14 =	vor.u32 v21, v23;
	v45 =	vld.idx.msk [tilespmem:v1+s11+$0x0], $0xffff;
	[tilespmem:$0x1FCC0] =	vst v13;
	v13 =	vmul.f32 v37, v6  }
0x1d2: {  	v63 =	vmov v25;
	[tilespmem:$0x1FB10] =	vst v14;
	v1 =	vld.idx.msk [tilespmem:v15+s10+$0x0], $0xffff;
	v15 =	vor.u32 v58, v12  }
0x1d3: {  	v49 =	vor.u32 v63, v26;
	v14 =	vor.u32 v17, v12;
	[tilespmem:$0x1FA40] =	vst v13;
	v13 =	vmul.f32 v22, v6  }
0x1d4: {  	v10 =	vmul.f32 v10, v6;
	v27 =	vor.u32 v63, v12;
	v63 =	vld.idx.msk [tilespmem:v30+s10+$0x0], $0xffff;
	v30 =	vor.u32 v44, v12  }
0x1d5: {  	v4 =	vld.idx.msk [tilespmem:v4+s10+$0x0], $0xffff;
	[tilespmem:$0x1FA50] =	vst v13;
	v13 =	vmul.f32 v34, v6  }
0x1d6: {  	v55 =	vor.u32 v51, v26;
	[tilespmem:$0x1FCD0] =	vst v10;
	v31 =	vld.idx.msk [tilespmem:v19+s10+$0x0], $0xffff;
	v19 =	vmov v35;
	v35 =	vor.u32 v17, v26  }
0x1d7: {  	v10 =	vld.idx.msk [tilespmem:v15+s10+$0x0], $0xffff;
	v15 =	vor.u32 v9, v26;
	[tilespmem:$0x1FA60] =	vst v13;
	v13 =	vmul.f32 v33, v6  }
0x1d8: {  	v24 =	vld.idx.msk [tilespmem:v14+s11+$0x0], $0xffff;
	[tilespmem:$0x1FCE0] =	vst v15  }
0x1d9: {  	v42 =	vor.u32 v58, v26;
	v15 =	vmul.f32 v53, v6;
	[tilespmem:$0x1FA70] =	vst v13;
	v13 =	vld.idx.msk [tilespmem:v30+s10+$0x0], $0xffff;
	_ =	sdelay $0x1  }
0x1da: {  	[tilespmem:$0x1FA80] =	vst v15;
	v15 =	vmul.f32 v31, v6;
	v31 =	vld.idx.msk [tilespmem:v55+s10+$0x0], $0xffff  }
0x1db: {  	v4 =	vmul.f32 v4, v6;
	v22 =	vld.idx.msk [tilespmem:v35+s11+$0x0], $0xffff  }
0x1dc: {  	v57 =	vimm.f32 $0.0e+00  }
0x1dd: {  	v2 =	vmul.f32 v2, v6;
	v4 =	vadd.f32 v4, v57;
	v30 =	vld.idx.msk [tilespmem:v42+s10+$0x0], $0xffff;
	v13 =	vmul.f32 v13, v24;
	_ =	sdelay $0x1  }
0x1de: {  	v2 =	vadd.f32 v2, v57;
	v10 =	vmul.f32 v10, v24;
	v4 =	vadd.f32 v13, v4  }
0x1df: {  	v13 =	vmul.f32 v31, v22;
	v31 =	vmul.f32 v1, v45;
	v1 =	vor.u32 v38, v26  }
0x1e0: {  	[tilespmem:$0x1FB20] =	vst v1;
	v1 =	vld [tilespmem:$0x1FB30]  }
0x1e1: {  	v2 =	vadd.f32 v10, v2;
	v30 =	vmul.f32 v30, v22;
	_ =	sdelay $0x1  }
0x1e2: {  	v2 =	vadd.f32 v30, v2;
	_ =	sdelay $0x1  }
0x1e3: {  	v61 =	vmul.f32 v1, v45;
	v1 =	vadd.f32 v31, v2;
	_ =	sdelay $0x1  }
0x1e4: {  	[tilespmem:$0x1FB40] =	vst v1;
	v1 =	vor.u32 v43, v26  }
0x1e5: {  	[tilespmem:$0x1FB50] =	vst v1;
	v1 =	vld [tilespmem:$0x1FB60];
	_ =	sdelay $0x6  }
0x1e6: {  	v3 =	vld.idx.msk [tilespmem:v3+s10+$0x0], $0xffff  }
0x1e7: {  	v29 =	vor.u32 v48, v23;
	v2 =	vld.idx.msk [tilespmem:v1+s10+$0x0], $0xffff  }
0x1e8: {  	v32 =	vor.u32 v16, v23;
	v11 =	vmul.f32 v11, v6;
	v1 =	vld [tilespmem:$0x1FB70]  }
0x1e9: {  	v5 =	vld.idx.msk [tilespmem:v5+s10+$0x0], $0xffff  }
0x1ea: {  	[tilespmem:$0x1FAA0] =	vst v11;
	v11 =	vor.u32 v19, v26  }
0x1eb: {  	v25 =	vor.u32 v56, v23;
	v54 =	vor.u32 v8, v23;
	v52 =	vor.u32 v44, v26;
	[tilespmem:$0x1FAD0] =	vst v11;
	v11 =	vld [tilespmem:$0x1FAE0]  }
0x1ec: {  	v51 =	vor.u32 v51, v12;
	v58 =	vld.idx.msk [tilespmem:v29+s10+$0x0], $0xffff;
	[tilespmem:$0x1FBA0] =	vst v0;
	v0 =	vor.u32 v50, v26  }
0x1ed: {  	v29 =	vld.idx.msk [tilespmem:v32+s10+$0x0], $0xffff;
	[tilespmem:$0x1FC10] =	vst v0;
	v31 =	vmul.f32 v1, v45;
	v1 =	vor.u32 v41, v26  }
0x1ee: {  	v3 =	vmul.f32 v3, v6;
	v5 =	vmul.f32 v5, v6;
	v0 =	vor.u32 v16, v26;
	[tilespmem:$0x1FB80] =	vst v1;
	v1 =	vld [tilespmem:$0x1FB90]  }
0x1ef: {  	v32 =	vmul.f32 v46, v6;
	v23 =	vmul.f32 v59, v6;
	[tilespmem:$0x1FC20] =	vst v0;
	v0 =	vor.u32 v56, v26  }
0x1f0: {  	v44 =	vmul.f32 v62, v6;
	[tilespmem:$0x1FC40] =	vst v0;
	v0 =	vmul.f32 v60, v6  }
0x1f1: {  	v17 =	vld.idx.msk [tilespmem:v27+s10+$0x0], $0xffff;
	v60 =	vmul.f32 v47, v6;
	v6 =	vmul.f32 v40, v6  }
0x1f2: {  	[tilespmem:$0x1FA90] =	vst v15;
	v15 =	vld.idx.msk [tilespmem:v51+s10+$0x0], $0xffff  }
0x1f3: {  	v10 =	vor.u32 v18, v26;
	[tilespmem:$0x1FAB0] =	vst v6;
	v6 =	vld.idx.msk [tilespmem:v49+s10+$0x0], $0xffff  }
0x1f4: {  	[tilespmem:$0x1FAC0] =	vst v10;
	v10 =	vld.idx.msk [tilespmem:v52+s10+$0x0], $0xffff  }
0x1f5: {  	v3 =	vadd.f32 v3, v57;
	v14 =	vor.u32 v7, v26;
	v27 =	vor.u32 v28, v26;
	v34 =	vld.idx.msk [tilespmem:v11+s10+$0x0], $0xffff  }
0x1f6: {  	v17 =	vmul.f32 v17, v24;
	v35 =	vor.u32 v21, v26;
	v11 =	vor.u32 v36, v26;
	v26 =	vld.idx.msk [tilespmem:v1+s10+$0x0], $0xffff  }
0x1f7: {  	v1 =	vld [tilespmem:$0x1FBA0]  }
0x1f8: {  	v3 =	vadd.f32 v17, v3;
	v6 =	vmul.f32 v6, v22  }
0x1f9: {  	v5 =	vadd.f32 v5, v57;
	v59 =	vmul.f32 v15, v24  }
0x1fa: {  	v10 =	vmul.f32 v10, v22;
	v3 =	vadd.f32 v6, v3  }
0x1fb: {  	v5 =	vadd.f32 v59, v5  }
0x1fc: {  	v4 =	vadd.f32 v10, v4;
	v62 =	vmul.f32 v1, v45;
	v1 =	vadd.f32 v61, v3  }
0x1fd: {  	[tilespmem:$0x1FAF0] =	vst v11  }
0x1fe: {  	v11 =	vld [tilespmem:$0x1FB00];
	v49 =	vor.u32 v48, v12;
	v5 =	vadd.f32 v13, v5;
	[tilespmem:$0x1FBB0] =	vst v1;
	v1 =	vadd.f32 v31, v4;
	_ =	sdelay $0x1  }
0x1ff: {  	[tilespmem:$0x1FBC0] =	vst v1;
	v1 =	vadd.f32 v62, v5;
	_ =	sdelay $0x1  }
0x200: {  	v6 =	vor.u32 v16, v12;
	[tilespmem:$0x1FBD0] =	vst v1;
	v1 =	vld [tilespmem:$0x1FC20]  }
0x201: {  	v33 =	vld.idx.msk [tilespmem:v49+s10+$0x0], $0xffff;
	v10 =	vor.u32 v56, v12;
	_ =	sdelay $0x1  }
0x202: {  	v5 =	vadd.f32 v0, v57;
	v0 =	vld [tilespmem:$0x1FBE0]  }
0x203: {  	v52 =	vld.idx.msk [tilespmem:v11+s10+$0x0], $0xffff  }
0x204: {  	v15 =	vor.u32 v50, v12;
	v4 =	vld.idx.msk [tilespmem:v6+s10+$0x0], $0xffff  }
0x205: {  	v6 =	vld.idx.msk [tilespmem:v10+s10+$0x0], $0xffff;
	v10 =	vmul.f32 v33, v24  }
0x206: {  	v11 =	vld [tilespmem:$0x1FB10]  }
0x207: {  	v5 =	vadd.f32 v10, v5;
	v10 =	vmul.f32 v58, v45;
	v58 =	vld.idx.msk [tilespmem:v1+s10+$0x0], $0xffff  }
0x208: {  	v1 =	vld [tilespmem:$0x1FC30]  }
0x209: {  	v13 =	vld.idx.msk [tilespmem:v15+s10+$0x0], $0xffff  }
0x20a: {  	v33 =	vld.idx.msk [tilespmem:v0+s10+$0x0], $0xffff  }
0x20b: {  	v0 =	vld [tilespmem:$0x1FBF0];
	_ =	sdelay $0x2  }
0x20c: {  	v39 =	vld.idx.msk [tilespmem:v11+s10+$0x0], $0xffff;
	v11 =	vmul.f32 v13, v24;
	v31 =	vor.u32 v7, v12;
	v7 =	vadd.f32 v23, v57;
	_ =	sdelay $0x1  }
0x20d: {  	v55 =	vadd.f32 v11, v7;
	v7 =	vadd.f32 v60, v57;
	v60 =	vld.idx.msk [tilespmem:v1+s10+$0x0], $0xffff  }
0x20e: {  	v1 =	vld [tilespmem:$0x1FC40];
	_ =	sdelay $0x1  }
0x20f: {  	v42 =	vld.idx.msk [tilespmem:v0+s10+$0x0], $0xffff  }
0x210: {  	v0 =	vld [tilespmem:$0x1FC00];
	_ =	sdelay $0x3  }
0x211: {  	v40 =	vld.idx.msk [tilespmem:v54+s10+$0x0], $0xffff  }
0x212: {  	v54 =	vmul.f32 v63, v45;
	v63 =	vld.idx.msk [tilespmem:v1+s10+$0x0], $0xffff  }
0x213: {  	v1 =	vld [tilespmem:$0x1FC50];
	_ =	sdelay $0x1  }
0x214: {  	v50 =	vld.idx.msk [tilespmem:v0+s10+$0x0], $0xffff  }
0x215: {  	v0 =	vld [tilespmem:$0x1FC10];
	_ =	sdelay $0x4  }
0x216: {  	v47 =	vld.idx.msk [tilespmem:v1+s10+$0x0], $0xffff;
	v1 =	vmul.f32 v2, v45;
	_ =	sdelay $0x1  }
0x217: {  	[tilespmem:$0x1FC60] =	vst v1;
	v1 =	vld [tilespmem:$0x1FC70]  }
0x218: {  	v0 =	vld.idx.msk [tilespmem:v0+s10+$0x0], $0xffff;
	_ =	sdelay $0x3  }
0x219: {  	v4 =	vmul.f32 v4, v24  }
0x21a: {  	v0 =	vmul.f32 v0, v22  }
0x21b: {  	v61 =	vadd.f32 v4, v7;
	v4 =	vmul.f32 v42, v22  }
0x21c: {  	v42 =	vld.idx.msk [tilespmem:v1+s10+$0x0], $0xffff;
	v1 =	vmul.f32 v26, v45;
	v26 =	vadd.f32 v0, v55;
	v0 =	vmul.f32 v33, v45;
	_ =	sdelay $0x1  }
0x21d: {  	[tilespmem:$0x1FC90] =	vst v0;
	v0 =	vmul.f32 v50, v45;
	_ =	sdelay $0x1  }
0x21e: {  	[tilespmem:$0x1FCA0] =	vst v0;
	v0 =	vmul.f32 v60, v45;
	_ =	sdelay $0x1  }
0x21f: {  	[tilespmem:$0x1FCB0] =	vst v0;
	v0 =	vld [tilespmem:$0x1FCC0];
	_ =	sdelay $0x1  }
0x220: {  	v30 =	vor.u32 v21, v12;
	_ =	sdelay $0x3  }
0x221: {  	v17 =	vld.idx.msk [tilespmem:v25+s10+$0x0], $0xffff  }
0x222: {  	v49 =	vld.idx.msk [tilespmem:v30+s10+$0x0], $0xffff  }
0x223: {  	v3 =	vor.u32 v8, v12;
	v8 =	vadd.f32 v32, v57;
	v6 =	vmul.f32 v6, v24;
	v30 =	vld.idx.msk [tilespmem:v0+s10+$0x0], $0xffff  }
0x224: {  	v51 =	vmul.f32 v40, v45;
	v25 =	vmul.f32 v52, v45;
	v0 =	vld [tilespmem:$0x1FCD0]  }
0x225: {  	v40 =	vadd.f32 v6, v8;
	v52 =	vadd.f32 v4, v5;
	v4 =	vmul.f32 v63, v22;
	_ =	sdelay $0x1  }
0x226: {  	v17 =	vmul.f32 v17, v45;
	v4 =	vadd.f32 v4, v40  }
0x227: {  	v2 =	vimm.f32 $0.0e+00  }
0x228: {  	v7 =	vadd.f32 v17, v4;
	v4 =	vadd.f32 v0, v2;
	v0 =	vld [tilespmem:$0x1FCE0];
	_ =	sdelay $0x2  }
0x229: {  	v14 =	vld.idx.msk [tilespmem:v14+s10+$0x0], $0xffff;
	_ =	sdelay $0x4  }
0x22a: {  	v40 =	vmul.f32 v14, v22;
	v14 =	vld.idx.msk [tilespmem:v0+s10+$0x0], $0xffff  }
0x22b: {  	v0 =	vld [tilespmem:$0x1FCF0]  }
0x22c: {  	v46 =	vor.u32 v20, v12  }
0x22d: {  	v59 =	vmul.f32 v29, v45;
	v29 =	vor.u32 v43, v12;
	v37 =	vld.idx.msk [tilespmem:v3+s10+$0x0], $0xffff  }
0x22e: {  	v20 =	vor.u32 v36, v12;
	v53 =	vmul.f32 v34, v45;
	v15 =	vor.u32 v9, v12  }
0x22f: {  	v13 =	vor.u32 v28, v12;
	v57 =	vor.u32 v19, v12;
	v62 =	vor.u32 v38, v12;
	v55 =	vld.idx.msk [tilespmem:v31+s10+$0x0], $0xffff  }
0x230: {  	v19 =	vimm.f32 $0.0e+00;
	v3 =	vimm.f32 $0.0e+00;
	v21 =	vadd.f32 v0, v2;
	v0 =	vld [tilespmem:$0x1FD00]  }
0x231: {  	v48 =	vld.idx.msk [tilespmem:v46+s10+$0x0], $0xffff;
	v6 =	vor.u32 v18, v12;
	v8 =	vmul.f32 v39, v45;
	v18 =	vmul.f32 v49, v24  }
0x232: {  	v9 =	vmul.f32 v37, v24;
	v23 =	vadd.f32 v10, v52;
	[tilespmem:$0x1FC80] =	vst v1;
	v1 =	vmul.f32 v58, v22  }
0x233: {  	v31 =	vor.u32 v41, v12;
	v58 =	vmul.f32 v47, v45;
	v11 =	vadd.f32 v54, v26  }
0x234: {  	v16 =	vld.idx.msk [tilespmem:v15+s10+$0x0], $0xffff;
	v50 =	vimm.f32 $0.0e+00;
	v61 =	vadd.f32 v1, v61;
	v26 =	vmul.f32 v55, v24  }
0x235: {  	v15 =	vld.idx.msk [tilespmem:v13+s10+$0x0], $0xffff;
	v55 =	vadd.f32 v44, v2;
	v17 =	vadd.f32 v0, v2;
	v0 =	vimm.f32 $0.0e+00  }
0x236: {  	v39 =	vld.idx.msk [tilespmem:v35+s10+$0x0], $0xffff;
	v46 =	vmul.f32 v42, v22;
	v10 =	vadd.f32 v59, v61;
	[tilespmem:$0x1FD10] =	vst v0;
	v0 =	vimm.f32 $0.0e+00  }
0x237: {  	v13 =	vld.idx.msk [tilespmem:v6+s10+$0x0], $0xffff;
	v59 =	vmul.f32 v48, v24;
	v60 =	vadd.f32 v26, v55;
	[tilespmem:$0x1FD20] =	vst v0;
	v0 =	vimm.f32 $0.0e+00  }
0x238: {  	s17 =	simm.s32 $0x4;
	[dreg:$0xb] =	wrdreg s1;
	v12 =	vld.idx.msk [tilespmem:v27+s10+$0x0], $0xffff;
	v26 =	vmul.f32 v30, v22;
	v61 =	vadd.f32 v9, v4;
	v4 =	vimm.f32 $0.0e+00;
	[tilespmem:$0x1FD30] =	vst v0  }
.LBB2_7:
0x239: {  	v0 =	vld [tilespmem:$0x1FAC0];
	_ =	sdelay $0x7  }
0x23a: {  	v43 =	vld.idx.msk [tilespmem:v0+s10+$0x0], $0xffff  }
0x23b: {  	v0 =	vld [tilespmem:$0x1FAD0];
	_ =	sdelay $0x5  }
0x23c: {  	v17 =	vadd.f32 v18, v17;
	v18 =	vmul.f32 v39, v22;
	_ =	sdelay $0x1  }
0x23d: {  	v17 =	vadd.f32 v18, v17;
	v18 =	vld.idx.msk [tilespmem:v0+s10+$0x0], $0xffff  }
0x23e: {  	v0 =	vld [tilespmem:$0x1FAF0];
	_ =	sdelay $0x5  }
0x23f: {  	v21 =	vadd.f32 v59, v21;
	v35 =	vadd.f32 v46, v61  }
0x240: {  	v40 =	vadd.f32 v40, v60  }
0x241: {  	v21 =	vadd.f32 v26, v21;
	v26 =	vld.idx.msk [tilespmem:v0+s10+$0x0], $0xffff;
	v0 =	vadd.f32 v51, v35;
	_ =	sdelay $0x1  }
0x242: {  	[tilespmem:$0x1F980] =	vst v0;
	v0 =	vadd.f32 v53, v40;
	_ =	sdelay $0x1  }
0x243: {  	[tilespmem:$0x1F9A0] =	vst v0;
	v0 =	vld [tilespmem:$0x1FB20];
	_ =	sdelay $0x7  }
0x244: {  	[tilespmem:$0x1F8F0] =	vst v11;
	v11 =	vld.idx.msk [tilespmem:v0+s10+$0x0], $0xffff;
	v0 =	vadd.f32 v25, v21;
	_ =	sdelay $0x1  }
0x245: {  	[tilespmem:$0x1F9E0] =	vst v0;
	v0 =	vadd.f32 v8, v17;
	_ =	sdelay $0x1  }
0x246: {  	[tilespmem:$0x1F9F0] =	vst v0;
	v0 =	vld [tilespmem:$0x1FA40];
	_ =	sdelay $0x4  }
0x247: {  	v8 =	vadd.f32 v0, v2;
	v0 =	vld [tilespmem:$0x1FA50];
	_ =	sdelay $0x4  }
0x248: {  	v9 =	vadd.f32 v0, v4;
	v0 =	vld [tilespmem:$0x1FA60];
	_ =	sdelay $0x3  }
0x249: {  	v1 =	vld [tilespmem:$0x1FA70]  }
0x24a: {  	[tilespmem:$0x1F910] =	vst v10;
	v10 =	vmul.f32 v15, v24;
	v15 =	vadd.f32 v0, v3;
	v0 =	vld [tilespmem:$0x1FD10];
	_ =	sdelay $0x4  }
0x24b: {  	v17 =	vadd.f32 v1, v0;
	v0 =	vld [tilespmem:$0x1FB50];
	_ =	sdelay $0x3  }
0x24c: {  	v16 =	vmul.f32 v16, v24;
	_ =	sdelay $0x1  }
0x24d: {  	v14 =	vmul.f32 v14, v22;
	v8 =	vadd.f32 v16, v8;
	_ =	sdelay $0x1  }
0x24e: {  	v8 =	vadd.f32 v14, v8;
	v14 =	vld.idx.msk [tilespmem:v0+s10+$0x0], $0xffff  }
0x24f: {  	v0 =	vld [tilespmem:$0x1FB80];
	_ =	sdelay $0x3  }
0x250: {  	v13 =	vmul.f32 v13, v24;
	_ =	sdelay $0x1  }
0x251: {  	v9 =	vadd.f32 v10, v9;
	v10 =	vmul.f32 v43, v22;
	v13 =	vadd.f32 v13, v15;
	_ =	sdelay $0x1  }
0x252: {  	v10 =	vadd.f32 v10, v13;
	v13 =	vld.idx.msk [tilespmem:v0+s10+$0x0], $0xffff  }
0x253: {  	v0 =	vld [tilespmem:$0x1FC60];
	_ =	sdelay $0x4  }
0x254: {  	v0 =	vadd.f32 v0, v8;
	_ =	sdelay $0x1  }
0x255: {  	[tilespmem:$0x1F9D0] =	vst v0;
	v0 =	vld [tilespmem:$0x1FC80]  }
0x256: {  	v12 =	vmul.f32 v12, v22;
	_ =	sdelay $0x1  }
0x257: {  	v9 =	vadd.f32 v12, v9;
	_ =	sdelay $0x1  }
0x258: {  	v0 =	vadd.f32 v0, v9;
	_ =	sdelay $0x1  }
0x259: {  	[tilespmem:$0x1F9C0] =	vst v0;
	v0 =	vld [tilespmem:$0x1FA20];
	_ =	sdelay $0x7  }
0x25a: {  	v4 =	vld.idx.msk [tilespmem:v0+s10+$0x0], $0xffff  }
0x25b: {  	v0 =	vld [tilespmem:$0x1FC90]  }
0x25c: {  	[tilespmem:$0x1F930] =	vst v7;
	v7 =	vld.idx.msk [tilespmem:v57+s10+$0x0], $0xffff;
	_ =	sdelay $0x3  }
0x25d: {  	v6 =	vld [tilespmem:$0x1FA80];
	v0 =	vadd.f32 v0, v10  }
0x25e: {  	v7 =	vmul.f32 v7, v24;
	v2 =	vld [tilespmem:$0x1FD20]  }
0x25f: {  	[tilespmem:$0x1FA10] =	vst v0;
	v0 =	vld [tilespmem:$0x1FCA0]  }
0x260: {  	v16 =	vmul.f32 v18, v22;
	v7 =	vadd.f32 v7, v17;
	_ =	sdelay $0x1  }
0x261: {  	v5 =	vld.idx.msk [tilespmem:v20+s10+$0x0], $0xffff;
	v7 =	vadd.f32 v16, v7  }
0x262: {  	v2 =	vadd.f32 v6, v2;
	v6 =	vld [tilespmem:$0x1FD30]  }
0x263: {  	v0 =	vadd.f32 v0, v7;
	v7 =	vld [tilespmem:$0x1FA90]  }
0x264: {  	v3 =	vld.idx.msk [tilespmem:v62+s10+$0x0], $0xffff  }
0x265: {  	v15 =	vld.idx.msk [tilespmem:v31+s10+$0x0], $0xffff  }
0x266: {  	v1 =	vld.idx.msk [tilespmem:v29+s10+$0x0], $0xffff  }
0x267: {  	v8 =	vld [tilespmem:$0x1FAB0]  }
0x268: {  	v6 =	vadd.f32 v7, v6;
	v7 =	vld [tilespmem:$0x1FAA0];
	_ =	sdelay $0x2  }
0x269: {  	v5 =	vmul.f32 v5, v24  }
0x26a: {  	v3 =	vmul.f32 v3, v24;
	v1 =	vmul.f32 v1, v24  }
0x26b: {  	v8 =	vadd.f32 v8, v19;
	v9 =	vmul.f32 v15, v24;
	v7 =	vadd.f32 v7, v50  }
0x26c: {  	v2 =	vadd.f32 v5, v2;
	v5 =	vmul.f32 v14, v22;
	v3 =	vadd.f32 v3, v6  }
0x26d: {  	v6 =	vadd.f32 v9, v8;
	v1 =	vadd.f32 v1, v7;
	v7 =	vmul.f32 v13, v22  }
0x26e: {  	[tilespmem:$0x1FD10] =	vst v0;
	v0 =	vld [tilespmem:$0x1FA30]  }
0x26f: {  	v1 =	vadd.f32 v5, v1;
	v5 =	vadd.f32 v7, v6;
	v7 =	vld [tilespmem:$0x1FCB0]  }
0x270: {  	v12 =	vmul.f32 v26, v22;
	_ =	sdelay $0x1  }
0x271: {  	v11 =	vmul.f32 v11, v22;
	v2 =	vadd.f32 v12, v2;
	_ =	sdelay $0x1  }
0x272: {  	v20 =	vld [tilespmem:$0x1FEF0];
	v3 =	vadd.f32 v11, v3;
	v2 =	vadd.f32 v7, v2  }
0x273: {  	v21 =	vld [tilespmem:$0x1FF00];
	v4 =	vmul.f32 v4, v45  }
0x274: {  	v18 =	vlaneseq.u32;
	v0 =	vld.idx.msk [tilespmem:v0+s10+$0x0], $0xffff;
	[tilespmem:$0x1FD20] =	vst v2;
	v2 =	vadd.f32 v58, v3  }
0x275: {  	[tilespmem:$0x1F8D0] =	vst v23;
	v22 =	vld [tilespmem:$0x1FF10];
	v6 =	vadd.s32 s17, v18;
	v1 =	vadd.f32 v4, v1  }
0x276: {  	v23 =	vld [tilespmem:$0x1FF20];
	[tilespmem:$0x1FD30] =	vst v2;
	v2 =	vand.u32 $0x3F, v6  }
0x277: {  	[tilespmem:$0x1F880] =	vst v1;
	v1 =	vor.u32 v20, v2  }
0x278: {  	v3 =	vor.u32 v21, v2  }
0x279: {  	v0 =	vmul.f32 v0, v45  }
0x27a: {  	v33 =	vld [tilespmem:$0x1FF30];
	v4 =	vor.u32 v22, v2  }
0x27b: {  	v0 =	vadd.f32 v0, v5;
	v5 =	vor.u32 v23, v2  }
0x27c: {  	v1 =	vld.idx.msk [tilespmem:v1+s10+$0x0], $0xffff  }
0x27d: {  	v55 =	vld.idx.msk [tilespmem:v3+s10+$0x0], $0xffff  }
0x27e: {  	v3 =	vld [tilespmem:$0x1FF50]  }
0x27f: {  	v6 =	vor.u32 v33, v2;
	v4 =	vld.idx.msk [tilespmem:v4+s10+$0x0], $0xffff  }
0x280: {  	v40 =	vld.idx.msk [tilespmem:v5+s10+$0x0], $0xffff  }
0x281: {  	v5 =	vld [tilespmem:$0x1FF70]  }
0x282: {  	[tilespmem:$0x1F7C0] =	vst v1;
	v1 =	vld [tilespmem:$0x1FF40];
	_ =	sdelay $0x1  }
0x283: {  	v6 =	vld.idx.msk [tilespmem:v6+s10+$0x0], $0xffff;
	v8 =	vor.u32 v3, v2  }
0x284: {  	[tilespmem:$0x1F7D0] =	vst v4;
	v4 =	vld [tilespmem:$0x1FF60]  }
0x285: {  	v27 =	vld [tilespmem:$0x1FFE0];
	v10 =	vor.u32 v5, v2  }
0x286: {  	v28 =	vld [tilespmem:$0x1FFF0];
	v7 =	vor.u32 v1, v2  }
0x287: {  	v25 =	vld [tilespmem:$0x1FFD0]  }
0x288: {  	v8 =	vld.idx.msk [tilespmem:v8+s10+$0x0], $0xffff  }
0x289: {  	[tilespmem:$0x1F7E0] =	vst v6;
	v6 =	vld [tilespmem:$0x1FF80];
	v9 =	vor.u32 v4, v2  }
0x28a: {  	v10 =	vld.idx.msk [tilespmem:v10+s10+$0x0], $0xffff  }
0x28b: {  	v46 =	vld.idx.msk [tilespmem:v7+s10+$0x0], $0xffff  }
0x28c: {  	v7 =	vld [tilespmem:$0x1FF90]  }
0x28d: {  	[tilespmem:$0x1F7F0] =	vst v8;
	v8 =	vld [tilespmem:$0x1FFA0]  }
0x28e: {  	v50 =	vld.idx.msk [tilespmem:v9+s10+$0x0], $0xffff  }
0x28f: {  	v9 =	vld [tilespmem:$0x1FFB0]  }
0x290: {  	v11 =	vor.u32 v6, v2;
	[tilespmem:$0x1F800] =	vst v10;
	v10 =	vld [tilespmem:$0x1FFC0]  }
0x291: {  	v32 =	vld [tilespmem:$0x1FEB0];
	v16 =	vor.u32 v25, v2  }
0x292: {  	v36 =	vld [tilespmem:$0x1FED0];
	v12 =	vor.u32 v7, v2  }
0x293: {  	v35 =	vld [tilespmem:$0x1FEC0];
	v13 =	vor.u32 v8, v2  }
0x294: {  	v19 =	vld [tilespmem:$0x1FEE0];
	v14 =	vor.u32 v9, v2  }
0x295: {  	v52 =	vld.idx.msk [tilespmem:v11+s10+$0x0], $0xffff;
	v15 =	vor.u32 v10, v2  }
0x296: {  	v11 =	vld.idx.msk [tilespmem:v16+s10+$0x0], $0xffff  }
0x297: {  	v60 =	vld.idx.msk [tilespmem:v12+s10+$0x0], $0xffff  }
0x298: {  	[tilespmem:$0x1F870] =	vst v0;
	v39 =	vld.idx.msk [tilespmem:v13+s10+$0x0], $0xffff  }
0x299: {  	v0 =	vor.u32 v19, v2;
	v12 =	vor.u32 v27, v2;
	v13 =	vor.u32 v28, v2;
	v62 =	vld.idx.msk [tilespmem:v14+s10+$0x0], $0xffff  }
0x29a: {  	v14 =	vor.u32 v32, v2;
	v59 =	vld.idx.msk [tilespmem:v15+s10+$0x0], $0xffff;
	v15 =	vor.u32 v35, v2;
	v2 =	vor.u32 v36, v2;
	_ =	sdelay $0x1  }
0x29b: {  	s0 =	sadd.s32 $0x3, s17  }
0x29c: {  	s2 =	sadd.s32 $0x2, s17;
	v17 =	vadd.s32 s0, v18  }
0x29d: {  	v17 =	vand.u32 $0x3F, v17;
	v16 =	vadd.s32 s2, v18  }
0x29e: {  	v16 =	vand.u32 $0x3F, v16;
	[tilespmem:$0x1F810] =	vst v11;
	v54 =	vld.idx.msk [tilespmem:v2+s10+$0x0], $0xffff;
	v2 =	vor.u32 v35, v17  }
0x29f: {  	[tilespmem:$0x1FA20] =	vst v2;
	v2 =	vor.u32 v22, v16  }
0x2a0: {  	[tilespmem:$0x1F830] =	vst v2;
	v2 =	vor.u32 v23, v16  }
0x2a1: {  	[tilespmem:$0x1F840] =	vst v2;
	v2 =	vor.u32 v33, v16  }
0x2a2: {  	[tilespmem:$0x1F850] =	vst v2;
	v2 =	vor.u32 v1, v16  }
0x2a3: {  	[tilespmem:$0x1F860] =	vst v2;
	v2 =	vor.u32 v3, v16  }
0x2a4: {  	[tilespmem:$0x1F890] =	vst v2;
	v2 =	vor.u32 v4, v16  }
0x2a5: {  	[tilespmem:$0x1F8A0] =	vst v2;
	v2 =	vor.u32 v5, v16  }
0x2a6: {  	[tilespmem:$0x1F8B0] =	vst v2;
	v2 =	vor.u32 v6, v16  }
0x2a7: {  	[tilespmem:$0x1F8C0] =	vst v2;
	v2 =	vor.u32 v7, v16  }
0x2a8: {  	[tilespmem:$0x1F940] =	vst v2;
	v2 =	vor.u32 v8, v16  }
0x2a9: {  	[tilespmem:$0x1F950] =	vst v2;
	v2 =	vor.u32 v9, v16  }
0x2aa: {  	s31 =	sadd.s32 $0x1, s17;
	[tilespmem:$0x1F960] =	vst v2;
	v2 =	vor.u32 v10, v16  }
0x2ab: {  	v61 =	vld.idx.msk [tilespmem:v12+s10+$0x0], $0xffff;
	v12 =	vadd.s32 s31, v18;
	v18 =	vor.u32 v19, v17;
	[tilespmem:$0x1F970] =	vst v2;
	v2 =	vor.u32 v25, v16  }
0x2ac: {  	v0 =	vld.idx.msk [tilespmem:v0+s11+$0x0], $0xffff;
	[tilespmem:$0x1FAC0] =	vst v2;
	v2 =	vor.u32 v27, v16  }
0x2ad: {  	v11 =	vld.idx.msk [tilespmem:v13+s10+$0x0], $0xffff;
	v13 =	vor.u32 v21, v17;
	[tilespmem:$0x1FAD0] =	vst v2;
	v2 =	vor.u32 v28, v16  }
0x2ae: {  	v58 =	vld.idx.msk [tilespmem:v14+s10+$0x0], $0xffff;
	v14 =	vor.u32 v22, v17;
	[tilespmem:$0x1FAF0] =	vst v2;
	v2 =	vor.u32 v32, v16  }
0x2af: {  	v63 =	vld.idx.msk [tilespmem:v15+s10+$0x0], $0xffff;
	v15 =	vor.u32 v9, v17;
	[tilespmem:$0x1FB20] =	vst v2;
	v2 =	vor.u32 v35, v16  }
0x2b0: {  	v26 =	vor.u32 v23, v17;
	v45 =	vld.idx.msk [tilespmem:v18+s11+$0x0], $0xffff;
	[tilespmem:$0x1FB50] =	vst v2;
	v2 =	vor.u32 v36, v16  }
0x2b1: {  	v30 =	vor.u32 v33, v17;
	v31 =	vand.u32 $0x3F, v12;
	v12 =	vor.u32 v20, v17;
	[tilespmem:$0x1FB80] =	vst v2;
	v2 =	vld [tilespmem:$0x1F7C0]  }
0x2b2: {  	v29 =	vor.u32 v25, v17;
	v37 =	vor.u32 v27, v17;
	v56 =	vor.u32 v6, v17;
	v49 =	vld.idx.msk [tilespmem:v13+s10+$0x0], $0xffff  }
0x2b3: {  	v38 =	vor.u32 v28, v17;
	v41 =	vor.u32 v3, v17;
	v24 =	vor.u32 v10, v17;
	v44 =	vld.idx.msk [tilespmem:v14+s10+$0x0], $0xffff  }
0x2b4: {  	v53 =	vor.u32 v5, v17;
	[tilespmem:$0x1F820] =	vst v11;
	v11 =	vor.u32 v36, v17;
	v15 =	vld.idx.msk [tilespmem:v15+s10+$0x0], $0xffff  }
0x2b5: {  	v34 =	vor.u32 v1, v17;
	v48 =	vor.u32 v4, v17;
	v42 =	vor.u32 v20, v16;
	[tilespmem:$0x1FA30] =	vst v11;
	v11 =	vld [tilespmem:$0x1F7D0]  }
0x2b6: {  	v43 =	vor.u32 v21, v16;
	v47 =	vld.idx.msk [tilespmem:v12+s10+$0x0], $0xffff;
	v14 =	vmul.f32 v2, v0;
	v2 =	vor.u32 v19, v31  }
0x2b7: {  	v57 =	vor.u32 v7, v17;
	v18 =	vor.u32 v8, v17;
	v13 =	vor.u32 v32, v17;
	v12 =	vld.idx.msk [tilespmem:v56+s10+$0x0], $0xffff  }
0x2b8: {  	v17 =	vor.u32 v19, v16;
	v16 =	vmul.f32 v40, v0;
	v40 =	vor.u32 v20, v31;
	v20 =	vld.idx.msk [tilespmem:v24+s10+$0x0], $0xffff  }
0x2b9: {  	v19 =	vld [tilespmem:$0x1F800]  }
0x2ba: {  	v56 =	vmul.f32 v11, v0;
	v11 =	vld [tilespmem:$0x1F7E0]  }
0x2bb: {  	v24 =	vld.idx.msk [tilespmem:v2+s11+$0x0], $0xffff;
	v2 =	vmul.f32 v15, v45;
	_ =	sdelay $0x1  }
0x2bc: {  	[tilespmem:$0x1FC60] =	vst v2;
	v2 =	vmul.f32 v20, v45  }
0x2bd: {  	v19 =	vmul.f32 v19, v0  }
0x2be: {  	v11 =	vmul.f32 v11, v0;
	[tilespmem:$0x1FC80] =	vst v2;
	v2 =	vld [tilespmem:$0x1F830]  }
0x2bf: {  	[tilespmem:$0x1F990] =	vst v19;
	v19 =	vmul.f32 v52, v0  }
0x2c0: {  	[tilespmem:$0x1F8E0] =	vst v11;
	v11 =	vmul.f32 v46, v0;
	v46 =	vor.u32 v21, v31  }
0x2c1: {  	v21 =	vmul.f32 v60, v0;
	v60 =	vld.idx.msk [tilespmem:v29+s10+$0x0], $0xffff;
	[tilespmem:$0x1F9B0] =	vst v19;
	v19 =	vmul.f32 v39, v0;
	_ =	sdelay $0x1  }
0x2c2: {  	[tilespmem:$0x1FA00] =	vst v19;
	v19 =	vmul.f32 v62, v0;
	v62 =	vld.idx.msk [tilespmem:v37+s10+$0x0], $0xffff  }
0x2c3: {  	v29 =	vld.idx.msk [tilespmem:v38+s10+$0x0], $0xffff  }
0x2c4: {  	v38 =	vld.idx.msk [tilespmem:v42+s10+$0x0], $0xffff  }
0x2c5: {  	v42 =	vld.idx.msk [tilespmem:v2+s10+$0x0], $0xffff;
	v2 =	vmul.f32 v60, v45;
	_ =	sdelay $0x1  }
0x2c6: {  	[tilespmem:$0x1FC90] =	vst v2;
	v2 =	vmul.f32 v62, v45;
	_ =	sdelay $0x1  }
0x2c7: {  	[tilespmem:$0x1FCA0] =	vst v2;
	v2 =	vld [tilespmem:$0x1F840];
	_ =	sdelay $0x2  }
0x2c8: {  	[tilespmem:$0x1F900] =	vst v11;
	v11 =	vld.idx.msk [tilespmem:v18+s10+$0x0], $0xffff  }
0x2c9: {  	v18 =	vld [tilespmem:$0x1F7F0];
	_ =	sdelay $0x2  }
0x2ca: {  	[tilespmem:$0x1FA40] =	vst v19;
	v19 =	vmul.f32 v59, v0;
	v59 =	vor.u32 v1, v31;
	v1 =	vld [tilespmem:$0x1F810]  }
0x2cb: {  	v39 =	vor.u32 v33, v31;
	v33 =	vmul.f32 v49, v45;
	v49 =	vld.idx.msk [tilespmem:v2+s10+$0x0], $0xffff;
	v2 =	vmul.f32 v29, v45  }
0x2cc: {  	v18 =	vmul.f32 v18, v0  }
0x2cd: {  	[tilespmem:$0x1FCB0] =	vst v2;
	v2 =	vld [tilespmem:$0x1F850]  }
0x2ce: {  	[tilespmem:$0x1F920] =	vst v18;
	v18 =	vmul.f32 v50, v0;
	v50 =	vor.u32 v22, v31;
	_ =	sdelay $0x1  }
0x2cf: {  	v1 =	vmul.f32 v1, v0;
	_ =	sdelay $0x1  }
0x2d0: {  	[tilespmem:$0x1FA60] =	vst v1;
	v1 =	vmul.f32 v61, v0  }
0x2d1: {  	v61 =	vor.u32 v3, v31;
	v3 =	vld.idx.msk [tilespmem:v50+s10+$0x0], $0xffff  }
0x2d2: {  	[tilespmem:$0x1FA70] =	vst v1;
	v1 =	vld [tilespmem:$0x1F820]  }
0x2d3: {  	v50 =	vld.idx.msk [tilespmem:v2+s10+$0x0], $0xffff  }
0x2d4: {  	v2 =	vld [tilespmem:$0x1F860];
	_ =	sdelay $0x1  }
0x2d5: {  	v52 =	vor.u32 v23, v31;
	_ =	sdelay $0x1  }
0x2d6: {  	v1 =	vmul.f32 v1, v0;
	_ =	sdelay $0x1  }
0x2d7: {  	[tilespmem:$0x1FA80] =	vst v1;
	v1 =	vmul.f32 v58, v0;
	v58 =	vld.idx.msk [tilespmem:v13+s10+$0x0], $0xffff  }
0x2d8: {  	v13 =	vor.u32 v9, v31;
	v9 =	vld.idx.msk [tilespmem:v52+s10+$0x0], $0xffff  }
0x2d9: {  	v52 =	vld.idx.msk [tilespmem:v2+s10+$0x0], $0xffff  }
0x2da: {  	v2 =	vld [tilespmem:$0x1FB40];
	_ =	sdelay $0x3  }
0x2db: {  	v23 =	vor.u32 v5, v31;
	v5 =	vld.idx.msk [tilespmem:v46+s10+$0x0], $0xffff  }
0x2dc: {  	v46 =	vadd.f32 v14, v2;
	v2 =	vld [tilespmem:$0x1FBB0];
	_ =	sdelay $0x2  }
0x2dd: {  	v55 =	vmul.f32 v55, v0;
	_ =	sdelay $0x1  }
0x2de: {  	v55 =	vadd.f32 v55, v2;
	v2 =	vld [tilespmem:$0x1FBC0];
	_ =	sdelay $0x4  }
0x2df: {  	v56 =	vadd.f32 v56, v2;
	v2 =	vld [tilespmem:$0x1FBD0];
	_ =	sdelay $0x4  }
0x2e0: {  	[tilespmem:$0x1FA50] =	vst v19;
	v19 =	vor.u32 v4, v31;
	v4 =	vadd.f32 v16, v2;
	v2 =	vld [tilespmem:$0x1F890];
	_ =	sdelay $0x7  }
0x2e1: {  	[tilespmem:$0x1FA90] =	vst v1;
	v1 =	vmul.f32 v63, v0;
	v0 =	vmul.f32 v54, v0;
	v54 =	vld.idx.msk [tilespmem:v2+s10+$0x0], $0xffff  }
0x2e2: {  	v2 =	vld [tilespmem:$0x1F8A0];
	_ =	sdelay $0x5  }
0x2e3: {  	v3 =	vmul.f32 v3, v24  }
0x2e4: {  	v51 =	vld.idx.msk [tilespmem:v26+s10+$0x0], $0xffff  }
0x2e5: {  	v3 =	vadd.f32 v3, v56;
	v56 =	vld.idx.msk [tilespmem:v2+s10+$0x0], $0xffff  }
0x2e6: {  	v2 =	vld [tilespmem:$0x1F8B0]  }
0x2e7: {  	v53 =	vld.idx.msk [tilespmem:v53+s10+$0x0], $0xffff  }
0x2e8: {  	v57 =	vld.idx.msk [tilespmem:v57+s10+$0x0], $0xffff  }
0x2e9: {  	[tilespmem:$0x1FAA0] =	vst v1;
	v1 =	vld.idx.msk [tilespmem:v40+s10+$0x0], $0xffff;
	_ =	sdelay $0x1  }
0x2ea: {  	v22 =	vld.idx.msk [tilespmem:v17+s11+$0x0], $0xffff  }
0x2eb: {  	v43 =	vld.idx.msk [tilespmem:v43+s10+$0x0], $0xffff;
	v63 =	vmul.f32 v51, v45;
	v51 =	vmul.f32 v53, v45  }
0x2ec: {  	v53 =	vor.u32 v25, v31;
	v25 =	vmul.f32 v57, v45;
	v57 =	vor.u32 v27, v31;
	v27 =	vld.idx.msk [tilespmem:v59+s10+$0x0], $0xffff  }
0x2ed: {  	v1 =	vmul.f32 v1, v24;
	v59 =	vld.idx.msk [tilespmem:v2+s10+$0x0], $0xffff  }
0x2ee: {  	v2 =	vld [tilespmem:$0x1F8C0]  }
0x2ef: {  	v38 =	vmul.f32 v38, v22;
	v5 =	vmul.f32 v5, v24;
	v1 =	vadd.f32 v1, v46  }
0x2f0: {  	v47 =	vmul.f32 v47, v45  }
0x2f1: {  	v43 =	vmul.f32 v43, v22;
	v1 =	vadd.f32 v38, v1;
	v5 =	vadd.f32 v5, v55  }
0x2f2: {  	v42 =	vmul.f32 v42, v22;
	v9 =	vmul.f32 v9, v24  }
0x2f3: {  	v44 =	vmul.f32 v44, v45;
	v1 =	vadd.f32 v47, v1;
	v5 =	vadd.f32 v43, v5  }
0x2f4: {  	v60 =	vld.idx.msk [tilespmem:v61+s10+$0x0], $0xffff;
	v61 =	vmul.f32 v49, v22;
	v3 =	vadd.f32 v42, v3;
	v4 =	vadd.f32 v9, v4  }
0x2f5: {  	[tilespmem:$0x1FB40] =	vst v1;
	v1 =	vadd.f32 v33, v5  }
0x2f6: {  	v4 =	vadd.f32 v61, v4;
	v5 =	vld.idx.msk [tilespmem:v2+s10+$0x0], $0xffff;
	v2 =	vadd.f32 v44, v3;
	_ =	sdelay $0x1  }
0x2f7: {  	[tilespmem:$0x1FBC0] =	vst v2;
	v2 =	vadd.f32 v63, v4  }
0x2f8: {  	v3 =	vld [tilespmem:$0x1F8E0]  }
0x2f9: {  	[tilespmem:$0x1FBD0] =	vst v2;
	v2 =	vld [tilespmem:$0x1F8D0];
	_ =	sdelay $0x3  }
0x2fa: {  	v4 =	vld [tilespmem:$0x1F900]  }
0x2fb: {  	v3 =	vadd.f32 v3, v2;
	v2 =	vld [tilespmem:$0x1F8F0];
	_ =	sdelay $0x3  }
0x2fc: {  	[tilespmem:$0x1FAB0] =	vst v0;
	v0 =	vor.u32 v8, v31;
	v8 =	vmul.f32 v11, v45;
	v11 =	vld [tilespmem:$0x1F920]  }
0x2fd: {  	v4 =	vadd.f32 v4, v2;
	v2 =	vld [tilespmem:$0x1F910];
	_ =	sdelay $0x4  }
0x2fe: {  	v61 =	vadd.f32 v11, v2;
	v2 =	vld [tilespmem:$0x1F930];
	_ =	sdelay $0x4  }
0x2ff: {  	v18 =	vadd.f32 v18, v2;
	v2 =	vld [tilespmem:$0x1F940];
	_ =	sdelay $0x7  }
0x300: {  	v20 =	vor.u32 v28, v31;
	v28 =	vld.idx.msk [tilespmem:v2+s10+$0x0], $0xffff  }
0x301: {  	v2 =	vld [tilespmem:$0x1F950];
	_ =	sdelay $0x6  }
0x302: {  	v37 =	vor.u32 v6, v31;
	v6 =	vor.u32 v10, v31;
	v10 =	vld.idx.msk [tilespmem:v39+s10+$0x0], $0xffff  }
0x303: {  	v39 =	vld.idx.msk [tilespmem:v2+s10+$0x0], $0xffff  }
0x304: {  	v2 =	vld [tilespmem:$0x1F960];
	_ =	sdelay $0x3  }
0x305: {  	v30 =	vld.idx.msk [tilespmem:v30+s10+$0x0], $0xffff  }
0x306: {  	v41 =	vld.idx.msk [tilespmem:v41+s10+$0x0], $0xffff  }
0x307: {  	v34 =	vld.idx.msk [tilespmem:v34+s10+$0x0], $0xffff  }
0x308: {  	v48 =	vld.idx.msk [tilespmem:v48+s10+$0x0], $0xffff  }
0x309: {  	v14 =	vld.idx.msk [tilespmem:v2+s10+$0x0], $0xffff  }
0x30a: {  	v2 =	vld [tilespmem:$0x1F970]  }
0x30b: {  	v15 =	vld [tilespmem:$0x1FA00];
	v10 =	vmul.f32 v10, v24  }
0x30c: {  	v9 =	vld.idx.msk [tilespmem:v19+s10+$0x0], $0xffff  }
0x30d: {  	v0 =	vld.idx.msk [tilespmem:v0+s10+$0x0], $0xffff;
	v46 =	vmul.f32 v50, v22;
	v3 =	vadd.f32 v10, v3  }
0x30e: {  	v16 =	vld.idx.msk [tilespmem:v13+s10+$0x0], $0xffff  }
0x30f: {  	v30 =	vmul.f32 v30, v45;
	v13 =	vld [tilespmem:$0x1F9E0];
	v3 =	vadd.f32 v46, v3  }
0x310: {  	[tilespmem:$0x1FBB0] =	vst v1;
	v1 =	vmul.f32 v27, v24;
	v27 =	vmul.f32 v60, v24;
	v60 =	vld.idx.msk [tilespmem:v23+s10+$0x0], $0xffff  }
0x311: {  	v7 =	vor.u32 v7, v31;
	v9 =	vmul.f32 v9, v24;
	v23 =	vadd.f32 v30, v3;
	v3 =	vld [tilespmem:$0x1F990]  }
0x312: {  	v26 =	vmul.f32 v12, v45;
	v12 =	vld.idx.msk [tilespmem:v2+s10+$0x0], $0xffff  }
0x313: {  	v9 =	vadd.f32 v9, v18;
	v18 =	vmul.f32 v56, v22;
	v2 =	vld [tilespmem:$0x1F980]  }
0x314: {  	v21 =	vadd.f32 v21, v13;
	v13 =	vld [tilespmem:$0x1F9F0]  }
0x315: {  	v48 =	vmul.f32 v48, v45;
	v63 =	vld.idx.msk [tilespmem:v37+s10+$0x0], $0xffff;
	v9 =	vadd.f32 v18, v9  }
0x316: {  	v1 =	vadd.f32 v1, v4;
	v4 =	vld.idx.msk [tilespmem:v7+s10+$0x0], $0xffff  }
0x317: {  	v34 =	vmul.f32 v34, v45;
	v7 =	vadd.f32 v48, v9;
	v9 =	vld [tilespmem:$0x1F9B0]  }
0x318: {  	v41 =	vmul.f32 v41, v45;
	v55 =	vmul.f32 v52, v22;
	v3 =	vadd.f32 v3, v2;
	v2 =	vld [tilespmem:$0x1F9A0]  }
0x319: {  	v62 =	vor.u32 v32, v31;
	v29 =	vor.u32 v35, v31;
	v31 =	vor.u32 v36, v31;
	v50 =	vld [tilespmem:$0x1F880]  }
0x31a: {  	p0 =	slt.u32 s17, $0x3C;
	v19 =	vld [tilespmem:$0x1F870];
	v10 =	vmul.f32 v54, v22;
	v1 =	vadd.f32 v55, v1;
	v27 =	vadd.f32 v27, v61  }
.Ltmp2:
0x31b: {  	v17 =	vadd.f32 v15, v13;
	v15 =	vld.idx.msk [tilespmem:v6+s10+$0x0], $0xffff;
	v40 =	vmul.f32 v5, v22;
	v5 =	vmul.f32 v60, v24;
	(pc) =	sbr.rel @p0 .LBB2_7-.Ltmp2, $4  }
0x31c: {  	v13 =	vld.idx.msk [tilespmem:v53+s10+$0x0], $0xffff;
	v46 =	vmul.f32 v59, v22;
	v11 =	vadd.f32 v34, v1;
	v10 =	vadd.f32 v10, v27  }
0x31d: {  	v1 =	vmul.f32 v63, v24;
	v59 =	vmul.f32 v4, v24;
	v4 =	vld [tilespmem:$0x1F9C0];
	v9 =	vadd.f32 v9, v2  }
0x31e: {  	v58 =	vmul.f32 v58, v45;
	v10 =	vadd.f32 v41, v10;
	v61 =	vadd.f32 v5, v3;
	v3 =	vld [tilespmem:$0x1FA10]  }
0x31f: {  	s17 =	sadd.s32 $0x4, s17;
	v53 =	vmovc v26;
	v18 =	vmul.f32 v0, v24;
	v26 =	vmul.f32 v28, v22;
	v2 =	vld [tilespmem:$0x1F9D0];
	v60 =	vadd.f32 v1, v9  }
0x320: {  	v0 =	vld [tilespmem:$0x1FB40];
	_ =	sdelay $0x4  }
0x321: {  	v0 =	vsub.f32 $0.0e+00, v0;
	_ =	sdelay $0x1  }
0x322: {  	v0 =	vmul.f32 $1.442695020e+00, v0;
	_ =	sdelay $0x1  }
0x323: {  	(erf) = vpow2.f32 v0;
	_ =	sdelay $0x3  }
0x324: {  	v0 =	vld [tilespmem:$0x1FBB0];
	_ =	sdelay $0x4  }
0x325: {  	v0 =	vsub.f32 $0.0e+00, v0;
	v1 =	vpop (erf)  }
0x326: {  	v1 =	vadd.f32 $1.000000000e+00, v1  }
0x327: {  	v0 =	vmul.f32 $1.442695020e+00, v0  }
0x328: {  	(erf) = vrcp.f32 v1  }
0x329: {  	(erf) = vpow2.f32 v0;
	_ =	sdelay $0x3  }
0x32a: {  	v0 =	vld [tilespmem:$0x1FBC0];
	_ =	sdelay $0x3  }
0x32b: {  	v43 =	vpop (erf)  }
0x32c: {  	v0 =	vsub.f32 $0.0e+00, v0;
	v1 =	vpop (erf)  }
0x32d: {  	v1 =	vadd.f32 $1.000000000e+00, v1  }
0x32e: {  	v0 =	vmul.f32 $1.442695020e+00, v0  }
0x32f: {  	(erf) = vrcp.f32 v1  }
0x330: {  	(erf) = vpow2.f32 v0;
	_ =	sdelay $0x3  }
0x331: {  	v0 =	vld [tilespmem:$0x1FBD0];
	_ =	sdelay $0x3  }
0x332: {  	v38 =	vpop (erf)  }
0x333: {  	v0 =	vsub.f32 $0.0e+00, v0;
	v1 =	vpop (erf)  }
0x334: {  	v1 =	vadd.f32 $1.000000000e+00, v1  }
0x335: {  	v0 =	vmul.f32 $1.442695020e+00, v0  }
0x336: {  	(erf) = vrcp.f32 v1  }
0x337: {  	(erf) = vpow2.f32 v0;
	_ =	sdelay $0x7  }
0x338: {  	v37 =	vpop (erf)  }
0x339: {  	v0 =	vsub.f32 $0.0e+00, v23;
	v1 =	vpop (erf)  }
0x33a: {  	v1 =	vadd.f32 $1.000000000e+00, v1  }
0x33b: {  	v0 =	vmul.f32 $1.442695020e+00, v0  }
0x33c: {  	(erf) = vrcp.f32 v1  }
0x33d: {  	(erf) = vpow2.f32 v0;
	_ =	sdelay $0x7  }
0x33e: {  	v44 =	vpop (erf)  }
0x33f: {  	v0 =	vsub.f32 $0.0e+00, v11;
	v1 =	vpop (erf)  }
0x340: {  	v1 =	vadd.f32 $1.000000000e+00, v1  }
0x341: {  	v0 =	vmul.f32 $1.442695020e+00, v0  }
0x342: {  	(erf) = vrcp.f32 v1  }
0x343: {  	(erf) = vpow2.f32 v0;
	_ =	sdelay $0x7  }
0x344: {  	v54 =	vpop (erf)  }
0x345: {  	v0 =	vsub.f32 $0.0e+00, v10;
	v1 =	vpop (erf)  }
0x346: {  	v1 =	vadd.f32 $1.000000000e+00, v1  }
0x347: {  	v0 =	vmul.f32 $1.442695020e+00, v0  }
0x348: {  	(erf) = vrcp.f32 v1  }
0x349: {  	(erf) = vpow2.f32 v0;
	_ =	sdelay $0x7  }
0x34a: {  	v52 =	vpop (erf)  }
0x34b: {  	v0 =	vsub.f32 $0.0e+00, v7;
	v1 =	vpop (erf)  }
0x34c: {  	v1 =	vadd.f32 $1.000000000e+00, v1  }
0x34d: {  	v0 =	vmul.f32 $1.442695020e+00, v0  }
0x34e: {  	(erf) = vrcp.f32 v1  }
0x34f: {  	(erf) = vpow2.f32 v0;
	_ =	sdelay $0x4  }
0x350: {  	v0 =	vadd.f32 v46, v61;
	_ =	sdelay $0x1  }
0x351: {  	v0 =	vadd.f32 v51, v0  }
0x352: {  	v11 =	vpop (erf)  }
0x353: {  	v0 =	vsub.f32 $0.0e+00, v0;
	v1 =	vpop (erf)  }
0x354: {  	v1 =	vadd.f32 $1.000000000e+00, v1  }
0x355: {  	v0 =	vmul.f32 $1.442695020e+00, v0  }
0x356: {  	(erf) = vrcp.f32 v1  }
0x357: {  	(erf) = vpow2.f32 v0;
	_ =	sdelay $0x4  }
0x358: {  	v0 =	vadd.f32 v40, v60;
	_ =	sdelay $0x1  }
0x359: {  	v0 =	vadd.f32 v53, v0  }
0x35a: {  	v10 =	vpop (erf)  }
0x35b: {  	v0 =	vsub.f32 $0.0e+00, v0;
	v1 =	vpop (erf)  }
0x35c: {  	v1 =	vadd.f32 $1.000000000e+00, v1  }
0x35d: {  	v0 =	vmul.f32 $1.442695020e+00, v0  }
0x35e: {  	(erf) = vrcp.f32 v1  }
0x35f: {  	(erf) = vpow2.f32 v0;
	_ =	sdelay $0x2  }
0x360: {  	v0 =	vadd.f32 v59, v21;
	_ =	sdelay $0x1  }
0x361: {  	v0 =	vadd.f32 v26, v0;
	_ =	sdelay $0x1  }
0x362: {  	v0 =	vadd.f32 v25, v0  }
0x363: {  	v9 =	vpop (erf)  }
0x364: {  	v0 =	vsub.f32 $0.0e+00, v0;
	v1 =	vpop (erf)  }
0x365: {  	v1 =	vadd.f32 $1.000000000e+00, v1  }
0x366: {  	v0 =	vmul.f32 $1.442695020e+00, v0  }
0x367: {  	(erf) = vrcp.f32 v1  }
0x368: {  	(erf) = vpow2.f32 v0;
	_ =	sdelay $0x2  }
0x369: {  	v1 =	vmul.f32 v39, v22;
	v0 =	vadd.f32 v18, v17;
	_ =	sdelay $0x1  }
0x36a: {  	v0 =	vadd.f32 v1, v0;
	_ =	sdelay $0x1  }
0x36b: {  	v0 =	vadd.f32 v8, v0  }
0x36c: {  	v8 =	vpop (erf)  }
0x36d: {  	v0 =	vsub.f32 $0.0e+00, v0;
	v1 =	vpop (erf)  }
0x36e: {  	v1 =	vadd.f32 $1.000000000e+00, v1  }
0x36f: {  	v0 =	vmul.f32 $1.442695020e+00, v0  }
0x370: {  	(erf) = vrcp.f32 v1  }
0x371: {  	(erf) = vpow2.f32 v0;
	v0 =	vld [tilespmem:$0x1FA40];
	_ =	sdelay $0x4  }
0x372: {  	v1 =	vmul.f32 v16, v24;
	v0 =	vadd.f32 v0, v2;
	_ =	sdelay $0x1  }
0x373: {  	v0 =	vadd.f32 v1, v0;
	v1 =	vmul.f32 v14, v22;
	_ =	sdelay $0x1  }
0x374: {  	v0 =	vadd.f32 v1, v0;
	v1 =	vld [tilespmem:$0x1FC60];
	_ =	sdelay $0x4  }
0x375: {  	v0 =	vadd.f32 v1, v0  }
0x376: {  	v6 =	vpop (erf)  }
0x377: {  	v1 =	vpop (erf);
	v0 =	vsub.f32 $0.0e+00, v0  }
0x378: {  	v1 =	vadd.f32 $1.000000000e+00, v1  }
0x379: {  	v0 =	vmul.f32 $1.442695020e+00, v0  }
0x37a: {  	(erf) = vrcp.f32 v1  }
0x37b: {  	(erf) = vpow2.f32 v0;
	v0 =	vld [tilespmem:$0x1FA50];
	_ =	sdelay $0x4  }
0x37c: {  	v1 =	vmul.f32 v15, v24;
	v0 =	vadd.f32 v0, v4;
	_ =	sdelay $0x1  }
0x37d: {  	v0 =	vadd.f32 v1, v0;
	v1 =	vmul.f32 v12, v22;
	_ =	sdelay $0x1  }
0x37e: {  	v0 =	vadd.f32 v1, v0;
	v1 =	vld [tilespmem:$0x1FC80];
	_ =	sdelay $0x4  }
0x37f: {  	v2 =	vld [tilespmem:$0x1FAC0];
	v0 =	vadd.f32 v1, v0  }
0x380: {  	v4 =	vpop (erf)  }
0x381: {  	v1 =	vpop (erf);
	v0 =	vsub.f32 $0.0e+00, v0  }
0x382: {  	v1 =	vadd.f32 $1.000000000e+00, v1  }
0x383: {  	v0 =	vmul.f32 $1.442695020e+00, v0  }
0x384: {  	(erf) = vrcp.f32 v1  }
0x385: {  	(erf) = vpow2.f32 v0;
	v0 =	vld [tilespmem:$0x1FA60];
	_ =	sdelay $0x1  }
0x386: {  	v2 =	vld.idx.msk [tilespmem:v2+s10+$0x0], $0xffff;
	_ =	sdelay $0x2  }
0x387: {  	v1 =	vmul.f32 v13, v24;
	v0 =	vadd.f32 v0, v3;
	_ =	sdelay $0x1  }
0x388: {  	v0 =	vadd.f32 v1, v0;
	v1 =	vmul.f32 v2, v22;
	_ =	sdelay $0x1  }
0x389: {  	v0 =	vadd.f32 v1, v0;
	v1 =	vld [tilespmem:$0x1FC90];
	_ =	sdelay $0x4  }
0x38a: {  	v5 =	vld [tilespmem:$0x1FAD0];
	v2 =	vpop (erf);
	v0 =	vadd.f32 v1, v0  }
0x38b: {  	v3 =	vpop (erf)  }
0x38c: {  	v3 =	vadd.f32 $1.000000000e+00, v3;
	v0 =	vsub.f32 $0.0e+00, v0;
	_ =	sdelay $0x1  }
0x38d: {  	(erf) = vrcp.f32 v3;
	v3 =	vld [tilespmem:$0x1FA70];
	v0 =	vmul.f32 $1.442695020e+00, v0  }
0x38e: {  	v1 =	vld.idx.msk [tilespmem:v57+s10+$0x0], $0xffff  }
0x38f: {  	(erf) = vpow2.f32 v0;
	v0 =	vld [tilespmem:$0x1FD10];
	_ =	sdelay $0x1  }
0x390: {  	v5 =	vld.idx.msk [tilespmem:v5+s10+$0x0], $0xffff;
	_ =	sdelay $0x2  }
0x391: {  	v1 =	vmul.f32 v1, v24;
	v0 =	vadd.f32 v3, v0;
	_ =	sdelay $0x1  }
0x392: {  	v0 =	vadd.f32 v1, v0;
	v1 =	vmul.f32 v5, v22;
	_ =	sdelay $0x1  }
0x393: {  	v0 =	vadd.f32 v1, v0;
	v1 =	vld [tilespmem:$0x1FCA0];
	_ =	sdelay $0x4  }
0x394: {  	v1 =	vadd.f32 v1, v0  }
0x395: {  	v21 =	vld [tilespmem:$0x1FAF0];
	v0 =	vpop (erf)  }
0x396: {  	v3 =	vld.idx.msk [tilespmem:v20+s10+$0x0], $0xffff;
	v20 =	vpop (erf);
	v1 =	vsub.f32 $0.0e+00, v1  }
0x397: {  	v5 =	vadd.f32 $1.000000000e+00, v20  }
0x398: {  	v1 =	vmul.f32 $1.442695020e+00, v1  }
0x399: {  	v23 =	vld [tilespmem:$0x1FA80];
	(erf) = vrcp.f32 v5  }
0x39a: {  	(erf) = vpow2.f32 v1;
	v1 =	vld [tilespmem:$0x1FD20];
	_ =	sdelay $0x2  }
0x39b: {  	v7 =	vld.idx.msk [tilespmem:v21+s10+$0x0], $0xffff;
	_ =	sdelay $0x1  }
0x39c: {  	v3 =	vmul.f32 v3, v24;
	v1 =	vadd.f32 v23, v1;
	_ =	sdelay $0x1  }
0x39d: {  	v1 =	vadd.f32 v3, v1;
	v3 =	vld [tilespmem:$0x1FCB0]  }
0x39e: {  	v39 =	vmul.f32 v7, v22;
	_ =	sdelay $0x1  }
0x39f: {  	v1 =	vadd.f32 v39, v1;
	_ =	sdelay $0x1  }
0x3a0: {  	v46 =	vld [tilespmem:$0x1FB20];
	v1 =	vadd.f32 v3, v1  }
0x3a1: {  	v5 =	vpop (erf);
	v3 =	vld.idx.msk [tilespmem:v62+s10+$0x0], $0xffff  }
0x3a2: {  	v40 =	vpop (erf);
	v1 =	vsub.f32 $0.0e+00, v1  }
0x3a3: {  	v7 =	vadd.f32 $1.000000000e+00, v40  }
0x3a4: {  	v1 =	vmul.f32 $1.442695020e+00, v1  }
0x3a5: {  	v51 =	vld [tilespmem:$0x1FA90];
	(erf) = vrcp.f32 v7  }
0x3a6: {  	(erf) = vpow2.f32 v1;
	v1 =	vmul.f32 v3, v24;
	v3 =	vld [tilespmem:$0x1FD30];
	_ =	sdelay $0x1  }
0x3a7: {  	v12 =	vld.idx.msk [tilespmem:v46+s10+$0x0], $0xffff;
	_ =	sdelay $0x2  }
0x3a8: {  	v3 =	vadd.f32 v51, v3;
	_ =	sdelay $0x1  }
0x3a9: {  	v59 =	vld [tilespmem:$0x1FB50];
	v53 =	vmul.f32 v12, v22;
	v1 =	vadd.f32 v1, v3;
	_ =	sdelay $0x1  }
0x3aa: {  	v60 =	vld [tilespmem:$0x1FA20];
	v1 =	vadd.f32 v53, v1;
	_ =	sdelay $0x1  }
0x3ab: {  	v1 =	vadd.f32 v58, v1  }
0x3ac: {  	v61 =	vld [tilespmem:$0x1FAA0];
	v3 =	vpop (erf)  }
0x3ad: {  	v57 =	vld.idx.msk [tilespmem:v29+s10+$0x0], $0xffff;
	v58 =	vpop (erf);
	v1 =	vsub.f32 $0.0e+00, v1  }
0x3ae: {  	v17 =	vld [tilespmem:$0x1FA30];
	v12 =	vadd.f32 $1.000000000e+00, v58  }
0x3af: {  	v13 =	vld.idx.msk [tilespmem:v59+s10+$0x0], $0xffff;
	v1 =	vmul.f32 $1.442695020e+00, v1  }
0x3b0: {  	v16 =	vld [tilespmem:$0x1FB80];
	(erf) = vrcp.f32 v12  }
0x3b1: {  	v12 =	vld.idx.msk [tilespmem:v60+s10+$0x0], $0xffff;
	(erf) = vpow2.f32 v1  }
0x3b2: {  	v18 =	vld [tilespmem:$0x1FAB0];
	v7 =	vadd.f32 v61, v50;
	v1 =	vmul.f32 v57, v24  }
0x3b3: {  	v23 =	vld [tilespmem:$0x1FE70]  }
0x3b4: {  	v13 =	vmul.f32 v13, v22;
	v1 =	vadd.f32 v1, v7  }
0x3b5: {  	v62 =	vld.idx.msk [tilespmem:v31+s10+$0x0], $0xffff  }
0x3b6: {  	v12 =	vmul.f32 v12, v45;
	v1 =	vadd.f32 v13, v1  }
0x3b7: {  	s17 =	smul.u32 $0x280, s16  }
0x3b8: {  	v15 =	vadd.f32 v18, v19;
	v53 =	vadd.s32 $0x5, v23;
	v13 =	vld.idx.msk [tilespmem:v16+s10+$0x0], $0xffff;
	v1 =	vadd.f32 v12, v1  }
0x3b9: {  	v51 =	vadd.s32 $0x4, v23;
	[tilespmem:$0x1F6D0] =	vst v53;
	v58 =	vadd.s32 s17, v53;
	v53 =	vadd.s32 $0x9, v23;
	v14 =	vpop (erf)  }
0x3ba: {  	v60 =	vadd.s32 $0x6, v23;
	v7 =	vmul.f32 v62, v24;
	v12 =	vld.idx.msk [tilespmem:v17+s10+$0x0], $0xffff;
	v1 =	vsub.f32 $0.0e+00, v1;
	v20 =	vpop (erf)  }
0x3bb: {  	v39 =	vld [tilespmem:$0x1FE80];
	[tilespmem:$0x1F6E0] =	vst v60;
	v62 =	vadd.s32 s17, v60;
	v60 =	vadd.s32 $0xA, v23;
	v16 =	vadd.f32 $1.000000000e+00, v20  }
0x3bc: {  	v21 =	vld [tilespmem:$0x1FE60];
	v19 =	vand.u32 $0x7F80, v62;
	v62 =	vadd.s32 $0xB, v23;
	v1 =	vmul.f32 $1.442695020e+00, v1  }
0x3bd: {  	v7 =	vadd.f32 v7, v15;
	v13 =	vmul.f32 v13, v22;
	v22 =	vld [tilespmem:$0x1FD40];
	(erf) = vrcp.f32 v16  }
0x3be: {  	v40 =	vld [tilespmem:$0x1FD50];
	v17 =	vand.u32 $0x7F80, v58;
	v58 =	vadd.s32 s17, v53;
	(erf) = vpow2.f32 v1  }
0x3bf: {  	v46 =	vld [tilespmem:$0x1FD60];
	[tilespmem:$0x1F710] =	vst v53;
	v53 =	vadd.s32 $0xD, v23;
	v7 =	vadd.f32 v13, v7;
	v12 =	vmul.f32 v12, v45  }
0x3c0: {  	[tilespmem:$0x1F6C0] =	vst v51;
	v57 =	vld [tilespmem:$0x1FD70];
	v13 =	vadd.s32 s17, v39;
	v45 =	vor.u32 $0x3, v23;
	v1 =	vadd.s32 s17, v23  }
0x3c1: {  	v59 =	vld [tilespmem:$0x1FD80];
	[tilespmem:$0x1F720] =	vst v60;
	v7 =	vadd.f32 v12, v7;
	v12 =	vadd.s32 s17, v21;
	v1 =	vand.u32 $0x7F80, v1  }
0x3c2: {  	v61 =	vld [tilespmem:$0x1FD90];
	[tilespmem:$0x1F730] =	vst v62;
	v13 =	vand.u32 $0x7F80, v13;
	v12 =	vand.u32 $0x7F80, v12;
	v1 =	vor.u32 v22, v1  }
0x3c3: {  	[tilespmem:$0x1F750] =	vst v53;
	v50 =	vadd.s32 s17, v45;
	v16 =	vadd.s32 s17, v51;
	v12 =	vor.u32 v40, v12  }
0x3c4: {  	[tilespmem:$0x1F6B0] =	vst v45;
	v13 =	vor.u32 v46, v13;
	v15 =	vand.u32 $0x7F80, v50;
	v50 =	vadd.s32 $0x8, v23  }
0x3c5: {  	v45 =	vld [tilespmem:$0x1FDA0];
	v16 =	vand.u32 $0x7F80, v16;
	v15 =	vor.u32 v57, v15;
	[tilespmem:$0x1F700] =	vst v50;
	v40 =	vadd.s32 $0x7, v23  }
0x3c6: {  	v16 =	vor.u32 v59, v16;
	v57 =	vld [tilespmem:$0x1FDB0];
	[tilespmem:$0x1F6F0] =	vst v40;
	v18 =	vpop (erf)  }
0x3c7: {  	v17 =	vor.u32 v61, v17;
	v61 =	vadd.s32 s17, v60;
	v59 =	vld [tilespmem:$0x1FDC0];
	v7 =	vsub.f32 $0.0e+00, v7;
	[tilespmem:v1+s14+$0x0] =	vst.idx.msk $0xffff, v43;
	v39 =	vpop (erf)  }
0x3c8: {  	v60 =	vadd.s32 $0xF, v23;
	v51 =	vadd.s32 s17, v50;
	v1 =	vld [tilespmem:$0x1FDD0];
	[tilespmem:v12+s14+$0x0] =	vst.idx.msk $0xffff, v38;
	v20 =	vadd.f32 $1.000000000e+00, v39  }
0x3c9: {  	v46 =	vadd.s32 s17, v40;
	v40 =	vadd.s32 $0xC, v23;
	v7 =	vmul.f32 $1.442695020e+00, v7;
	v43 =	vld [tilespmem:$0x1FDE0];
	[tilespmem:v13+s14+$0x0] =	vst.idx.msk $0xffff, v37  }
0x3ca: {  	v50 =	vld [tilespmem:$0x1FDF0];
	v19 =	vor.u32 v45, v19;
	v21 =	vand.u32 $0x7F80, v46;
	[tilespmem:v15+s14+$0x0] =	vst.idx.msk $0xffff, v44;
	(erf) = vrcp.f32 v20  }
0x3cb: {  	[tilespmem:v16+s14+$0x0] =	vst.idx.msk $0xffff, v54;
	v54 =	vld [tilespmem:$0x1FE00];
	v20 =	vand.u32 $0x7F80, v51;
	(erf) = vpow2.f32 v7;
	v7 =	vor.u32 v57, v21  }
0x3cc: {  	[tilespmem:$0x1F770] =	vst v60;
	v38 =	vand.u32 $0x7F80, v61;
	v61 =	vld [tilespmem:$0x1FE10];
	v20 =	vor.u32 v59, v20;
	v21 =	vand.u32 $0x7F80, v58  }
0x3cd: {  	v56 =	vld [tilespmem:$0x1FFD0];
	[tilespmem:$0x1F740] =	vst v40;
	v39 =	vadd.s32 s17, v62;
	v1 =	vor.u32 v1, v21  }
0x3ce: {  	v55 =	vld [tilespmem:$0x1FFC0];
	v46 =	vadd.s32 s17, v40;
	v45 =	vand.u32 $0x7F80, v39;
	v12 =	vor.u32 v43, v38;
	[tilespmem:v17+s14+$0x0] =	vst.idx.msk $0xffff, v52  }
0x3cf: {  	v63 =	vld [tilespmem:$0x1FFB0];
	v13 =	vor.u32 v50, v45;
	v51 =	vand.u32 $0x7F80, v46;
	v57 =	vadd.s32 s17, v53;
	[tilespmem:v19+s14+$0x0] =	vst.idx.msk $0xffff, v11  }
0x3d0: {  	v49 =	vld [tilespmem:$0x1FFA0];
	v16 =	vand.u32 $0x7F80, v57;
	v15 =	vor.u32 v54, v51;
	[tilespmem:v7+s14+$0x0] =	vst.idx.msk $0xffff, v10  }
0x3d1: {  	v48 =	vld [tilespmem:$0x1FF90];
	v11 =	vor.u32 v61, v16;
	[tilespmem:v20+s14+$0x0] =	vst.idx.msk $0xffff, v9  }
0x3d2: {  	v44 =	vld [tilespmem:$0x1FE20];
	[tilespmem:v1+s14+$0x0] =	vst.idx.msk $0xffff, v8  }
0x3d3: {  	v37 =	vadd.s32 s17, v60;
	v45 =	vld [tilespmem:$0x1FE30];
	v21 =	vpop (erf);
	[tilespmem:v12+s14+$0x0] =	vst.idx.msk $0xffff, v6  }
0x3d4: {  	v40 =	vadd.s32 $0x10, v23;
	v39 =	vand.u32 $0x7F80, v37;
	v58 =	vadd.s32 $0xE, v23;
	v51 =	vld [tilespmem:$0x1FE40];
	v38 =	vpop (erf);
	[tilespmem:v13+s14+$0x0] =	vst.idx.msk $0xffff, v4  }
0x3d5: {  	v50 =	vadd.s32 $0x11, v23;
	v59 =	vadd.s32 s17, v58;
	v43 =	vadd.f32 $1.000000000e+00, v38;
	[tilespmem:v15+s14+$0x0] =	vst.idx.msk $0xffff, v2;
	v2 =	vld [tilespmem:$0x1FE50]  }
0x3d6: {  	v46 =	vadd.s32 s17, v40;
	v52 =	vadd.s32 s17, v50;
	v62 =	vand.u32 $0x7F80, v59;
	[tilespmem:v11+s14+$0x0] =	vst.idx.msk $0xffff, v0;
	v0 =	vld [tilespmem:$0x1FE90]  }
0x3d7: {  	[tilespmem:$0x1F780] =	vst v40;
	v53 =	vadd.s32 $0x12, v23;
	v9 =	vor.u32 v44, v62;
	v62 =	vld [tilespmem:$0x1FEA0];
	(erf) = vrcp.f32 v43  }
0x3d8: {  	v47 =	vld [tilespmem:$0x1FF80];
	[tilespmem:$0x1F790] =	vst v50;
	v57 =	vadd.s32 s17, v53;
	v7 =	vor.u32 v45, v39;
	v1 =	vand.u32 $0x7F80, v46  }
0x3d9: {  	v42 =	vld [tilespmem:$0x1FF70];
	[tilespmem:$0x1F760] =	vst v58;
	v58 =	vadd.s32 $0x13, v23;
	v54 =	vand.u32 $0x7F80, v52;
	v1 =	vor.u32 v51, v1  }
0x3da: {  	v41 =	vld [tilespmem:$0x1FF60];
	[tilespmem:$0x1F7A0] =	vst v53;
	v59 =	vand.u32 $0x7F80, v57;
	v60 =	vadd.s32 s17, v58;
	v2 =	vor.u32 v2, v54  }
0x3db: {  	v36 =	vld [tilespmem:$0x1FF50];
	[tilespmem:$0x1F7B0] =	vst v58;
	v61 =	vand.u32 $0x7F80, v60;
	v0 =	vor.u32 v0, v59  }
0x3dc: {  	v35 =	vld [tilespmem:$0x1FF40];
	v4 =	vor.u32 v62, v61;
	[tilespmem:v9+s14+$0x0] =	vst.idx.msk $0xffff, v5  }
0x3dd: {  	v34 =	vld [tilespmem:$0x1FF30];
	[tilespmem:v7+s14+$0x0] =	vst.idx.msk $0xffff, v3  }
0x3de: {  	v33 =	vld [tilespmem:$0x1FF20];
	[tilespmem:v1+s14+$0x0] =	vst.idx.msk $0xffff, v14  }
0x3df: {  	v32 =	vld [tilespmem:$0x1FF10];
	[tilespmem:v2+s14+$0x0] =	vst.idx.msk $0xffff, v18  }
0x3e0: {  	v30 =	vld [tilespmem:$0x1FF00];
	[tilespmem:v0+s14+$0x0] =	vst.idx.msk $0xffff, v21;
	v0 =	vpop (erf)  }
0x3e1: {  	v28 =	vld [tilespmem:$0x1FEE0];
	s0 =	simm.s32 $0x4;
	[tilespmem:v4+s14+$0x0] =	vst.idx.msk $0xffff, v0  }
0x3e2: {  	v27 =	vld [tilespmem:$0x1FEF0];
	_ =	swait.ge [sflag:s0], $0x800  }
0x3e3: {  	[sflag:s0] =	ssyncset.done $0x0  }
0x3e4: {  	s12 =	simm.s32 $0x6;
	[sflag:s0] =	ssyncadd.s32 $0xFFFFF800  }
0x3e5: {  	_ =	swait.ge [sflag:s12], $0xA000  }
0x3e6: {  	[sflag:s12] =	ssyncset.done $0x0  }
0x3e7: {  	s18 =	simm.s32 $0x1;
	[sflag:s12] =	ssyncadd.s32 $0xFFFF6000  }
0x3e8: {  	_ =	swait.ge [sflag:s18], $0x200  }
0x3e9: {  	[sflag:s18] =	ssyncset.done $0x0  }
0x3ea: {  	[sflag:s18] =	ssyncadd.s32 $0xFFFFFE00  }
0x3eb: {  	v0 =	vld [tilespmem:$0x0];
	_ =	sdelay $0x4  }
0x3ec: {  	v0 =	vshll.u32 v0, $0x4  }
0x3ed: {  	(v2sf) =	vpush v0, $0x0;
	_ =	sdelay $0x6  }
0x3ee: {  	(v2sf) =	vpush v0, $0x1;
	_ =	sdelay $0x2  }
0x3ef: {  	(v2sf) =	vpush v0, $0x2;
	_ =	sdelay $0x2  }
0x3f0: {  	(v2sf) =	vpush v0, $0x3;
	_ =	sdelay $0x1  }
0x3f1: {  	s19 =	spop (v2sf);
	(v2sf) =	vpush v0, $0x4;
	_ =	sdelay $0x1  }
0x3f2: {  	(v2sf) =	vpush v0, $0x5;
	_ =	sdelay $0x1  }
0x3f3: {  	(v2sf) =	vpush v0, $0x6;
	_ =	sdelay $0x1  }
0x3f4: {  	s0 =	sand.u32 $0x1FFFFFF0, s19  }
0x3f5: {  	s19 =	simm.s32 $0x0;
	s20 =	spop (v2sf);
	s0 =	sadd.s32 s4, s0;
	(v2sf) =	vpush v0, $0x7  }
0x3f6: {  	[tilespmem:s11], [sflag:$0x3] =	stream.linear.gather [hbm4b:s0+s19], $0x80, $0x38;
	[tilespmem:$0x17C00] =	vst v63  }
0x3f7: {  	s0 =	sand.u32 $0x1FFFFFF0, s20  }
0x3f8: {  	s1 =	simm.s32 $0x480;
	s21 =	spop (v2sf);
	s0 =	sadd.s32 s4, s0  }
0x3f9: {  	[tilespmem:s1], [sflag:$0x3] =	stream.linear.gather [hbm4b:s0+s19], $0x80, $0x38;
	[tilespmem:$0x17C00] =	vst v63  }
0x3fa: {  	s0 =	sand.u32 $0x1FFFFFF0, s21  }
0x3fb: {  	s22 =	simm.s32 $0x500;
	s23 =	spop (v2sf);
	s0 =	sadd.s32 s4, s0  }
0x3fc: {  	[tilespmem:s22], [sflag:$0x3] =	stream.linear.gather [hbm4b:s0+s19], $0x80, $0x38;
	[tilespmem:$0x17C00] =	vst v63  }
0x3fd: {  	s25 =	spop (v2sf);
	(v2sf) =	vpush v0, $0x8  }
0x3fe: {  	s0 =	sand.u32 $0x1FFFFFF0, s23  }
0x3ff: {  	s24 =	simm.s32 $0x580;
	s0 =	sadd.s32 s4, s0;
	s28 =	spop (v2sf);
	(v2sf) =	vpush v0, $0x9  }
0x400: {  	[tilespmem:s24], [sflag:$0x3] =	stream.linear.gather [hbm4b:s0+s19], $0x80, $0x38;
	[tilespmem:$0x17C00] =	vst v63  }
0x401: {  	s0 =	sand.u32 $0x1FFFFFF0, s25;
	s30 =	spop (v2sf);
	(v2sf) =	vpush v0, $0xA  }
0x402: {  	s26 =	simm.s32 $0x600;
	s0 =	sadd.s32 s4, s0  }
0x403: {  	[tilespmem:s26], [sflag:$0x3] =	stream.linear.gather [hbm4b:s0+s19], $0x80, $0x38;
	[tilespmem:$0x17C00] =	vst v63  }
0x404: {  	s1 =	spop (v2sf);
	(v2sf) =	vpush v0, $0xB  }
0x405: {  	s0 =	sand.u32 $0x1FFFFFF0, s28  }
0x406: {  	s29 =	simm.s32 $0x680;
	s0 =	sadd.s32 s4, s0  }
0x407: {  	[tilespmem:s29], [sflag:$0x3] =	stream.linear.gather [hbm4b:s0+s19], $0x80, $0x38;
	[tilespmem:$0x17C00] =	vst v63  }
0x408: {  	s0 =	sand.u32 $0x1FFFFFF0, s30  }
0x409: {  	s31 =	simm.s32 $0x700;
	s0 =	sadd.s32 s4, s0  }
0x40a: {  	[tilespmem:s31], [sflag:$0x3] =	stream.linear.gather [hbm4b:s0+s19], $0x80, $0x38;
	[tilespmem:$0x17C00] =	vst v63  }
0x40b: {  	s0 =	sand.u32 $0x1FFFFFF0, s1  }
0x40c: {  	s2 =	simm.s32 $0x780;
	s0 =	sadd.s32 s4, s0;
	s5 =	spop (v2sf);
	(v2sf) =	vpush v0, $0xC  }
0x40d: {  	[tilespmem:s2], [sflag:$0x3] =	stream.linear.gather [hbm4b:s0+s19], $0x80, $0x38;
	[tilespmem:$0x17C00] =	vst v63  }
0x40e: {  	s9 =	spop (v2sf);
	(v2sf) =	vpush v0, $0xD  }
0x40f: {  	s0 =	sand.u32 $0x1FFFFFF0, s5  }
0x410: {  	s8 =	simm.s32 $0x800;
	s0 =	sadd.s32 s4, s0;
	s18 =	spop (v2sf)  }
0x411: {  	(v2sf) =	vpush v0, $0xE;
	[tilespmem:s8], [sflag:$0x3] =	stream.linear.gather [hbm4b:s0+s19], $0x80, $0x38;
	[tilespmem:$0x17C00] =	vst v63  }
0x412: {  	s0 =	sand.u32 $0x1FFFFFF0, s9  }
0x413: {  	s12 =	simm.s32 $0x880;
	s21 =	spop (v2sf);
	s0 =	sadd.s32 s4, s0  }
0x414: {  	(v2sf) =	vpush v0, $0xF;
	[tilespmem:s12], [sflag:$0x3] =	stream.linear.gather [hbm4b:s0+s19], $0x80, $0x38;
	[tilespmem:$0x17C00] =	vst v63  }
0x415: {  	s0 =	sand.u32 $0x1FFFFFF0, s18  }
0x416: {  	s20 =	simm.s32 $0x900;
	s0 =	sadd.s32 s4, s0  }
0x417: {  	[tilespmem:s20], [sflag:$0x3] =	stream.linear.gather [hbm4b:s0+s19], $0x80, $0x38;
	[tilespmem:$0x17C00] =	vst v63  }
0x418: {  	s0 =	sand.u32 $0x1FFFFFF0, s21  }
0x419: {  	s22 =	simm.s32 $0x980;
	s0 =	sadd.s32 s4, s0  }
0x41a: {  	[tilespmem:s22], [sflag:$0x3] =	stream.linear.gather [hbm4b:s0+s19], $0x80, $0x38;
	[tilespmem:$0x17C00] =	vst v63  }
0x41b: {  	s23 =	spop (v2sf)  }
0x41c: {  	s0 =	sand.u32 $0x1FFFFFF0, s23  }
0x41d: {  	s24 =	simm.s32 $0xA00;
	s25 =	spop (v2sf);
	s0 =	sadd.s32 s4, s0  }
0x41e: {  	[tilespmem:s24], [sflag:$0x3] =	stream.linear.gather [hbm4b:s0+s19], $0x80, $0x38;
	[tilespmem:$0x17C00] =	vst v63  }
0x41f: {  	s0 =	sand.u32 $0x1FFFFFF0, s25  }
0x420: {  	s26 =	simm.s32 $0xA80;
	s28 =	spop (v2sf);
	s0 =	sadd.s32 s4, s0  }
0x421: {  	[tilespmem:s26], [sflag:$0x3] =	stream.linear.gather [hbm4b:s0+s19], $0x80, $0x38;
	[tilespmem:$0x17C00] =	vst v63  }
0x422: {  	s0 =	sand.u32 $0x1FFFFFF0, s28  }
0x423: {  	s29 =	simm.s32 $0xB00;
	s30 =	spop (v2sf);
	s0 =	sadd.s32 s4, s0  }
0x424: {  	[tilespmem:s29], [sflag:$0x3] =	stream.linear.gather [hbm4b:s0+s19], $0x80, $0x38;
	[tilespmem:$0x17C00] =	vst v63  }
0x425: {  	s0 =	sand.u32 $0x1FFFFFF0, s30  }
0x426: {  	s31 =	simm.s32 $0xB80;
	s20 =	simm.s32 $0x20;
	s0 =	sadd.s32 s4, s0  }
0x427: {  	[tilespmem:s31], [sflag:$0x3] =	stream.linear.gather [hbm4b:s0+s19], $0x80, $0x38;
	[tilespmem:$0x17C00] =	vst v63  }
0x428: {  	v0 =	vld [tilespmem:s20+$0x0];
	_ =	sdelay $0x4  }
0x429: {  	v0 =	vshll.u32 v0, $0x4  }
0x42a: {  	(v2sf) =	vpush v0, $0x0  }
0x42b: {  	(v2sf) =	vpush v0, $0x1  }
0x42c: {  	(v2sf) =	vpush v0, $0x2;
	_ =	sdelay $0x1  }
0x42d: {  	(v2sf) =	vpush v0, $0x4;
	_ =	sdelay $0x1  }
0x42e: {  	(v2sf) =	vpush v0, $0x3  }
0x42f: {  	(v2sf) =	vpush v0, $0x5  }
0x430: {  	s21 =	simm.s32 $0x2000;
	s19 =	simm.s32 $0x0;
	(v2sf) =	vpush v0, $0x6  }
.LBB2_9:
0x431: {  	p0 =	sne.s32 s21, $0x26000  }
0x432: {  	s2 =	sadd.s32 $0x1480, s19;
	s26 =	sadd.s32 $0x1980, s19;
	s22 =	smov.u32 s21  }
0x433: {  	s21 =	sadd.s32 $0x2000, s21;
	s30 =	sadd.s32 $0x1780, s19;
	s24 =	sadd.s32 $0x1A00, s19;
	(v2sf) =	vpush v0, $0x7  }
0x434: {  	s8 =	sadd.s32 $0x1680, s19;
	s29 =	sadd.s32 $0x1800, s19;
	s25 =	sadd.s32 $0x1A80, s19  }
0x435: {  	s5 =	sadd.s32 $0x1400, s19;
	s9 =	sadd.s32 $0x1600, s19;
	(v2sf) =	vpush v0, $0x8  }
0x436: {  	s12 =	sadd.s32 $0x1700, s19;
	s20 =	sadd.s32 $0x10, s20  }
0x437: {  	s23 =	sadd.s32 $0x1500, s19;
	s28 =	sadd.s32 $0x1900, s19;
	s0 =	spop (v2sf);
	(v2sf) =	vpush v0, $0x9  }
0x438: {  	s31 =	sand.u32 $0x1FFFFFF0, s0;
	s0 =	sadd.s32 $0x1880, s19;
	s1 =	spop (v2sf)  }
0x439: {  	s31 =	sadd.s32 s6, s31;
	s1 =	sand.u32 $0x1FFFFFF0, s1;
	s18 =	spop (v2sf);
	(v2sf) =	vpush v0, $0xA  }
0x43a: {  	[tilespmem:s5], [sflag:$0x5] =	stream.linear.gather [hbm4b:s31+s3], $0x80, $0x38;
	[tilespmem:$0x17C00] =	vst v63  }
0x43b: {  	s1 =	sadd.s32 s6, s1;
	s5 =	sadd.s32 $0x1580, s19;
	s31 =	spop (v2sf);
	(v2sf) =	vpush v0, $0xB  }
0x43c: {  	[tilespmem:s2], [sflag:$0x5] =	stream.linear.gather [hbm4b:s1+s3], $0x80, $0x38;
	[tilespmem:$0x17C00] =	vst v63  }
0x43d: {  	s1 =	sand.u32 $0x1FFFFFF0, s18;
	s2 =	sand.u32 $0x1FFFFFF0, s31;
	s18 =	spop (v2sf);
	(v2sf) =	vpush v0, $0xC  }
0x43e: {  	s1 =	sadd.s32 s6, s1;
	s18 =	sand.u32 $0x1FFFFFF0, s18;
	s31 =	spop (v2sf)  }
0x43f: {  	[tilespmem:s23], [sflag:$0x5] =	stream.linear.gather [hbm4b:s1+s3], $0x80, $0x38;
	(v2sf) =	vpush v0, $0xD;
	[tilespmem:$0x17C00] =	vst v63  }
0x440: {  	s1 =	sadd.s32 s6, s18;
	s18 =	sand.u32 $0x1FFFFFF0, s31;
	s23 =	spop (v2sf)  }
0x441: {  	[tilespmem:s5], [sflag:$0x5] =	stream.linear.gather [hbm4b:s1+s3], $0x80, $0x38;
	(v2sf) =	vpush v0, $0xE;
	[tilespmem:$0x17C00] =	vst v63  }
0x442: {  	s1 =	sadd.s32 s6, s2;
	s2 =	sand.u32 $0x1FFFFFF0, s23;
	s5 =	spop (v2sf)  }
0x443: {  	[tilespmem:s9], [sflag:$0x5] =	stream.linear.gather [hbm4b:s1+s3], $0x80, $0x38;
	(v2sf) =	vpush v0, $0xF;
	[tilespmem:$0x17C00] =	vst v63  }
0x444: {  	s1 =	sadd.s32 s6, s18;
	s5 =	sand.u32 $0x1FFFFFF0, s5;
	s9 =	spop (v2sf)  }
0x445: {  	[tilespmem:s8], [sflag:$0x5] =	stream.linear.gather [hbm4b:s1+s3], $0x80, $0x38;
	[tilespmem:$0x17C00] =	vst v63  }
0x446: {  	s1 =	sadd.s32 s6, s2;
	s2 =	sand.u32 $0x1FFFFFF0, s9;
	s8 =	spop (v2sf)  }
0x447: {  	[tilespmem:s12], [sflag:$0x5] =	stream.linear.gather [hbm4b:s1+s3], $0x80, $0x38;
	[tilespmem:$0x17C00] =	vst v63  }
0x448: {  	s1 =	sadd.s32 s6, s5;
	s5 =	sand.u32 $0x1FFFFFF0, s8;
	s8 =	spop (v2sf)  }
0x449: {  	[tilespmem:s30], [sflag:$0x5] =	stream.linear.gather [hbm4b:s1+s3], $0x80, $0x38;
	[tilespmem:$0x17C00] =	vst v63  }
0x44a: {  	s1 =	sadd.s32 s6, s2;
	s2 =	sand.u32 $0x1FFFFFF0, s8;
	s8 =	spop (v2sf)  }
0x44b: {  	[tilespmem:s29], [sflag:$0x5] =	stream.linear.gather [hbm4b:s1+s3], $0x80, $0x38;
	[tilespmem:$0x17C00] =	vst v63  }
0x44c: {  	s1 =	sadd.s32 s6, s5;
	s5 =	sand.u32 $0x1FFFFFF0, s8;
	s8 =	spop (v2sf)  }
0x44d: {  	[tilespmem:s0], [sflag:$0x5] =	stream.linear.gather [hbm4b:s1+s3], $0x80, $0x38;
	[tilespmem:$0x17C00] =	vst v63  }
0x44e: {  	s0 =	sadd.s32 s6, s2;
	s1 =	sand.u32 $0x1FFFFFF0, s8;
	s2 =	spop (v2sf)  }
0x44f: {  	[tilespmem:s28], [sflag:$0x5] =	stream.linear.gather [hbm4b:s0+s3], $0x80, $0x38;
	[tilespmem:$0x17C00] =	vst v63  }
0x450: {  	s0 =	sadd.s32 s6, s5;
	s2 =	sand.u32 $0x1FFFFFF0, s2;
	s5 =	spop (v2sf)  }
0x451: {  	[tilespmem:s26], [sflag:$0x5] =	stream.linear.gather [hbm4b:s0+s3], $0x80, $0x38;
	[tilespmem:$0x17C00] =	vst v63  }
0x452: {  	s0 =	sadd.s32 s6, s1;
	s1 =	sand.u32 $0x1FFFFFF0, s5;
	s5 =	spop (v2sf)  }
0x453: {  	[tilespmem:s24], [sflag:$0x5] =	stream.linear.gather [hbm4b:s0+s3], $0x80, $0x38;
	[tilespmem:$0x17C00] =	vst v63  }
0x454: {  	s0 =	sadd.s32 s6, s2;
	s2 =	sand.u32 $0x1FFFFFF0, s5  }
0x455: {  	[tilespmem:s25], [sflag:$0x5] =	stream.linear.gather [hbm4b:s0+s3], $0x80, $0x38;
	[tilespmem:$0x17C00] =	vst v63  }
0x456: {  	s1 =	sadd.s32 s6, s1;
	s0 =	sadd.s32 $0x1B00, s19  }
0x457: {  	[tilespmem:s0], [sflag:$0x5] =	stream.linear.gather [hbm4b:s1+s3], $0x80, $0x38;
	[tilespmem:$0x17C00] =	vst v63  }
0x458: {  	s0 =	sadd.s32 $0x1B80, s19;
	s1 =	sadd.s32 s6, s2  }
0x459: {  	[tilespmem:s0], [sflag:$0x5] =	stream.linear.gather [hbm4b:s1+s3], $0x80, $0x38;
	[tilespmem:$0x17C00] =	vst v63  }
0x45a: {  	v0 =	vld [tilespmem:s20+$0x0];
	_ =	sdelay $0x4  }
0x45b: {  	v0 =	vshll.u32 v0, $0x4  }
0x45c: {  	(v2sf) =	vpush v0, $0x0  }
0x45d: {  	(v2sf) =	vpush v0, $0x1  }
0x45e: {  	(v2sf) =	vpush v0, $0x2;
	_ =	sdelay $0x1  }
0x45f: {  	(v2sf) =	vpush v0, $0x4  }
.Ltmp3:
0x460: {  	(pc) =	sbr.rel @p0 .LBB2_9-.Ltmp3, $3  }
0x461: {  	(v2sf) =	vpush v0, $0x3  }
0x462: {  	(v2sf) =	vpush v0, $0x5;
	_ =	sdelay $0x1  }
0x463: {  	s19 =	sshra.s32 s22, $0x2;
	(v2sf) =	vpush v0, $0x6  }
0x464: {  	_ =	sdelay $0x1  }
0x465: {  	s0 =	sadd.s32 $0x1480, s19  }
0x466: {  	(v2sf) =	vpush v0, $0x7;
	s22 =	sadd.s32 $0x1980, s19;
	s1 =	sadd.s32 $0x1780, s19;
	s20 =	sadd.s32 $0x1A00, s19  }
0x467: {  	s2 =	sadd.s32 $0x1680, s19;
	s5 =	sadd.s32 $0x1800, s19;
	s8 =	sadd.s32 $0x1400, s19  }
0x468: {  	s9 =	sadd.s32 $0x1600, s19;
	s12 =	sadd.s32 $0x1700, s19;
	(v2sf) =	vpush v0, $0x8;
	s23 =	spop (v2sf)  }
0x469: {  	s18 =	sadd.s32 $0x1500, s19;
	s23 =	sand.u32 $0x1FFFFFF0, s23;
	s25 =	spop (v2sf)  }
0x46a: {  	(v2sf) =	vpush v0, $0x9;
	s23 =	sadd.s32 s6, s23;
	s25 =	sand.u32 $0x1FFFFFF0, s25;
	s26 =	spop (v2sf)  }
0x46b: {  	[tilespmem:s8], [sflag:$0x5] =	stream.linear.gather [hbm4b:s23+s3], $0x80, $0x38;
	[tilespmem:$0x17C00] =	vst v63  }
0x46c: {  	s24 =	sadd.s32 $0x1900, s19;
	(v2sf) =	vpush v0, $0xA;
	s28 =	sadd.s32 s6, s25;
	s29 =	spop (v2sf)  }
0x46d: {  	[tilespmem:s0], [sflag:$0x5] =	stream.linear.gather [hbm4b:s28+s3], $0x80, $0x38;
	[tilespmem:$0x17C00] =	vst v63  }
0x46e: {  	s8 =	sadd.s32 $0x1880, s19;
	s30 =	sand.u32 $0x1FFFFFF0, s26;
	(v2sf) =	vpush v0, $0xB;
	s31 =	spop (v2sf)  }
0x46f: {  	s23 =	sadd.s32 s6, s30;
	s0 =	sadd.s32 $0x1580, s19;
	s26 =	sand.u32 $0x1FFFFFF0, s31  }
0x470: {  	(v2sf) =	vpush v0, $0xC;
	[tilespmem:s18], [sflag:$0x5] =	stream.linear.gather [hbm4b:s23+s3], $0x80, $0x38;
	[tilespmem:$0x17C00] =	vst v63  }
0x471: {  	s25 =	sand.u32 $0x1FFFFFF0, s29;
	s28 =	spop (v2sf);
	s26 =	sadd.s32 s6, s26  }
0x472: {  	(v2sf) =	vpush v0, $0xD;
	[tilespmem:s0], [sflag:$0x5] =	stream.linear.gather [hbm4b:s26+s3], $0x80, $0x38;
	[tilespmem:$0x17C00] =	vst v63  }
0x473: {  	s18 =	sadd.s32 s6, s25;
	s30 =	sand.u32 $0x1FFFFFF0, s28;
	s29 =	spop (v2sf)  }
0x474: {  	[tilespmem:s9], [sflag:$0x5] =	stream.linear.gather [hbm4b:s18+s3], $0x80, $0x38;
	[tilespmem:$0x17C00] =	vst v63  }
0x475: {  	s0 =	sadd.s32 s6, s30;
	s31 =	spop (v2sf);
	s26 =	sand.u32 $0x1FFFFFF0, s29  }
0x476: {  	(v2sf) =	vpush v0, $0xE;
	[tilespmem:s2], [sflag:$0x5] =	stream.linear.gather [hbm4b:s0+s3], $0x80, $0x38;
	[tilespmem:$0x17C00] =	vst v63  }
0x477: {  	s28 =	spop (v2sf);
	s29 =	sand.u32 $0x1FFFFFF0, s31;
	s30 =	sadd.s32 s6, s26  }
0x478: {  	(v2sf) =	vpush v0, $0xF;
	[tilespmem:s12], [sflag:$0x5] =	stream.linear.gather [hbm4b:s30+s3], $0x80, $0x38;
	[tilespmem:$0x17C00] =	vst v63  }
0x479: {  	s0 =	sadd.s32 s6, s29;
	s31 =	spop (v2sf);
	s12 =	sand.u32 $0x1FFFFFF0, s28  }
0x47a: {  	[tilespmem:s1], [sflag:$0x5] =	stream.linear.gather [hbm4b:s0+s3], $0x80, $0x38;
	[tilespmem:$0x17C00] =	vst v63  }
0x47b: {  	s23 =	sand.u32 $0x1FFFFFF0, s31;
	s25 =	sadd.s32 s6, s12;
	s18 =	spop (v2sf)  }
0x47c: {  	[tilespmem:s5], [sflag:$0x5] =	stream.linear.gather [hbm4b:s25+s3], $0x80, $0x38;
	[tilespmem:$0x17C00] =	vst v63  }
0x47d: {  	s0 =	sadd.s32 s6, s23;
	s28 =	sand.u32 $0x1FFFFFF0, s18;
	s26 =	spop (v2sf)  }
0x47e: {  	[tilespmem:s8], [sflag:$0x5] =	stream.linear.gather [hbm4b:s0+s3], $0x80, $0x38;
	[tilespmem:$0x17C00] =	vst v63  }
0x47f: {  	s1 =	sadd.s32 s6, s28;
	s30 =	sand.u32 $0x1FFFFFF0, s26;
	s29 =	spop (v2sf)  }
0x480: {  	[tilespmem:s24], [sflag:$0x5] =	stream.linear.gather [hbm4b:s1+s3], $0x80, $0x38;
	[tilespmem:$0x17C00] =	vst v63  }
0x481: {  	s0 =	sadd.s32 s6, s30;
	s31 =	spop (v2sf);
	s5 =	sand.u32 $0x1FFFFFF0, s29  }
0x482: {  	[tilespmem:s22], [sflag:$0x5] =	stream.linear.gather [hbm4b:s0+s3], $0x80, $0x38;
	[tilespmem:$0x17C00] =	vst v63  }
0x483: {  	s21 =	sadd.s32 $0x1A80, s19;
	s9 =	sand.u32 $0x1FFFFFF0, s31;
	s1 =	sadd.s32 s6, s5  }
0x484: {  	[tilespmem:s20], [sflag:$0x5] =	stream.linear.gather [hbm4b:s1+s3], $0x80, $0x38;
	[tilespmem:$0x17C00] =	vst v63  }
0x485: {  	s25 =	rddreg [dreg:$0xb];
	s8 =	spop (v2sf);
	s0 =	sadd.s32 s6, s9  }
0x486: {  	[tilespmem:s21], [sflag:$0x5] =	stream.linear.gather [hbm4b:s0+s3], $0x80, $0x38;
	[tilespmem:$0x17C00] =	vst v63  }
0x487: {  	v54 =	vlaneseq.u32;
	s26 =	rddreg [dreg:$0x0];
	s12 =	spop (v2sf);
	s21 =	simm.s32 $0x0  }
0x488: {  	s24 =	rddreg [dreg:$0x7];
	s18 =	sand.u32 $0x1FFFFFF0, s8;
	s2 =	sand.u32 $0x1FFFFFF0, s12;
	v0 =	vadd.s32 s21, v54  }
0x489: {  	s20 =	sadd.s32 $0x1B00, s19;
	s1 =	sadd.s32 s6, s18;
	s0 =	sadd.s32 s25, s24;
	v0 =	vand.u32 $0x3F, v0  }
0x48a: {  	[tilespmem:s20], [sflag:$0x5] =	stream.linear.gather [hbm4b:s1+s3], $0x80, $0x38;
	v1 =	vor.u32 v28, v0;
	[tilespmem:$0x17C00] =	vst v63  }
0x48b: {  	s22 =	sadd.s32 $0x1B80, s19;
	s23 =	sadd.s32 s6, s2;
	s0 =	sshrl.u32 s0, $0x3  }
0x48c: {  	[tilespmem:s22], [sflag:$0x5] =	stream.linear.gather [hbm4b:s23+s3], $0x80, $0x38;
	[tilespmem:$0x17C00] =	vst v63  }
0x48d: {  	v21 =	vld [tilespmem:$0x1FFE0];
	s28 =	simm.s32 $0x200;
	s0 =	sadd.s32 s26, s0;
	v9 =	vor.u32 v41, v0  }
0x48e: {  	v37 =	vld [tilespmem:$0x1FEB0];
	[tilespmem:s28], [sflag:$0x2] =	stream.linear.gather [hbm4b:s0+s21], $0x200, $0x38  }
0x48f: {  	v6 =	vld.idx.msk [tilespmem:v1+s7+$0x0], $0xffff;
	v1 =	vor.u32 v34, v0  }
0x490: {  	v44 =	vld [tilespmem:$0x1FEC0]  }
0x491: {  	v43 =	vld [tilespmem:$0x1FED0];
	v10 =	vor.u32 v42, v0  }
0x492: {  	v13 =	vor.u32 v49, v0;
	v17 =	vld.idx.msk [tilespmem:v9+s13+$0x0], $0xffff  }
0x493: {  	v14 =	vor.u32 v63, v0;
	v9 =	vmov v63;
	v63 =	vld [tilespmem:$0x1FFF0]  }
0x494: {  	v50 =	vld.idx.msk [tilespmem:v1+s13+$0x0], $0xffff;
	v1 =	vor.u32 v47, v0  }
0x495: {  	v2 =	vor.u32 v27, v0;
	v12 =	vor.u32 v48, v0  }
0x496: {  	v3 =	vor.u32 v30, v0;
	v4 =	vor.u32 v32, v0;
	v7 =	vor.u32 v35, v0;
	v57 =	vld.idx.msk [tilespmem:v10+s13+$0x0], $0xffff  }
0x497: {  	v5 =	vor.u32 v33, v0;
	v8 =	vor.u32 v36, v0;
	v15 =	vor.u32 v55, v0;
	v38 =	vld.idx.msk [tilespmem:v13+s13+$0x0], $0xffff  }
0x498: {  	v18 =	vor.u32 v21, v0;
	v19 =	vor.u32 v37, v0;
	v20 =	vld.idx.msk [tilespmem:v14+s13+$0x0], $0xffff;
	v14 =	vor.u32 v44, v0  }
0x499: {  	s29 =	simm.s32 $0x3;
	v13 =	vor.u32 v63, v0;
	v10 =	vld.idx.msk [tilespmem:v1+s13+$0x0], $0xffff;
	v1 =	vor.u32 v56, v0;
	v0 =	vor.u32 v43, v0  }
0x49a: {  	v58 =	vld.idx.msk [tilespmem:v12+s13+$0x0], $0xffff;
	v12 =	vadd.s32 s29, v54  }
0x49b: {  	v40 =	vld.idx.msk [tilespmem:v7+s13+$0x0], $0xffff;
	v23 =	vand.u32 $0x3F, v12  }
0x49c: {  	v39 =	vld.idx.msk [tilespmem:v8+s13+$0x0], $0xffff;
	v8 =	vmov v49;
	v7 =	vor.u32 v48, v23  }
0x49d: {  	s30 =	simm.s32 $0x2;
	v22 =	vld.idx.msk [tilespmem:v15+s13+$0x0], $0xffff;
	[tilespmem:$0x1F4E0] =	vst v7;
	v7 =	vor.u32 v8, v23  }
0x49e: {  	v15 =	vadd.s32 s30, v54;
	[tilespmem:$0x1F4F0] =	vst v7;
	v7 =	vld.idx.msk [tilespmem:v0+s13+$0x0], $0xffff;
	v0 =	vor.u32 v9, v23  }
0x49f: {  	v26 =	vand.u32 $0x3F, v15;
	v15 =	vor.u32 v27, v23;
	[tilespmem:$0x1F540] =	vst v0;
	v0 =	vor.u32 v55, v23  }
0x4a0: {  	[tilespmem:$0x1F550] =	vst v0;
	v0 =	vor.u32 v56, v23  }
0x4a1: {  	[tilespmem:$0x1F580] =	vst v0;
	v0 =	vor.u32 v21, v23  }
0x4a2: {  	[tilespmem:$0x1F5B0] =	vst v0;
	v0 =	vor.u32 v63, v23  }
0x4a3: {  	[tilespmem:$0x1F5F0] =	vst v0;
	v0 =	vor.u32 v37, v23  }
0x4a4: {  	s31 =	simm.s32 $0x1;
	[tilespmem:$0x1F610] =	vst v0;
	v0 =	vld.idx.msk [tilespmem:v15+s13+$0x0], $0xffff  }
0x4a5: {  	v12 =	vadd.s32 s31, v54;
	v60 =	vld.idx.msk [tilespmem:v1+s13+$0x0], $0xffff;
	v1 =	vor.u32 v28, v23  }
0x4a6: {  	v12 =	vand.u32 $0x3F, v12;
	v24 =	vor.u32 v30, v23  }
0x4a7: {  	v11 =	vld.idx.msk [tilespmem:v14+s13+$0x0], $0xffff;
	v14 =	vor.u32 v28, v12  }
0x4a8: {  	v2 =	vld.idx.msk [tilespmem:v2+s13+$0x0], $0xffff  }
0x4a9: {  	v3 =	vld.idx.msk [tilespmem:v3+s13+$0x0], $0xffff;
	[tilespmem:$0x1F500] =	vst v0;
	v0 =	vor.u32 v44, v23  }
0x4aa: {  	v29 =	vor.u32 v34, v23;
	v62 =	vld.idx.msk [tilespmem:v1+s7+$0x0], $0xffff;
	[tilespmem:$0x1F420] =	vst v0;
	v0 =	vor.u32 v43, v23  }
0x4ab: {  	v1 =	vor.u32 v34, v26;
	[tilespmem:$0x1F430] =	vst v0;
	v0 =	vld.idx.msk [tilespmem:v24+s13+$0x0], $0xffff  }
0x4ac: {  	[tilespmem:$0x1F5A0] =	vst v1;
	v1 =	vor.u32 v35, v26;
	v24 =	vld.idx.msk [tilespmem:v14+s7+$0x0], $0xffff;
	v14 =	vmul.f32 v57, v6  }
0x4ad: {  	v4 =	vld.idx.msk [tilespmem:v4+s13+$0x0], $0xffff;
	[tilespmem:$0x1F5D0] =	vst v1  }
0x4ae: {  	v5 =	vld.idx.msk [tilespmem:v5+s13+$0x0], $0xffff;
	v1 =	vor.u32 v36, v26;
	[tilespmem:$0x1F670] =	vst v14;
	v14 =	vmul.f32 v58, v6  }
0x4af: {  	[tilespmem:$0x1F5E0] =	vst v1;
	v1 =	vld.idx.msk [tilespmem:v29+s13+$0x0], $0xffff  }
0x4b0: {  	v18 =	vld.idx.msk [tilespmem:v18+s13+$0x0], $0xffff;
	[tilespmem:$0x1F690] =	vst v14;
	v14 =	vmul.f32 v38, v6  }
0x4b1: {  	v25 =	vmov v27;
	v31 =	vld.idx.msk [tilespmem:v19+s13+$0x0], $0xffff;
	v27 =	vor.u32 v32, v23  }
0x4b2: {  	v49 =	vor.u32 v35, v23;
	v19 =	vor.u32 v36, v23;
	[tilespmem:$0x1F6A0] =	vst v14;
	v14 =	vor.u32 v48, v26  }
0x4b3: {  	v52 =	vor.u32 v41, v23;
	v59 =	vor.u32 v42, v23;
	[tilespmem:$0x1F650] =	vst v14;
	v14 =	vmul.f32 v20, v6  }
0x4b4: {  	v61 =	vor.u32 v47, v23;
	v45 =	vor.u32 v25, v26;
	v2 =	vmul.f32 v2, v6;
	[tilespmem:$0x1F590] =	vst v1  }
0x4b5: {  	v3 =	vmul.f32 v3, v6;
	v1 =	vor.u32 v41, v26;
	[tilespmem:$0x1F440] =	vst v14;
	v14 =	vmul.f32 v22, v6  }
0x4b6: {  	v53 =	vor.u32 v32, v26;
	v4 =	vmul.f32 v4, v6;
	v5 =	vmul.f32 v5, v6;
	[tilespmem:$0x1F600] =	vst v1  }
0x4b7: {  	v51 =	vld.idx.msk [tilespmem:v13+s13+$0x0], $0xffff;
	v13 =	vor.u32 v33, v23;
	[tilespmem:$0x1F450] =	vst v14;
	v14 =	vor.u32 v8, v26  }
0x4b8: {  	v11 =	vmul.f32 v11, v6;
	v1 =	vld.idx.msk [tilespmem:v49+s13+$0x0], $0xffff;
	[tilespmem:$0x1F660] =	vst v14;
	v14 =	vmul.f32 v60, v6  }
0x4b9: {  	v10 =	vmul.f32 v10, v6;
	v15 =	vor.u32 v25, v12;
	[tilespmem:$0x1F520] =	vst v0;
	v0 =	vor.u32 v30, v26  }
0x4ba: {  	v25 =	vld.idx.msk [tilespmem:v19+s13+$0x0], $0xffff;
	v19 =	vmul.f32 v39, v6;
	[tilespmem:$0x1F460] =	vst v14;
	v14 =	vmul.f32 v18, v6  }
0x4bb: {  	v29 =	vor.u32 v30, v12;
	v23 =	vor.u32 v28, v26;
	v28 =	vmul.f32 v50, v6  }
0x4bc: {  	v30 =	vor.u32 v32, v12;
	v32 =	vmul.f32 v17, v6;
	[tilespmem:$0x1F470] =	vst v14;
	v14 =	vmul.f32 v51, v6  }
0x4bd: {  	v16 =	vmov v56;
	[tilespmem:$0x1F5C0] =	vst v1;
	v1 =	vmul.f32 v40, v6;
	v51 =	vmul.f32 v7, v6  }
0x4be: {  	[tilespmem:$0x1F480] =	vst v14;
	v14 =	vmul.f32 v31, v6;
	v6 =	vld.idx.msk [tilespmem:v0+s13+$0x0], $0xffff;
	v0 =	vor.u32 v16, v26  }
0x4bf: {  	[tilespmem:$0x1F4B0] =	vst v0;
	v0 =	vor.u32 v21, v26  }
0x4c0: {  	[tilespmem:$0x1F4C0] =	vst v0;
	v0 =	vor.u32 v63, v26  }
0x4c1: {  	[tilespmem:$0x1F4D0] =	vst v0;
	v0 =	vld [tilespmem:$0x1F4E0];
	_ =	sdelay $0x7  }
0x4c2: {  	v39 =	vld.idx.msk [tilespmem:v0+s13+$0x0], $0xffff  }
0x4c3: {  	v0 =	vld [tilespmem:$0x1F4F0]  }
0x4c4: {  	v40 =	vor.u32 v33, v12  }
0x4c5: {  	v56 =	vor.u32 v33, v26;
	_ =	sdelay $0x1  }
0x4c6: {  	[tilespmem:$0x1F680] =	vst v10;
	v10 =	vld.idx.msk [tilespmem:v15+s13+$0x0], $0xffff  }
0x4c7: {  	v23 =	vld.idx.msk [tilespmem:v23+s7+$0x0], $0xffff  }
0x4c8: {  	[tilespmem:$0x1F490] =	vst v14;
	v14 =	vld.idx.msk [tilespmem:v40+s13+$0x0], $0xffff  }
0x4c9: {  	v31 =	vld.idx.msk [tilespmem:v56+s13+$0x0], $0xffff  }
0x4ca: {  	v40 =	vld.idx.msk [tilespmem:v0+s13+$0x0], $0xffff  }
0x4cb: {  	v46 =	vimm.f32 $0.0e+00;
	v0 =	vld [tilespmem:$0x1F500]  }
0x4cc: {  	v2 =	vadd.f32 v2, v46;
	v10 =	vmul.f32 v10, v24;
	v22 =	vld.idx.msk [tilespmem:v30+s13+$0x0], $0xffff  }
0x4cd: {  	v5 =	vadd.f32 v5, v46;
	v30 =	vld.idx.msk [tilespmem:v45+s13+$0x0], $0xffff;
	v14 =	vmul.f32 v14, v24  }
0x4ce: {  	v2 =	vadd.f32 v10, v2;
	v10 =	vld.idx.msk [tilespmem:v53+s13+$0x0], $0xffff  }
0x4cf: {  	v5 =	vadd.f32 v14, v5  }
0x4d0: {  	v14 =	vmul.f32 v31, v23;
	v31 =	vmul.f32 v0, v62;
	v0 =	vor.u32 v37, v26  }
0x4d1: {  	v4 =	vadd.f32 v4, v46;
	v22 =	vmul.f32 v22, v24;
	[tilespmem:$0x1F510] =	vst v0;
	v0 =	vld [tilespmem:$0x1F520]  }
0x4d2: {  	v30 =	vmul.f32 v30, v23  }
0x4d3: {  	v10 =	vmul.f32 v10, v23;
	v4 =	vadd.f32 v22, v4  }
0x4d4: {  	v2 =	vadd.f32 v30, v2  }
0x4d5: {  	v4 =	vadd.f32 v10, v4  }
0x4d6: {  	v10 =	vor.u32 v41, v12;
	v41 =	vmul.f32 v0, v62;
	v0 =	vadd.f32 v31, v2;
	_ =	sdelay $0x1  }
0x4d7: {  	[tilespmem:$0x1F530] =	vst v0;
	v0 =	vld [tilespmem:$0x1F540];
	_ =	sdelay $0x5  }
0x4d8: {  	v17 =	vld.idx.msk [tilespmem:v29+s13+$0x0], $0xffff;
	_ =	sdelay $0x1  }
0x4d9: {  	v20 =	vld.idx.msk [tilespmem:v0+s13+$0x0], $0xffff  }
0x4da: {  	v0 =	vld [tilespmem:$0x1F550];
	_ =	sdelay $0x1  }
0x4db: {  	v3 =	vadd.f32 v3, v46;
	v17 =	vmul.f32 v17, v24  }
0x4dc: {  	v27 =	vld.idx.msk [tilespmem:v27+s13+$0x0], $0xffff  }
0x4dd: {  	v3 =	vadd.f32 v17, v3;
	v6 =	vmul.f32 v6, v23  }
0x4de: {  	v15 =	vor.u32 v47, v26;
	v29 =	vor.u32 v55, v26;
	v33 =	vor.u32 v42, v26  }
0x4df: {  	v18 =	vor.u32 v9, v26;
	v22 =	vor.u32 v35, v12;
	v3 =	vadd.f32 v6, v3  }
0x4e0: {  	v35 =	vld.idx.msk [tilespmem:v61+s13+$0x0], $0xffff;
	v61 =	vor.u32 v44, v26;
	v6 =	vor.u32 v36, v12;
	v36 =	vor.u32 v43, v26  }
0x4e1: {  	v5 =	vadd.f32 v14, v5;
	v14 =	vmul.f32 v27, v62;
	v26 =	vld.idx.msk [tilespmem:v0+s13+$0x0], $0xffff;
	v0 =	vadd.f32 v41, v3;
	_ =	sdelay $0x1  }
0x4e2: {  	[tilespmem:$0x1F560] =	vst v0;
	v0 =	vadd.f32 v14, v4;
	_ =	sdelay $0x1  }
0x4e3: {  	[tilespmem:$0x1F570] =	vst v0;
	v0 =	vld [tilespmem:$0x1F580]  }
0x4e4: {  	v13 =	vld.idx.msk [tilespmem:v13+s13+$0x0], $0xffff  }
0x4e5: {  	v60 =	vor.u32 v34, v12;
	_ =	sdelay $0x3  }
0x4e6: {  	v31 =	vmul.f32 v13, v62  }
0x4e7: {  	v34 =	vld.idx.msk [tilespmem:v60+s13+$0x0], $0xffff  }
0x4e8: {  	v45 =	vadd.f32 v31, v5;
	v31 =	vld.idx.msk [tilespmem:v0+s13+$0x0], $0xffff  }
0x4e9: {  	v0 =	vld [tilespmem:$0x1F590];
	_ =	sdelay $0x2  }
0x4ea: {  	v4 =	vld.idx.msk [tilespmem:v6+s13+$0x0], $0xffff  }
0x4eb: {  	v6 =	vld.idx.msk [tilespmem:v10+s13+$0x0], $0xffff  }
0x4ec: {  	v10 =	vmul.f32 v34, v24;
	v34 =	vor.u32 v48, v12;
	v48 =	vmul.f32 v0, v62;
	v0 =	vld [tilespmem:$0x1F5A0];
	_ =	sdelay $0x2  }
0x4ed: {  	v7 =	vadd.f32 v1, v46;
	v1 =	vld [tilespmem:$0x1F5E0];
	_ =	sdelay $0x4  }
0x4ee: {  	v3 =	vor.u32 v42, v12;
	v42 =	vld.idx.msk [tilespmem:v0+s13+$0x0], $0xffff  }
0x4ef: {  	v0 =	vld [tilespmem:$0x1F5B0];
	_ =	sdelay $0x1  }
0x4f0: {  	v58 =	vld.idx.msk [tilespmem:v1+s13+$0x0], $0xffff  }
0x4f1: {  	v1 =	vld [tilespmem:$0x1F5F0];
	_ =	sdelay $0x3  }
0x4f2: {  	v17 =	vld.idx.msk [tilespmem:v52+s13+$0x0], $0xffff  }
0x4f3: {  	v52 =	vld.idx.msk [tilespmem:v0+s13+$0x0], $0xffff  }
0x4f4: {  	v0 =	vld [tilespmem:$0x1F5C0]  }
0x4f5: {  	v53 =	vld.idx.msk [tilespmem:v59+s13+$0x0], $0xffff  }
0x4f6: {  	v59 =	vld.idx.msk [tilespmem:v1+s13+$0x0], $0xffff  }
0x4f7: {  	v1 =	vld [tilespmem:$0x1F600];
	_ =	sdelay $0x1  }
0x4f8: {  	v14 =	vmul.f32 v0, v62;
	v0 =	vld [tilespmem:$0x1F5D0];
	_ =	sdelay $0x4  }
0x4f9: {  	v22 =	vld.idx.msk [tilespmem:v22+s13+$0x0], $0xffff  }
0x4fa: {  	v49 =	vmul.f32 v35, v62;
	v35 =	vld.idx.msk [tilespmem:v1+s13+$0x0], $0xffff  }
0x4fb: {  	v1 =	vld [tilespmem:$0x1F610]  }
0x4fc: {  	v0 =	vld.idx.msk [tilespmem:v0+s13+$0x0], $0xffff;
	_ =	sdelay $0x2  }
0x4fd: {  	[tilespmem:$0x1F4A0] =	vst v11;
	v11 =	vmul.f32 v22, v24;
	_ =	sdelay $0x1  }
0x4fe: {  	v56 =	vadd.f32 v11, v7;
	v0 =	vmul.f32 v0, v23  }
0x4ff: {  	v2 =	vmul.f32 v53, v62  }
0x500: {  	v53 =	vld.idx.msk [tilespmem:v1+s13+$0x0], $0xffff;
	v1 =	vmul.f32 v26, v62;
	v26 =	vadd.f32 v0, v56;
	v0 =	vmul.f32 v31, v62;
	_ =	sdelay $0x1  }
0x501: {  	[tilespmem:$0x1F630] =	vst v0;
	v0 =	vmul.f32 v52, v62;
	_ =	sdelay $0x1  }
0x502: {  	[tilespmem:$0x1F640] =	vst v0;
	v0 =	vld [tilespmem:$0x1F650];
	_ =	sdelay $0x1  }
0x503: {  	v22 =	vor.u32 v8, v12  }
0x504: {  	v57 =	vor.u32 v9, v12;
	v8 =	vadd.f32 v32, v46;
	v6 =	vmul.f32 v6, v24  }
0x505: {  	v38 =	vor.u32 v47, v12;
	v30 =	vor.u32 v55, v12;
	v16 =	vor.u32 v16, v12  }
0x506: {  	v32 =	vor.u32 v44, v12;
	v50 =	vadd.f32 v6, v8;
	v31 =	vmul.f32 v35, v23  }
0x507: {  	v11 =	vor.u32 v21, v12;
	v27 =	vor.u32 v37, v12;
	v55 =	vmul.f32 v20, v62  }
0x508: {  	v20 =	vor.u32 v63, v12;
	v35 =	vadd.f32 v31, v50;
	v31 =	vor.u32 v43, v12;
	v12 =	vld.idx.msk [tilespmem:v22+s13+$0x0], $0xffff  }
0x509: {  	v22 =	vld.idx.msk [tilespmem:v0+s13+$0x0], $0xffff  }
0x50a: {  	v0 =	vld [tilespmem:$0x1F660];
	_ =	sdelay $0x7  }
0x50b: {  	v7 =	vadd.f32 v19, v46;
	v4 =	vmul.f32 v4, v24;
	v8 =	vmul.f32 v40, v62;
	v40 =	vld.idx.msk [tilespmem:v0+s13+$0x0], $0xffff  }
0x50c: {  	v0 =	vld [tilespmem:$0x1F670]  }
0x50d: {  	[tilespmem:$0x1F620] =	vst v1;
	v1 =	vmul.f32 v58, v23;
	v60 =	vadd.f32 v4, v7;
	_ =	sdelay $0x1  }
0x50e: {  	v13 =	vmul.f32 v25, v62;
	v60 =	vadd.f32 v1, v60  }
0x50f: {  	v63 =	vld.idx.msk [tilespmem:v3+s13+$0x0], $0xffff;
	v3 =	vimm.f32 $0.0e+00  }
0x510: {  	v37 =	vadd.f32 v13, v60;
	v13 =	vadd.f32 v0, v3;
	v0 =	vld [tilespmem:$0x1F680];
	_ =	sdelay $0x2  }
0x511: {  	v15 =	vld.idx.msk [tilespmem:v15+s13+$0x0], $0xffff;
	v17 =	vmul.f32 v17, v62  }
0x512: {  	v5 =	vadd.f32 v28, v46;
	v34 =	vld.idx.msk [tilespmem:v34+s13+$0x0], $0xffff  }
0x513: {  	v19 =	vadd.f32 v17, v35;
	v17 =	vadd.f32 v0, v3;
	v0 =	vld [tilespmem:$0x1F690]  }
0x514: {  	v46 =	vmul.f32 v39, v62;
	v39 =	vld.idx.msk [tilespmem:v33+s13+$0x0], $0xffff;
	v5 =	vadd.f32 v10, v5;
	v4 =	vmul.f32 v42, v23;
	_ =	sdelay $0x1  }
0x515: {  	v25 =	vimm.f32 $0.0e+00;
	v47 =	vadd.f32 v4, v5;
	v4 =	vld.idx.msk [tilespmem:v38+s13+$0x0], $0xffff  }
0x516: {  	v33 =	vimm.f32 $0.0e+00;
	v28 =	vimm.f32 $0.0e+00;
	v58 =	vmul.f32 v15, v23  }
0x517: {  	v9 =	vmul.f32 v63, v24;
	v60 =	vmul.f32 v34, v24;
	v63 =	vadd.f32 v0, v3;
	v0 =	vld [tilespmem:$0x1F6A0]  }
0x518: {  	v15 =	vld.idx.msk [tilespmem:v29+s13+$0x0], $0xffff;
	v29 =	vimm.f32 $0.0e+00;
	v42 =	vmul.f32 v59, v62;
	v59 =	vmul.f32 v39, v23  }
0x519: {  	v57 =	vld.idx.msk [tilespmem:v57+s13+$0x0], $0xffff;
	v44 =	vadd.f32 v48, v47;
	v56 =	vmul.f32 v53, v62;
	v47 =	vadd.f32 v14, v26  }
0x51a: {  	v16 =	vld.idx.msk [tilespmem:v16+s13+$0x0], $0xffff;
	v14 =	vmul.f32 v4, v24;
	v4 =	vimm.f32 $0.0e+00;
	v21 =	vmul.f32 v12, v24  }
0x51b: {  	v39 =	vld.idx.msk [tilespmem:v18+s13+$0x0], $0xffff;
	v26 =	vmul.f32 v22, v23;
	v22 =	vimm.f32 $0.0e+00;
	v13 =	vadd.f32 v9, v13  }
0x51c: {  	s18 =	simm.s32 $0x4;
	v12 =	vadd.f32 v14, v17;
	v17 =	vld.idx.msk [tilespmem:v30+s13+$0x0], $0xffff;
	v30 =	vimm.f32 $0.0e+00;
	v18 =	vadd.f32 v0, v3  }
.LBB2_11:
0x51d: {  	v0 =	vld [tilespmem:$0x1F4B0];
	_ =	sdelay $0x7  }
0x51e: {  	v13 =	vadd.f32 v59, v13;
	v59 =	vld.idx.msk [tilespmem:v0+s13+$0x0], $0xffff  }
0x51f: {  	v0 =	vld [tilespmem:$0x1F4C0];
	_ =	sdelay $0x5  }
0x520: {  	v18 =	vadd.f32 v21, v18;
	v21 =	vmul.f32 v40, v23;
	_ =	sdelay $0x1  }
0x521: {  	v18 =	vadd.f32 v21, v18;
	v21 =	vld.idx.msk [tilespmem:v0+s13+$0x0], $0xffff  }
0x522: {  	v0 =	vld [tilespmem:$0x1F4D0];
	_ =	sdelay $0x6  }
0x523: {  	v14 =	vadd.f32 v60, v63  }
0x524: {  	v12 =	vadd.f32 v58, v12;
	v60 =	vld.idx.msk [tilespmem:v0+s13+$0x0], $0xffff;
	v0 =	vadd.f32 v2, v13;
	_ =	sdelay $0x1  }
0x525: {  	[tilespmem:$0x1F370] =	vst v0;
	v0 =	vadd.f32 v49, v12;
	_ =	sdelay $0x1  }
0x526: {  	[tilespmem:$0x1F390] =	vst v0;
	v0 =	vld [tilespmem:$0x1F510];
	_ =	sdelay $0x5  }
0x527: {  	v14 =	vadd.f32 v26, v14  }
0x528: {  	v7 =	vld.idx.msk [tilespmem:v11+s13+$0x0], $0xffff  }
0x529: {  	v11 =	vld.idx.msk [tilespmem:v0+s13+$0x0], $0xffff;
	v0 =	vadd.f32 v46, v14;
	_ =	sdelay $0x1  }
0x52a: {  	[tilespmem:$0x1F3B0] =	vst v0;
	v0 =	vadd.f32 v8, v18;
	_ =	sdelay $0x1  }
0x52b: {  	[tilespmem:$0x1F3D0] =	vst v0;
	v0 =	vld [tilespmem:$0x1F440];
	_ =	sdelay $0x4  }
0x52c: {  	v8 =	vadd.f32 v0, v3;
	v0 =	vld [tilespmem:$0x1F450];
	_ =	sdelay $0x4  }
0x52d: {  	v9 =	vadd.f32 v0, v4;
	v0 =	vld [tilespmem:$0x1F460];
	_ =	sdelay $0x3  }
0x52e: {  	v26 =	vmul.f32 v57, v24  }
0x52f: {  	v13 =	vadd.f32 v0, v33;
	v0 =	vld [tilespmem:$0x1F470]  }
0x530: {  	v39 =	vmul.f32 v39, v23;
	v8 =	vadd.f32 v26, v8;
	_ =	sdelay $0x1  }
0x531: {  	v8 =	vadd.f32 v39, v8;
	_ =	sdelay $0x1  }
0x532: {  	v14 =	vadd.f32 v0, v30;
	v0 =	vadd.f32 v55, v8  }
0x533: {  	v10 =	vmul.f32 v17, v24  }
0x534: {  	[tilespmem:$0x1F400] =	vst v0;
	v0 =	vld [tilespmem:$0x1F620]  }
0x535: {  	v15 =	vmul.f32 v15, v23;
	v9 =	vadd.f32 v10, v9;
	_ =	sdelay $0x1  }
0x536: {  	v9 =	vadd.f32 v15, v9;
	_ =	sdelay $0x1  }
0x537: {  	v0 =	vadd.f32 v0, v9;
	_ =	sdelay $0x1  }
0x538: {  	[tilespmem:$0x1F3F0] =	vst v0;
	v0 =	vld [tilespmem:$0x1F420];
	_ =	sdelay $0x7  }
0x539: {  	v12 =	vmul.f32 v16, v24;
	v4 =	vld.idx.msk [tilespmem:v0+s13+$0x0], $0xffff  }
0x53a: {  	v0 =	vld [tilespmem:$0x1F630]  }
0x53b: {  	v10 =	vmul.f32 v59, v23;
	v12 =	vadd.f32 v12, v13;
	_ =	sdelay $0x1  }
0x53c: {  	v10 =	vadd.f32 v10, v12;
	_ =	sdelay $0x1  }
0x53d: {  	v0 =	vadd.f32 v0, v10  }
0x53e: {  	v5 =	vld.idx.msk [tilespmem:v20+s13+$0x0], $0xffff;
	v7 =	vmul.f32 v7, v24  }
0x53f: {  	[tilespmem:$0x1F320] =	vst v0;
	v0 =	vld [tilespmem:$0x1F640]  }
0x540: {  	v1 =	vld.idx.msk [tilespmem:v32+s13+$0x0], $0xffff;
	v7 =	vadd.f32 v7, v14;
	v14 =	vmul.f32 v21, v23  }
0x541: {  	v2 =	vld [tilespmem:$0x1F480]  }
0x542: {  	v6 =	vld [tilespmem:$0x1F490];
	v7 =	vadd.f32 v14, v7  }
0x543: {  	v3 =	vld.idx.msk [tilespmem:v27+s13+$0x0], $0xffff  }
0x544: {  	v13 =	vld.idx.msk [tilespmem:v31+s13+$0x0], $0xffff;
	v0 =	vadd.f32 v0, v7  }
0x545: {  	v7 =	vld [tilespmem:$0x1F4A0]  }
0x546: {  	v5 =	vmul.f32 v5, v24;
	v2 =	vadd.f32 v2, v29;
	[tilespmem:$0x1F340] =	vst v0;
	v0 =	vld [tilespmem:$0x1F430]  }
0x547: {  	v6 =	vadd.f32 v6, v28;
	v16 =	vld.idx.msk [tilespmem:v61+s13+$0x0], $0xffff  }
0x548: {  	v2 =	vadd.f32 v5, v2;
	v3 =	vmul.f32 v3, v24;
	v15 =	vmul.f32 v60, v23;
	v12 =	vld.idx.msk [tilespmem:v36+s13+$0x0], $0xffff  }
0x549: {  	v1 =	vmul.f32 v1, v24  }
0x54a: {  	v11 =	vmul.f32 v11, v23;
	v3 =	vadd.f32 v3, v6;
	v2 =	vadd.f32 v15, v2  }
0x54b: {  	v8 =	vadd.f32 v51, v22;
	v9 =	vmul.f32 v13, v24;
	v7 =	vadd.f32 v7, v25  }
0x54c: {  	v5 =	vmul.f32 v16, v23;
	v3 =	vadd.f32 v11, v3;
	v60 =	vld [tilespmem:$0x1FF00];
	v2 =	vadd.f32 v42, v2  }
0x54d: {  	v22 =	vld [tilespmem:$0x1FF10];
	v6 =	vadd.f32 v9, v8;
	v1 =	vadd.f32 v1, v7;
	v7 =	vmul.f32 v12, v23  }
0x54e: {  	[tilespmem:$0x1F410] =	vst v2;
	v2 =	vadd.f32 v56, v3;
	v0 =	vld.idx.msk [tilespmem:v0+s13+$0x0], $0xffff  }
0x54f: {  	[tilespmem:$0x1F2D0] =	vst v19;
	v59 =	vld [tilespmem:$0x1FEF0];
	v1 =	vadd.f32 v5, v1;
	v5 =	vadd.f32 v7, v6;
	v6 =	vadd.s32 s18, v54  }
0x550: {  	v19 =	vld [tilespmem:$0x1FF20];
	[tilespmem:$0x1F300] =	vst v2;
	v4 =	vmul.f32 v4, v62;
	v2 =	vand.u32 $0x3F, v6  }
0x551: {  	v3 =	vor.u32 v60, v2  }
0x552: {  	v1 =	vadd.f32 v4, v1  }
0x553: {  	v41 =	vld [tilespmem:$0x1FF30];
	v4 =	vor.u32 v22, v2;
	v0 =	vmul.f32 v0, v62  }
0x554: {  	[tilespmem:$0x1F200] =	vst v1;
	v1 =	vor.u32 v59, v2  }
0x555: {  	v0 =	vadd.f32 v0, v5;
	v5 =	vor.u32 v19, v2  }
0x556: {  	v53 =	vld.idx.msk [tilespmem:v3+s13+$0x0], $0xffff  }
0x557: {  	v3 =	vld [tilespmem:$0x1FF50]  }
0x558: {  	v6 =	vor.u32 v41, v2;
	v4 =	vld.idx.msk [tilespmem:v4+s13+$0x0], $0xffff  }
0x559: {  	v52 =	vld.idx.msk [tilespmem:v1+s13+$0x0], $0xffff  }
0x55a: {  	v57 =	vld.idx.msk [tilespmem:v5+s13+$0x0], $0xffff  }
0x55b: {  	v5 =	vld [tilespmem:$0x1FF70]  }
0x55c: {  	v1 =	vld [tilespmem:$0x1FF40]  }
0x55d: {  	v6 =	vld.idx.msk [tilespmem:v6+s13+$0x0], $0xffff  }
0x55e: {  	[tilespmem:$0x1F180] =	vst v4;
	v4 =	vld [tilespmem:$0x1FF60]  }
0x55f: {  	v8 =	vor.u32 v3, v2  }
0x560: {  	v10 =	vor.u32 v5, v2  }
0x561: {  	v20 =	vld [tilespmem:$0x1FFE0];
	v7 =	vor.u32 v1, v2  }
0x562: {  	v58 =	vld [tilespmem:$0x1FEE0]  }
0x563: {  	[tilespmem:$0x1F190] =	vst v6;
	v6 =	vld [tilespmem:$0x1FF80];
	v9 =	vor.u32 v4, v2  }
0x564: {  	v8 =	vld.idx.msk [tilespmem:v8+s13+$0x0], $0xffff  }
0x565: {  	v10 =	vld.idx.msk [tilespmem:v10+s13+$0x0], $0xffff  }
0x566: {  	v63 =	vld.idx.msk [tilespmem:v7+s13+$0x0], $0xffff  }
0x567: {  	v7 =	vld [tilespmem:$0x1FF90]  }
0x568: {  	v40 =	vld.idx.msk [tilespmem:v9+s13+$0x0], $0xffff  }
0x569: {  	v9 =	vld [tilespmem:$0x1FFB0]  }
0x56a: {  	[tilespmem:$0x1F1B0] =	vst v10;
	v10 =	vld [tilespmem:$0x1FFC0]  }
0x56b: {  	v28 =	vld [tilespmem:$0x1FEC0];
	v11 =	vor.u32 v6, v2  }
0x56c: {  	v29 =	vld [tilespmem:$0x1FED0]  }
0x56d: {  	v21 =	vld [tilespmem:$0x1FFF0];
	v12 =	vor.u32 v7, v2  }
0x56e: {  	[tilespmem:$0x1F1A0] =	vst v8;
	v8 =	vld [tilespmem:$0x1FFA0];
	v14 =	vor.u32 v9, v2  }
0x56f: {  	v25 =	vld [tilespmem:$0x1FEB0];
	v15 =	vor.u32 v10, v2  }
0x570: {  	v50 =	vld.idx.msk [tilespmem:v11+s13+$0x0], $0xffff  }
0x571: {  	v11 =	vld [tilespmem:$0x1FFD0]  }
0x572: {  	v12 =	vld.idx.msk [tilespmem:v12+s13+$0x0], $0xffff  }
0x573: {  	v13 =	vor.u32 v8, v2;
	v14 =	vld.idx.msk [tilespmem:v14+s13+$0x0], $0xffff  }
0x574: {  	v15 =	vld.idx.msk [tilespmem:v15+s13+$0x0], $0xffff;
	_ =	sdelay $0x1  }
0x575: {  	[tilespmem:$0x1F360] =	vst v0  }
0x576: {  	v0 =	vor.u32 v58, v2;
	v16 =	vor.u32 v11, v2;
	[tilespmem:$0x1F1C0] =	vst v12  }
0x577: {  	v48 =	vld.idx.msk [tilespmem:v13+s13+$0x0], $0xffff;
	v13 =	vor.u32 v21, v2;
	v12 =	vor.u32 v20, v2;
	[tilespmem:$0x1F1D0] =	vst v14  }
0x578: {  	v14 =	vor.u32 v25, v2;
	[tilespmem:$0x1F1E0] =	vst v15;
	v15 =	vor.u32 v28, v2;
	v2 =	vor.u32 v29, v2;
	_ =	sdelay $0x1  }
0x579: {  	[tilespmem:$0x1F2A0] =	vst v44;
	s0 =	sadd.s32 $0x3, s18  }
0x57a: {  	[tilespmem:$0x1F2B0] =	vst v47;
	v17 =	vadd.s32 s0, v54  }
0x57b: {  	[tilespmem:$0x1F240] =	vst v45;
	s1 =	sadd.s32 $0x2, s18;
	v17 =	vand.u32 $0x3F, v17;
	v47 =	vld.idx.msk [tilespmem:v16+s13+$0x0], $0xffff  }
0x57c: {  	[tilespmem:$0x1F2C0] =	vst v37;
	v16 =	vadd.s32 s1, v54;
	v45 =	vld.idx.msk [tilespmem:v2+s13+$0x0], $0xffff;
	v2 =	vor.u32 v28, v17  }
0x57d: {  	v16 =	vand.u32 $0x3F, v16;
	[tilespmem:$0x1F420] =	vst v2;
	v2 =	vor.u32 v29, v17  }
0x57e: {  	[tilespmem:$0x1F430] =	vst v2;
	v2 =	vor.u32 v22, v16  }
0x57f: {  	v18 =	vor.u32 v58, v17;
	[tilespmem:$0x1F1F0] =	vst v2;
	v2 =	vor.u32 v19, v16  }
0x580: {  	v27 =	vor.u32 v20, v17;
	v26 =	vor.u32 v19, v17;
	[tilespmem:$0x1F210] =	vst v2;
	v2 =	vor.u32 v41, v16  }
0x581: {  	v30 =	vor.u32 v41, v17;
	v32 =	vor.u32 v21, v17;
	[tilespmem:$0x1F220] =	vst v2;
	v2 =	vor.u32 v1, v16  }
0x582: {  	s31 =	sadd.s32 $0x1, s18;
	v37 =	vor.u32 v25, v17;
	v42 =	vor.u32 v3, v17;
	[tilespmem:$0x1F230] =	vst v2;
	v2 =	vor.u32 v3, v16  }
0x583: {  	v35 =	vor.u32 v1, v17;
	v33 =	vld.idx.msk [tilespmem:v12+s13+$0x0], $0xffff;
	v12 =	vadd.s32 s31, v54;
	[tilespmem:$0x1F250] =	vst v2;
	v2 =	vor.u32 v4, v16  }
0x584: {  	v62 =	vld.idx.msk [tilespmem:v18+s7+$0x0], $0xffff;
	v31 =	vand.u32 $0x3F, v12;
	v12 =	vor.u32 v59, v17;
	[tilespmem:$0x1F260] =	vst v2;
	v2 =	vor.u32 v5, v16  }
0x585: {  	v0 =	vld.idx.msk [tilespmem:v0+s7+$0x0], $0xffff;
	v46 =	vor.u32 v4, v17;
	[tilespmem:$0x1F270] =	vst v2;
	v2 =	vor.u32 v6, v16  }
0x586: {  	v51 =	vor.u32 v5, v17;
	v55 =	vor.u32 v7, v17;
	[tilespmem:$0x1F280] =	vst v2;
	v2 =	vor.u32 v7, v16  }
0x587: {  	v56 =	vld.idx.msk [tilespmem:v14+s13+$0x0], $0xffff;
	v14 =	vor.u32 v22, v17;
	[tilespmem:$0x1F2F0] =	vst v2;
	v2 =	vor.u32 v8, v16  }
0x588: {  	v18 =	vor.u32 v8, v17;
	v36 =	vld.idx.msk [tilespmem:v13+s13+$0x0], $0xffff;
	[tilespmem:$0x1F310] =	vst v2;
	v2 =	vor.u32 v9, v16  }
0x589: {  	v24 =	vor.u32 v11, v17;
	v39 =	vld.idx.msk [tilespmem:v12+s13+$0x0], $0xffff;
	[tilespmem:$0x1F330] =	vst v2;
	v2 =	vor.u32 v10, v16  }
0x58a: {  	v23 =	vor.u32 v10, v17;
	v54 =	vor.u32 v6, v17;
	v12 =	vld [tilespmem:$0x1F180];
	[tilespmem:$0x1F350] =	vst v2;
	v2 =	vor.u32 v11, v16  }
0x58b: {  	v13 =	vor.u32 v60, v17;
	v61 =	vld.idx.msk [tilespmem:v15+s13+$0x0], $0xffff;
	[tilespmem:$0x1F4B0] =	vst v2;
	v2 =	vor.u32 v20, v16  }
0x58c: {  	v15 =	vor.u32 v9, v17;
	v17 =	vld.idx.msk [tilespmem:v14+s13+$0x0], $0xffff;
	[tilespmem:$0x1F4C0] =	vst v2;
	v2 =	vor.u32 v21, v16  }
0x58d: {  	v14 =	vld [tilespmem:$0x1F1C0];
	[tilespmem:$0x1F4D0] =	vst v2;
	v2 =	vor.u32 v25, v16  }
0x58e: {  	v38 =	vor.u32 v58, v16;
	v43 =	vor.u32 v59, v16;
	[tilespmem:$0x1F510] =	vst v2;
	v2 =	vor.u32 v28, v16  }
0x58f: {  	v44 =	vor.u32 v60, v16;
	[tilespmem:$0x1F290] =	vst v2;
	v2 =	vor.u32 v29, v16;
	v16 =	vld.idx.msk [tilespmem:v54+s13+$0x0], $0xffff  }
0x590: {  	v54 =	vmul.f32 v12, v0;
	v12 =	vld [tilespmem:$0x1F190];
	_ =	sdelay $0x1  }
0x591: {  	v14 =	vmul.f32 v14, v0;
	_ =	sdelay $0x1  }
0x592: {  	[tilespmem:$0x1F3C0] =	vst v14;
	v14 =	vmul.f32 v48, v0  }
0x593: {  	[tilespmem:$0x1F2E0] =	vst v2;
	v2 =	vor.u32 v58, v31;
	v58 =	vmul.f32 v12, v0;
	v12 =	vld [tilespmem:$0x1F1A0]  }
0x594: {  	[tilespmem:$0x1F3E0] =	vst v14;
	v14 =	vld [tilespmem:$0x1F1D0];
	_ =	sdelay $0x2  }
0x595: {  	v49 =	vld.idx.msk [tilespmem:v26+s13+$0x0], $0xffff;
	v26 =	vmul.f32 v57, v0;
	v57 =	vor.u32 v59, v31  }
0x596: {  	v59 =	vmul.f32 v63, v0;
	v63 =	vor.u32 v60, v31;
	v60 =	vmul.f32 v12, v0;
	v12 =	vld [tilespmem:$0x1F1B0]  }
0x597: {  	v14 =	vmul.f32 v14, v0;
	_ =	sdelay $0x1  }
0x598: {  	[tilespmem:$0x1F440] =	vst v14;
	v14 =	vld [tilespmem:$0x1F1E0];
	_ =	sdelay $0x1  }
0x599: {  	v12 =	vmul.f32 v12, v0;
	_ =	sdelay $0x1  }
0x59a: {  	[tilespmem:$0x1F380] =	vst v12;
	v12 =	vmul.f32 v50, v0  }
0x59b: {  	v14 =	vmul.f32 v14, v0  }
0x59c: {  	[tilespmem:$0x1F3A0] =	vst v12;
	v12 =	vld.idx.msk [tilespmem:v23+s13+$0x0], $0xffff  }
0x59d: {  	[tilespmem:$0x1F450] =	vst v14;
	v14 =	vor.u32 v1, v31;
	v1 =	vmul.f32 v47, v0;
	_ =	sdelay $0x1  }
0x59e: {  	[tilespmem:$0x1F460] =	vst v1;
	v1 =	vmul.f32 v33, v0;
	_ =	sdelay $0x1  }
0x59f: {  	[tilespmem:$0x1F470] =	vst v1;
	v1 =	vmul.f32 v36, v0;
	v36 =	vor.u32 v4, v31;
	v4 =	vmul.f32 v12, v62;
	_ =	sdelay $0x1  }
0x5a0: {  	[tilespmem:$0x1F620] =	vst v4;
	v4 =	vld [tilespmem:$0x1F1F0];
	_ =	sdelay $0x2  }
0x5a1: {  	v48 =	vld.idx.msk [tilespmem:v24+s13+$0x0], $0xffff;
	_ =	sdelay $0x1  }
0x5a2: {  	v27 =	vld.idx.msk [tilespmem:v27+s13+$0x0], $0xffff;
	_ =	sdelay $0x2  }
0x5a3: {  	v33 =	vor.u32 v3, v31;
	v3 =	vmul.f32 v45, v0;
	v45 =	vld.idx.msk [tilespmem:v4+s13+$0x0], $0xffff;
	v4 =	vmul.f32 v48, v62;
	_ =	sdelay $0x1  }
0x5a4: {  	[tilespmem:$0x1F630] =	vst v4;
	v4 =	vmul.f32 v27, v62;
	_ =	sdelay $0x1  }
0x5a5: {  	[tilespmem:$0x1F640] =	vst v4;
	v4 =	vld [tilespmem:$0x1F210];
	_ =	sdelay $0x5  }
0x5a6: {  	v23 =	vld.idx.msk [tilespmem:v38+s7+$0x0], $0xffff  }
0x5a7: {  	v38 =	vor.u32 v6, v31;
	v6 =	vld.idx.msk [tilespmem:v63+s13+$0x0], $0xffff  }
0x5a8: {  	v63 =	vld.idx.msk [tilespmem:v4+s13+$0x0], $0xffff  }
0x5a9: {  	v4 =	vld [tilespmem:$0x1F220];
	_ =	sdelay $0x2  }
0x5aa: {  	[tilespmem:$0x1F480] =	vst v1;
	v1 =	vmul.f32 v56, v0;
	_ =	sdelay $0x1  }
0x5ab: {  	[tilespmem:$0x1F490] =	vst v1;
	v1 =	vmul.f32 v61, v0;
	_ =	sdelay $0x1  }
0x5ac: {  	[tilespmem:$0x1F4A0] =	vst v1;
	v1 =	vld.idx.msk [tilespmem:v57+s13+$0x0], $0xffff  }
0x5ad: {  	v57 =	vld.idx.msk [tilespmem:v4+s13+$0x0], $0xffff  }
0x5ae: {  	v4 =	vld [tilespmem:$0x1F230];
	_ =	sdelay $0x1  }
0x5af: {  	v50 =	vor.u32 v19, v31;
	_ =	sdelay $0x4  }
0x5b0: {  	v19 =	vor.u32 v41, v31;
	v41 =	vmul.f32 v17, v62;
	v17 =	vor.u32 v9, v31;
	v9 =	vld.idx.msk [tilespmem:v50+s13+$0x0], $0xffff  }
0x5b1: {  	v50 =	vld.idx.msk [tilespmem:v4+s13+$0x0], $0xffff  }
0x5b2: {  	v4 =	vld [tilespmem:$0x1F530];
	_ =	sdelay $0x2  }
0x5b3: {  	v52 =	vmul.f32 v52, v0;
	v51 =	vld.idx.msk [tilespmem:v51+s13+$0x0], $0xffff;
	v22 =	vor.u32 v22, v31;
	_ =	sdelay $0x1  }
0x5b4: {  	v52 =	vadd.f32 v52, v4;
	v4 =	vld [tilespmem:$0x1F560];
	_ =	sdelay $0x1  }
0x5b5: {  	v24 =	vld.idx.msk [tilespmem:v2+s7+$0x0], $0xffff  }
0x5b6: {  	v53 =	vmul.f32 v53, v0;
	v2 =	vmul.f32 v51, v62;
	v51 =	vld.idx.msk [tilespmem:v22+s13+$0x0], $0xffff;
	_ =	sdelay $0x1  }
0x5b7: {  	v53 =	vadd.f32 v53, v4;
	v4 =	vld [tilespmem:$0x1F570]  }
0x5b8: {  	v32 =	vld.idx.msk [tilespmem:v32+s13+$0x0], $0xffff;
	_ =	sdelay $0x1  }
0x5b9: {  	v51 =	vmul.f32 v51, v24;
	_ =	sdelay $0x1  }
0x5ba: {  	v54 =	vadd.f32 v54, v4  }
0x5bb: {  	v12 =	vmul.f32 v32, v62;
	v32 =	vor.u32 v28, v31;
	v28 =	vld.idx.msk [tilespmem:v14+s13+$0x0], $0xffff  }
0x5bc: {  	v14 =	vadd.f32 v51, v54;
	v51 =	vmov v3;
	v3 =	vld [tilespmem:$0x1F260];
	_ =	sdelay $0x7  }
0x5bd: {  	v48 =	vmul.f32 v50, v23;
	v50 =	vld.idx.msk [tilespmem:v3+s13+$0x0], $0xffff  }
0x5be: {  	v3 =	vld [tilespmem:$0x1F270];
	_ =	sdelay $0x4  }
0x5bf: {  	v43 =	vld.idx.msk [tilespmem:v43+s13+$0x0], $0xffff  }
0x5c0: {  	v1 =	vmul.f32 v1, v24  }
0x5c1: {  	v44 =	vld.idx.msk [tilespmem:v44+s13+$0x0], $0xffff  }
0x5c2: {  	v1 =	vadd.f32 v1, v52;
	v52 =	vld.idx.msk [tilespmem:v3+s13+$0x0], $0xffff  }
0x5c3: {  	v3 =	vld [tilespmem:$0x1F280]  }
0x5c4: {  	v34 =	vld.idx.msk [tilespmem:v13+s13+$0x0], $0xffff;
	v43 =	vmul.f32 v43, v23  }
0x5c5: {  	v13 =	vld.idx.msk [tilespmem:v18+s13+$0x0], $0xffff;
	v6 =	vmul.f32 v6, v24  }
0x5c6: {  	v18 =	vmul.f32 v40, v0;
	v40 =	vld.idx.msk [tilespmem:v15+s13+$0x0], $0xffff;
	v15 =	vmul.f32 v39, v62;
	v1 =	vadd.f32 v43, v1  }
0x5c7: {  	v44 =	vmul.f32 v44, v23;
	v45 =	vmul.f32 v45, v23;
	v6 =	vadd.f32 v6, v53;
	v4 =	vld [tilespmem:$0x1F240]  }
0x5c8: {  	v1 =	vadd.f32 v15, v1  }
0x5c9: {  	v34 =	vmul.f32 v34, v62;
	v6 =	vadd.f32 v44, v6;
	v45 =	vadd.f32 v45, v14;
	_ =	sdelay $0x1  }
0x5ca: {  	[tilespmem:$0x1F530] =	vst v1;
	v1 =	vadd.f32 v34, v6;
	v6 =	vld.idx.msk [tilespmem:v3+s13+$0x0], $0xffff;
	v3 =	vadd.f32 v41, v45  }
0x5cb: {  	v9 =	vmul.f32 v9, v24;
	v4 =	vadd.f32 v26, v4  }
0x5cc: {  	[tilespmem:$0x1F570] =	vst v3;
	v3 =	vld [tilespmem:$0x1F2A0]  }
0x5cd: {  	v63 =	vmul.f32 v63, v23;
	v4 =	vadd.f32 v9, v4;
	_ =	sdelay $0x1  }
0x5ce: {  	v61 =	vmul.f32 v49, v62;
	v4 =	vadd.f32 v63, v4;
	_ =	sdelay $0x1  }
0x5cf: {  	v45 =	vadd.f32 v61, v4;
	v4 =	vadd.f32 v58, v3;
	v3 =	vld [tilespmem:$0x1F2B0];
	_ =	sdelay $0x4  }
0x5d0: {  	v22 =	vadd.f32 v59, v3;
	v3 =	vld [tilespmem:$0x1F2C0];
	_ =	sdelay $0x4  }
0x5d1: {  	v60 =	vadd.f32 v60, v3;
	v3 =	vld [tilespmem:$0x1F2D0];
	_ =	sdelay $0x4  }
0x5d2: {  	v18 =	vadd.f32 v18, v3;
	v3 =	vld [tilespmem:$0x1F2F0];
	_ =	sdelay $0x4  }
0x5d3: {  	v39 =	vor.u32 v7, v31  }
0x5d4: {  	v7 =	vor.u32 v10, v31;
	v56 =	vld.idx.msk [tilespmem:v37+s13+$0x0], $0xffff;
	v37 =	vor.u32 v5, v31;
	v49 =	vmul.f32 v16, v62  }
0x5d5: {  	v16 =	vor.u32 v11, v31;
	v11 =	vor.u32 v20, v31;
	v20 =	vor.u32 v21, v31  }
0x5d6: {  	v0 =	vor.u32 v8, v31;
	v27 =	vor.u32 v25, v31;
	v31 =	vor.u32 v29, v31;
	v29 =	vld.idx.msk [tilespmem:v3+s13+$0x0], $0xffff  }
0x5d7: {  	v3 =	vld [tilespmem:$0x1F310];
	_ =	sdelay $0x1  }
0x5d8: {  	v46 =	vld.idx.msk [tilespmem:v46+s13+$0x0], $0xffff  }
0x5d9: {  	v55 =	vld.idx.msk [tilespmem:v55+s13+$0x0], $0xffff;
	_ =	sdelay $0x3  }
0x5da: {  	v5 =	vmul.f32 v46, v62;
	v10 =	vld.idx.msk [tilespmem:v19+s13+$0x0], $0xffff  }
0x5db: {  	v46 =	vmul.f32 v55, v62;
	v55 =	vmul.f32 v40, v62;
	v40 =	vld.idx.msk [tilespmem:v3+s13+$0x0], $0xffff  }
0x5dc: {  	v3 =	vld [tilespmem:$0x1F330];
	_ =	sdelay $0x4  }
0x5dd: {  	v30 =	vld.idx.msk [tilespmem:v30+s13+$0x0], $0xffff;
	v10 =	vmul.f32 v10, v24  }
0x5de: {  	v42 =	vld.idx.msk [tilespmem:v42+s13+$0x0], $0xffff  }
0x5df: {  	v4 =	vadd.f32 v10, v4;
	v10 =	vld.idx.msk [tilespmem:v39+s13+$0x0], $0xffff  }
0x5e0: {  	v39 =	vld.idx.msk [tilespmem:v3+s13+$0x0], $0xffff  }
0x5e1: {  	v3 =	vld [tilespmem:$0x1F350]  }
0x5e2: {  	v35 =	vld.idx.msk [tilespmem:v35+s13+$0x0], $0xffff  }
0x5e3: {  	v9 =	vld.idx.msk [tilespmem:v36+s13+$0x0], $0xffff  }
0x5e4: {  	v8 =	vmul.f32 v13, v62;
	v13 =	vld [tilespmem:$0x1F250];
	v43 =	vmul.f32 v57, v23  }
0x5e5: {  	v33 =	vld.idx.msk [tilespmem:v33+s13+$0x0], $0xffff  }
0x5e6: {  	v30 =	vmul.f32 v30, v62;
	v16 =	vld.idx.msk [tilespmem:v16+s13+$0x0], $0xffff;
	v4 =	vadd.f32 v43, v4  }
0x5e7: {  	v0 =	vld.idx.msk [tilespmem:v0+s13+$0x0], $0xffff  }
0x5e8: {  	v9 =	vmul.f32 v9, v24;
	v44 =	vadd.f32 v30, v4;
	v4 =	vld [tilespmem:$0x1F380]  }
0x5e9: {  	v15 =	vld.idx.msk [tilespmem:v3+s13+$0x0], $0xffff  }
0x5ea: {  	v9 =	vadd.f32 v9, v18;
	v18 =	vmul.f32 v50, v23;
	v3 =	vld [tilespmem:$0x1F370]  }
0x5eb: {  	v25 =	vld [tilespmem:$0x1F200]  }
0x5ec: {  	v57 =	vld.idx.msk [tilespmem:v13+s13+$0x0], $0xffff;
	v9 =	vadd.f32 v18, v9  }
0x5ed: {  	v53 =	vld.idx.msk [tilespmem:v37+s13+$0x0], $0xffff  }
0x5ee: {  	v19 =	vadd.f32 v5, v9;
	v5 =	vld [tilespmem:$0x1F3A0]  }
0x5ef: {  	v4 =	vadd.f32 v4, v3;
	v3 =	vld [tilespmem:$0x1F390]  }
0x5f0: {  	[tilespmem:$0x1F560] =	vst v1;
	v1 =	vmul.f32 v28, v24;
	v28 =	vmul.f32 v33, v24;
	v33 =	vld [tilespmem:$0x1F320]  }
0x5f1: {  	v36 =	vld [tilespmem:$0x1F2E0]  }
0x5f2: {  	v63 =	vld.idx.msk [tilespmem:v38+s13+$0x0], $0xffff  }
0x5f3: {  	v9 =	vld [tilespmem:$0x1F3C0]  }
0x5f4: {  	v5 =	vadd.f32 v5, v3;
	v3 =	vld [tilespmem:$0x1F3B0]  }
0x5f5: {  	v61 =	vld [tilespmem:$0x1F290];
	v1 =	vadd.f32 v1, v22  }
0x5f6: {  	v30 =	vld [tilespmem:$0x1F340]  }
0x5f7: {  	v35 =	vmul.f32 v35, v62;
	v22 =	vmul.f32 v57, v23;
	v57 =	vld.idx.msk [tilespmem:v17+s13+$0x0], $0xffff;
	v1 =	vadd.f32 v48, v1  }
0x5f8: {  	v17 =	vld.idx.msk [tilespmem:v7+s13+$0x0], $0xffff;
	v28 =	vadd.f32 v28, v60  }
0x5f9: {  	v47 =	vadd.f32 v35, v1;
	v1 =	vmul.f32 v63, v24;
	v63 =	vadd.f32 v9, v3;
	v3 =	vld [tilespmem:$0x1F3D0]  }
0x5fa: {  	p0 =	slt.u32 s18, $0x3C;
	v42 =	vmul.f32 v42, v62;
	v22 =	vadd.f32 v22, v28;
	v9 =	vld [tilespmem:$0x1F3E0]  }
.Ltmp4:
0x5fb: {  	v56 =	vmul.f32 v56, v62;
	v28 =	vld [tilespmem:$0x1F300];
	(pc) =	sbr.rel @p0 .LBB2_11-.Ltmp4, $4  }
0x5fc: {  	v58 =	vmul.f32 v6, v23;
	v6 =	vmul.f32 v53, v24;
	v37 =	vadd.f32 v42, v22;
	v22 =	vld [tilespmem:$0x1F360]  }
0x5fd: {  	v21 =	vmul.f32 v0, v24;
	v26 =	vmul.f32 v29, v23;
	v29 =	vld [tilespmem:$0x1F410]  }
0x5fe: {  	v54 =	vlaneseq.u32;
	v59 =	vmul.f32 v52, v23;
	v13 =	vadd.f32 v6, v4;
	v4 =	vld [tilespmem:$0x1F3F0]  }
0x5ff: {  	s18 =	sadd.s32 $0x4, s18;
	v60 =	vmul.f32 v10, v24;
	v42 =	vmovc v12;
	v12 =	vadd.f32 v1, v5;
	v18 =	vadd.f32 v9, v3;
	v3 =	vld [tilespmem:$0x1F400]  }
0x600: {  	v0 =	vld [tilespmem:$0x1F530];
	_ =	sdelay $0x4  }
0x601: {  	v0 =	vsub.f32 $0.0e+00, v0;
	_ =	sdelay $0x1  }
0x602: {  	v0 =	vmul.f32 $1.442695020e+00, v0;
	_ =	sdelay $0x1  }
0x603: {  	(erf) = vpow2.f32 v0;
	_ =	sdelay $0x3  }
0x604: {  	v43 =	vld [tilespmem:$0x1F560];
	_ =	sdelay $0x4  }
0x605: {  	v0 =	vsub.f32 $0.0e+00, v43;
	v1 =	vpop (erf)  }
0x606: {  	v1 =	vadd.f32 $1.000000000e+00, v1  }
0x607: {  	v0 =	vmul.f32 $1.442695020e+00, v0  }
0x608: {  	(erf) = vrcp.f32 v1  }
0x609: {  	(erf) = vpow2.f32 v0;
	_ =	sdelay $0x3  }
0x60a: {  	v48 =	vld [tilespmem:$0x1F570];
	_ =	sdelay $0x3  }
0x60b: {  	v41 =	vpop (erf)  }
0x60c: {  	v0 =	vsub.f32 $0.0e+00, v48;
	v50 =	vpop (erf)  }
0x60d: {  	v1 =	vadd.f32 $1.000000000e+00, v50  }
0x60e: {  	v0 =	vmul.f32 $1.442695020e+00, v0  }
0x60f: {  	(erf) = vrcp.f32 v1  }
0x610: {  	(erf) = vpow2.f32 v0;
	_ =	sdelay $0x7  }
0x611: {  	v43 =	vpop (erf)  }
0x612: {  	v52 =	vsub.f32 $0.0e+00, v45;
	v53 =	vpop (erf)  }
0x613: {  	v1 =	vadd.f32 $1.000000000e+00, v53  }
0x614: {  	v0 =	vmul.f32 $1.442695020e+00, v52  }
0x615: {  	(erf) = vrcp.f32 v1  }
0x616: {  	(erf) = vpow2.f32 v0;
	_ =	sdelay $0x7  }
0x617: {  	v38 =	vpop (erf)  }
0x618: {  	v5 =	vsub.f32 $0.0e+00, v44;
	v6 =	vpop (erf)  }
0x619: {  	v1 =	vadd.f32 $1.000000000e+00, v6  }
0x61a: {  	v0 =	vmul.f32 $1.442695020e+00, v5  }
0x61b: {  	(erf) = vrcp.f32 v1  }
0x61c: {  	(erf) = vpow2.f32 v0;
	_ =	sdelay $0x7  }
0x61d: {  	v44 =	vpop (erf)  }
0x61e: {  	v7 =	vsub.f32 $0.0e+00, v47;
	v9 =	vpop (erf)  }
0x61f: {  	v1 =	vadd.f32 $1.000000000e+00, v9  }
0x620: {  	v0 =	vmul.f32 $1.442695020e+00, v7  }
0x621: {  	(erf) = vrcp.f32 v1  }
0x622: {  	(erf) = vpow2.f32 v0;
	_ =	sdelay $0x7  }
0x623: {  	v52 =	vpop (erf)  }
0x624: {  	v10 =	vsub.f32 $0.0e+00, v37;
	v34 =	vpop (erf)  }
0x625: {  	v1 =	vadd.f32 $1.000000000e+00, v34  }
0x626: {  	v0 =	vmul.f32 $1.442695020e+00, v10  }
0x627: {  	(erf) = vrcp.f32 v1  }
0x628: {  	(erf) = vpow2.f32 v0;
	_ =	sdelay $0x7  }
0x629: {  	v14 =	vpop (erf)  }
0x62a: {  	v35 =	vsub.f32 $0.0e+00, v19;
	v37 =	vpop (erf)  }
0x62b: {  	v1 =	vadd.f32 $1.000000000e+00, v37  }
0x62c: {  	v0 =	vmul.f32 $1.442695020e+00, v35  }
0x62d: {  	(erf) = vrcp.f32 v1  }
0x62e: {  	(erf) = vpow2.f32 v0;
	_ =	sdelay $0x4  }
0x62f: {  	v45 =	vadd.f32 v59, v13;
	_ =	sdelay $0x1  }
0x630: {  	v0 =	vadd.f32 v2, v45  }
0x631: {  	v19 =	vpop (erf)  }
0x632: {  	v0 =	vsub.f32 $0.0e+00, v0;
	v47 =	vpop (erf)  }
0x633: {  	v1 =	vadd.f32 $1.000000000e+00, v47  }
0x634: {  	v0 =	vmul.f32 $1.442695020e+00, v0  }
0x635: {  	(erf) = vrcp.f32 v1  }
0x636: {  	(erf) = vpow2.f32 v0;
	_ =	sdelay $0x4  }
0x637: {  	v48 =	vadd.f32 v58, v12;
	_ =	sdelay $0x1  }
0x638: {  	v0 =	vadd.f32 v49, v48  }
0x639: {  	v10 =	vpop (erf)  }
0x63a: {  	v0 =	vsub.f32 $0.0e+00, v0;
	v50 =	vpop (erf)  }
0x63b: {  	v1 =	vadd.f32 $1.000000000e+00, v50  }
0x63c: {  	v0 =	vmul.f32 $1.442695020e+00, v0  }
0x63d: {  	(erf) = vrcp.f32 v1  }
0x63e: {  	(erf) = vpow2.f32 v0;
	_ =	sdelay $0x2  }
0x63f: {  	v53 =	vadd.f32 v60, v63;
	_ =	sdelay $0x1  }
0x640: {  	v0 =	vadd.f32 v26, v53;
	_ =	sdelay $0x1  }
0x641: {  	v0 =	vadd.f32 v46, v0  }
0x642: {  	v9 =	vpop (erf)  }
0x643: {  	v0 =	vsub.f32 $0.0e+00, v0;
	v58 =	vpop (erf)  }
0x644: {  	v1 =	vadd.f32 $1.000000000e+00, v58  }
0x645: {  	v0 =	vmul.f32 $1.442695020e+00, v0  }
0x646: {  	(erf) = vrcp.f32 v1  }
0x647: {  	(erf) = vpow2.f32 v0;
	_ =	sdelay $0x2  }
0x648: {  	v59 =	vadd.f32 v21, v18;
	v60 =	vmul.f32 v40, v23;
	_ =	sdelay $0x1  }
0x649: {  	v0 =	vadd.f32 v60, v59;
	_ =	sdelay $0x1  }
0x64a: {  	v0 =	vadd.f32 v8, v0  }
0x64b: {  	v8 =	vpop (erf)  }
0x64c: {  	v5 =	vld [tilespmem:$0x1F440];
	v0 =	vsub.f32 $0.0e+00, v0;
	v63 =	vpop (erf)  }
0x64d: {  	v1 =	vadd.f32 $1.000000000e+00, v63  }
0x64e: {  	v0 =	vmul.f32 $1.442695020e+00, v0  }
0x64f: {  	(erf) = vrcp.f32 v1  }
0x650: {  	(erf) = vpow2.f32 v0  }
0x651: {  	v6 =	vmul.f32 v57, v24;
	v0 =	vadd.f32 v5, v3;
	_ =	sdelay $0x1  }
0x652: {  	v7 =	vmul.f32 v39, v23;
	v0 =	vadd.f32 v6, v0;
	_ =	sdelay $0x1  }
0x653: {  	v0 =	vadd.f32 v7, v0;
	_ =	sdelay $0x1  }
0x654: {  	v0 =	vadd.f32 v55, v0  }
0x655: {  	v6 =	vpop (erf)  }
0x656: {  	v35 =	vld [tilespmem:$0x1F450];
	v0 =	vsub.f32 $0.0e+00, v0;
	v34 =	vpop (erf)  }
0x657: {  	v1 =	vadd.f32 $1.000000000e+00, v34  }
0x658: {  	v0 =	vmul.f32 $1.442695020e+00, v0  }
0x659: {  	(erf) = vrcp.f32 v1  }
0x65a: {  	(erf) = vpow2.f32 v0  }
0x65b: {  	v37 =	vmul.f32 v17, v24;
	v0 =	vadd.f32 v35, v4  }
0x65c: {  	v40 =	vld [tilespmem:$0x1F620]  }
0x65d: {  	v39 =	vmul.f32 v15, v23;
	v46 =	vld [tilespmem:$0x1F4B0];
	v0 =	vadd.f32 v37, v0;
	_ =	sdelay $0x1  }
0x65e: {  	v0 =	vadd.f32 v39, v0;
	_ =	sdelay $0x1  }
0x65f: {  	v0 =	vadd.f32 v40, v0  }
0x660: {  	v4 =	vpop (erf)  }
0x661: {  	v47 =	vld [tilespmem:$0x1F460];
	v0 =	vsub.f32 $0.0e+00, v0;
	v45 =	vpop (erf)  }
0x662: {  	v1 =	vadd.f32 $1.000000000e+00, v45  }
0x663: {  	v2 =	vld.idx.msk [tilespmem:v46+s13+$0x0], $0xffff;
	v0 =	vmul.f32 $1.442695020e+00, v0  }
0x664: {  	(erf) = vrcp.f32 v1  }
0x665: {  	(erf) = vpow2.f32 v0  }
0x666: {  	v48 =	vmul.f32 v16, v24;
	v0 =	vadd.f32 v47, v33  }
0x667: {  	v50 =	vld [tilespmem:$0x1F630]  }
0x668: {  	v49 =	vmul.f32 v2, v23;
	v0 =	vadd.f32 v48, v0;
	_ =	sdelay $0x1  }
0x669: {  	v0 =	vadd.f32 v49, v0  }
0x66a: {  	v5 =	vld [tilespmem:$0x1F4C0]  }
0x66b: {  	v0 =	vadd.f32 v50, v0  }
0x66c: {  	v1 =	vpop (erf)  }
0x66d: {  	v0 =	vsub.f32 $0.0e+00, v0;
	v55 =	vpop (erf)  }
0x66e: {  	v3 =	vadd.f32 $1.000000000e+00, v55  }
0x66f: {  	v57 =	vld [tilespmem:$0x1F470];
	v0 =	vmul.f32 $1.442695020e+00, v0  }
0x670: {  	v53 =	vld.idx.msk [tilespmem:v11+s13+$0x0], $0xffff;
	(erf) = vrcp.f32 v3  }
0x671: {  	(erf) = vpow2.f32 v0  }
0x672: {  	v5 =	vld.idx.msk [tilespmem:v5+s13+$0x0], $0xffff;
	_ =	sdelay $0x2  }
0x673: {  	v2 =	vmul.f32 v53, v24;
	v0 =	vadd.f32 v57, v30  }
0x674: {  	v59 =	vld [tilespmem:$0x1F640]  }
0x675: {  	v7 =	vld [tilespmem:$0x1F4D0];
	v58 =	vmul.f32 v5, v23;
	v0 =	vadd.f32 v2, v0;
	_ =	sdelay $0x1  }
0x676: {  	v0 =	vadd.f32 v58, v0;
	v2 =	vpop (erf)  }
0x677: {  	v63 =	vpop (erf)  }
0x678: {  	v0 =	vadd.f32 v59, v0;
	v5 =	vadd.f32 $1.000000000e+00, v63  }
0x679: {  	v60 =	vld.idx.msk [tilespmem:v20+s13+$0x0], $0xffff  }
0x67a: {  	v0 =	vsub.f32 $0.0e+00, v0;
	(erf) = vrcp.f32 v5;
	v5 =	vld [tilespmem:$0x1F480];
	_ =	sdelay $0x1  }
0x67b: {  	v7 =	vld.idx.msk [tilespmem:v7+s13+$0x0], $0xffff;
	v0 =	vmul.f32 $1.442695020e+00, v0;
	_ =	sdelay $0x1  }
0x67c: {  	(erf) = vpow2.f32 v0  }
0x67d: {  	v3 =	vmul.f32 v60, v24;
	v0 =	vadd.f32 v5, v29;
	_ =	sdelay $0x1  }
0x67e: {  	v37 =	vld [tilespmem:$0x1F510];
	v11 =	vmul.f32 v7, v23;
	v0 =	vadd.f32 v3, v0;
	_ =	sdelay $0x1  }
0x67f: {  	v0 =	vadd.f32 v11, v0;
	_ =	sdelay $0x1  }
0x680: {  	v0 =	vadd.f32 v42, v0  }
0x681: {  	v34 =	vld.idx.msk [tilespmem:v27+s13+$0x0], $0xffff;
	v33 =	vpop (erf)  }
0x682: {  	v39 =	vld [tilespmem:$0x1F490];
	v35 =	vpop (erf);
	v0 =	vsub.f32 $0.0e+00, v0  }
0x683: {  	v7 =	vadd.f32 $1.000000000e+00, v35  }
0x684: {  	v12 =	vld.idx.msk [tilespmem:v37+s13+$0x0], $0xffff;
	v0 =	vmul.f32 $1.442695020e+00, v0  }
0x685: {  	(erf) = vrcp.f32 v7  }
0x686: {  	(erf) = vpow2.f32 v0  }
0x687: {  	v5 =	vmul.f32 v34, v24;
	v0 =	vadd.f32 v39, v28;
	_ =	sdelay $0x1  }
0x688: {  	v40 =	vmul.f32 v12, v23;
	v0 =	vadd.f32 v5, v0;
	_ =	sdelay $0x1  }
0x689: {  	v46 =	vld [tilespmem:$0x1F420];
	v0 =	vadd.f32 v40, v0;
	_ =	sdelay $0x1  }
0x68a: {  	v0 =	vadd.f32 v56, v0  }
0x68b: {  	v45 =	vld.idx.msk [tilespmem:v32+s13+$0x0], $0xffff;
	v42 =	vpop (erf)  }
0x68c: {  	v47 =	vld [tilespmem:$0x1F4A0];
	v0 =	vsub.f32 $0.0e+00, v0;
	v12 =	vpop (erf)  }
0x68d: {  	v12 =	vadd.f32 $1.000000000e+00, v12  }
0x68e: {  	v13 =	vld.idx.msk [tilespmem:v61+s13+$0x0], $0xffff;
	v0 =	vmul.f32 $1.442695020e+00, v0  }
0x68f: {  	(erf) = vrcp.f32 v12  }
0x690: {  	(erf) = vpow2.f32 v0;
	v0 =	vld.idx.msk [tilespmem:v46+s13+$0x0], $0xffff  }
0x691: {  	v7 =	vmul.f32 v45, v24;
	v12 =	vadd.f32 v47, v25;
	_ =	sdelay $0x1  }
0x692: {  	v7 =	vadd.f32 v7, v12;
	v12 =	vmul.f32 v13, v23;
	_ =	sdelay $0x1  }
0x693: {  	v7 =	vadd.f32 v12, v7;
	v0 =	vmul.f32 v0, v62  }
0x694: {  	v49 =	vld [tilespmem:$0x1F430]  }
0x695: {  	v0 =	vadd.f32 v0, v7  }
0x696: {  	v12 =	vld.idx.msk [tilespmem:v31+s13+$0x0], $0xffff;
	v48 =	vpop (erf)  }
0x697: {  	v13 =	vpop (erf);
	v0 =	vsub.f32 $0.0e+00, v0  }
0x698: {  	v15 =	vld.idx.msk [tilespmem:v36+s13+$0x0], $0xffff;
	v13 =	vadd.f32 $1.000000000e+00, v13  }
0x699: {  	v0 =	vmul.f32 $1.442695020e+00, v0  }
0x69a: {  	(erf) = vrcp.f32 v13  }
0x69b: {  	v12 =	vmul.f32 v12, v24;
	v13 =	vadd.f32 v51, v22;
	(erf) = vpow2.f32 v0  }
0x69c: {  	v0 =	vld.idx.msk [tilespmem:v49+s13+$0x0], $0xffff  }
0x69d: {  	v12 =	vadd.f32 v12, v13;
	v13 =	vmul.f32 v15, v23;
	_ =	sdelay $0x1  }
0x69e: {  	v12 =	vadd.f32 v13, v12  }
0x69f: {  	v61 =	vld [tilespmem:$0x1F7A0]  }
0x6a0: {  	v15 =	vld [tilespmem:$0x1FE70];
	v0 =	vmul.f32 v0, v62  }
0x6a1: {  	v18 =	vld [tilespmem:$0x1FF70]  }
0x6a2: {  	v21 =	vld [tilespmem:$0x1FFA0];
	v0 =	vadd.f32 v0, v12;
	v12 =	vpop (erf)  }
0x6a3: {  	v36 =	vld [tilespmem:$0x1FFF0];
	v13 =	vpop (erf)  }
0x6a4: {  	s0 =	sadd.s32 $0x140, s17;
	v17 =	vld [tilespmem:$0x1F6C0];
	v13 =	vadd.f32 $1.000000000e+00, v13  }
0x6a5: {  	v16 =	vld [tilespmem:$0x1F6B0];
	v15 =	vadd.s32 s0, v15  }
0x6a6: {  	(erf) = vrcp.f32 v13;
	v13 =	vld [tilespmem:$0x1FE60]  }
0x6a7: {  	v50 =	vld [tilespmem:$0x1FE80]  }
0x6a8: {  	v20 =	vld [tilespmem:$0x1FF90];
	v0 =	vsub.f32 $0.0e+00, v0  }
0x6a9: {  	v53 =	vld [tilespmem:$0x1F740]  }
0x6aa: {  	v0 =	vmul.f32 $1.442695020e+00, v0;
	[tilespmem:v15+s14+$0x0] =	vst.idx.msk $0xffff, v41;
	v15 =	vld [tilespmem:$0x1F6D0]  }
0x6ab: {  	v60 =	vld [tilespmem:$0x1F790];
	v13 =	vadd.s32 s0, v13  }
0x6ac: {  	v57 =	vld [tilespmem:$0x1F760];
	(erf) = vpow2.f32 v0;
	v0 =	vadd.s32 s0, v50  }
0x6ad: {  	v16 =	vadd.s32 s0, v16;
	v58 =	vld [tilespmem:$0x1F770]  }
0x6ae: {  	v17 =	vadd.s32 s0, v17;
	v59 =	vld [tilespmem:$0x1F780]  }
0x6af: {  	v35 =	vld [tilespmem:$0x1FFE0];
	v15 =	vadd.s32 s0, v15  }
0x6b0: {  	[tilespmem:v13+s14+$0x0] =	vst.idx.msk $0xffff, v43;
	v13 =	vld [tilespmem:$0x1F6E0]  }
0x6b1: {  	v51 =	vld [tilespmem:$0x1F6F0];
	[tilespmem:v0+s14+$0x0] =	vst.idx.msk $0xffff, v38  }
0x6b2: {  	[tilespmem:v16+s14+$0x0] =	vst.idx.msk $0xffff, v44;
	v16 =	vld [tilespmem:$0x1F700]  }
0x6b3: {  	[tilespmem:v17+s14+$0x0] =	vst.idx.msk $0xffff, v52;
	v17 =	vld [tilespmem:$0x1F710]  }
0x6b4: {  	[tilespmem:v15+s14+$0x0] =	vst.idx.msk $0xffff, v14;
	v15 =	vld [tilespmem:$0x1F720]  }
0x6b5: {  	v52 =	vld [tilespmem:$0x1F730];
	v13 =	vadd.s32 s0, v13  }
0x6b6: {  	v28 =	vld [tilespmem:$0x1FFC0];
	v0 =	vadd.s32 s0, v51  }
0x6b7: {  	v56 =	vld [tilespmem:$0x1F750];
	v16 =	vadd.s32 s0, v16  }
0x6b8: {  	v25 =	vld [tilespmem:$0x1FF00];
	v17 =	vadd.s32 s0, v17  }
0x6b9: {  	v31 =	vld [tilespmem:$0x1FFD0];
	v14 =	vpop (erf);
	v15 =	vadd.s32 s0, v15  }
0x6ba: {  	v24 =	vld [tilespmem:$0x1FEF0];
	v11 =	vadd.s32 s0, v52;
	[tilespmem:v13+s14+$0x0] =	vst.idx.msk $0xffff, v19;
	v13 =	vpop (erf)  }
0x6bb: {  	v23 =	vld [tilespmem:$0x1FFB0];
	[tilespmem:v0+s14+$0x0] =	vst.idx.msk $0xffff, v10;
	v0 =	vadd.s32 s0, v53;
	v55 =	vadd.f32 $1.000000000e+00, v13  }
0x6bc: {  	v62 =	vld [tilespmem:$0x1F7B0];
	[tilespmem:v16+s14+$0x0] =	vst.idx.msk $0xffff, v9;
	v9 =	vadd.s32 s0, v56  }
0x6bd: {  	v41 =	vld [tilespmem:$0x1FED0];
	[tilespmem:v17+s14+$0x0] =	vst.idx.msk $0xffff, v8;
	(erf) = vrcp.f32 v55;
	v8 =	vadd.s32 s0, v57  }
0x6be: {  	v50 =	vld [tilespmem:$0x1FF40];
	[tilespmem:v15+s14+$0x0] =	vst.idx.msk $0xffff, v6;
	v6 =	vadd.s32 s0, v58  }
0x6bf: {  	v43 =	vld [tilespmem:$0x1FEC0];
	[tilespmem:v11+s14+$0x0] =	vst.idx.msk $0xffff, v4;
	v4 =	vadd.s32 s0, v59  }
0x6c0: {  	v38 =	vld [tilespmem:$0x1FEB0];
	[tilespmem:v0+s14+$0x0] =	vst.idx.msk $0xffff, v1;
	v0 =	vadd.s32 s0, v60  }
0x6c1: {  	s16 =	sadd.s32 $0x1, s16;
	v44 =	vld [tilespmem:$0x1FF10];
	v1 =	vadd.s32 s0, v61;
	[tilespmem:v9+s14+$0x0] =	vst.idx.msk $0xffff, v2  }
0x6c2: {  	p0 =	sne.s32 s16, $0x10;
	v19 =	vld [tilespmem:$0x1FF80];
	v2 =	vadd.s32 s0, v62;
	[tilespmem:v8+s14+$0x0] =	vst.idx.msk $0xffff, v33  }
.Ltmp5:
0x6c3: {  	v13 =	vld [tilespmem:$0x1FF20];
	[tilespmem:v6+s14+$0x0] =	vst.idx.msk $0xffff, v42;
	(pc) =	sbr.rel @p0 .LBB2_4-.Ltmp5, $4  }
0x6c4: {  	v16 =	vld [tilespmem:$0x1FF50];
	[tilespmem:v4+s14+$0x0] =	vst.idx.msk $0xffff, v48  }
0x6c5: {  	v56 =	vld [tilespmem:$0x1FF60];
	[tilespmem:v0+s14+$0x0] =	vst.idx.msk $0xffff, v12  }
0x6c6: {  	v17 =	vld [tilespmem:$0x1FEE0];
	[tilespmem:v1+s14+$0x0] =	vst.idx.msk $0xffff, v14;
	v63 =	vpop (erf)  }
0x6c7: {  	v48 =	vld [tilespmem:$0x1FF30];
	[tilespmem:v2+s14+$0x0] =	vst.idx.msk $0xffff, v63  }
0x6c8: {  	s0 =	simm.s32 $0x3  }
0x6c9: {  	_ =	swait.ge [sflag:s0], $0x800  }
0x6ca: {  	[sflag:s0] =	ssyncset.done $0x0  }
0x6cb: {  	s28 =	simm.s32 $0x5;
	[sflag:s0] =	ssyncadd.s32 $0xFFFFF800  }
0x6cc: {  	_ =	swait.ge [sflag:s28], $0xA000  }
0x6cd: {  	[sflag:s28] =	ssyncset.done $0x0  }
0x6ce: {  	s29 =	simm.s32 $0x2;
	[sflag:s28] =	ssyncadd.s32 $0xFFFF6000  }
0x6cf: {  	_ =	swait.ge [sflag:s29], $0x200  }
0x6d0: {  	[sflag:s29] =	ssyncset.done $0x0  }
0x6d1: {  	s1 =	simm.s32 $0x7;
	s30 =	rddreg [dreg:$0x8];
	[sflag:s29] =	ssyncadd.s32 $0xFFFFFE00  }
0x6d2: {  	[hbm4b:s30+s3] =	stream.linear.scatter [tilespmem:s14], [sflag:$0x7], $0x2800, $0x38;
	[tilespmem:$0x17C00] =	vst v63  }
0x6d3: {  	_ =	swait.ge [sflag:s1], $0x2800  }
0x6d4: {  	s2 =	rddreg [dreg:$0xa]  }
0x6d5: {  	s31 =	rddreg [dreg:$0x9];
	s2 =	sadd.s32 $0x1, s2  }
0x6d6: {  	p0 =	sne.s32 s2, s31  }
.Ltmp6:
0x6d7: {  	_ = 	snop;
	(pc) =	sbr.rel @p0 .LBB2_1-.Ltmp6, $3  }
0x6d8: {  	_ =	sdelay $0x1  }
0x6d9: {  	[sflag:s1] =	ssyncset.done $0x0  }
0x6da: {  	[sflag:s1] =	ssyncadd.s32 $0xFFFFD800  }
0x6db: {  	_ =	sfence.sel $0x180000  }
0x6dc: {  	[bflag:$0x0] =	sbarrier.arrive $0xFFFF  }
0x6dd: {  	_ =	strace $0x90000047  }
0x6de: {  	s0 =	stileid.u32;
	[bflag:$0x2] =	sbarrier.arrive $0xFFFF  }
0x6df: {  	p0 =	sne.s32 s0, $0x0;
	s0 =	rddreg [dreg:$0x3]  }
0x6e0: {  	s0 =	sadd.s32 @!p0 $0x100000, s0  }
0x6e1: {  	[sflag:s0] =	ssyncadd.tile.s32 @!p0 $0x1;
	_ =	shalt  }
.Lfunc_end2:
_tile_overlayer_lowered:
.L_overlay_start_2:
0x6e2: {  	(tag) =	ssettag $0x2  }
0x6e3: {  	s0 =	rddreg [dreg:$0x0];
	s2 =	stileid.u32  }
0x6e4: {  	s1 =	rddreg [dreg:$0x1];
	p0 =	sne.s32 s2, $0x0  }
0x6e5: {  	s3 =	rddreg [dreg:$0x2];
	[bflag:$0x3] =	sbarrier.arrive $0xFFFF;
	s2 =	simm.s32 @!p0 $0x1C07  }
0x6e6: {  	[timem:s3], [sflag:s2] =	dma.local @!p0 [hbm:s0], s1  }
0x6e7: {  	s0 =	simm.s32 @!p0 $0x7  }
0x6e8: {  	_ =	swait.ge @!p0 [sflag:s0], s1  }
0x6e9: {  	s1 =	ssub.s32 @!p0 $0x0, s1;
	[sflag:s0] =	ssyncset.done @!p0 $0x0  }
0x6ea: {  	[sflag:s0] =	ssyncadd.s32 @!p0 s1  }
0x6eb: {  	[bflag:$0x3] =	sbarrier.arrive $0xFFFF  }
0x6ec: {  	_ =	shalt  }

</sc_bundles>
